<compile_context>
chip_gen: v7x
topology: tpu7x:2x2x1
jax: 0.10.2.dev20260603
libtpu: 0.0.44.dev20260713+nightly
codegen_flags: <defaults>
</compile_context>

<pallas_src>
import functools

import jax
import jax.numpy as jnp
from jax import lax
from jax.experimental import pallas as pl
from jax.experimental.pallas import tpu as pltpu
from jax.experimental.pallas import tpu_sc as plsc

_D = 2048
_NW = 32
_LANES = 16
_CH = 16
_NBUF = 3
_VPR = _D // _LANES


def _enc_lane_table(batch, seq_len):
    pos = jnp.arange(seq_len, dtype=jnp.float32)
    sc = jnp.stack([jnp.sin(pos), jnp.cos(pos)], axis=-1)
    row16 = jnp.tile(sc, (1, _LANES // 2))
    return jnp.tile(row16, (batch, 1)).reshape(-1)


def _sc_kernel(bpw, nch):
    mesh = plsc.VectorSubcoreMesh(core_axis_name="c", subcore_axis_name="s")

    @functools.partial(
        pl.kernel,
        mesh=mesh,
        out_type=jax.ShapeDtypeStruct((_NW * bpw, _D), jnp.float32),
        scratch_types=[
            pltpu.VMEM((nch, _CH), jnp.int32),
            pltpu.VMEM((bpw * _LANES,), jnp.float32),
            pltpu.VMEM((_NBUF, _CH, _D), jnp.float32),
            pltpu.SemaphoreType.DMA((_NBUF,)),
            pltpu.SemaphoreType.DMA((_NBUF,)),
            pltpu.SemaphoreType.DMA,
        ],
    )
    def k(table_hbm, xf_hbm, encv_hbm, out_hbm, idx_v, enc_v, rows_v, gsem,
          wsem, esem):
        wid = lax.axis_index("s") * 2 + lax.axis_index("c")
        base = wid * bpw
        pltpu.sync_copy(xf_hbm.at[pl.ds(wid * nch, nch), :], idx_v)

        gd = [None] * _NBUF
        wd = [None] * _NBUF

        def start_gather(c):
            b = c % _NBUF
            gd[b] = pltpu.async_copy(
                table_hbm.at[idx_v.at[c]], rows_v.at[b], gsem.at[b])

        start_gather(0)
        ed = pltpu.async_copy(
            encv_hbm.at[pl.ds(base * _LANES, bpw * _LANES)], enc_v, esem)
        for c in range(nch):
            b = c % _NBUF
            if c + 1 < nch:
                bn = (c + 1) % _NBUF
                if wd[bn] is not None:
                    wd[bn].wait()
                    wd[bn] = None
                start_gather(c + 1)
            gd[b].wait()
            if ed is not None:
                ed.wait()
                ed = None

            def rbody(r, carry):
                ev = enc_v[pl.ds((c * _CH + r) * _LANES, _LANES)]

                def jbody(j, carry2):
                    plsc.addupdate(
                        rows_v.at[b, r, pl.ds(j * _LANES, _LANES)], ev)
                    return carry2

                return lax.fori_loop(0, _VPR, jbody, carry, unroll=8)

            lax.fori_loop(0, _CH, rbody, 0)
            wd[b] = pltpu.async_copy(
                rows_v.at[b], out_hbm.at[pl.ds(base + c * _CH, _CH)],
                wsem.at[b])
        for b in range(_NBUF):
            if wd[b] is not None:
                wd[b].wait()

    return k


def kernel(x, table):
    batch, seq_len = x.shape
    nrows = batch * seq_len
    bpw = nrows // _NW
    nch = bpw // _CH
    encv = _enc_lane_table(batch, seq_len)
    xf = x.reshape(-1, _CH)
    out = _sc_kernel(bpw, nch)(table, xf, encv)
    return out.reshape(batch, seq_len, _D)

# --- scband reference (transcript-rebuilt; emitter-appended) ---
"""Pipeline reference for scband-full-embedding-61211873903459 (READ-ONLY COPY).

The authoritative reference and input builder live on the scoring server;
editing this copy changes nothing except your own understanding.
"""

import jax, jax.numpy as jnp
import numpy as np

VOCAB = 100000
D_MODEL = 2048
MAX_LEN = 2048
BATCH = 4
SEQ_LEN = 2048


def make_encoding(max_len, d_model):
    # Faithful port of PositionEmbedding.__init__ (including the float floor-division
    # `frequencies_indices // d_model`, which yields all-zeros exponents -> freqs == 1.0)
    pos = jnp.arange(0, max_len, dtype=jnp.float32)[:, None]
    fi = jnp.arange(0, d_model, 2, dtype=jnp.float32)
    freqs = (1.0 / jnp.power(10000.0, jnp.floor(fi / d_model)))[None, :]
    enc = jnp.zeros((max_len, d_model), dtype=jnp.float32)
    enc = enc.at[:, 0::2].set(jnp.sin(pos * freqs))
    enc = enc.at[:, 1::2].set(jnp.cos(pos * freqs))
    return enc


def setup_inputs(seed: int = 0) -> dict:
    key = jax.random.key(seed)
    k1, k2 = jax.random.split(key)
    x = jax.random.randint(k1, (BATCH, SEQ_LEN), 0, VOCAB, dtype=jnp.int32)
    # nn.Embedding default init: N(0, 1)
    table = jax.random.normal(k2, (VOCAB, D_MODEL), dtype=jnp.float32)
    return {"x": x, "table": table}


def reference(x, table):
    # KmerEmbedding: plain embedding lookup
    tok_emb = jnp.take(table, x, axis=0)  # [B, L, d_model]
    # PositionEmbedding.forward: encoding[:, :seq_len] -> [max_len, seq_len]
    # (faithful to the original column-slice; broadcasts because L == d_model == max_len)
    enc = make_encoding(MAX_LEN, D_MODEL)
    seq_len = x.shape[1]
    pos_emb = enc[:, :seq_len]  # [max_len, seq_len]
    # Dropout with p=0.0 (eval-equivalent identity)
    return tok_emb + pos_emb

if __name__ == "__main__":
    import jax
    _d = setup_inputs()
    print(jax.jit(kernel)(*tuple(_d.values())))

</pallas_src>

<mosaic_0001>
#map = affine_map<(d0, d1) -> (0, 0)>
#map1 = affine_map<(d0, d1) -> (0)>
module attributes {stable_mosaic.version = 14 : i64} {
  func.func @k(%arg0: i32, %arg1: i32, %arg2: memref<100000x2048xf32, #tpu.memory_space<hbm>>, %arg3: memref<512x16xi32, #tpu.memory_space<hbm>>, %arg4: memref<131072xf32, #tpu.memory_space<hbm>>, %arg5: memref<8192x2048xf32, #tpu.memory_space<hbm>>, %arg6: memref<16x16xi32, #tpu.memory_space<vmem>>, %arg7: memref<4096xf32, #tpu.memory_space<vmem>>, %arg8: memref<3x16x2048xf32, #tpu.memory_space<vmem>>, %arg9: memref<3x!tpu.dma_semaphore, #tpu.memory_space<semaphore_mem>>, %arg10: memref<3x!tpu.dma_semaphore, #tpu.memory_space<semaphore_mem>>, %arg11: memref<!tpu.dma_semaphore, #tpu.memory_space<semaphore_mem>>) attributes {dimension_semantics = [#tpu.dimension_semantics<core_parallel>, #tpu.dimension_semantics<subcore_parallel>], iteration_bounds = array<i64: 2, 16>, scalar_prefetch = 0 : i64, scratch_operands = 6 : i64, tpu.core_type = #tpu.core_type<sc_vector_subcore>, window_params = [{transform_indices = #map}, {transform_indices = #map}, {transform_indices = #map1}, {transform_indices = #map}]} {
    %mul3A = arith.constant 2 : i32
    %mul3A_0 = arith.muli %arg1, %mul3A : i32
    %add3A = arith.addi %mul3A_0, %arg0 : i32
    %mul3A_1 = arith.constant 256 : i32
    %mul3A_2 = arith.muli %add3A, %mul3A_1 : i32
    %mul3A_3 = arith.constant 16 : i32
    %mul3A_4 = arith.muli %add3A, %mul3A_3 : i32
    "tpu.region"() ({
      %run_scoped3A = tpu.sem_alloc : memref<!tpu.dma_semaphore, #tpu.memory_space<semaphore_mem>>
      %dma_start3A_1128 = arith.constant 0 : i32
      %dma_start3A_1129 = tpu.memref_slice %arg3[%mul3A_4, %dma_start3A_1128] : memref<512x16xi32, #tpu.memory_space<hbm>> -> memref<16x16xi32, #tpu.memory_space<hbm>>
      %dma_start3A_1130 = arith.constant 0 : i32
      %dma_start3A_1131 = tpu.memref_slice %arg3[%mul3A_4, %dma_start3A_1130] : memref<512x16xi32, #tpu.memory_space<hbm>> -> memref<16x16xi32, #tpu.memory_space<hbm>>
      tpu.enqueue_dma source(%dma_start3A_1131 : memref<16x16xi32, #tpu.memory_space<hbm>>) target(%arg6 : memref<16x16xi32, #tpu.memory_space<vmem>>) target_semaphore(%run_scoped3A : memref<!tpu.dma_semaphore, #tpu.memory_space<semaphore_mem>>)
      %dma_wait3A_1132 = arith.constant 0 : i32
      %dma_wait3A_1133 = tpu.memref_slice %arg3[%mul3A_4, %dma_wait3A_1132] : memref<512x16xi32, #tpu.memory_space<hbm>> -> memref<16x16xi32, #tpu.memory_space<hbm>>
      %dma_wait3A_1134 = arith.constant 0 : i32
      %dma_wait3A_1135 = tpu.memref_slice %arg3[%mul3A_4, %dma_wait3A_1134] : memref<512x16xi32, #tpu.memory_space<hbm>> -> memref<16x16xi32, #tpu.memory_space<hbm>>
      tpu.wait_dma2 semaphore(%run_scoped3A : memref<!tpu.dma_semaphore, #tpu.memory_space<semaphore_mem>>) src(%dma_wait3A_1135 : memref<16x16xi32, #tpu.memory_space<hbm>>) dst(%arg6 : memref<16x16xi32, #tpu.memory_space<vmem>>)
      tpu.yield
    }) : () -> ()
    %dma_start3A = arith.constant 0 : i32
    %dma_start3A_5 = arith.constant 0 : i32
    %dma_start3A_6 = arith.constant 0 : i32
    %dma_start3A_7 = arith.constant 0 : i32
    %dma_start3A_8 = arith.constant 0 : i32
    %dma_start3A_9 = tpu.memref_slice %arg8[%dma_start3A_5, %dma_start3A_7, %dma_start3A_8] : memref<3x16x2048xf32, #tpu.memory_space<vmem>> -> memref<1x16x2048xf32, #tpu.memory_space<vmem>>
    %dma_start3A_10 = tpu.memref_squeeze %dma_start3A_9 : memref<1x16x2048xf32, #tpu.memory_space<vmem>> -> memref<16x2048xf32, #tpu.memory_space<vmem>>
    %dma_start3A_11 = arith.constant 0 : i32
    %dma_start3A_12 = tpu.memref_slice %arg6[%dma_start3A, %dma_start3A_11] : memref<16x16xi32, #tpu.memory_space<vmem>> -> memref<1x16xi32, #tpu.memory_space<vmem>>
    %dma_start3A_13 = tpu.memref_squeeze %dma_start3A_12 : memref<1x16xi32, #tpu.memory_space<vmem>> -> memref<16xi32, #tpu.memory_space<vmem>>
    %dma_start3A_14 = arith.constant 0 : i32
    %dma_start3A_15 = arith.constant 0 : i32
    %dma_start3A_16 = tpu.memref_slice %arg2[%dma_start3A_14, %dma_start3A_15] : memref<100000x2048xf32, #tpu.memory_space<hbm>> -> memref<100000x2048xf32, #tpu.memory_space<hbm>>
    %dma_start3A_17 = tpu.memref_slice %arg9[%dma_start3A_6] : memref<3x!tpu.dma_semaphore, #tpu.memory_space<semaphore_mem>> -> memref<1x!tpu.dma_semaphore, #tpu.memory_space<semaphore_mem>>
    %dma_start3A_18 = tpu.memref_squeeze %dma_start3A_17 : memref<1x!tpu.dma_semaphore, #tpu.memory_space<semaphore_mem>> -> memref<!tpu.dma_semaphore, #tpu.memory_space<semaphore_mem>>
    tpu.enqueue_indirect_dma source(%dma_start3A_16 : memref<100000x2048xf32, #tpu.memory_space<hbm>>) target(%dma_start3A_10 : memref<16x2048xf32, #tpu.memory_space<vmem>>) offsets(%dma_start3A_13 : memref<16xi32, #tpu.memory_space<vmem>>) semaphore(%dma_start3A_18 : memref<!tpu.dma_semaphore, #tpu.memory_space<semaphore_mem>>)
    %mul3A_19 = arith.constant 16 : i32
    %mul3A_20 = arith.muli %mul3A_2, %mul3A_19 : i32
    %dma_start3A_21 = tpu.memref_slice %arg4[%mul3A_20] : memref<131072xf32, #tpu.memory_space<hbm>> -> memref<4096xf32, #tpu.memory_space<hbm>>
    %dma_start3A_22 = tpu.memref_slice %arg4[%mul3A_20] : memref<131072xf32, #tpu.memory_space<hbm>> -> memref<4096xf32, #tpu.memory_space<hbm>>
    tpu.enqueue_dma source(%dma_start3A_22 : memref<4096xf32, #tpu.memory_space<hbm>>) target(%arg7 : memref<4096xf32, #tpu.memory_space<vmem>>) target_semaphore(%arg11 : memref<!tpu.dma_semaphore, #tpu.memory_space<semaphore_mem>>)
    %dma_start3A_23 = arith.constant 1 : i32
    %dma_start3A_24 = arith.constant 1 : i32
    %dma_start3A_25 = arith.constant 1 : i32
    %dma_start3A_26 = arith.constant 0 : i32
    %dma_start3A_27 = arith.constant 0 : i32
    %dma_start3A_28 = tpu.memref_slice %arg8[%dma_start3A_24, %dma_start3A_26, %dma_start3A_27] : memref<3x16x2048xf32, #tpu.memory_space<vmem>> -> memref<1x16x2048xf32, #tpu.memory_space<vmem>>
    %dma_start3A_29 = tpu.memref_squeeze %dma_start3A_28 : memref<1x16x2048xf32, #tpu.memory_space<vmem>> -> memref<16x2048xf32, #tpu.memory_space<vmem>>
    %dma_start3A_30 = arith.constant 0 : i32
    %dma_start3A_31 = tpu.memref_slice %arg6[%dma_start3A_23, %dma_start3A_30] : memref<16x16xi32, #tpu.memory_space<vmem>> -> memref<1x16xi32, #tpu.memory_space<vmem>>
    %dma_start3A_32 = tpu.memref_squeeze %dma_start3A_31 : memref<1x16xi32, #tpu.memory_space<vmem>> -> memref<16xi32, #tpu.memory_space<vmem>>
    %dma_start3A_33 = arith.constant 0 : i32
    %dma_start3A_34 = arith.constant 0 : i32
    %dma_start3A_35 = tpu.memref_slice %arg2[%dma_start3A_33, %dma_start3A_34] : memref<100000x2048xf32, #tpu.memory_space<hbm>> -> memref<100000x2048xf32, #tpu.memory_space<hbm>>
    %dma_start3A_36 = tpu.memref_slice %arg9[%dma_start3A_25] : memref<3x!tpu.dma_semaphore, #tpu.memory_space<semaphore_mem>> -> memref<1x!tpu.dma_semaphore, #tpu.memory_space<semaphore_mem>>
    %dma_start3A_37 = tpu.memref_squeeze %dma_start3A_36 : memref<1x!tpu.dma_semaphore, #tpu.memory_space<semaphore_mem>> -> memref<!tpu.dma_semaphore, #tpu.memory_space<semaphore_mem>>
    tpu.enqueue_indirect_dma source(%dma_start3A_35 : memref<100000x2048xf32, #tpu.memory_space<hbm>>) target(%dma_start3A_29 : memref<16x2048xf32, #tpu.memory_space<vmem>>) offsets(%dma_start3A_32 : memref<16xi32, #tpu.memory_space<vmem>>) semaphore(%dma_start3A_37 : memref<!tpu.dma_semaphore, #tpu.memory_space<semaphore_mem>>)
    %dma_wait3A = arith.constant 0 : i32
    %dma_wait3A_38 = arith.constant 0 : i32
    %dma_wait3A_39 = arith.constant 0 : i32
    %dma_wait3A_40 = arith.constant 0 : i32
    %dma_wait3A_41 = arith.constant 0 : i32
    %dma_wait3A_42 = tpu.memref_slice %arg8[%dma_wait3A_38, %dma_wait3A_40, %dma_wait3A_41] : memref<3x16x2048xf32, #tpu.memory_space<vmem>> -> memref<1x16x2048xf32, #tpu.memory_space<vmem>>
    %dma_wait3A_43 = tpu.memref_squeeze %dma_wait3A_42 : memref<1x16x2048xf32, #tpu.memory_space<vmem>> -> memref<16x2048xf32, #tpu.memory_space<vmem>>
    %dma_wait3A_44 = arith.constant 0 : i32
    %dma_wait3A_45 = tpu.memref_slice %arg6[%dma_wait3A, %dma_wait3A_44] : memref<16x16xi32, #tpu.memory_space<vmem>> -> memref<1x16xi32, #tpu.memory_space<vmem>>
    %dma_wait3A_46 = tpu.memref_squeeze %dma_wait3A_45 : memref<1x16xi32, #tpu.memory_space<vmem>> -> memref<16xi32, #tpu.memory_space<vmem>>
    %dma_wait3A_47 = arith.constant 0 : i32
    %dma_wait3A_48 = arith.constant 0 : i32
    %dma_wait3A_49 = tpu.memref_slice %arg2[%dma_wait3A_47, %dma_wait3A_48] : memref<100000x2048xf32, #tpu.memory_space<hbm>> -> memref<100000x2048xf32, #tpu.memory_space<hbm>>
    %dma_wait3A_50 = tpu.memref_slice %arg9[%dma_wait3A_39] : memref<3x!tpu.dma_semaphore, #tpu.memory_space<semaphore_mem>> -> memref<1x!tpu.dma_semaphore, #tpu.memory_space<semaphore_mem>>
    %dma_wait3A_51 = tpu.memref_squeeze %dma_wait3A_50 : memref<1x!tpu.dma_semaphore, #tpu.memory_space<semaphore_mem>> -> memref<!tpu.dma_semaphore, #tpu.memory_space<semaphore_mem>>
    tpu.wait_indirect_dma semaphore(%dma_wait3A_51 : memref<!tpu.dma_semaphore, #tpu.memory_space<semaphore_mem>>) src(%dma_wait3A_49 : memref<100000x2048xf32, #tpu.memory_space<hbm>>) dst(%dma_wait3A_43 : memref<16x2048xf32, #tpu.memory_space<vmem>>)
    %dma_wait3A_52 = tpu.memref_slice %arg4[%mul3A_20] : memref<131072xf32, #tpu.memory_space<hbm>> -> memref<4096xf32, #tpu.memory_space<hbm>>
    %dma_wait3A_53 = tpu.memref_slice %arg4[%mul3A_20] : memref<131072xf32, #tpu.memory_space<hbm>> -> memref<4096xf32, #tpu.memory_space<hbm>>
    tpu.wait_dma2 semaphore(%arg11 : memref<!tpu.dma_semaphore, #tpu.memory_space<semaphore_mem>>) src(%dma_wait3A_53 : memref<4096xf32, #tpu.memory_space<hbm>>) dst(%arg7 : memref<4096xf32, #tpu.memory_space<vmem>>)
    %scan3A = arith.constant 0 : i32
    %scan3A_54 = arith.constant 0 : i32
    %scan3A_55 = arith.constant 16 : i32
    %scan3A_56 = arith.addi %scan3A_54, %scan3A_55 : i32
    %scan3A_57 = arith.constant 1 : i32
    scf.for %scan3A_1128 = %scan3A_54 to %scan3A_56 step %scan3A_57  : i32 {
      %add3A_1129 = arith.constant 0 : i32
      %add3A_1130 = arith.addi %add3A_1129, %scan3A_1128 : i32
      %mul3A_1131 = arith.constant 16 : i32
      %mul3A_1132 = arith.muli %add3A_1130, %mul3A_1131 : i32
      %get3A = arith.index_cast %mul3A_1132 : i32 to index
      %get3A_1133 = tpu.vector_load %arg7[%get3A] {strides = array<i32>} : memref<4096xf32, #tpu.memory_space<vmem>>, vector<16xf32>,
      %get3A_1134 = vector.shape_cast %get3A_1133 : vector<16xf32> to vector<16xf32>
      %scan3A_1135 = arith.constant 0 : i32
      %scan3A_1136 = arith.constant 128 : i32
      %scan3A_1137 = arith.addi %scan3A_1135, %scan3A_1136 : i32
      %scan3A_1138 = arith.constant 8 : i32
      scf.for %scan3A_1140 = %scan3A_1135 to %scan3A_1137 step %scan3A_1138  : i32 {
        %mul3A_1141 = arith.constant 16 : i32
        %mul3A_1142 = arith.muli %scan3A_1140, %mul3A_1141 : i32
        %swap3A = arith.constant 0 : i32
        %swap3A_1143 = arith.index_cast %swap3A : i32 to index
        %swap3A_1144 = arith.index_cast %scan3A_1128 : i32 to index
        %swap3A_1145 = arith.index_cast %mul3A_1142 : i32 to index
        %swap3A_1146 = tpu.vector_load %arg8[%swap3A_1143, %swap3A_1144, %swap3A_1145] {strides = array<i32>} : memref<3x16x2048xf32, #tpu.memory_space<vmem>>, vector<1x1x16xf32>,
        %swap3A_1147 = vector.shape_cast %swap3A_1146 : vector<1x1x16xf32> to vector<16xf32>
        %swap3A_1148 = vector.shape_cast %get3A_1134 : vector<16xf32> to vector<1x1x16xf32>
        tpu.vector_store %arg8[%swap3A_1143, %swap3A_1144, %swap3A_1145], %swap3A_1148 {add = true, strides = array<i32>} : memref<3x16x2048xf32, #tpu.memory_space<vmem>>, vector<1x1x16xf32>,
        %scan3A_1149 = arith.constant 1 : i32
        %scan3A_1150 = arith.addi %scan3A_1140, %scan3A_1149 : i32
        %mul3A_1151 = arith.constant 16 : i32
        %mul3A_1152 = arith.muli %scan3A_1150, %mul3A_1151 : i32
        %swap3A_1153 = arith.constant 0 : i32
        %swap3A_1154 = arith.index_cast %swap3A_1153 : i32 to index
        %swap3A_1155 = arith.index_cast %scan3A_1128 : i32 to index
        %swap3A_1156 = arith.index_cast %mul3A_1152 : i32 to index
        %swap3A_1157 = tpu.vector_load %arg8[%swap3A_1154, %swap3A_1155, %swap3A_1156] {strides = array<i32>} : memref<3x16x2048xf32, #tpu.memory_space<vmem>>, vector<1x1x16xf32>,
        %swap3A_1158 = vector.shape_cast %swap3A_1157 : vector<1x1x16xf32> to vector<16xf32>
        %swap3A_1159 = vector.shape_cast %get3A_1134 : vector<16xf32> to vector<1x1x16xf32>
        tpu.vector_store %arg8[%swap3A_1154, %swap3A_1155, %swap3A_1156], %swap3A_1159 {add = true, strides = array<i32>} : memref<3x16x2048xf32, #tpu.memory_space<vmem>>, vector<1x1x16xf32>,
        %scan3A_1160 = arith.constant 2 : i32
        %scan3A_1161 = arith.addi %scan3A_1140, %scan3A_1160 : i32
        %mul3A_1162 = arith.constant 16 : i32
        %mul3A_1163 = arith.muli %scan3A_1161, %mul3A_1162 : i32
        %swap3A_1164 = arith.constant 0 : i32
        %swap3A_1165 = arith.index_cast %swap3A_1164 : i32 to index
        %swap3A_1166 = arith.index_cast %scan3A_1128 : i32 to index
        %swap3A_1167 = arith.index_cast %mul3A_1163 : i32 to index
        %swap3A_1168 = tpu.vector_load %arg8[%swap3A_1165, %swap3A_1166, %swap3A_1167] {strides = array<i32>} : memref<3x16x2048xf32, #tpu.memory_space<vmem>>, vector<1x1x16xf32>,
        %swap3A_1169 = vector.shape_cast %swap3A_1168 : vector<1x1x16xf32> to vector<16xf32>
        %swap3A_1170 = vector.shape_cast %get3A_1134 : vector<16xf32> to vector<1x1x16xf32>
        tpu.vector_store %arg8[%swap3A_1165, %swap3A_1166, %swap3A_1167], %swap3A_1170 {add = true, strides = array<i32>} : memref<3x16x2048xf32, #tpu.memory_space<vmem>>, vector<1x1x16xf32>,
        %scan3A_1171 = arith.constant 3 : i32
        %scan3A_1172 = arith.addi %scan3A_1140, %scan3A_1171 : i32
        %mul3A_1173 = arith.constant 16 : i32
        %mul3A_1174 = arith.muli %scan3A_1172, %mul3A_1173 : i32
        %swap3A_1175 = arith.constant 0 : i32
        %swap3A_1176 = arith.index_cast %swap3A_1175 : i32 to index
        %swap3A_1177 = arith.index_cast %scan3A_1128 : i32 to index
        %swap3A_1178 = arith.index_cast %mul3A_1174 : i32 to index
        %swap3A_1179 = tpu.vector_load %arg8[%swap3A_1176, %swap3A_1177, %swap3A_1178] {strides = array<i32>} : memref<3x16x2048xf32, #tpu.memory_space<vmem>>, vector<1x1x16xf32>,
        %swap3A_1180 = vector.shape_cast %swap3A_1179 : vector<1x1x16xf32> to vector<16xf32>
        %swap3A_1181 = vector.shape_cast %get3A_1134 : vector<16xf32> to vector<1x1x16xf32>
        tpu.vector_store %arg8[%swap3A_1176, %swap3A_1177, %swap3A_1178], %swap3A_1181 {add = true, strides = array<i32>} : memref<3x16x2048xf32, #tpu.memory_space<vmem>>, vector<1x1x16xf32>,
        %scan3A_1182 = arith.constant 4 : i32
        %scan3A_1183 = arith.addi %scan3A_1140, %scan3A_1182 : i32
        %mul3A_1184 = arith.constant 16 : i32
        %mul3A_1185 = arith.muli %scan3A_1183, %mul3A_1184 : i32
        %swap3A_1186 = arith.constant 0 : i32
        %swap3A_1187 = arith.index_cast %swap3A_1186 : i32 to index
        %swap3A_1188 = arith.index_cast %scan3A_1128 : i32 to index
        %swap3A_1189 = arith.index_cast %mul3A_1185 : i32 to index
        %swap3A_1190 = tpu.vector_load %arg8[%swap3A_1187, %swap3A_1188, %swap3A_1189] {strides = array<i32>} : memref<3x16x2048xf32, #tpu.memory_space<vmem>>, vector<1x1x16xf32>,
        %swap3A_1191 = vector.shape_cast %swap3A_1190 : vector<1x1x16xf32> to vector<16xf32>
        %swap3A_1192 = vector.shape_cast %get3A_1134 : vector<16xf32> to vector<1x1x16xf32>
        tpu.vector_store %arg8[%swap3A_1187, %swap3A_1188, %swap3A_1189], %swap3A_1192 {add = true, strides = array<i32>} : memref<3x16x2048xf32, #tpu.memory_space<vmem>>, vector<1x1x16xf32>,
        %scan3A_1193 = arith.constant 5 : i32
        %scan3A_1194 = arith.addi %scan3A_1140, %scan3A_1193 : i32
        %mul3A_1195 = arith.constant 16 : i32
        %mul3A_1196 = arith.muli %scan3A_1194, %mul3A_1195 : i32
        %swap3A_1197 = arith.constant 0 : i32
        %swap3A_1198 = arith.index_cast %swap3A_1197 : i32 to index
        %swap3A_1199 = arith.index_cast %scan3A_1128 : i32 to index
        %swap3A_1200 = arith.index_cast %mul3A_1196 : i32 to index
        %swap3A_1201 = tpu.vector_load %arg8[%swap3A_1198, %swap3A_1199, %swap3A_1200] {strides = array<i32>} : memref<3x16x2048xf32, #tpu.memory_space<vmem>>, vector<1x1x16xf32>,
        %swap3A_1202 = vector.shape_cast %swap3A_1201 : vector<1x1x16xf32> to vector<16xf32>
        %swap3A_1203 = vector.shape_cast %get3A_1134 : vector<16xf32> to vector<1x1x16xf32>
        tpu.vector_store %arg8[%swap3A_1198, %swap3A_1199, %swap3A_1200], %swap3A_1203 {add = true, strides = array<i32>} : memref<3x16x2048xf32, #tpu.memory_space<vmem>>, vector<1x1x16xf32>,
        %scan3A_1204 = arith.constant 6 : i32
        %scan3A_1205 = arith.addi %scan3A_1140, %scan3A_1204 : i32
        %mul3A_1206 = arith.constant 16 : i32
        %mul3A_1207 = arith.muli %scan3A_1205, %mul3A_1206 : i32
        %swap3A_1208 = arith.constant 0 : i32
        %swap3A_1209 = arith.index_cast %swap3A_1208 : i32 to index
        %swap3A_1210 = arith.index_cast %scan3A_1128 : i32 to index
        %swap3A_1211 = arith.index_cast %mul3A_1207 : i32 to index
        %swap3A_1212 = tpu.vector_load %arg8[%swap3A_1209, %swap3A_1210, %swap3A_1211] {strides = array<i32>} : memref<3x16x2048xf32, #tpu.memory_space<vmem>>, vector<1x1x16xf32>,
        %swap3A_1213 = vector.shape_cast %swap3A_1212 : vector<1x1x16xf32> to vector<16xf32>
        %swap3A_1214 = vector.shape_cast %get3A_1134 : vector<16xf32> to vector<1x1x16xf32>
        tpu.vector_store %arg8[%swap3A_1209, %swap3A_1210, %swap3A_1211], %swap3A_1214 {add = true, strides = array<i32>} : memref<3x16x2048xf32, #tpu.memory_space<vmem>>, vector<1x1x16xf32>,
        %scan3A_1215 = arith.constant 7 : i32
        %scan3A_1216 = arith.addi %scan3A_1140, %scan3A_1215 : i32
        %mul3A_1217 = arith.constant 16 : i32
        %mul3A_1218 = arith.muli %scan3A_1216, %mul3A_1217 : i32
        %swap3A_1219 = arith.constant 0 : i32
        %swap3A_1220 = arith.index_cast %swap3A_1219 : i32 to index
        %swap3A_1221 = arith.index_cast %scan3A_1128 : i32 to index
        %swap3A_1222 = arith.index_cast %mul3A_1218 : i32 to index
        %swap3A_1223 = tpu.vector_load %arg8[%swap3A_1220, %swap3A_1221, %swap3A_1222] {strides = array<i32>} : memref<3x16x2048xf32, #tpu.memory_space<vmem>>, vector<1x1x16xf32>,
        %swap3A_1224 = vector.shape_cast %swap3A_1223 : vector<1x1x16xf32> to vector<16xf32>
        %swap3A_1225 = vector.shape_cast %get3A_1134 : vector<16xf32> to vector<1x1x16xf32>
        tpu.vector_store %arg8[%swap3A_1220, %swap3A_1221, %swap3A_1222], %swap3A_1225 {add = true, strides = array<i32>} : memref<3x16x2048xf32, #tpu.memory_space<vmem>>, vector<1x1x16xf32>,
      }
      %scan3A_1139 = arith.constant 128 : i32
    }
    %scan3A_58 = arith.constant 16 : i32
    %add3A_59 = arith.constant 0 : i32
    %add3A_60 = arith.addi %mul3A_2, %add3A_59 : i32
    %dma_start3A_61 = arith.constant 0 : i32
    %dma_start3A_62 = arith.constant 0 : i32
    %dma_start3A_63 = arith.constant 0 : i32
    %dma_start3A_64 = arith.constant 0 : i32
    %dma_start3A_65 = tpu.memref_slice %arg8[%dma_start3A_61, %dma_start3A_63, %dma_start3A_64] : memref<3x16x2048xf32, #tpu.memory_space<vmem>> -> memref<1x16x2048xf32, #tpu.memory_space<vmem>>
    %dma_start3A_66 = tpu.memref_squeeze %dma_start3A_65 : memref<1x16x2048xf32, #tpu.memory_space<vmem>> -> memref<16x2048xf32, #tpu.memory_space<vmem>>
    %dma_start3A_67 = arith.constant 0 : i32
    %dma_start3A_68 = tpu.memref_slice %arg5[%add3A_60, %dma_start3A_67] : memref<8192x2048xf32, #tpu.memory_space<hbm>> -> memref<16x2048xf32, #tpu.memory_space<hbm>>
    %dma_start3A_69 = tpu.memref_slice %arg10[%dma_start3A_62] : memref<3x!tpu.dma_semaphore, #tpu.memory_space<semaphore_mem>> -> memref<1x!tpu.dma_semaphore, #tpu.memory_space<semaphore_mem>>
    %dma_start3A_70 = tpu.memref_squeeze %dma_start3A_69 : memref<1x!tpu.dma_semaphore, #tpu.memory_space<semaphore_mem>> -> memref<!tpu.dma_semaphore, #tpu.memory_space<semaphore_mem>>
    %dma_start3A_71 = arith.constant 0 : i32
    %dma_start3A_72 = tpu.memref_slice %arg5[%add3A_60, %dma_start3A_71] : memref<8192x2048xf32, #tpu.memory_space<hbm>> -> memref<16x2048xf32, #tpu.memory_space<hbm>>
    %dma_start3A_73 = arith.constant 0 : i32
    %dma_start3A_74 = arith.constant 0 : i32
    %dma_start3A_75 = tpu.memref_slice %arg8[%dma_start3A_61, %dma_start3A_73, %dma_start3A_74] : memref<3x16x2048xf32, #tpu.memory_space<vmem>> -> memref<1x16x2048xf32, #tpu.memory_space<vmem>>
    %dma_start3A_76 = tpu.memref_squeeze %dma_start3A_75 : memref<1x16x2048xf32, #tpu.memory_space<vmem>> -> memref<16x2048xf32, #tpu.memory_space<vmem>>
    tpu.enqueue_dma source(%dma_start3A_76 : memref<16x2048xf32, #tpu.memory_space<vmem>>) target(%dma_start3A_72 : memref<16x2048xf32, #tpu.memory_space<hbm>>) target_semaphore(%dma_start3A_70 : memref<!tpu.dma_semaphore, #tpu.memory_space<semaphore_mem>>)
    %dma_start3A_77 = arith.constant 2 : i32
    %dma_start3A_78 = arith.constant 2 : i32
    %dma_start3A_79 = arith.constant 2 : i32
    %dma_start3A_80 = arith.constant 0 : i32
    %dma_start3A_81 = arith.constant 0 : i32
    %dma_start3A_82 = tpu.memref_slice %arg8[%dma_start3A_78, %dma_start3A_80, %dma_start3A_81] : memref<3x16x2048xf32, #tpu.memory_space<vmem>> -> memref<1x16x2048xf32, #tpu.memory_space<vmem>>
    %dma_start3A_83 = tpu.memref_squeeze %dma_start3A_82 : memref<1x16x2048xf32, #tpu.memory_space<vmem>> -> memref<16x2048xf32, #tpu.memory_space<vmem>>
    %dma_start3A_84 = arith.constant 0 : i32
    %dma_start3A_85 = tpu.memref_slice %arg6[%dma_start3A_77, %dma_start3A_84] : memref<16x16xi32, #tpu.memory_space<vmem>> -> memref<1x16xi32, #tpu.memory_space<vmem>>
    %dma_start3A_86 = tpu.memref_squeeze %dma_start3A_85 : memref<1x16xi32, #tpu.memory_space<vmem>> -> memref<16xi32, #tpu.memory_space<vmem>>
    %dma_start3A_87 = arith.constant 0 : i32
    %dma_start3A_88 = arith.constant 0 : i32
    %dma_start3A_89 = tpu.memref_slice %arg2[%dma_start3A_87, %dma_start3A_88] : memref<100000x2048xf32, #tpu.memory_space<hbm>> -> memref<100000x2048xf32, #tpu.memory_space<hbm>>
    %dma_start3A_90 = tpu.memref_slice %arg9[%dma_start3A_79] : memref<3x!tpu.dma_semaphore, #tpu.memory_space<semaphore_mem>> -> memref<1x!tpu.dma_semaphore, #tpu.memory_space<semaphore_mem>>
    %dma_start3A_91 = tpu.memref_squeeze %dma_start3A_90 : memref<1x!tpu.dma_semaphore, #tpu.memory_space<semaphore_mem>> -> memref<!tpu.dma_semaphore, #tpu.memory_space<semaphore_mem>>
    tpu.enqueue_indirect_dma source(%dma_start3A_89 : memref<100000x2048xf32, #tpu.memory_space<hbm>>) target(%dma_start3A_83 : memref<16x2048xf32, #tpu.memory_space<vmem>>) offsets(%dma_start3A_86 : memref<16xi32, #tpu.memory_space<vmem>>) semaphore(%dma_start3A_91 : memref<!tpu.dma_semaphore, #tpu.memory_space<semaphore_mem>>)
    %dma_wait3A_92 = arith.constant 1 : i32
    %dma_wait3A_93 = arith.constant 1 : i32
    %dma_wait3A_94 = arith.constant 1 : i32
    %dma_wait3A_95 = arith.constant 0 : i32
    %dma_wait3A_96 = arith.constant 0 : i32
    %dma_wait3A_97 = tpu.memref_slice %arg8[%dma_wait3A_93, %dma_wait3A_95, %dma_wait3A_96] : memref<3x16x2048xf32, #tpu.memory_space<vmem>> -> memref<1x16x2048xf32, #tpu.memory_space<vmem>>
    %dma_wait3A_98 = tpu.memref_squeeze %dma_wait3A_97 : memref<1x16x2048xf32, #tpu.memory_space<vmem>> -> memref<16x2048xf32, #tpu.memory_space<vmem>>
    %dma_wait3A_99 = arith.constant 0 : i32
    %dma_wait3A_100 = tpu.memref_slice %arg6[%dma_wait3A_92, %dma_wait3A_99] : memref<16x16xi32, #tpu.memory_space<vmem>> -> memref<1x16xi32, #tpu.memory_space<vmem>>
    %dma_wait3A_101 = tpu.memref_squeeze %dma_wait3A_100 : memref<1x16xi32, #tpu.memory_space<vmem>> -> memref<16xi32, #tpu.memory_space<vmem>>
    %dma_wait3A_102 = arith.constant 0 : i32
    %dma_wait3A_103 = arith.constant 0 : i32
    %dma_wait3A_104 = tpu.memref_slice %arg2[%dma_wait3A_102, %dma_wait3A_103] : memref<100000x2048xf32, #tpu.memory_space<hbm>> -> memref<100000x2048xf32, #tpu.memory_space<hbm>>
    %dma_wait3A_105 = tpu.memref_slice %arg9[%dma_wait3A_94] : memref<3x!tpu.dma_semaphore, #tpu.memory_space<semaphore_mem>> -> memref<1x!tpu.dma_semaphore, #tpu.memory_space<semaphore_mem>>
    %dma_wait3A_106 = tpu.memref_squeeze %dma_wait3A_105 : memref<1x!tpu.dma_semaphore, #tpu.memory_space<semaphore_mem>> -> memref<!tpu.dma_semaphore, #tpu.memory_space<semaphore_mem>>
    tpu.wait_indirect_dma semaphore(%dma_wait3A_106 : memref<!tpu.dma_semaphore, #tpu.memory_space<semaphore_mem>>) src(%dma_wait3A_104 : memref<100000x2048xf32, #tpu.memory_space<hbm>>) dst(%dma_wait3A_98 : memref<16x2048xf32, #tpu.memory_space<vmem>>)
    %scan3A_107 = arith.constant 0 : i32
    %scan3A_108 = arith.constant 0 : i32
    %scan3A_109 = arith.constant 16 : i32
    %scan3A_110 = arith.addi %scan3A_108, %scan3A_109 : i32
    %scan3A_111 = arith.constant 1 : i32
    scf.for %scan3A_1128 = %scan3A_108 to %scan3A_110 step %scan3A_111  : i32 {
      %add3A_1129 = arith.constant 16 : i32
      %add3A_1130 = arith.addi %add3A_1129, %scan3A_1128 : i32
      %mul3A_1131 = arith.constant 16 : i32
      %mul3A_1132 = arith.muli %add3A_1130, %mul3A_1131 : i32
      %get3A = arith.index_cast %mul3A_1132 : i32 to index
      %get3A_1133 = tpu.vector_load %arg7[%get3A] {strides = array<i32>} : memref<4096xf32, #tpu.memory_space<vmem>>, vector<16xf32>,
      %get3A_1134 = vector.shape_cast %get3A_1133 : vector<16xf32> to vector<16xf32>
      %scan3A_1135 = arith.constant 0 : i32
      %scan3A_1136 = arith.constant 128 : i32
      %scan3A_1137 = arith.addi %scan3A_1135, %scan3A_1136 : i32
      %scan3A_1138 = arith.constant 8 : i32
      scf.for %scan3A_1140 = %scan3A_1135 to %scan3A_1137 step %scan3A_1138  : i32 {
        %mul3A_1141 = arith.constant 16 : i32
        %mul3A_1142 = arith.muli %scan3A_1140, %mul3A_1141 : i32
        %swap3A = arith.constant 1 : i32
        %swap3A_1143 = arith.index_cast %swap3A : i32 to index
        %swap3A_1144 = arith.index_cast %scan3A_1128 : i32 to index
        %swap3A_1145 = arith.index_cast %mul3A_1142 : i32 to index
        %swap3A_1146 = tpu.vector_load %arg8[%swap3A_1143, %swap3A_1144, %swap3A_1145] {strides = array<i32>} : memref<3x16x2048xf32, #tpu.memory_space<vmem>>, vector<1x1x16xf32>,
        %swap3A_1147 = vector.shape_cast %swap3A_1146 : vector<1x1x16xf32> to vector<16xf32>
        %swap3A_1148 = vector.shape_cast %get3A_1134 : vector<16xf32> to vector<1x1x16xf32>
        tpu.vector_store %arg8[%swap3A_1143, %swap3A_1144, %swap3A_1145], %swap3A_1148 {add = true, strides = array<i32>} : memref<3x16x2048xf32, #tpu.memory_space<vmem>>, vector<1x1x16xf32>,
        %scan3A_1149 = arith.constant 1 : i32
        %scan3A_1150 = arith.addi %scan3A_1140, %scan3A_1149 : i32
        %mul3A_1151 = arith.constant 16 : i32
        %mul3A_1152 = arith.muli %scan3A_1150, %mul3A_1151 : i32
        %swap3A_1153 = arith.constant 1 : i32
        %swap3A_1154 = arith.index_cast %swap3A_1153 : i32 to index
        %swap3A_1155 = arith.index_cast %scan3A_1128 : i32 to index
        %swap3A_1156 = arith.index_cast %mul3A_1152 : i32 to index
        %swap3A_1157 = tpu.vector_load %arg8[%swap3A_1154, %swap3A_1155, %swap3A_1156] {strides = array<i32>} : memref<3x16x2048xf32, #tpu.memory_space<vmem>>, vector<1x1x16xf32>,
        %swap3A_1158 = vector.shape_cast %swap3A_1157 : vector<1x1x16xf32> to vector<16xf32>
        %swap3A_1159 = vector.shape_cast %get3A_1134 : vector<16xf32> to vector<1x1x16xf32>
        tpu.vector_store %arg8[%swap3A_1154, %swap3A_1155, %swap3A_1156], %swap3A_1159 {add = true, strides = array<i32>} : memref<3x16x2048xf32, #tpu.memory_space<vmem>>, vector<1x1x16xf32>,
        %scan3A_1160 = arith.constant 2 : i32
        %scan3A_1161 = arith.addi %scan3A_1140, %scan3A_1160 : i32
        %mul3A_1162 = arith.constant 16 : i32
        %mul3A_1163 = arith.muli %scan3A_1161, %mul3A_1162 : i32
        %swap3A_1164 = arith.constant 1 : i32
        %swap3A_1165 = arith.index_cast %swap3A_1164 : i32 to index
        %swap3A_1166 = arith.index_cast %scan3A_1128 : i32 to index
        %swap3A_1167 = arith.index_cast %mul3A_1163 : i32 to index
        %swap3A_1168 = tpu.vector_load %arg8[%swap3A_1165, %swap3A_1166, %swap3A_1167] {strides = array<i32>} : memref<3x16x2048xf32, #tpu.memory_space<vmem>>, vector<1x1x16xf32>,
        %swap3A_1169 = vector.shape_cast %swap3A_1168 : vector<1x1x16xf32> to vector<16xf32>
        %swap3A_1170 = vector.shape_cast %get3A_1134 : vector<16xf32> to vector<1x1x16xf32>
        tpu.vector_store %arg8[%swap3A_1165, %swap3A_1166, %swap3A_1167], %swap3A_1170 {add = true, strides = array<i32>} : memref<3x16x2048xf32, #tpu.memory_space<vmem>>, vector<1x1x16xf32>,
        %scan3A_1171 = arith.constant 3 : i32
        %scan3A_1172 = arith.addi %scan3A_1140, %scan3A_1171 : i32
        %mul3A_1173 = arith.constant 16 : i32
        %mul3A_1174 = arith.muli %scan3A_1172, %mul3A_1173 : i32
        %swap3A_1175 = arith.constant 1 : i32
        %swap3A_1176 = arith.index_cast %swap3A_1175 : i32 to index
        %swap3A_1177 = arith.index_cast %scan3A_1128 : i32 to index
        %swap3A_1178 = arith.index_cast %mul3A_1174 : i32 to index
        %swap3A_1179 = tpu.vector_load %arg8[%swap3A_1176, %swap3A_1177, %swap3A_1178] {strides = array<i32>} : memref<3x16x2048xf32, #tpu.memory_space<vmem>>, vector<1x1x16xf32>,
        %swap3A_1180 = vector.shape_cast %swap3A_1179 : vector<1x1x16xf32> to vector<16xf32>
        %swap3A_1181 = vector.shape_cast %get3A_1134 : vector<16xf32> to vector<1x1x16xf32>
        tpu.vector_store %arg8[%swap3A_1176, %swap3A_1177, %swap3A_1178], %swap3A_1181 {add = true, strides = array<i32>} : memref<3x16x2048xf32, #tpu.memory_space<vmem>>, vector<1x1x16xf32>,
        %scan3A_1182 = arith.constant 4 : i32
        %scan3A_1183 = arith.addi %scan3A_1140, %scan3A_1182 : i32
        %mul3A_1184 = arith.constant 16 : i32
        %mul3A_1185 = arith.muli %scan3A_1183, %mul3A_1184 : i32
        %swap3A_1186 = arith.constant 1 : i32
        %swap3A_1187 = arith.index_cast %swap3A_1186 : i32 to index
        %swap3A_1188 = arith.index_cast %scan3A_1128 : i32 to index
        %swap3A_1189 = arith.index_cast %mul3A_1185 : i32 to index
        %swap3A_1190 = tpu.vector_load %arg8[%swap3A_1187, %swap3A_1188, %swap3A_1189] {strides = array<i32>} : memref<3x16x2048xf32, #tpu.memory_space<vmem>>, vector<1x1x16xf32>,
        %swap3A_1191 = vector.shape_cast %swap3A_1190 : vector<1x1x16xf32> to vector<16xf32>
        %swap3A_1192 = vector.shape_cast %get3A_1134 : vector<16xf32> to vector<1x1x16xf32>
        tpu.vector_store %arg8[%swap3A_1187, %swap3A_1188, %swap3A_1189], %swap3A_1192 {add = true, strides = array<i32>} : memref<3x16x2048xf32, #tpu.memory_space<vmem>>, vector<1x1x16xf32>,
        %scan3A_1193 = arith.constant 5 : i32
        %scan3A_1194 = arith.addi %scan3A_1140, %scan3A_1193 : i32
        %mul3A_1195 = arith.constant 16 : i32
        %mul3A_1196 = arith.muli %scan3A_1194, %mul3A_1195 : i32
        %swap3A_1197 = arith.constant 1 : i32
        %swap3A_1198 = arith.index_cast %swap3A_1197 : i32 to index
        %swap3A_1199 = arith.index_cast %scan3A_1128 : i32 to index
        %swap3A_1200 = arith.index_cast %mul3A_1196 : i32 to index
        %swap3A_1201 = tpu.vector_load %arg8[%swap3A_1198, %swap3A_1199, %swap3A_1200] {strides = array<i32>} : memref<3x16x2048xf32, #tpu.memory_space<vmem>>, vector<1x1x16xf32>,
        %swap3A_1202 = vector.shape_cast %swap3A_1201 : vector<1x1x16xf32> to vector<16xf32>
        %swap3A_1203 = vector.shape_cast %get3A_1134 : vector<16xf32> to vector<1x1x16xf32>
        tpu.vector_store %arg8[%swap3A_1198, %swap3A_1199, %swap3A_1200], %swap3A_1203 {add = true, strides = array<i32>} : memref<3x16x2048xf32, #tpu.memory_space<vmem>>, vector<1x1x16xf32>,
        %scan3A_1204 = arith.constant 6 : i32
        %scan3A_1205 = arith.addi %scan3A_1140, %scan3A_1204 : i32
        %mul3A_1206 = arith.constant 16 : i32
        %mul3A_1207 = arith.muli %scan3A_1205, %mul3A_1206 : i32
        %swap3A_1208 = arith.constant 1 : i32
        %swap3A_1209 = arith.index_cast %swap3A_1208 : i32 to index
        %swap3A_1210 = arith.index_cast %scan3A_1128 : i32 to index
        %swap3A_1211 = arith.index_cast %mul3A_1207 : i32 to index
        %swap3A_1212 = tpu.vector_load %arg8[%swap3A_1209, %swap3A_1210, %swap3A_1211] {strides = array<i32>} : memref<3x16x2048xf32, #tpu.memory_space<vmem>>, vector<1x1x16xf32>,
        %swap3A_1213 = vector.shape_cast %swap3A_1212 : vector<1x1x16xf32> to vector<16xf32>
        %swap3A_1214 = vector.shape_cast %get3A_1134 : vector<16xf32> to vector<1x1x16xf32>
        tpu.vector_store %arg8[%swap3A_1209, %swap3A_1210, %swap3A_1211], %swap3A_1214 {add = true, strides = array<i32>} : memref<3x16x2048xf32, #tpu.memory_space<vmem>>, vector<1x1x16xf32>,
        %scan3A_1215 = arith.constant 7 : i32
        %scan3A_1216 = arith.addi %scan3A_1140, %scan3A_1215 : i32
        %mul3A_1217 = arith.constant 16 : i32
        %mul3A_1218 = arith.muli %scan3A_1216, %mul3A_1217 : i32
        %swap3A_1219 = arith.constant 1 : i32
        %swap3A_1220 = arith.index_cast %swap3A_1219 : i32 to index
        %swap3A_1221 = arith.index_cast %scan3A_1128 : i32 to index
        %swap3A_1222 = arith.index_cast %mul3A_1218 : i32 to index
        %swap3A_1223 = tpu.vector_load %arg8[%swap3A_1220, %swap3A_1221, %swap3A_1222] {strides = array<i32>} : memref<3x16x2048xf32, #tpu.memory_space<vmem>>, vector<1x1x16xf32>,
        %swap3A_1224 = vector.shape_cast %swap3A_1223 : vector<1x1x16xf32> to vector<16xf32>
        %swap3A_1225 = vector.shape_cast %get3A_1134 : vector<16xf32> to vector<1x1x16xf32>
        tpu.vector_store %arg8[%swap3A_1220, %swap3A_1221, %swap3A_1222], %swap3A_1225 {add = true, strides = array<i32>} : memref<3x16x2048xf32, #tpu.memory_space<vmem>>, vector<1x1x16xf32>,
      }
      %scan3A_1139 = arith.constant 128 : i32
    }
    %scan3A_112 = arith.constant 16 : i32
    %add3A_113 = arith.constant 16 : i32
    %add3A_114 = arith.addi %mul3A_2, %add3A_113 : i32
    %dma_start3A_115 = arith.constant 1 : i32
    %dma_start3A_116 = arith.constant 1 : i32
    %dma_start3A_117 = arith.constant 0 : i32
    %dma_start3A_118 = arith.constant 0 : i32
    %dma_start3A_119 = tpu.memref_slice %arg8[%dma_start3A_115, %dma_start3A_117, %dma_start3A_118] : memref<3x16x2048xf32, #tpu.memory_space<vmem>> -> memref<1x16x2048xf32, #tpu.memory_space<vmem>>
    %dma_start3A_120 = tpu.memref_squeeze %dma_start3A_119 : memref<1x16x2048xf32, #tpu.memory_space<vmem>> -> memref<16x2048xf32, #tpu.memory_space<vmem>>
    %dma_start3A_121 = arith.constant 0 : i32
    %dma_start3A_122 = tpu.memref_slice %arg5[%add3A_114, %dma_start3A_121] : memref<8192x2048xf32, #tpu.memory_space<hbm>> -> memref<16x2048xf32, #tpu.memory_space<hbm>>
    %dma_start3A_123 = tpu.memref_slice %arg10[%dma_start3A_116] : memref<3x!tpu.dma_semaphore, #tpu.memory_space<semaphore_mem>> -> memref<1x!tpu.dma_semaphore, #tpu.memory_space<semaphore_mem>>
    %dma_start3A_124 = tpu.memref_squeeze %dma_start3A_123 : memref<1x!tpu.dma_semaphore, #tpu.memory_space<semaphore_mem>> -> memref<!tpu.dma_semaphore, #tpu.memory_space<semaphore_mem>>
    %dma_start3A_125 = arith.constant 0 : i32
    %dma_start3A_126 = tpu.memref_slice %arg5[%add3A_114, %dma_start3A_125] : memref<8192x2048xf32, #tpu.memory_space<hbm>> -> memref<16x2048xf32, #tpu.memory_space<hbm>>
    %dma_start3A_127 = arith.constant 0 : i32
    %dma_start3A_128 = arith.constant 0 : i32
    %dma_start3A_129 = tpu.memref_slice %arg8[%dma_start3A_115, %dma_start3A_127, %dma_start3A_128] : memref<3x16x2048xf32, #tpu.memory_space<vmem>> -> memref<1x16x2048xf32, #tpu.memory_space<vmem>>
    %dma_start3A_130 = tpu.memref_squeeze %dma_start3A_129 : memref<1x16x2048xf32, #tpu.memory_space<vmem>> -> memref<16x2048xf32, #tpu.memory_space<vmem>>
    tpu.enqueue_dma source(%dma_start3A_130 : memref<16x2048xf32, #tpu.memory_space<vmem>>) target(%dma_start3A_126 : memref<16x2048xf32, #tpu.memory_space<hbm>>) target_semaphore(%dma_start3A_124 : memref<!tpu.dma_semaphore, #tpu.memory_space<semaphore_mem>>)
    %dma_wait3A_131 = arith.constant 0 : i32
    %dma_wait3A_132 = arith.constant 0 : i32
    %dma_wait3A_133 = arith.constant 0 : i32
    %dma_wait3A_134 = arith.constant 0 : i32
    %dma_wait3A_135 = tpu.memref_slice %arg8[%dma_wait3A_131, %dma_wait3A_133, %dma_wait3A_134] : memref<3x16x2048xf32, #tpu.memory_space<vmem>> -> memref<1x16x2048xf32, #tpu.memory_space<vmem>>
    %dma_wait3A_136 = tpu.memref_squeeze %dma_wait3A_135 : memref<1x16x2048xf32, #tpu.memory_space<vmem>> -> memref<16x2048xf32, #tpu.memory_space<vmem>>
    %dma_wait3A_137 = arith.constant 0 : i32
    %dma_wait3A_138 = tpu.memref_slice %arg5[%add3A_60, %dma_wait3A_137] : memref<8192x2048xf32, #tpu.memory_space<hbm>> -> memref<16x2048xf32, #tpu.memory_space<hbm>>
    %dma_wait3A_139 = tpu.memref_slice %arg10[%dma_wait3A_132] : memref<3x!tpu.dma_semaphore, #tpu.memory_space<semaphore_mem>> -> memref<1x!tpu.dma_semaphore, #tpu.memory_space<semaphore_mem>>
    %dma_wait3A_140 = tpu.memref_squeeze %dma_wait3A_139 : memref<1x!tpu.dma_semaphore, #tpu.memory_space<semaphore_mem>> -> memref<!tpu.dma_semaphore, #tpu.memory_space<semaphore_mem>>
    %dma_wait3A_141 = arith.constant 0 : i32
    %dma_wait3A_142 = tpu.memref_slice %arg5[%add3A_60, %dma_wait3A_141] : memref<8192x2048xf32, #tpu.memory_space<hbm>> -> memref<16x2048xf32, #tpu.memory_space<hbm>>
    %dma_wait3A_143 = arith.constant 0 : i32
    %dma_wait3A_144 = arith.constant 0 : i32
    %dma_wait3A_145 = tpu.memref_slice %arg8[%dma_wait3A_131, %dma_wait3A_143, %dma_wait3A_144] : memref<3x16x2048xf32, #tpu.memory_space<vmem>> -> memref<1x16x2048xf32, #tpu.memory_space<vmem>>
    %dma_wait3A_146 = tpu.memref_squeeze %dma_wait3A_145 : memref<1x16x2048xf32, #tpu.memory_space<vmem>> -> memref<16x2048xf32, #tpu.memory_space<vmem>>
    tpu.wait_dma2 semaphore(%dma_wait3A_140 : memref<!tpu.dma_semaphore, #tpu.memory_space<semaphore_mem>>) src(%dma_wait3A_146 : memref<16x2048xf32, #tpu.memory_space<vmem>>) dst(%dma_wait3A_142 : memref<16x2048xf32, #tpu.memory_space<hbm>>)
    %dma_start3A_147 = arith.constant 3 : i32
    %dma_start3A_148 = arith.constant 0 : i32
    %dma_start3A_149 = arith.constant 0 : i32
    %dma_start3A_150 = arith.constant 0 : i32
    %dma_start3A_151 = arith.constant 0 : i32
    %dma_start3A_152 = tpu.memref_slice %arg8[%dma_start3A_148, %dma_start3A_150, %dma_start3A_151] : memref<3x16x2048xf32, #tpu.memory_space<vmem>> -> memref<1x16x2048xf32, #tpu.memory_space<vmem>>
    %dma_start3A_153 = tpu.memref_squeeze %dma_start3A_152 : memref<1x16x2048xf32, #tpu.memory_space<vmem>> -> memref<16x2048xf32, #tpu.memory_space<vmem>>
    %dma_start3A_154 = arith.constant 0 : i32
    %dma_start3A_155 = tpu.memref_slice %arg6[%dma_start3A_147, %dma_start3A_154] : memref<16x16xi32, #tpu.memory_space<vmem>> -> memref<1x16xi32, #tpu.memory_space<vmem>>
    %dma_start3A_156 = tpu.memref_squeeze %dma_start3A_155 : memref<1x16xi32, #tpu.memory_space<vmem>> -> memref<16xi32, #tpu.memory_space<vmem>>
    %dma_start3A_157 = arith.constant 0 : i32
    %dma_start3A_158 = arith.constant 0 : i32
    %dma_start3A_159 = tpu.memref_slice %arg2[%dma_start3A_157, %dma_start3A_158] : memref<100000x2048xf32, #tpu.memory_space<hbm>> -> memref<100000x2048xf32, #tpu.memory_space<hbm>>
    %dma_start3A_160 = tpu.memref_slice %arg9[%dma_start3A_149] : memref<3x!tpu.dma_semaphore, #tpu.memory_space<semaphore_mem>> -> memref<1x!tpu.dma_semaphore, #tpu.memory_space<semaphore_mem>>
    %dma_start3A_161 = tpu.memref_squeeze %dma_start3A_160 : memref<1x!tpu.dma_semaphore, #tpu.memory_space<semaphore_mem>> -> memref<!tpu.dma_semaphore, #tpu.memory_space<semaphore_mem>>
    tpu.enqueue_indirect_dma source(%dma_start3A_159 : memref<100000x2048xf32, #tpu.memory_space<hbm>>) target(%dma_start3A_153 : memref<16x2048xf32, #tpu.memory_space<vmem>>) offsets(%dma_start3A_156 : memref<16xi32, #tpu.memory_space<vmem>>) semaphore(%dma_start3A_161 : memref<!tpu.dma_semaphore, #tpu.memory_space<semaphore_mem>>)
    %dma_wait3A_162 = arith.constant 2 : i32
    %dma_wait3A_163 = arith.constant 2 : i32
    %dma_wait3A_164 = arith.constant 2 : i32
    %dma_wait3A_165 = arith.constant 0 : i32
    %dma_wait3A_166 = arith.constant 0 : i32
    %dma_wait3A_167 = tpu.memref_slice %arg8[%dma_wait3A_163, %dma_wait3A_165, %dma_wait3A_166] : memref<3x16x2048xf32, #tpu.memory_space<vmem>> -> memref<1x16x2048xf32, #tpu.memory_space<vmem>>
    %dma_wait3A_168 = tpu.memref_squeeze %dma_wait3A_167 : memref<1x16x2048xf32, #tpu.memory_space<vmem>> -> memref<16x2048xf32, #tpu.memory_space<vmem>>
    %dma_wait3A_169 = arith.constant 0 : i32
    %dma_wait3A_170 = tpu.memref_slice %arg6[%dma_wait3A_162, %dma_wait3A_169] : memref<16x16xi32, #tpu.memory_space<vmem>> -> memref<1x16xi32, #tpu.memory_space<vmem>>
    %dma_wait3A_171 = tpu.memref_squeeze %dma_wait3A_170 : memref<1x16xi32, #tpu.memory_space<vmem>> -> memref<16xi32, #tpu.memory_space<vmem>>
    %dma_wait3A_172 = arith.constant 0 : i32
    %dma_wait3A_173 = arith.constant 0 : i32
    %dma_wait3A_174 = tpu.memref_slice %arg2[%dma_wait3A_172, %dma_wait3A_173] : memref<100000x2048xf32, #tpu.memory_space<hbm>> -> memref<100000x2048xf32, #tpu.memory_space<hbm>>
    %dma_wait3A_175 = tpu.memref_slice %arg9[%dma_wait3A_164] : memref<3x!tpu.dma_semaphore, #tpu.memory_space<semaphore_mem>> -> memref<1x!tpu.dma_semaphore, #tpu.memory_space<semaphore_mem>>
    %dma_wait3A_176 = tpu.memref_squeeze %dma_wait3A_175 : memref<1x!tpu.dma_semaphore, #tpu.memory_space<semaphore_mem>> -> memref<!tpu.dma_semaphore, #tpu.memory_space<semaphore_mem>>
    tpu.wait_indirect_dma semaphore(%dma_wait3A_176 : memref<!tpu.dma_semaphore, #tpu.memory_space<semaphore_mem>>) src(%dma_wait3A_174 : memref<100000x2048xf32, #tpu.memory_space<hbm>>) dst(%dma_wait3A_168 : memref<16x2048xf32, #tpu.memory_space<vmem>>)
    %scan3A_177 = arith.constant 0 : i32
    %scan3A_178 = arith.constant 0 : i32
    %scan3A_179 = arith.constant 16 : i32
    %scan3A_180 = arith.addi %scan3A_178, %scan3A_179 : i32
    %scan3A_181 = arith.constant 1 : i32
    scf.for %scan3A_1128 = %scan3A_178 to %scan3A_180 step %scan3A_181  : i32 {
      %add3A_1129 = arith.constant 32 : i32
      %add3A_1130 = arith.addi %add3A_1129, %scan3A_1128 : i32
      %mul3A_1131 = arith.constant 16 : i32
      %mul3A_1132 = arith.muli %add3A_1130, %mul3A_1131 : i32
      %get3A = arith.index_cast %mul3A_1132 : i32 to index
      %get3A_1133 = tpu.vector_load %arg7[%get3A] {strides = array<i32>} : memref<4096xf32, #tpu.memory_space<vmem>>, vector<16xf32>,
      %get3A_1134 = vector.shape_cast %get3A_1133 : vector<16xf32> to vector<16xf32>
      %scan3A_1135 = arith.constant 0 : i32
      %scan3A_1136 = arith.constant 128 : i32
      %scan3A_1137 = arith.addi %scan3A_1135, %scan3A_1136 : i32
      %scan3A_1138 = arith.constant 8 : i32
      scf.for %scan3A_1140 = %scan3A_1135 to %scan3A_1137 step %scan3A_1138  : i32 {
        %mul3A_1141 = arith.constant 16 : i32
        %mul3A_1142 = arith.muli %scan3A_1140, %mul3A_1141 : i32
        %swap3A = arith.constant 2 : i32
        %swap3A_1143 = arith.index_cast %swap3A : i32 to index
        %swap3A_1144 = arith.index_cast %scan3A_1128 : i32 to index
        %swap3A_1145 = arith.index_cast %mul3A_1142 : i32 to index
        %swap3A_1146 = tpu.vector_load %arg8[%swap3A_1143, %swap3A_1144, %swap3A_1145] {strides = array<i32>} : memref<3x16x2048xf32, #tpu.memory_space<vmem>>, vector<1x1x16xf32>,
        %swap3A_1147 = vector.shape_cast %swap3A_1146 : vector<1x1x16xf32> to vector<16xf32>
        %swap3A_1148 = vector.shape_cast %get3A_1134 : vector<16xf32> to vector<1x1x16xf32>
        tpu.vector_store %arg8[%swap3A_1143, %swap3A_1144, %swap3A_1145], %swap3A_1148 {add = true, strides = array<i32>} : memref<3x16x2048xf32, #tpu.memory_space<vmem>>, vector<1x1x16xf32>,
        %scan3A_1149 = arith.constant 1 : i32
        %scan3A_1150 = arith.addi %scan3A_1140, %scan3A_1149 : i32
        %mul3A_1151 = arith.constant 16 : i32
        %mul3A_1152 = arith.muli %scan3A_1150, %mul3A_1151 : i32
        %swap3A_1153 = arith.constant 2 : i32
        %swap3A_1154 = arith.index_cast %swap3A_1153 : i32 to index
        %swap3A_1155 = arith.index_cast %scan3A_1128 : i32 to index
        %swap3A_1156 = arith.index_cast %mul3A_1152 : i32 to index
        %swap3A_1157 = tpu.vector_load %arg8[%swap3A_1154, %swap3A_1155, %swap3A_1156] {strides = array<i32>} : memref<3x16x2048xf32, #tpu.memory_space<vmem>>, vector<1x1x16xf32>,
        %swap3A_1158 = vector.shape_cast %swap3A_1157 : vector<1x1x16xf32> to vector<16xf32>
        %swap3A_1159 = vector.shape_cast %get3A_1134 : vector<16xf32> to vector<1x1x16xf32>
        tpu.vector_store %arg8[%swap3A_1154, %swap3A_1155, %swap3A_1156], %swap3A_1159 {add = true, strides = array<i32>} : memref<3x16x2048xf32, #tpu.memory_space<vmem>>, vector<1x1x16xf32>,
        %scan3A_1160 = arith.constant 2 : i32
        %scan3A_1161 = arith.addi %scan3A_1140, %scan3A_1160 : i32
        %mul3A_1162 = arith.constant 16 : i32
        %mul3A_1163 = arith.muli %scan3A_1161, %mul3A_1162 : i32
        %swap3A_1164 = arith.constant 2 : i32
        %swap3A_1165 = arith.index_cast %swap3A_1164 : i32 to index
        %swap3A_1166 = arith.index_cast %scan3A_1128 : i32 to index
        %swap3A_1167 = arith.index_cast %mul3A_1163 : i32 to index
        %swap3A_1168 = tpu.vector_load %arg8[%swap3A_1165, %swap3A_1166, %swap3A_1167] {strides = array<i32>} : memref<3x16x2048xf32, #tpu.memory_space<vmem>>, vector<1x1x16xf32>,
        %swap3A_1169 = vector.shape_cast %swap3A_1168 : vector<1x1x16xf32> to vector<16xf32>
        %swap3A_1170 = vector.shape_cast %get3A_1134 : vector<16xf32> to vector<1x1x16xf32>
        tpu.vector_store %arg8[%swap3A_1165, %swap3A_1166, %swap3A_1167], %swap3A_1170 {add = true, strides = array<i32>} : memref<3x16x2048xf32, #tpu.memory_space<vmem>>, vector<1x1x16xf32>,
        %scan3A_1171 = arith.constant 3 : i32
        %scan3A_1172 = arith.addi %scan3A_1140, %scan3A_1171 : i32
        %mul3A_1173 = arith.constant 16 : i32
        %mul3A_1174 = arith.muli %scan3A_1172, %mul3A_1173 : i32
        %swap3A_1175 = arith.constant 2 : i32
        %swap3A_1176 = arith.index_cast %swap3A_1175 : i32 to index
        %swap3A_1177 = arith.index_cast %scan3A_1128 : i32 to index
        %swap3A_1178 = arith.index_cast %mul3A_1174 : i32 to index
        %swap3A_1179 = tpu.vector_load %arg8[%swap3A_1176, %swap3A_1177, %swap3A_1178] {strides = array<i32>} : memref<3x16x2048xf32, #tpu.memory_space<vmem>>, vector<1x1x16xf32>,
        %swap3A_1180 = vector.shape_cast %swap3A_1179 : vector<1x1x16xf32> to vector<16xf32>
        %swap3A_1181 = vector.shape_cast %get3A_1134 : vector<16xf32> to vector<1x1x16xf32>
        tpu.vector_store %arg8[%swap3A_1176, %swap3A_1177, %swap3A_1178], %swap3A_1181 {add = true, strides = array<i32>} : memref<3x16x2048xf32, #tpu.memory_space<vmem>>, vector<1x1x16xf32>,
        %scan3A_1182 = arith.constant 4 : i32
        %scan3A_1183 = arith.addi %scan3A_1140, %scan3A_1182 : i32
        %mul3A_1184 = arith.constant 16 : i32
        %mul3A_1185 = arith.muli %scan3A_1183, %mul3A_1184 : i32
        %swap3A_1186 = arith.constant 2 : i32
        %swap3A_1187 = arith.index_cast %swap3A_1186 : i32 to index
        %swap3A_1188 = arith.index_cast %scan3A_1128 : i32 to index
        %swap3A_1189 = arith.index_cast %mul3A_1185 : i32 to index
        %swap3A_1190 = tpu.vector_load %arg8[%swap3A_1187, %swap3A_1188, %swap3A_1189] {strides = array<i32>} : memref<3x16x2048xf32, #tpu.memory_space<vmem>>, vector<1x1x16xf32>,
        %swap3A_1191 = vector.shape_cast %swap3A_1190 : vector<1x1x16xf32> to vector<16xf32>
        %swap3A_1192 = vector.shape_cast %get3A_1134 : vector<16xf32> to vector<1x1x16xf32>
        tpu.vector_store %arg8[%swap3A_1187, %swap3A_1188, %swap3A_1189], %swap3A_1192 {add = true, strides = array<i32>} : memref<3x16x2048xf32, #tpu.memory_space<vmem>>, vector<1x1x16xf32>,
        %scan3A_1193 = arith.constant 5 : i32
        %scan3A_1194 = arith.addi %scan3A_1140, %scan3A_1193 : i32
        %mul3A_1195 = arith.constant 16 : i32
        %mul3A_1196 = arith.muli %scan3A_1194, %mul3A_1195 : i32
        %swap3A_1197 = arith.constant 2 : i32
        %swap3A_1198 = arith.index_cast %swap3A_1197 : i32 to index
        %swap3A_1199 = arith.index_cast %scan3A_1128 : i32 to index
        %swap3A_1200 = arith.index_cast %mul3A_1196 : i32 to index
        %swap3A_1201 = tpu.vector_load %arg8[%swap3A_1198, %swap3A_1199, %swap3A_1200] {strides = array<i32>} : memref<3x16x2048xf32, #tpu.memory_space<vmem>>, vector<1x1x16xf32>,
        %swap3A_1202 = vector.shape_cast %swap3A_1201 : vector<1x1x16xf32> to vector<16xf32>
        %swap3A_1203 = vector.shape_cast %get3A_1134 : vector<16xf32> to vector<1x1x16xf32>
        tpu.vector_store %arg8[%swap3A_1198, %swap3A_1199, %swap3A_1200], %swap3A_1203 {add = true, strides = array<i32>} : memref<3x16x2048xf32, #tpu.memory_space<vmem>>, vector<1x1x16xf32>,
        %scan3A_1204 = arith.constant 6 : i32
        %scan3A_1205 = arith.addi %scan3A_1140, %scan3A_1204 : i32
        %mul3A_1206 = arith.constant 16 : i32
        %mul3A_1207 = arith.muli %scan3A_1205, %mul3A_1206 : i32
        %swap3A_1208 = arith.constant 2 : i32
        %swap3A_1209 = arith.index_cast %swap3A_1208 : i32 to index
        %swap3A_1210 = arith.index_cast %scan3A_1128 : i32 to index
        %swap3A_1211 = arith.index_cast %mul3A_1207 : i32 to index
        %swap3A_1212 = tpu.vector_load %arg8[%swap3A_1209, %swap3A_1210, %swap3A_1211] {strides = array<i32>} : memref<3x16x2048xf32, #tpu.memory_space<vmem>>, vector<1x1x16xf32>,
        %swap3A_1213 = vector.shape_cast %swap3A_1212 : vector<1x1x16xf32> to vector<16xf32>
        %swap3A_1214 = vector.shape_cast %get3A_1134 : vector<16xf32> to vector<1x1x16xf32>
        tpu.vector_store %arg8[%swap3A_1209, %swap3A_1210, %swap3A_1211], %swap3A_1214 {add = true, strides = array<i32>} : memref<3x16x2048xf32, #tpu.memory_space<vmem>>, vector<1x1x16xf32>,
        %scan3A_1215 = arith.constant 7 : i32
        %scan3A_1216 = arith.addi %scan3A_1140, %scan3A_1215 : i32
        %mul3A_1217 = arith.constant 16 : i32
        %mul3A_1218 = arith.muli %scan3A_1216, %mul3A_1217 : i32
        %swap3A_1219 = arith.constant 2 : i32
        %swap3A_1220 = arith.index_cast %swap3A_1219 : i32 to index
        %swap3A_1221 = arith.index_cast %scan3A_1128 : i32 to index
        %swap3A_1222 = arith.index_cast %mul3A_1218 : i32 to index
        %swap3A_1223 = tpu.vector_load %arg8[%swap3A_1220, %swap3A_1221, %swap3A_1222] {strides = array<i32>} : memref<3x16x2048xf32, #tpu.memory_space<vmem>>, vector<1x1x16xf32>,
        %swap3A_1224 = vector.shape_cast %swap3A_1223 : vector<1x1x16xf32> to vector<16xf32>
        %swap3A_1225 = vector.shape_cast %get3A_1134 : vector<16xf32> to vector<1x1x16xf32>
        tpu.vector_store %arg8[%swap3A_1220, %swap3A_1221, %swap3A_1222], %swap3A_1225 {add = true, strides = array<i32>} : memref<3x16x2048xf32, #tpu.memory_space<vmem>>, vector<1x1x16xf32>,
      }
      %scan3A_1139 = arith.constant 128 : i32
    }
    %scan3A_182 = arith.constant 16 : i32
    %add3A_183 = arith.constant 32 : i32
    %add3A_184 = arith.addi %mul3A_2, %add3A_183 : i32
    %dma_start3A_185 = arith.constant 2 : i32
    %dma_start3A_186 = arith.constant 2 : i32
    %dma_start3A_187 = arith.constant 0 : i32
    %dma_start3A_188 = arith.constant 0 : i32
    %dma_start3A_189 = tpu.memref_slice %arg8[%dma_start3A_185, %dma_start3A_187, %dma_start3A_188] : memref<3x16x2048xf32, #tpu.memory_space<vmem>> -> memref<1x16x2048xf32, #tpu.memory_space<vmem>>
    %dma_start3A_190 = tpu.memref_squeeze %dma_start3A_189 : memref<1x16x2048xf32, #tpu.memory_space<vmem>> -> memref<16x2048xf32, #tpu.memory_space<vmem>>
    %dma_start3A_191 = arith.constant 0 : i32
    %dma_start3A_192 = tpu.memref_slice %arg5[%add3A_184, %dma_start3A_191] : memref<8192x2048xf32, #tpu.memory_space<hbm>> -> memref<16x2048xf32, #tpu.memory_space<hbm>>
    %dma_start3A_193 = tpu.memref_slice %arg10[%dma_start3A_186] : memref<3x!tpu.dma_semaphore, #tpu.memory_space<semaphore_mem>> -> memref<1x!tpu.dma_semaphore, #tpu.memory_space<semaphore_mem>>
    %dma_start3A_194 = tpu.memref_squeeze %dma_start3A_193 : memref<1x!tpu.dma_semaphore, #tpu.memory_space<semaphore_mem>> -> memref<!tpu.dma_semaphore, #tpu.memory_space<semaphore_mem>>
    %dma_start3A_195 = arith.constant 0 : i32
    %dma_start3A_196 = tpu.memref_slice %arg5[%add3A_184, %dma_start3A_195] : memref<8192x2048xf32, #tpu.memory_space<hbm>> -> memref<16x2048xf32, #tpu.memory_space<hbm>>
    %dma_start3A_197 = arith.constant 0 : i32
    %dma_start3A_198 = arith.constant 0 : i32
    %dma_start3A_199 = tpu.memref_slice %arg8[%dma_start3A_185, %dma_start3A_197, %dma_start3A_198] : memref<3x16x2048xf32, #tpu.memory_space<vmem>> -> memref<1x16x2048xf32, #tpu.memory_space<vmem>>
    %dma_start3A_200 = tpu.memref_squeeze %dma_start3A_199 : memref<1x16x2048xf32, #tpu.memory_space<vmem>> -> memref<16x2048xf32, #tpu.memory_space<vmem>>
    tpu.enqueue_dma source(%dma_start3A_200 : memref<16x2048xf32, #tpu.memory_space<vmem>>) target(%dma_start3A_196 : memref<16x2048xf32, #tpu.memory_space<hbm>>) target_semaphore(%dma_start3A_194 : memref<!tpu.dma_semaphore, #tpu.memory_space<semaphore_mem>>)
    %dma_wait3A_201 = arith.constant 1 : i32
    %dma_wait3A_202 = arith.constant 1 : i32
    %dma_wait3A_203 = arith.constant 0 : i32
    %dma_wait3A_204 = arith.constant 0 : i32
    %dma_wait3A_205 = tpu.memref_slice %arg8[%dma_wait3A_201, %dma_wait3A_203, %dma_wait3A_204] : memref<3x16x2048xf32, #tpu.memory_space<vmem>> -> memref<1x16x2048xf32, #tpu.memory_space<vmem>>
    %dma_wait3A_206 = tpu.memref_squeeze %dma_wait3A_205 : memref<1x16x2048xf32, #tpu.memory_space<vmem>> -> memref<16x2048xf32, #tpu.memory_space<vmem>>
    %dma_wait3A_207 = arith.constant 0 : i32
    %dma_wait3A_208 = tpu.memref_slice %arg5[%add3A_114, %dma_wait3A_207] : memref<8192x2048xf32, #tpu.memory_space<hbm>> -> memref<16x2048xf32, #tpu.memory_space<hbm>>
    %dma_wait3A_209 = tpu.memref_slice %arg10[%dma_wait3A_202] : memref<3x!tpu.dma_semaphore, #tpu.memory_space<semaphore_mem>> -> memref<1x!tpu.dma_semaphore, #tpu.memory_space<semaphore_mem>>
    %dma_wait3A_210 = tpu.memref_squeeze %dma_wait3A_209 : memref<1x!tpu.dma_semaphore, #tpu.memory_space<semaphore_mem>> -> memref<!tpu.dma_semaphore, #tpu.memory_space<semaphore_mem>>
    %dma_wait3A_211 = arith.constant 0 : i32
    %dma_wait3A_212 = tpu.memref_slice %arg5[%add3A_114, %dma_wait3A_211] : memref<8192x2048xf32, #tpu.memory_space<hbm>> -> memref<16x2048xf32, #tpu.memory_space<hbm>>
    %dma_wait3A_213 = arith.constant 0 : i32
    %dma_wait3A_214 = arith.constant 0 : i32
    %dma_wait3A_215 = tpu.memref_slice %arg8[%dma_wait3A_201, %dma_wait3A_213, %dma_wait3A_214] : memref<3x16x2048xf32, #tpu.memory_space<vmem>> -> memref<1x16x2048xf32, #tpu.memory_space<vmem>>
    %dma_wait3A_216 = tpu.memref_squeeze %dma_wait3A_215 : memref<1x16x2048xf32, #tpu.memory_space<vmem>> -> memref<16x2048xf32, #tpu.memory_space<vmem>>
    tpu.wait_dma2 semaphore(%dma_wait3A_210 : memref<!tpu.dma_semaphore, #tpu.memory_space<semaphore_mem>>) src(%dma_wait3A_216 : memref<16x2048xf32, #tpu.memory_space<vmem>>) dst(%dma_wait3A_212 : memref<16x2048xf32, #tpu.memory_space<hbm>>)
    %dma_start3A_217 = arith.constant 4 : i32
    %dma_start3A_218 = arith.constant 1 : i32
    %dma_start3A_219 = arith.constant 1 : i32
    %dma_start3A_220 = arith.constant 0 : i32
    %dma_start3A_221 = arith.constant 0 : i32
    %dma_start3A_222 = tpu.memref_slice %arg8[%dma_start3A_218, %dma_start3A_220, %dma_start3A_221] : memref<3x16x2048xf32, #tpu.memory_space<vmem>> -> memref<1x16x2048xf32, #tpu.memory_space<vmem>>
    %dma_start3A_223 = tpu.memref_squeeze %dma_start3A_222 : memref<1x16x2048xf32, #tpu.memory_space<vmem>> -> memref<16x2048xf32, #tpu.memory_space<vmem>>
    %dma_start3A_224 = arith.constant 0 : i32
    %dma_start3A_225 = tpu.memref_slice %arg6[%dma_start3A_217, %dma_start3A_224] : memref<16x16xi32, #tpu.memory_space<vmem>> -> memref<1x16xi32, #tpu.memory_space<vmem>>
    %dma_start3A_226 = tpu.memref_squeeze %dma_start3A_225 : memref<1x16xi32, #tpu.memory_space<vmem>> -> memref<16xi32, #tpu.memory_space<vmem>>
    %dma_start3A_227 = arith.constant 0 : i32
    %dma_start3A_228 = arith.constant 0 : i32
    %dma_start3A_229 = tpu.memref_slice %arg2[%dma_start3A_227, %dma_start3A_228] : memref<100000x2048xf32, #tpu.memory_space<hbm>> -> memref<100000x2048xf32, #tpu.memory_space<hbm>>
    %dma_start3A_230 = tpu.memref_slice %arg9[%dma_start3A_219] : memref<3x!tpu.dma_semaphore, #tpu.memory_space<semaphore_mem>> -> memref<1x!tpu.dma_semaphore, #tpu.memory_space<semaphore_mem>>
    %dma_start3A_231 = tpu.memref_squeeze %dma_start3A_230 : memref<1x!tpu.dma_semaphore, #tpu.memory_space<semaphore_mem>> -> memref<!tpu.dma_semaphore, #tpu.memory_space<semaphore_mem>>
    tpu.enqueue_indirect_dma source(%dma_start3A_229 : memref<100000x2048xf32, #tpu.memory_space<hbm>>) target(%dma_start3A_223 : memref<16x2048xf32, #tpu.memory_space<vmem>>) offsets(%dma_start3A_226 : memref<16xi32, #tpu.memory_space<vmem>>) semaphore(%dma_start3A_231 : memref<!tpu.dma_semaphore, #tpu.memory_space<semaphore_mem>>)
    %dma_wait3A_232 = arith.constant 3 : i32
    %dma_wait3A_233 = arith.constant 0 : i32
    %dma_wait3A_234 = arith.constant 0 : i32
    %dma_wait3A_235 = arith.constant 0 : i32
    %dma_wait3A_236 = arith.constant 0 : i32
    %dma_wait3A_237 = tpu.memref_slice %arg8[%dma_wait3A_233, %dma_wait3A_235, %dma_wait3A_236] : memref<3x16x2048xf32, #tpu.memory_space<vmem>> -> memref<1x16x2048xf32, #tpu.memory_space<vmem>>
    %dma_wait3A_238 = tpu.memref_squeeze %dma_wait3A_237 : memref<1x16x2048xf32, #tpu.memory_space<vmem>> -> memref<16x2048xf32, #tpu.memory_space<vmem>>
    %dma_wait3A_239 = arith.constant 0 : i32
    %dma_wait3A_240 = tpu.memref_slice %arg6[%dma_wait3A_232, %dma_wait3A_239] : memref<16x16xi32, #tpu.memory_space<vmem>> -> memref<1x16xi32, #tpu.memory_space<vmem>>
    %dma_wait3A_241 = tpu.memref_squeeze %dma_wait3A_240 : memref<1x16xi32, #tpu.memory_space<vmem>> -> memref<16xi32, #tpu.memory_space<vmem>>
    %dma_wait3A_242 = arith.constant 0 : i32
    %dma_wait3A_243 = arith.constant 0 : i32
    %dma_wait3A_244 = tpu.memref_slice %arg2[%dma_wait3A_242, %dma_wait3A_243] : memref<100000x2048xf32, #tpu.memory_space<hbm>> -> memref<100000x2048xf32, #tpu.memory_space<hbm>>
    %dma_wait3A_245 = tpu.memref_slice %arg9[%dma_wait3A_234] : memref<3x!tpu.dma_semaphore, #tpu.memory_space<semaphore_mem>> -> memref<1x!tpu.dma_semaphore, #tpu.memory_space<semaphore_mem>>
    %dma_wait3A_246 = tpu.memref_squeeze %dma_wait3A_245 : memref<1x!tpu.dma_semaphore, #tpu.memory_space<semaphore_mem>> -> memref<!tpu.dma_semaphore, #tpu.memory_space<semaphore_mem>>
    tpu.wait_indirect_dma semaphore(%dma_wait3A_246 : memref<!tpu.dma_semaphore, #tpu.memory_space<semaphore_mem>>) src(%dma_wait3A_244 : memref<100000x2048xf32, #tpu.memory_space<hbm>>) dst(%dma_wait3A_238 : memref<16x2048xf32, #tpu.memory_space<vmem>>)
    %scan3A_247 = arith.constant 0 : i32
    %scan3A_248 = arith.constant 0 : i32
    %scan3A_249 = arith.constant 16 : i32
    %scan3A_250 = arith.addi %scan3A_248, %scan3A_249 : i32
    %scan3A_251 = arith.constant 1 : i32
    scf.for %scan3A_1128 = %scan3A_248 to %scan3A_250 step %scan3A_251  : i32 {
      %add3A_1129 = arith.constant 48 : i32
      %add3A_1130 = arith.addi %add3A_1129, %scan3A_1128 : i32
      %mul3A_1131 = arith.constant 16 : i32
      %mul3A_1132 = arith.muli %add3A_1130, %mul3A_1131 : i32
      %get3A = arith.index_cast %mul3A_1132 : i32 to index
      %get3A_1133 = tpu.vector_load %arg7[%get3A] {strides = array<i32>} : memref<4096xf32, #tpu.memory_space<vmem>>, vector<16xf32>,
      %get3A_1134 = vector.shape_cast %get3A_1133 : vector<16xf32> to vector<16xf32>
      %scan3A_1135 = arith.constant 0 : i32
      %scan3A_1136 = arith.constant 128 : i32
      %scan3A_1137 = arith.addi %scan3A_1135, %scan3A_1136 : i32
      %scan3A_1138 = arith.constant 8 : i32
      scf.for %scan3A_1140 = %scan3A_1135 to %scan3A_1137 step %scan3A_1138  : i32 {
        %mul3A_1141 = arith.constant 16 : i32
        %mul3A_1142 = arith.muli %scan3A_1140, %mul3A_1141 : i32
        %swap3A = arith.constant 0 : i32
        %swap3A_1143 = arith.index_cast %swap3A : i32 to index
        %swap3A_1144 = arith.index_cast %scan3A_1128 : i32 to index
        %swap3A_1145 = arith.index_cast %mul3A_1142 : i32 to index
        %swap3A_1146 = tpu.vector_load %arg8[%swap3A_1143, %swap3A_1144, %swap3A_1145] {strides = array<i32>} : memref<3x16x2048xf32, #tpu.memory_space<vmem>>, vector<1x1x16xf32>,
        %swap3A_1147 = vector.shape_cast %swap3A_1146 : vector<1x1x16xf32> to vector<16xf32>
        %swap3A_1148 = vector.shape_cast %get3A_1134 : vector<16xf32> to vector<1x1x16xf32>
        tpu.vector_store %arg8[%swap3A_1143, %swap3A_1144, %swap3A_1145], %swap3A_1148 {add = true, strides = array<i32>} : memref<3x16x2048xf32, #tpu.memory_space<vmem>>, vector<1x1x16xf32>,
        %scan3A_1149 = arith.constant 1 : i32
        %scan3A_1150 = arith.addi %scan3A_1140, %scan3A_1149 : i32
        %mul3A_1151 = arith.constant 16 : i32
        %mul3A_1152 = arith.muli %scan3A_1150, %mul3A_1151 : i32
        %swap3A_1153 = arith.constant 0 : i32
        %swap3A_1154 = arith.index_cast %swap3A_1153 : i32 to index
        %swap3A_1155 = arith.index_cast %scan3A_1128 : i32 to index
        %swap3A_1156 = arith.index_cast %mul3A_1152 : i32 to index
        %swap3A_1157 = tpu.vector_load %arg8[%swap3A_1154, %swap3A_1155, %swap3A_1156] {strides = array<i32>} : memref<3x16x2048xf32, #tpu.memory_space<vmem>>, vector<1x1x16xf32>,
        %swap3A_1158 = vector.shape_cast %swap3A_1157 : vector<1x1x16xf32> to vector<16xf32>
        %swap3A_1159 = vector.shape_cast %get3A_1134 : vector<16xf32> to vector<1x1x16xf32>
        tpu.vector_store %arg8[%swap3A_1154, %swap3A_1155, %swap3A_1156], %swap3A_1159 {add = true, strides = array<i32>} : memref<3x16x2048xf32, #tpu.memory_space<vmem>>, vector<1x1x16xf32>,
        %scan3A_1160 = arith.constant 2 : i32
        %scan3A_1161 = arith.addi %scan3A_1140, %scan3A_1160 : i32
        %mul3A_1162 = arith.constant 16 : i32
        %mul3A_1163 = arith.muli %scan3A_1161, %mul3A_1162 : i32
        %swap3A_1164 = arith.constant 0 : i32
        %swap3A_1165 = arith.index_cast %swap3A_1164 : i32 to index
        %swap3A_1166 = arith.index_cast %scan3A_1128 : i32 to index
        %swap3A_1167 = arith.index_cast %mul3A_1163 : i32 to index
        %swap3A_1168 = tpu.vector_load %arg8[%swap3A_1165, %swap3A_1166, %swap3A_1167] {strides = array<i32>} : memref<3x16x2048xf32, #tpu.memory_space<vmem>>, vector<1x1x16xf32>,
        %swap3A_1169 = vector.shape_cast %swap3A_1168 : vector<1x1x16xf32> to vector<16xf32>
        %swap3A_1170 = vector.shape_cast %get3A_1134 : vector<16xf32> to vector<1x1x16xf32>
        tpu.vector_store %arg8[%swap3A_1165, %swap3A_1166, %swap3A_1167], %swap3A_1170 {add = true, strides = array<i32>} : memref<3x16x2048xf32, #tpu.memory_space<vmem>>, vector<1x1x16xf32>,
        %scan3A_1171 = arith.constant 3 : i32
        %scan3A_1172 = arith.addi %scan3A_1140, %scan3A_1171 : i32
        %mul3A_1173 = arith.constant 16 : i32
        %mul3A_1174 = arith.muli %scan3A_1172, %mul3A_1173 : i32
        %swap3A_1175 = arith.constant 0 : i32
        %swap3A_1176 = arith.index_cast %swap3A_1175 : i32 to index
        %swap3A_1177 = arith.index_cast %scan3A_1128 : i32 to index
        %swap3A_1178 = arith.index_cast %mul3A_1174 : i32 to index
        %swap3A_1179 = tpu.vector_load %arg8[%swap3A_1176, %swap3A_1177, %swap3A_1178] {strides = array<i32>} : memref<3x16x2048xf32, #tpu.memory_space<vmem>>, vector<1x1x16xf32>,
        %swap3A_1180 = vector.shape_cast %swap3A_1179 : vector<1x1x16xf32> to vector<16xf32>
        %swap3A_1181 = vector.shape_cast %get3A_1134 : vector<16xf32> to vector<1x1x16xf32>
        tpu.vector_store %arg8[%swap3A_1176, %swap3A_1177, %swap3A_1178], %swap3A_1181 {add = true, strides = array<i32>} : memref<3x16x2048xf32, #tpu.memory_space<vmem>>, vector<1x1x16xf32>,
        %scan3A_1182 = arith.constant 4 : i32
        %scan3A_1183 = arith.addi %scan3A_1140, %scan3A_1182 : i32
        %mul3A_1184 = arith.constant 16 : i32
        %mul3A_1185 = arith.muli %scan3A_1183, %mul3A_1184 : i32
        %swap3A_1186 = arith.constant 0 : i32
        %swap3A_1187 = arith.index_cast %swap3A_1186 : i32 to index
        %swap3A_1188 = arith.index_cast %scan3A_1128 : i32 to index
        %swap3A_1189 = arith.index_cast %mul3A_1185 : i32 to index
        %swap3A_1190 = tpu.vector_load %arg8[%swap3A_1187, %swap3A_1188, %swap3A_1189] {strides = array<i32>} : memref<3x16x2048xf32, #tpu.memory_space<vmem>>, vector<1x1x16xf32>,
        %swap3A_1191 = vector.shape_cast %swap3A_1190 : vector<1x1x16xf32> to vector<16xf32>
        %swap3A_1192 = vector.shape_cast %get3A_1134 : vector<16xf32> to vector<1x1x16xf32>
        tpu.vector_store %arg8[%swap3A_1187, %swap3A_1188, %swap3A_1189], %swap3A_1192 {add = true, strides = array<i32>} : memref<3x16x2048xf32, #tpu.memory_space<vmem>>, vector<1x1x16xf32>,
        %scan3A_1193 = arith.constant 5 : i32
        %scan3A_1194 = arith.addi %scan3A_1140, %scan3A_1193 : i32
        %mul3A_1195 = arith.constant 16 : i32
        %mul3A_1196 = arith.muli %scan3A_1194, %mul3A_1195 : i32
        %swap3A_1197 = arith.constant 0 : i32
        %swap3A_1198 = arith.index_cast %swap3A_1197 : i32 to index
        %swap3A_1199 = arith.index_cast %scan3A_1128 : i32 to index
        %swap3A_1200 = arith.index_cast %mul3A_1196 : i32 to index
        %swap3A_1201 = tpu.vector_load %arg8[%swap3A_1198, %swap3A_1199, %swap3A_1200] {strides = array<i32>} : memref<3x16x2048xf32, #tpu.memory_space<vmem>>, vector<1x1x16xf32>,
        %swap3A_1202 = vector.shape_cast %swap3A_1201 : vector<1x1x16xf32> to vector<16xf32>
        %swap3A_1203 = vector.shape_cast %get3A_1134 : vector<16xf32> to vector<1x1x16xf32>
        tpu.vector_store %arg8[%swap3A_1198, %swap3A_1199, %swap3A_1200], %swap3A_1203 {add = true, strides = array<i32>} : memref<3x16x2048xf32, #tpu.memory_space<vmem>>, vector<1x1x16xf32>,
        %scan3A_1204 = arith.constant 6 : i32
        %scan3A_1205 = arith.addi %scan3A_1140, %scan3A_1204 : i32
        %mul3A_1206 = arith.constant 16 : i32
        %mul3A_1207 = arith.muli %scan3A_1205, %mul3A_1206 : i32
        %swap3A_1208 = arith.constant 0 : i32
        %swap3A_1209 = arith.index_cast %swap3A_1208 : i32 to index
        %swap3A_1210 = arith.index_cast %scan3A_1128 : i32 to index
        %swap3A_1211 = arith.index_cast %mul3A_1207 : i32 to index
        %swap3A_1212 = tpu.vector_load %arg8[%swap3A_1209, %swap3A_1210, %swap3A_1211] {strides = array<i32>} : memref<3x16x2048xf32, #tpu.memory_space<vmem>>, vector<1x1x16xf32>,
        %swap3A_1213 = vector.shape_cast %swap3A_1212 : vector<1x1x16xf32> to vector<16xf32>
        %swap3A_1214 = vector.shape_cast %get3A_1134 : vector<16xf32> to vector<1x1x16xf32>
        tpu.vector_store %arg8[%swap3A_1209, %swap3A_1210, %swap3A_1211], %swap3A_1214 {add = true, strides = array<i32>} : memref<3x16x2048xf32, #tpu.memory_space<vmem>>, vector<1x1x16xf32>,
        %scan3A_1215 = arith.constant 7 : i32
        %scan3A_1216 = arith.addi %scan3A_1140, %scan3A_1215 : i32
        %mul3A_1217 = arith.constant 16 : i32
        %mul3A_1218 = arith.muli %scan3A_1216, %mul3A_1217 : i32
        %swap3A_1219 = arith.constant 0 : i32
        %swap3A_1220 = arith.index_cast %swap3A_1219 : i32 to index
        %swap3A_1221 = arith.index_cast %scan3A_1128 : i32 to index
        %swap3A_1222 = arith.index_cast %mul3A_1218 : i32 to index
        %swap3A_1223 = tpu.vector_load %arg8[%swap3A_1220, %swap3A_1221, %swap3A_1222] {strides = array<i32>} : memref<3x16x2048xf32, #tpu.memory_space<vmem>>, vector<1x1x16xf32>,
        %swap3A_1224 = vector.shape_cast %swap3A_1223 : vector<1x1x16xf32> to vector<16xf32>
        %swap3A_1225 = vector.shape_cast %get3A_1134 : vector<16xf32> to vector<1x1x16xf32>
        tpu.vector_store %arg8[%swap3A_1220, %swap3A_1221, %swap3A_1222], %swap3A_1225 {add = true, strides = array<i32>} : memref<3x16x2048xf32, #tpu.memory_space<vmem>>, vector<1x1x16xf32>,
      }
      %scan3A_1139 = arith.constant 128 : i32
    }
    %scan3A_252 = arith.constant 16 : i32
    %add3A_253 = arith.constant 48 : i32
    %add3A_254 = arith.addi %mul3A_2, %add3A_253 : i32
    %dma_start3A_255 = arith.constant 0 : i32
    %dma_start3A_256 = arith.constant 0 : i32
    %dma_start3A_257 = arith.constant 0 : i32
    %dma_start3A_258 = arith.constant 0 : i32
    %dma_start3A_259 = tpu.memref_slice %arg8[%dma_start3A_255, %dma_start3A_257, %dma_start3A_258] : memref<3x16x2048xf32, #tpu.memory_space<vmem>> -> memref<1x16x2048xf32, #tpu.memory_space<vmem>>
    %dma_start3A_260 = tpu.memref_squeeze %dma_start3A_259 : memref<1x16x2048xf32, #tpu.memory_space<vmem>> -> memref<16x2048xf32, #tpu.memory_space<vmem>>
    %dma_start3A_261 = arith.constant 0 : i32
    %dma_start3A_262 = tpu.memref_slice %arg5[%add3A_254, %dma_start3A_261] : memref<8192x2048xf32, #tpu.memory_space<hbm>> -> memref<16x2048xf32, #tpu.memory_space<hbm>>
    %dma_start3A_263 = tpu.memref_slice %arg10[%dma_start3A_256] : memref<3x!tpu.dma_semaphore, #tpu.memory_space<semaphore_mem>> -> memref<1x!tpu.dma_semaphore, #tpu.memory_space<semaphore_mem>>
    %dma_start3A_264 = tpu.memref_squeeze %dma_start3A_263 : memref<1x!tpu.dma_semaphore, #tpu.memory_space<semaphore_mem>> -> memref<!tpu.dma_semaphore, #tpu.memory_space<semaphore_mem>>
    %dma_start3A_265 = arith.constant 0 : i32
    %dma_start3A_266 = tpu.memref_slice %arg5[%add3A_254, %dma_start3A_265] : memref<8192x2048xf32, #tpu.memory_space<hbm>> -> memref<16x2048xf32, #tpu.memory_space<hbm>>
    %dma_start3A_267 = arith.constant 0 : i32
    %dma_start3A_268 = arith.constant 0 : i32
    %dma_start3A_269 = tpu.memref_slice %arg8[%dma_start3A_255, %dma_start3A_267, %dma_start3A_268] : memref<3x16x2048xf32, #tpu.memory_space<vmem>> -> memref<1x16x2048xf32, #tpu.memory_space<vmem>>
    %dma_start3A_270 = tpu.memref_squeeze %dma_start3A_269 : memref<1x16x2048xf32, #tpu.memory_space<vmem>> -> memref<16x2048xf32, #tpu.memory_space<vmem>>
    tpu.enqueue_dma source(%dma_start3A_270 : memref<16x2048xf32, #tpu.memory_space<vmem>>) target(%dma_start3A_266 : memref<16x2048xf32, #tpu.memory_space<hbm>>) target_semaphore(%dma_start3A_264 : memref<!tpu.dma_semaphore, #tpu.memory_space<semaphore_mem>>)
    %dma_wait3A_271 = arith.constant 2 : i32
    %dma_wait3A_272 = arith.constant 2 : i32
    %dma_wait3A_273 = arith.constant 0 : i32
    %dma_wait3A_274 = arith.constant 0 : i32
    %dma_wait3A_275 = tpu.memref_slice %arg8[%dma_wait3A_271, %dma_wait3A_273, %dma_wait3A_274] : memref<3x16x2048xf32, #tpu.memory_space<vmem>> -> memref<1x16x2048xf32, #tpu.memory_space<vmem>>
    %dma_wait3A_276 = tpu.memref_squeeze %dma_wait3A_275 : memref<1x16x2048xf32, #tpu.memory_space<vmem>> -> memref<16x2048xf32, #tpu.memory_space<vmem>>
    %dma_wait3A_277 = arith.constant 0 : i32
    %dma_wait3A_278 = tpu.memref_slice %arg5[%add3A_184, %dma_wait3A_277] : memref<8192x2048xf32, #tpu.memory_space<hbm>> -> memref<16x2048xf32, #tpu.memory_space<hbm>>
    %dma_wait3A_279 = tpu.memref_slice %arg10[%dma_wait3A_272] : memref<3x!tpu.dma_semaphore, #tpu.memory_space<semaphore_mem>> -> memref<1x!tpu.dma_semaphore, #tpu.memory_space<semaphore_mem>>
    %dma_wait3A_280 = tpu.memref_squeeze %dma_wait3A_279 : memref<1x!tpu.dma_semaphore, #tpu.memory_space<semaphore_mem>> -> memref<!tpu.dma_semaphore, #tpu.memory_space<semaphore_mem>>
    %dma_wait3A_281 = arith.constant 0 : i32
    %dma_wait3A_282 = tpu.memref_slice %arg5[%add3A_184, %dma_wait3A_281] : memref<8192x2048xf32, #tpu.memory_space<hbm>> -> memref<16x2048xf32, #tpu.memory_space<hbm>>
    %dma_wait3A_283 = arith.constant 0 : i32
    %dma_wait3A_284 = arith.constant 0 : i32
    %dma_wait3A_285 = tpu.memref_slice %arg8[%dma_wait3A_271, %dma_wait3A_283, %dma_wait3A_284] : memref<3x16x2048xf32, #tpu.memory_space<vmem>> -> memref<1x16x2048xf32, #tpu.memory_space<vmem>>
    %dma_wait3A_286 = tpu.memref_squeeze %dma_wait3A_285 : memref<1x16x2048xf32, #tpu.memory_space<vmem>> -> memref<16x2048xf32, #tpu.memory_space<vmem>>
    tpu.wait_dma2 semaphore(%dma_wait3A_280 : memref<!tpu.dma_semaphore, #tpu.memory_space<semaphore_mem>>) src(%dma_wait3A_286 : memref<16x2048xf32, #tpu.memory_space<vmem>>) dst(%dma_wait3A_282 : memref<16x2048xf32, #tpu.memory_space<hbm>>)
    %dma_start3A_287 = arith.constant 5 : i32
    %dma_start3A_288 = arith.constant 2 : i32
    %dma_start3A_289 = arith.constant 2 : i32
    %dma_start3A_290 = arith.constant 0 : i32
    %dma_start3A_291 = arith.constant 0 : i32
    %dma_start3A_292 = tpu.memref_slice %arg8[%dma_start3A_288, %dma_start3A_290, %dma_start3A_291] : memref<3x16x2048xf32, #tpu.memory_space<vmem>> -> memref<1x16x2048xf32, #tpu.memory_space<vmem>>
    %dma_start3A_293 = tpu.memref_squeeze %dma_start3A_292 : memref<1x16x2048xf32, #tpu.memory_space<vmem>> -> memref<16x2048xf32, #tpu.memory_space<vmem>>
    %dma_start3A_294 = arith.constant 0 : i32
    %dma_start3A_295 = tpu.memref_slice %arg6[%dma_start3A_287, %dma_start3A_294] : memref<16x16xi32, #tpu.memory_space<vmem>> -> memref<1x16xi32, #tpu.memory_space<vmem>>
    %dma_start3A_296 = tpu.memref_squeeze %dma_start3A_295 : memref<1x16xi32, #tpu.memory_space<vmem>> -> memref<16xi32, #tpu.memory_space<vmem>>
    %dma_start3A_297 = arith.constant 0 : i32
    %dma_start3A_298 = arith.constant 0 : i32
    %dma_start3A_299 = tpu.memref_slice %arg2[%dma_start3A_297, %dma_start3A_298] : memref<100000x2048xf32, #tpu.memory_space<hbm>> -> memref<100000x2048xf32, #tpu.memory_space<hbm>>
    %dma_start3A_300 = tpu.memref_slice %arg9[%dma_start3A_289] : memref<3x!tpu.dma_semaphore, #tpu.memory_space<semaphore_mem>> -> memref<1x!tpu.dma_semaphore, #tpu.memory_space<semaphore_mem>>
    %dma_start3A_301 = tpu.memref_squeeze %dma_start3A_300 : memref<1x!tpu.dma_semaphore, #tpu.memory_space<semaphore_mem>> -> memref<!tpu.dma_semaphore, #tpu.memory_space<semaphore_mem>>
    tpu.enqueue_indirect_dma source(%dma_start3A_299 : memref<100000x2048xf32, #tpu.memory_space<hbm>>) target(%dma_start3A_293 : memref<16x2048xf32, #tpu.memory_space<vmem>>) offsets(%dma_start3A_296 : memref<16xi32, #tpu.memory_space<vmem>>) semaphore(%dma_start3A_301 : memref<!tpu.dma_semaphore, #tpu.memory_space<semaphore_mem>>)
    %dma_wait3A_302 = arith.constant 4 : i32
    %dma_wait3A_303 = arith.constant 1 : i32
    %dma_wait3A_304 = arith.constant 1 : i32
    %dma_wait3A_305 = arith.constant 0 : i32
    %dma_wait3A_306 = arith.constant 0 : i32
    %dma_wait3A_307 = tpu.memref_slice %arg8[%dma_wait3A_303, %dma_wait3A_305, %dma_wait3A_306] : memref<3x16x2048xf32, #tpu.memory_space<vmem>> -> memref<1x16x2048xf32, #tpu.memory_space<vmem>>
    %dma_wait3A_308 = tpu.memref_squeeze %dma_wait3A_307 : memref<1x16x2048xf32, #tpu.memory_space<vmem>> -> memref<16x2048xf32, #tpu.memory_space<vmem>>
    %dma_wait3A_309 = arith.constant 0 : i32
    %dma_wait3A_310 = tpu.memref_slice %arg6[%dma_wait3A_302, %dma_wait3A_309] : memref<16x16xi32, #tpu.memory_space<vmem>> -> memref<1x16xi32, #tpu.memory_space<vmem>>
    %dma_wait3A_311 = tpu.memref_squeeze %dma_wait3A_310 : memref<1x16xi32, #tpu.memory_space<vmem>> -> memref<16xi32, #tpu.memory_space<vmem>>
    %dma_wait3A_312 = arith.constant 0 : i32
    %dma_wait3A_313 = arith.constant 0 : i32
    %dma_wait3A_314 = tpu.memref_slice %arg2[%dma_wait3A_312, %dma_wait3A_313] : memref<100000x2048xf32, #tpu.memory_space<hbm>> -> memref<100000x2048xf32, #tpu.memory_space<hbm>>
    %dma_wait3A_315 = tpu.memref_slice %arg9[%dma_wait3A_304] : memref<3x!tpu.dma_semaphore, #tpu.memory_space<semaphore_mem>> -> memref<1x!tpu.dma_semaphore, #tpu.memory_space<semaphore_mem>>
    %dma_wait3A_316 = tpu.memref_squeeze %dma_wait3A_315 : memref<1x!tpu.dma_semaphore, #tpu.memory_space<semaphore_mem>> -> memref<!tpu.dma_semaphore, #tpu.memory_space<semaphore_mem>>
    tpu.wait_indirect_dma semaphore(%dma_wait3A_316 : memref<!tpu.dma_semaphore, #tpu.memory_space<semaphore_mem>>) src(%dma_wait3A_314 : memref<100000x2048xf32, #tpu.memory_space<hbm>>) dst(%dma_wait3A_308 : memref<16x2048xf32, #tpu.memory_space<vmem>>)
    %scan3A_317 = arith.constant 0 : i32
    %scan3A_318 = arith.constant 0 : i32
    %scan3A_319 = arith.constant 16 : i32
    %scan3A_320 = arith.addi %scan3A_318, %scan3A_319 : i32
    %scan3A_321 = arith.constant 1 : i32
    scf.for %scan3A_1128 = %scan3A_318 to %scan3A_320 step %scan3A_321  : i32 {
      %add3A_1129 = arith.constant 64 : i32
      %add3A_1130 = arith.addi %add3A_1129, %scan3A_1128 : i32
      %mul3A_1131 = arith.constant 16 : i32
      %mul3A_1132 = arith.muli %add3A_1130, %mul3A_1131 : i32
      %get3A = arith.index_cast %mul3A_1132 : i32 to index
      %get3A_1133 = tpu.vector_load %arg7[%get3A] {strides = array<i32>} : memref<4096xf32, #tpu.memory_space<vmem>>, vector<16xf32>,
      %get3A_1134 = vector.shape_cast %get3A_1133 : vector<16xf32> to vector<16xf32>
      %scan3A_1135 = arith.constant 0 : i32
      %scan3A_1136 = arith.constant 128 : i32
      %scan3A_1137 = arith.addi %scan3A_1135, %scan3A_1136 : i32
      %scan3A_1138 = arith.constant 8 : i32
      scf.for %scan3A_1140 = %scan3A_1135 to %scan3A_1137 step %scan3A_1138  : i32 {
        %mul3A_1141 = arith.constant 16 : i32
        %mul3A_1142 = arith.muli %scan3A_1140, %mul3A_1141 : i32
        %swap3A = arith.constant 1 : i32
        %swap3A_1143 = arith.index_cast %swap3A : i32 to index
        %swap3A_1144 = arith.index_cast %scan3A_1128 : i32 to index
        %swap3A_1145 = arith.index_cast %mul3A_1142 : i32 to index
        %swap3A_1146 = tpu.vector_load %arg8[%swap3A_1143, %swap3A_1144, %swap3A_1145] {strides = array<i32>} : memref<3x16x2048xf32, #tpu.memory_space<vmem>>, vector<1x1x16xf32>,
        %swap3A_1147 = vector.shape_cast %swap3A_1146 : vector<1x1x16xf32> to vector<16xf32>
        %swap3A_1148 = vector.shape_cast %get3A_1134 : vector<16xf32> to vector<1x1x16xf32>
        tpu.vector_store %arg8[%swap3A_1143, %swap3A_1144, %swap3A_1145], %swap3A_1148 {add = true, strides = array<i32>} : memref<3x16x2048xf32, #tpu.memory_space<vmem>>, vector<1x1x16xf32>,
        %scan3A_1149 = arith.constant 1 : i32
        %scan3A_1150 = arith.addi %scan3A_1140, %scan3A_1149 : i32
        %mul3A_1151 = arith.constant 16 : i32
        %mul3A_1152 = arith.muli %scan3A_1150, %mul3A_1151 : i32
        %swap3A_1153 = arith.constant 1 : i32
        %swap3A_1154 = arith.index_cast %swap3A_1153 : i32 to index
        %swap3A_1155 = arith.index_cast %scan3A_1128 : i32 to index
        %swap3A_1156 = arith.index_cast %mul3A_1152 : i32 to index
        %swap3A_1157 = tpu.vector_load %arg8[%swap3A_1154, %swap3A_1155, %swap3A_1156] {strides = array<i32>} : memref<3x16x2048xf32, #tpu.memory_space<vmem>>, vector<1x1x16xf32>,
        %swap3A_1158 = vector.shape_cast %swap3A_1157 : vector<1x1x16xf32> to vector<16xf32>
        %swap3A_1159 = vector.shape_cast %get3A_1134 : vector<16xf32> to vector<1x1x16xf32>
        tpu.vector_store %arg8[%swap3A_1154, %swap3A_1155, %swap3A_1156], %swap3A_1159 {add = true, strides = array<i32>} : memref<3x16x2048xf32, #tpu.memory_space<vmem>>, vector<1x1x16xf32>,
        %scan3A_1160 = arith.constant 2 : i32
        %scan3A_1161 = arith.addi %scan3A_1140, %scan3A_1160 : i32
        %mul3A_1162 = arith.constant 16 : i32
        %mul3A_1163 = arith.muli %scan3A_1161, %mul3A_1162 : i32
        %swap3A_1164 = arith.constant 1 : i32
        %swap3A_1165 = arith.index_cast %swap3A_1164 : i32 to index
        %swap3A_1166 = arith.index_cast %scan3A_1128 : i32 to index
        %swap3A_1167 = arith.index_cast %mul3A_1163 : i32 to index
        %swap3A_1168 = tpu.vector_load %arg8[%swap3A_1165, %swap3A_1166, %swap3A_1167] {strides = array<i32>} : memref<3x16x2048xf32, #tpu.memory_space<vmem>>, vector<1x1x16xf32>,
        %swap3A_1169 = vector.shape_cast %swap3A_1168 : vector<1x1x16xf32> to vector<16xf32>
        %swap3A_1170 = vector.shape_cast %get3A_1134 : vector<16xf32> to vector<1x1x16xf32>
        tpu.vector_store %arg8[%swap3A_1165, %swap3A_1166, %swap3A_1167], %swap3A_1170 {add = true, strides = array<i32>} : memref<3x16x2048xf32, #tpu.memory_space<vmem>>, vector<1x1x16xf32>,
        %scan3A_1171 = arith.constant 3 : i32
        %scan3A_1172 = arith.addi %scan3A_1140, %scan3A_1171 : i32
        %mul3A_1173 = arith.constant 16 : i32
        %mul3A_1174 = arith.muli %scan3A_1172, %mul3A_1173 : i32
        %swap3A_1175 = arith.constant 1 : i32
        %swap3A_1176 = arith.index_cast %swap3A_1175 : i32 to index
        %swap3A_1177 = arith.index_cast %scan3A_1128 : i32 to index
        %swap3A_1178 = arith.index_cast %mul3A_1174 : i32 to index
        %swap3A_1179 = tpu.vector_load %arg8[%swap3A_1176, %swap3A_1177, %swap3A_1178] {strides = array<i32>} : memref<3x16x2048xf32, #tpu.memory_space<vmem>>, vector<1x1x16xf32>,
        %swap3A_1180 = vector.shape_cast %swap3A_1179 : vector<1x1x16xf32> to vector<16xf32>
        %swap3A_1181 = vector.shape_cast %get3A_1134 : vector<16xf32> to vector<1x1x16xf32>
        tpu.vector_store %arg8[%swap3A_1176, %swap3A_1177, %swap3A_1178], %swap3A_1181 {add = true, strides = array<i32>} : memref<3x16x2048xf32, #tpu.memory_space<vmem>>, vector<1x1x16xf32>,
        %scan3A_1182 = arith.constant 4 : i32
        %scan3A_1183 = arith.addi %scan3A_1140, %scan3A_1182 : i32
        %mul3A_1184 = arith.constant 16 : i32
        %mul3A_1185 = arith.muli %scan3A_1183, %mul3A_1184 : i32
        %swap3A_1186 = arith.constant 1 : i32
        %swap3A_1187 = arith.index_cast %swap3A_1186 : i32 to index
        %swap3A_1188 = arith.index_cast %scan3A_1128 : i32 to index
        %swap3A_1189 = arith.index_cast %mul3A_1185 : i32 to index
        %swap3A_1190 = tpu.vector_load %arg8[%swap3A_1187, %swap3A_1188, %swap3A_1189] {strides = array<i32>} : memref<3x16x2048xf32, #tpu.memory_space<vmem>>, vector<1x1x16xf32>,
        %swap3A_1191 = vector.shape_cast %swap3A_1190 : vector<1x1x16xf32> to vector<16xf32>
        %swap3A_1192 = vector.shape_cast %get3A_1134 : vector<16xf32> to vector<1x1x16xf32>
        tpu.vector_store %arg8[%swap3A_1187, %swap3A_1188, %swap3A_1189], %swap3A_1192 {add = true, strides = array<i32>} : memref<3x16x2048xf32, #tpu.memory_space<vmem>>, vector<1x1x16xf32>,
        %scan3A_1193 = arith.constant 5 : i32
        %scan3A_1194 = arith.addi %scan3A_1140, %scan3A_1193 : i32
        %mul3A_1195 = arith.constant 16 : i32
        %mul3A_1196 = arith.muli %scan3A_1194, %mul3A_1195 : i32
        %swap3A_1197 = arith.constant 1 : i32
        %swap3A_1198 = arith.index_cast %swap3A_1197 : i32 to index
        %swap3A_1199 = arith.index_cast %scan3A_1128 : i32 to index
        %swap3A_1200 = arith.index_cast %mul3A_1196 : i32 to index
        %swap3A_1201 = tpu.vector_load %arg8[%swap3A_1198, %swap3A_1199, %swap3A_1200] {strides = array<i32>} : memref<3x16x2048xf32, #tpu.memory_space<vmem>>, vector<1x1x16xf32>,
        %swap3A_1202 = vector.shape_cast %swap3A_1201 : vector<1x1x16xf32> to vector<16xf32>
        %swap3A_1203 = vector.shape_cast %get3A_1134 : vector<16xf32> to vector<1x1x16xf32>
        tpu.vector_store %arg8[%swap3A_1198, %swap3A_1199, %swap3A_1200], %swap3A_1203 {add = true, strides = array<i32>} : memref<3x16x2048xf32, #tpu.memory_space<vmem>>, vector<1x1x16xf32>,
        %scan3A_1204 = arith.constant 6 : i32
        %scan3A_1205 = arith.addi %scan3A_1140, %scan3A_1204 : i32
        %mul3A_1206 = arith.constant 16 : i32
        %mul3A_1207 = arith.muli %scan3A_1205, %mul3A_1206 : i32
        %swap3A_1208 = arith.constant 1 : i32
        %swap3A_1209 = arith.index_cast %swap3A_1208 : i32 to index
        %swap3A_1210 = arith.index_cast %scan3A_1128 : i32 to index
        %swap3A_1211 = arith.index_cast %mul3A_1207 : i32 to index
        %swap3A_1212 = tpu.vector_load %arg8[%swap3A_1209, %swap3A_1210, %swap3A_1211] {strides = array<i32>} : memref<3x16x2048xf32, #tpu.memory_space<vmem>>, vector<1x1x16xf32>,
        %swap3A_1213 = vector.shape_cast %swap3A_1212 : vector<1x1x16xf32> to vector<16xf32>
        %swap3A_1214 = vector.shape_cast %get3A_1134 : vector<16xf32> to vector<1x1x16xf32>
        tpu.vector_store %arg8[%swap3A_1209, %swap3A_1210, %swap3A_1211], %swap3A_1214 {add = true, strides = array<i32>} : memref<3x16x2048xf32, #tpu.memory_space<vmem>>, vector<1x1x16xf32>,
        %scan3A_1215 = arith.constant 7 : i32
        %scan3A_1216 = arith.addi %scan3A_1140, %scan3A_1215 : i32
        %mul3A_1217 = arith.constant 16 : i32
        %mul3A_1218 = arith.muli %scan3A_1216, %mul3A_1217 : i32
        %swap3A_1219 = arith.constant 1 : i32
        %swap3A_1220 = arith.index_cast %swap3A_1219 : i32 to index
        %swap3A_1221 = arith.index_cast %scan3A_1128 : i32 to index
        %swap3A_1222 = arith.index_cast %mul3A_1218 : i32 to index
        %swap3A_1223 = tpu.vector_load %arg8[%swap3A_1220, %swap3A_1221, %swap3A_1222] {strides = array<i32>} : memref<3x16x2048xf32, #tpu.memory_space<vmem>>, vector<1x1x16xf32>,
        %swap3A_1224 = vector.shape_cast %swap3A_1223 : vector<1x1x16xf32> to vector<16xf32>
        %swap3A_1225 = vector.shape_cast %get3A_1134 : vector<16xf32> to vector<1x1x16xf32>
        tpu.vector_store %arg8[%swap3A_1220, %swap3A_1221, %swap3A_1222], %swap3A_1225 {add = true, strides = array<i32>} : memref<3x16x2048xf32, #tpu.memory_space<vmem>>, vector<1x1x16xf32>,
      }
      %scan3A_1139 = arith.constant 128 : i32
    }
    %scan3A_322 = arith.constant 16 : i32
    %add3A_323 = arith.constant 64 : i32
    %add3A_324 = arith.addi %mul3A_2, %add3A_323 : i32
    %dma_start3A_325 = arith.constant 1 : i32
    %dma_start3A_326 = arith.constant 1 : i32
    %dma_start3A_327 = arith.constant 0 : i32
    %dma_start3A_328 = arith.constant 0 : i32
    %dma_start3A_329 = tpu.memref_slice %arg8[%dma_start3A_325, %dma_start3A_327, %dma_start3A_328] : memref<3x16x2048xf32, #tpu.memory_space<vmem>> -> memref<1x16x2048xf32, #tpu.memory_space<vmem>>
    %dma_start3A_330 = tpu.memref_squeeze %dma_start3A_329 : memref<1x16x2048xf32, #tpu.memory_space<vmem>> -> memref<16x2048xf32, #tpu.memory_space<vmem>>
    %dma_start3A_331 = arith.constant 0 : i32
    %dma_start3A_332 = tpu.memref_slice %arg5[%add3A_324, %dma_start3A_331] : memref<8192x2048xf32, #tpu.memory_space<hbm>> -> memref<16x2048xf32, #tpu.memory_space<hbm>>
    %dma_start3A_333 = tpu.memref_slice %arg10[%dma_start3A_326] : memref<3x!tpu.dma_semaphore, #tpu.memory_space<semaphore_mem>> -> memref<1x!tpu.dma_semaphore, #tpu.memory_space<semaphore_mem>>
    %dma_start3A_334 = tpu.memref_squeeze %dma_start3A_333 : memref<1x!tpu.dma_semaphore, #tpu.memory_space<semaphore_mem>> -> memref<!tpu.dma_semaphore, #tpu.memory_space<semaphore_mem>>
    %dma_start3A_335 = arith.constant 0 : i32
    %dma_start3A_336 = tpu.memref_slice %arg5[%add3A_324, %dma_start3A_335] : memref<8192x2048xf32, #tpu.memory_space<hbm>> -> memref<16x2048xf32, #tpu.memory_space<hbm>>
    %dma_start3A_337 = arith.constant 0 : i32
    %dma_start3A_338 = arith.constant 0 : i32
    %dma_start3A_339 = tpu.memref_slice %arg8[%dma_start3A_325, %dma_start3A_337, %dma_start3A_338] : memref<3x16x2048xf32, #tpu.memory_space<vmem>> -> memref<1x16x2048xf32, #tpu.memory_space<vmem>>
    %dma_start3A_340 = tpu.memref_squeeze %dma_start3A_339 : memref<1x16x2048xf32, #tpu.memory_space<vmem>> -> memref<16x2048xf32, #tpu.memory_space<vmem>>
    tpu.enqueue_dma source(%dma_start3A_340 : memref<16x2048xf32, #tpu.memory_space<vmem>>) target(%dma_start3A_336 : memref<16x2048xf32, #tpu.memory_space<hbm>>) target_semaphore(%dma_start3A_334 : memref<!tpu.dma_semaphore, #tpu.memory_space<semaphore_mem>>)
    %dma_wait3A_341 = arith.constant 0 : i32
    %dma_wait3A_342 = arith.constant 0 : i32
    %dma_wait3A_343 = arith.constant 0 : i32
    %dma_wait3A_344 = arith.constant 0 : i32
    %dma_wait3A_345 = tpu.memref_slice %arg8[%dma_wait3A_341, %dma_wait3A_343, %dma_wait3A_344] : memref<3x16x2048xf32, #tpu.memory_space<vmem>> -> memref<1x16x2048xf32, #tpu.memory_space<vmem>>
    %dma_wait3A_346 = tpu.memref_squeeze %dma_wait3A_345 : memref<1x16x2048xf32, #tpu.memory_space<vmem>> -> memref<16x2048xf32, #tpu.memory_space<vmem>>
    %dma_wait3A_347 = arith.constant 0 : i32
    %dma_wait3A_348 = tpu.memref_slice %arg5[%add3A_254, %dma_wait3A_347] : memref<8192x2048xf32, #tpu.memory_space<hbm>> -> memref<16x2048xf32, #tpu.memory_space<hbm>>
    %dma_wait3A_349 = tpu.memref_slice %arg10[%dma_wait3A_342] : memref<3x!tpu.dma_semaphore, #tpu.memory_space<semaphore_mem>> -> memref<1x!tpu.dma_semaphore, #tpu.memory_space<semaphore_mem>>
    %dma_wait3A_350 = tpu.memref_squeeze %dma_wait3A_349 : memref<1x!tpu.dma_semaphore, #tpu.memory_space<semaphore_mem>> -> memref<!tpu.dma_semaphore, #tpu.memory_space<semaphore_mem>>
    %dma_wait3A_351 = arith.constant 0 : i32
    %dma_wait3A_352 = tpu.memref_slice %arg5[%add3A_254, %dma_wait3A_351] : memref<8192x2048xf32, #tpu.memory_space<hbm>> -> memref<16x2048xf32, #tpu.memory_space<hbm>>
    %dma_wait3A_353 = arith.constant 0 : i32
    %dma_wait3A_354 = arith.constant 0 : i32
    %dma_wait3A_355 = tpu.memref_slice %arg8[%dma_wait3A_341, %dma_wait3A_353, %dma_wait3A_354] : memref<3x16x2048xf32, #tpu.memory_space<vmem>> -> memref<1x16x2048xf32, #tpu.memory_space<vmem>>
    %dma_wait3A_356 = tpu.memref_squeeze %dma_wait3A_355 : memref<1x16x2048xf32, #tpu.memory_space<vmem>> -> memref<16x2048xf32, #tpu.memory_space<vmem>>
    tpu.wait_dma2 semaphore(%dma_wait3A_350 : memref<!tpu.dma_semaphore, #tpu.memory_space<semaphore_mem>>) src(%dma_wait3A_356 : memref<16x2048xf32, #tpu.memory_space<vmem>>) dst(%dma_wait3A_352 : memref<16x2048xf32, #tpu.memory_space<hbm>>)
    %dma_start3A_357 = arith.constant 6 : i32
    %dma_start3A_358 = arith.constant 0 : i32
    %dma_start3A_359 = arith.constant 0 : i32
    %dma_start3A_360 = arith.constant 0 : i32
    %dma_start3A_361 = arith.constant 0 : i32
    %dma_start3A_362 = tpu.memref_slice %arg8[%dma_start3A_358, %dma_start3A_360, %dma_start3A_361] : memref<3x16x2048xf32, #tpu.memory_space<vmem>> -> memref<1x16x2048xf32, #tpu.memory_space<vmem>>
    %dma_start3A_363 = tpu.memref_squeeze %dma_start3A_362 : memref<1x16x2048xf32, #tpu.memory_space<vmem>> -> memref<16x2048xf32, #tpu.memory_space<vmem>>
    %dma_start3A_364 = arith.constant 0 : i32
    %dma_start3A_365 = tpu.memref_slice %arg6[%dma_start3A_357, %dma_start3A_364] : memref<16x16xi32, #tpu.memory_space<vmem>> -> memref<1x16xi32, #tpu.memory_space<vmem>>
    %dma_start3A_366 = tpu.memref_squeeze %dma_start3A_365 : memref<1x16xi32, #tpu.memory_space<vmem>> -> memref<16xi32, #tpu.memory_space<vmem>>
    %dma_start3A_367 = arith.constant 0 : i32
    %dma_start3A_368 = arith.constant 0 : i32
    %dma_start3A_369 = tpu.memref_slice %arg2[%dma_start3A_367, %dma_start3A_368] : memref<100000x2048xf32, #tpu.memory_space<hbm>> -> memref<100000x2048xf32, #tpu.memory_space<hbm>>
    %dma_start3A_370 = tpu.memref_slice %arg9[%dma_start3A_359] : memref<3x!tpu.dma_semaphore, #tpu.memory_space<semaphore_mem>> -> memref<1x!tpu.dma_semaphore, #tpu.memory_space<semaphore_mem>>
    %dma_start3A_371 = tpu.memref_squeeze %dma_start3A_370 : memref<1x!tpu.dma_semaphore, #tpu.memory_space<semaphore_mem>> -> memref<!tpu.dma_semaphore, #tpu.memory_space<semaphore_mem>>
    tpu.enqueue_indirect_dma source(%dma_start3A_369 : memref<100000x2048xf32, #tpu.memory_space<hbm>>) target(%dma_start3A_363 : memref<16x2048xf32, #tpu.memory_space<vmem>>) offsets(%dma_start3A_366 : memref<16xi32, #tpu.memory_space<vmem>>) semaphore(%dma_start3A_371 : memref<!tpu.dma_semaphore, #tpu.memory_space<semaphore_mem>>)
    %dma_wait3A_372 = arith.constant 5 : i32
    %dma_wait3A_373 = arith.constant 2 : i32
    %dma_wait3A_374 = arith.constant 2 : i32
    %dma_wait3A_375 = arith.constant 0 : i32
    %dma_wait3A_376 = arith.constant 0 : i32
    %dma_wait3A_377 = tpu.memref_slice %arg8[%dma_wait3A_373, %dma_wait3A_375, %dma_wait3A_376] : memref<3x16x2048xf32, #tpu.memory_space<vmem>> -> memref<1x16x2048xf32, #tpu.memory_space<vmem>>
    %dma_wait3A_378 = tpu.memref_squeeze %dma_wait3A_377 : memref<1x16x2048xf32, #tpu.memory_space<vmem>> -> memref<16x2048xf32, #tpu.memory_space<vmem>>
    %dma_wait3A_379 = arith.constant 0 : i32
    %dma_wait3A_380 = tpu.memref_slice %arg6[%dma_wait3A_372, %dma_wait3A_379] : memref<16x16xi32, #tpu.memory_space<vmem>> -> memref<1x16xi32, #tpu.memory_space<vmem>>
    %dma_wait3A_381 = tpu.memref_squeeze %dma_wait3A_380 : memref<1x16xi32, #tpu.memory_space<vmem>> -> memref<16xi32, #tpu.memory_space<vmem>>
    %dma_wait3A_382 = arith.constant 0 : i32
    %dma_wait3A_383 = arith.constant 0 : i32
    %dma_wait3A_384 = tpu.memref_slice %arg2[%dma_wait3A_382, %dma_wait3A_383] : memref<100000x2048xf32, #tpu.memory_space<hbm>> -> memref<100000x2048xf32, #tpu.memory_space<hbm>>
    %dma_wait3A_385 = tpu.memref_slice %arg9[%dma_wait3A_374] : memref<3x!tpu.dma_semaphore, #tpu.memory_space<semaphore_mem>> -> memref<1x!tpu.dma_semaphore, #tpu.memory_space<semaphore_mem>>
    %dma_wait3A_386 = tpu.memref_squeeze %dma_wait3A_385 : memref<1x!tpu.dma_semaphore, #tpu.memory_space<semaphore_mem>> -> memref<!tpu.dma_semaphore, #tpu.memory_space<semaphore_mem>>
    tpu.wait_indirect_dma semaphore(%dma_wait3A_386 : memref<!tpu.dma_semaphore, #tpu.memory_space<semaphore_mem>>) src(%dma_wait3A_384 : memref<100000x2048xf32, #tpu.memory_space<hbm>>) dst(%dma_wait3A_378 : memref<16x2048xf32, #tpu.memory_space<vmem>>)
    %scan3A_387 = arith.constant 0 : i32
    %scan3A_388 = arith.constant 0 : i32
    %scan3A_389 = arith.constant 16 : i32
    %scan3A_390 = arith.addi %scan3A_388, %scan3A_389 : i32
    %scan3A_391 = arith.constant 1 : i32
    scf.for %scan3A_1128 = %scan3A_388 to %scan3A_390 step %scan3A_391  : i32 {
      %add3A_1129 = arith.constant 80 : i32
      %add3A_1130 = arith.addi %add3A_1129, %scan3A_1128 : i32
      %mul3A_1131 = arith.constant 16 : i32
      %mul3A_1132 = arith.muli %add3A_1130, %mul3A_1131 : i32
      %get3A = arith.index_cast %mul3A_1132 : i32 to index
      %get3A_1133 = tpu.vector_load %arg7[%get3A] {strides = array<i32>} : memref<4096xf32, #tpu.memory_space<vmem>>, vector<16xf32>,
      %get3A_1134 = vector.shape_cast %get3A_1133 : vector<16xf32> to vector<16xf32>
      %scan3A_1135 = arith.constant 0 : i32
      %scan3A_1136 = arith.constant 128 : i32
      %scan3A_1137 = arith.addi %scan3A_1135, %scan3A_1136 : i32
      %scan3A_1138 = arith.constant 8 : i32
      scf.for %scan3A_1140 = %scan3A_1135 to %scan3A_1137 step %scan3A_1138  : i32 {
        %mul3A_1141 = arith.constant 16 : i32
        %mul3A_1142 = arith.muli %scan3A_1140, %mul3A_1141 : i32
        %swap3A = arith.constant 2 : i32
        %swap3A_1143 = arith.index_cast %swap3A : i32 to index
        %swap3A_1144 = arith.index_cast %scan3A_1128 : i32 to index
        %swap3A_1145 = arith.index_cast %mul3A_1142 : i32 to index
        %swap3A_1146 = tpu.vector_load %arg8[%swap3A_1143, %swap3A_1144, %swap3A_1145] {strides = array<i32>} : memref<3x16x2048xf32, #tpu.memory_space<vmem>>, vector<1x1x16xf32>,
        %swap3A_1147 = vector.shape_cast %swap3A_1146 : vector<1x1x16xf32> to vector<16xf32>
        %swap3A_1148 = vector.shape_cast %get3A_1134 : vector<16xf32> to vector<1x1x16xf32>
        tpu.vector_store %arg8[%swap3A_1143, %swap3A_1144, %swap3A_1145], %swap3A_1148 {add = true, strides = array<i32>} : memref<3x16x2048xf32, #tpu.memory_space<vmem>>, vector<1x1x16xf32>,
        %scan3A_1149 = arith.constant 1 : i32
        %scan3A_1150 = arith.addi %scan3A_1140, %scan3A_1149 : i32
        %mul3A_1151 = arith.constant 16 : i32
        %mul3A_1152 = arith.muli %scan3A_1150, %mul3A_1151 : i32
        %swap3A_1153 = arith.constant 2 : i32
        %swap3A_1154 = arith.index_cast %swap3A_1153 : i32 to index
        %swap3A_1155 = arith.index_cast %scan3A_1128 : i32 to index
        %swap3A_1156 = arith.index_cast %mul3A_1152 : i32 to index
        %swap3A_1157 = tpu.vector_load %arg8[%swap3A_1154, %swap3A_1155, %swap3A_1156] {strides = array<i32>} : memref<3x16x2048xf32, #tpu.memory_space<vmem>>, vector<1x1x16xf32>,
        %swap3A_1158 = vector.shape_cast %swap3A_1157 : vector<1x1x16xf32> to vector<16xf32>
        %swap3A_1159 = vector.shape_cast %get3A_1134 : vector<16xf32> to vector<1x1x16xf32>
        tpu.vector_store %arg8[%swap3A_1154, %swap3A_1155, %swap3A_1156], %swap3A_1159 {add = true, strides = array<i32>} : memref<3x16x2048xf32, #tpu.memory_space<vmem>>, vector<1x1x16xf32>,
        %scan3A_1160 = arith.constant 2 : i32
        %scan3A_1161 = arith.addi %scan3A_1140, %scan3A_1160 : i32
        %mul3A_1162 = arith.constant 16 : i32
        %mul3A_1163 = arith.muli %scan3A_1161, %mul3A_1162 : i32
        %swap3A_1164 = arith.constant 2 : i32
        %swap3A_1165 = arith.index_cast %swap3A_1164 : i32 to index
        %swap3A_1166 = arith.index_cast %scan3A_1128 : i32 to index
        %swap3A_1167 = arith.index_cast %mul3A_1163 : i32 to index
        %swap3A_1168 = tpu.vector_load %arg8[%swap3A_1165, %swap3A_1166, %swap3A_1167] {strides = array<i32>} : memref<3x16x2048xf32, #tpu.memory_space<vmem>>, vector<1x1x16xf32>,
        %swap3A_1169 = vector.shape_cast %swap3A_1168 : vector<1x1x16xf32> to vector<16xf32>
        %swap3A_1170 = vector.shape_cast %get3A_1134 : vector<16xf32> to vector<1x1x16xf32>
        tpu.vector_store %arg8[%swap3A_1165, %swap3A_1166, %swap3A_1167], %swap3A_1170 {add = true, strides = array<i32>} : memref<3x16x2048xf32, #tpu.memory_space<vmem>>, vector<1x1x16xf32>,
        %scan3A_1171 = arith.constant 3 : i32
        %scan3A_1172 = arith.addi %scan3A_1140, %scan3A_1171 : i32
        %mul3A_1173 = arith.constant 16 : i32
        %mul3A_1174 = arith.muli %scan3A_1172, %mul3A_1173 : i32
        %swap3A_1175 = arith.constant 2 : i32
        %swap3A_1176 = arith.index_cast %swap3A_1175 : i32 to index
        %swap3A_1177 = arith.index_cast %scan3A_1128 : i32 to index
        %swap3A_1178 = arith.index_cast %mul3A_1174 : i32 to index
        %swap3A_1179 = tpu.vector_load %arg8[%swap3A_1176, %swap3A_1177, %swap3A_1178] {strides = array<i32>} : memref<3x16x2048xf32, #tpu.memory_space<vmem>>, vector<1x1x16xf32>,
        %swap3A_1180 = vector.shape_cast %swap3A_1179 : vector<1x1x16xf32> to vector<16xf32>
        %swap3A_1181 = vector.shape_cast %get3A_1134 : vector<16xf32> to vector<1x1x16xf32>
        tpu.vector_store %arg8[%swap3A_1176, %swap3A_1177, %swap3A_1178], %swap3A_1181 {add = true, strides = array<i32>} : memref<3x16x2048xf32, #tpu.memory_space<vmem>>, vector<1x1x16xf32>,
        %scan3A_1182 = arith.constant 4 : i32
        %scan3A_1183 = arith.addi %scan3A_1140, %scan3A_1182 : i32
        %mul3A_1184 = arith.constant 16 : i32
        %mul3A_1185 = arith.muli %scan3A_1183, %mul3A_1184 : i32
        %swap3A_1186 = arith.constant 2 : i32
        %swap3A_1187 = arith.index_cast %swap3A_1186 : i32 to index
        %swap3A_1188 = arith.index_cast %scan3A_1128 : i32 to index
        %swap3A_1189 = arith.index_cast %mul3A_1185 : i32 to index
        %swap3A_1190 = tpu.vector_load %arg8[%swap3A_1187, %swap3A_1188, %swap3A_1189] {strides = array<i32>} : memref<3x16x2048xf32, #tpu.memory_space<vmem>>, vector<1x1x16xf32>,
        %swap3A_1191 = vector.shape_cast %swap3A_1190 : vector<1x1x16xf32> to vector<16xf32>
        %swap3A_1192 = vector.shape_cast %get3A_1134 : vector<16xf32> to vector<1x1x16xf32>
        tpu.vector_store %arg8[%swap3A_1187, %swap3A_1188, %swap3A_1189], %swap3A_1192 {add = true, strides = array<i32>} : memref<3x16x2048xf32, #tpu.memory_space<vmem>>, vector<1x1x16xf32>,
        %scan3A_1193 = arith.constant 5 : i32
        %scan3A_1194 = arith.addi %scan3A_1140, %scan3A_1193 : i32
        %mul3A_1195 = arith.constant 16 : i32
        %mul3A_1196 = arith.muli %scan3A_1194, %mul3A_1195 : i32
        %swap3A_1197 = arith.constant 2 : i32
        %swap3A_1198 = arith.index_cast %swap3A_1197 : i32 to index
        %swap3A_1199 = arith.index_cast %scan3A_1128 : i32 to index
        %swap3A_1200 = arith.index_cast %mul3A_1196 : i32 to index
        %swap3A_1201 = tpu.vector_load %arg8[%swap3A_1198, %swap3A_1199, %swap3A_1200] {strides = array<i32>} : memref<3x16x2048xf32, #tpu.memory_space<vmem>>, vector<1x1x16xf32>,
        %swap3A_1202 = vector.shape_cast %swap3A_1201 : vector<1x1x16xf32> to vector<16xf32>
        %swap3A_1203 = vector.shape_cast %get3A_1134 : vector<16xf32> to vector<1x1x16xf32>
        tpu.vector_store %arg8[%swap3A_1198, %swap3A_1199, %swap3A_1200], %swap3A_1203 {add = true, strides = array<i32>} : memref<3x16x2048xf32, #tpu.memory_space<vmem>>, vector<1x1x16xf32>,
        %scan3A_1204 = arith.constant 6 : i32
        %scan3A_1205 = arith.addi %scan3A_1140, %scan3A_1204 : i32
        %mul3A_1206 = arith.constant 16 : i32
        %mul3A_1207 = arith.muli %scan3A_1205, %mul3A_1206 : i32
        %swap3A_1208 = arith.constant 2 : i32
        %swap3A_1209 = arith.index_cast %swap3A_1208 : i32 to index
        %swap3A_1210 = arith.index_cast %scan3A_1128 : i32 to index
        %swap3A_1211 = arith.index_cast %mul3A_1207 : i32 to index
        %swap3A_1212 = tpu.vector_load %arg8[%swap3A_1209, %swap3A_1210, %swap3A_1211] {strides = array<i32>} : memref<3x16x2048xf32, #tpu.memory_space<vmem>>, vector<1x1x16xf32>,
        %swap3A_1213 = vector.shape_cast %swap3A_1212 : vector<1x1x16xf32> to vector<16xf32>
        %swap3A_1214 = vector.shape_cast %get3A_1134 : vector<16xf32> to vector<1x1x16xf32>
        tpu.vector_store %arg8[%swap3A_1209, %swap3A_1210, %swap3A_1211], %swap3A_1214 {add = true, strides = array<i32>} : memref<3x16x2048xf32, #tpu.memory_space<vmem>>, vector<1x1x16xf32>,
        %scan3A_1215 = arith.constant 7 : i32
        %scan3A_1216 = arith.addi %scan3A_1140, %scan3A_1215 : i32
        %mul3A_1217 = arith.constant 16 : i32
        %mul3A_1218 = arith.muli %scan3A_1216, %mul3A_1217 : i32
        %swap3A_1219 = arith.constant 2 : i32
        %swap3A_1220 = arith.index_cast %swap3A_1219 : i32 to index
        %swap3A_1221 = arith.index_cast %scan3A_1128 : i32 to index
        %swap3A_1222 = arith.index_cast %mul3A_1218 : i32 to index
        %swap3A_1223 = tpu.vector_load %arg8[%swap3A_1220, %swap3A_1221, %swap3A_1222] {strides = array<i32>} : memref<3x16x2048xf32, #tpu.memory_space<vmem>>, vector<1x1x16xf32>,
        %swap3A_1224 = vector.shape_cast %swap3A_1223 : vector<1x1x16xf32> to vector<16xf32>
        %swap3A_1225 = vector.shape_cast %get3A_1134 : vector<16xf32> to vector<1x1x16xf32>
        tpu.vector_store %arg8[%swap3A_1220, %swap3A_1221, %swap3A_1222], %swap3A_1225 {add = true, strides = array<i32>} : memref<3x16x2048xf32, #tpu.memory_space<vmem>>, vector<1x1x16xf32>,
      }
      %scan3A_1139 = arith.constant 128 : i32
    }
    %scan3A_392 = arith.constant 16 : i32
    %add3A_393 = arith.constant 80 : i32
    %add3A_394 = arith.addi %mul3A_2, %add3A_393 : i32
    %dma_start3A_395 = arith.constant 2 : i32
    %dma_start3A_396 = arith.constant 2 : i32
    %dma_start3A_397 = arith.constant 0 : i32
    %dma_start3A_398 = arith.constant 0 : i32
    %dma_start3A_399 = tpu.memref_slice %arg8[%dma_start3A_395, %dma_start3A_397, %dma_start3A_398] : memref<3x16x2048xf32, #tpu.memory_space<vmem>> -> memref<1x16x2048xf32, #tpu.memory_space<vmem>>
    %dma_start3A_400 = tpu.memref_squeeze %dma_start3A_399 : memref<1x16x2048xf32, #tpu.memory_space<vmem>> -> memref<16x2048xf32, #tpu.memory_space<vmem>>
    %dma_start3A_401 = arith.constant 0 : i32
    %dma_start3A_402 = tpu.memref_slice %arg5[%add3A_394, %dma_start3A_401] : memref<8192x2048xf32, #tpu.memory_space<hbm>> -> memref<16x2048xf32, #tpu.memory_space<hbm>>
    %dma_start3A_403 = tpu.memref_slice %arg10[%dma_start3A_396] : memref<3x!tpu.dma_semaphore, #tpu.memory_space<semaphore_mem>> -> memref<1x!tpu.dma_semaphore, #tpu.memory_space<semaphore_mem>>
    %dma_start3A_404 = tpu.memref_squeeze %dma_start3A_403 : memref<1x!tpu.dma_semaphore, #tpu.memory_space<semaphore_mem>> -> memref<!tpu.dma_semaphore, #tpu.memory_space<semaphore_mem>>
    %dma_start3A_405 = arith.constant 0 : i32
    %dma_start3A_406 = tpu.memref_slice %arg5[%add3A_394, %dma_start3A_405] : memref<8192x2048xf32, #tpu.memory_space<hbm>> -> memref<16x2048xf32, #tpu.memory_space<hbm>>
    %dma_start3A_407 = arith.constant 0 : i32
    %dma_start3A_408 = arith.constant 0 : i32
    %dma_start3A_409 = tpu.memref_slice %arg8[%dma_start3A_395, %dma_start3A_407, %dma_start3A_408] : memref<3x16x2048xf32, #tpu.memory_space<vmem>> -> memref<1x16x2048xf32, #tpu.memory_space<vmem>>
    %dma_start3A_410 = tpu.memref_squeeze %dma_start3A_409 : memref<1x16x2048xf32, #tpu.memory_space<vmem>> -> memref<16x2048xf32, #tpu.memory_space<vmem>>
    tpu.enqueue_dma source(%dma_start3A_410 : memref<16x2048xf32, #tpu.memory_space<vmem>>) target(%dma_start3A_406 : memref<16x2048xf32, #tpu.memory_space<hbm>>) target_semaphore(%dma_start3A_404 : memref<!tpu.dma_semaphore, #tpu.memory_space<semaphore_mem>>)
    %dma_wait3A_411 = arith.constant 1 : i32
    %dma_wait3A_412 = arith.constant 1 : i32
    %dma_wait3A_413 = arith.constant 0 : i32
    %dma_wait3A_414 = arith.constant 0 : i32
    %dma_wait3A_415 = tpu.memref_slice %arg8[%dma_wait3A_411, %dma_wait3A_413, %dma_wait3A_414] : memref<3x16x2048xf32, #tpu.memory_space<vmem>> -> memref<1x16x2048xf32, #tpu.memory_space<vmem>>
    %dma_wait3A_416 = tpu.memref_squeeze %dma_wait3A_415 : memref<1x16x2048xf32, #tpu.memory_space<vmem>> -> memref<16x2048xf32, #tpu.memory_space<vmem>>
    %dma_wait3A_417 = arith.constant 0 : i32
    %dma_wait3A_418 = tpu.memref_slice %arg5[%add3A_324, %dma_wait3A_417] : memref<8192x2048xf32, #tpu.memory_space<hbm>> -> memref<16x2048xf32, #tpu.memory_space<hbm>>
    %dma_wait3A_419 = tpu.memref_slice %arg10[%dma_wait3A_412] : memref<3x!tpu.dma_semaphore, #tpu.memory_space<semaphore_mem>> -> memref<1x!tpu.dma_semaphore, #tpu.memory_space<semaphore_mem>>
    %dma_wait3A_420 = tpu.memref_squeeze %dma_wait3A_419 : memref<1x!tpu.dma_semaphore, #tpu.memory_space<semaphore_mem>> -> memref<!tpu.dma_semaphore, #tpu.memory_space<semaphore_mem>>
    %dma_wait3A_421 = arith.constant 0 : i32
    %dma_wait3A_422 = tpu.memref_slice %arg5[%add3A_324, %dma_wait3A_421] : memref<8192x2048xf32, #tpu.memory_space<hbm>> -> memref<16x2048xf32, #tpu.memory_space<hbm>>
    %dma_wait3A_423 = arith.constant 0 : i32
    %dma_wait3A_424 = arith.constant 0 : i32
    %dma_wait3A_425 = tpu.memref_slice %arg8[%dma_wait3A_411, %dma_wait3A_423, %dma_wait3A_424] : memref<3x16x2048xf32, #tpu.memory_space<vmem>> -> memref<1x16x2048xf32, #tpu.memory_space<vmem>>
    %dma_wait3A_426 = tpu.memref_squeeze %dma_wait3A_425 : memref<1x16x2048xf32, #tpu.memory_space<vmem>> -> memref<16x2048xf32, #tpu.memory_space<vmem>>
    tpu.wait_dma2 semaphore(%dma_wait3A_420 : memref<!tpu.dma_semaphore, #tpu.memory_space<semaphore_mem>>) src(%dma_wait3A_426 : memref<16x2048xf32, #tpu.memory_space<vmem>>) dst(%dma_wait3A_422 : memref<16x2048xf32, #tpu.memory_space<hbm>>)
    %dma_start3A_427 = arith.constant 7 : i32
    %dma_start3A_428 = arith.constant 1 : i32
    %dma_start3A_429 = arith.constant 1 : i32
    %dma_start3A_430 = arith.constant 0 : i32
    %dma_start3A_431 = arith.constant 0 : i32
    %dma_start3A_432 = tpu.memref_slice %arg8[%dma_start3A_428, %dma_start3A_430, %dma_start3A_431] : memref<3x16x2048xf32, #tpu.memory_space<vmem>> -> memref<1x16x2048xf32, #tpu.memory_space<vmem>>
    %dma_start3A_433 = tpu.memref_squeeze %dma_start3A_432 : memref<1x16x2048xf32, #tpu.memory_space<vmem>> -> memref<16x2048xf32, #tpu.memory_space<vmem>>
    %dma_start3A_434 = arith.constant 0 : i32
    %dma_start3A_435 = tpu.memref_slice %arg6[%dma_start3A_427, %dma_start3A_434] : memref<16x16xi32, #tpu.memory_space<vmem>> -> memref<1x16xi32, #tpu.memory_space<vmem>>
    %dma_start3A_436 = tpu.memref_squeeze %dma_start3A_435 : memref<1x16xi32, #tpu.memory_space<vmem>> -> memref<16xi32, #tpu.memory_space<vmem>>
    %dma_start3A_437 = arith.constant 0 : i32
    %dma_start3A_438 = arith.constant 0 : i32
    %dma_start3A_439 = tpu.memref_slice %arg2[%dma_start3A_437, %dma_start3A_438] : memref<100000x2048xf32, #tpu.memory_space<hbm>> -> memref<100000x2048xf32, #tpu.memory_space<hbm>>
    %dma_start3A_440 = tpu.memref_slice %arg9[%dma_start3A_429] : memref<3x!tpu.dma_semaphore, #tpu.memory_space<semaphore_mem>> -> memref<1x!tpu.dma_semaphore, #tpu.memory_space<semaphore_mem>>
    %dma_start3A_441 = tpu.memref_squeeze %dma_start3A_440 : memref<1x!tpu.dma_semaphore, #tpu.memory_space<semaphore_mem>> -> memref<!tpu.dma_semaphore, #tpu.memory_space<semaphore_mem>>
    tpu.enqueue_indirect_dma source(%dma_start3A_439 : memref<100000x2048xf32, #tpu.memory_space<hbm>>) target(%dma_start3A_433 : memref<16x2048xf32, #tpu.memory_space<vmem>>) offsets(%dma_start3A_436 : memref<16xi32, #tpu.memory_space<vmem>>) semaphore(%dma_start3A_441 : memref<!tpu.dma_semaphore, #tpu.memory_space<semaphore_mem>>)
    %dma_wait3A_442 = arith.constant 6 : i32
    %dma_wait3A_443 = arith.constant 0 : i32
    %dma_wait3A_444 = arith.constant 0 : i32
    %dma_wait3A_445 = arith.constant 0 : i32
    %dma_wait3A_446 = arith.constant 0 : i32
    %dma_wait3A_447 = tpu.memref_slice %arg8[%dma_wait3A_443, %dma_wait3A_445, %dma_wait3A_446] : memref<3x16x2048xf32, #tpu.memory_space<vmem>> -> memref<1x16x2048xf32, #tpu.memory_space<vmem>>
    %dma_wait3A_448 = tpu.memref_squeeze %dma_wait3A_447 : memref<1x16x2048xf32, #tpu.memory_space<vmem>> -> memref<16x2048xf32, #tpu.memory_space<vmem>>
    %dma_wait3A_449 = arith.constant 0 : i32
    %dma_wait3A_450 = tpu.memref_slice %arg6[%dma_wait3A_442, %dma_wait3A_449] : memref<16x16xi32, #tpu.memory_space<vmem>> -> memref<1x16xi32, #tpu.memory_space<vmem>>
    %dma_wait3A_451 = tpu.memref_squeeze %dma_wait3A_450 : memref<1x16xi32, #tpu.memory_space<vmem>> -> memref<16xi32, #tpu.memory_space<vmem>>
    %dma_wait3A_452 = arith.constant 0 : i32
    %dma_wait3A_453 = arith.constant 0 : i32
    %dma_wait3A_454 = tpu.memref_slice %arg2[%dma_wait3A_452, %dma_wait3A_453] : memref<100000x2048xf32, #tpu.memory_space<hbm>> -> memref<100000x2048xf32, #tpu.memory_space<hbm>>
    %dma_wait3A_455 = tpu.memref_slice %arg9[%dma_wait3A_444] : memref<3x!tpu.dma_semaphore, #tpu.memory_space<semaphore_mem>> -> memref<1x!tpu.dma_semaphore, #tpu.memory_space<semaphore_mem>>
    %dma_wait3A_456 = tpu.memref_squeeze %dma_wait3A_455 : memref<1x!tpu.dma_semaphore, #tpu.memory_space<semaphore_mem>> -> memref<!tpu.dma_semaphore, #tpu.memory_space<semaphore_mem>>
    tpu.wait_indirect_dma semaphore(%dma_wait3A_456 : memref<!tpu.dma_semaphore, #tpu.memory_space<semaphore_mem>>) src(%dma_wait3A_454 : memref<100000x2048xf32, #tpu.memory_space<hbm>>) dst(%dma_wait3A_448 : memref<16x2048xf32, #tpu.memory_space<vmem>>)
    %scan3A_457 = arith.constant 0 : i32
    %scan3A_458 = arith.constant 0 : i32
    %scan3A_459 = arith.constant 16 : i32
    %scan3A_460 = arith.addi %scan3A_458, %scan3A_459 : i32
    %scan3A_461 = arith.constant 1 : i32
    scf.for %scan3A_1128 = %scan3A_458 to %scan3A_460 step %scan3A_461  : i32 {
      %add3A_1129 = arith.constant 96 : i32
      %add3A_1130 = arith.addi %add3A_1129, %scan3A_1128 : i32
      %mul3A_1131 = arith.constant 16 : i32
      %mul3A_1132 = arith.muli %add3A_1130, %mul3A_1131 : i32
      %get3A = arith.index_cast %mul3A_1132 : i32 to index
      %get3A_1133 = tpu.vector_load %arg7[%get3A] {strides = array<i32>} : memref<4096xf32, #tpu.memory_space<vmem>>, vector<16xf32>,
      %get3A_1134 = vector.shape_cast %get3A_1133 : vector<16xf32> to vector<16xf32>
      %scan3A_1135 = arith.constant 0 : i32
      %scan3A_1136 = arith.constant 128 : i32
      %scan3A_1137 = arith.addi %scan3A_1135, %scan3A_1136 : i32
      %scan3A_1138 = arith.constant 8 : i32
      scf.for %scan3A_1140 = %scan3A_1135 to %scan3A_1137 step %scan3A_1138  : i32 {
        %mul3A_1141 = arith.constant 16 : i32
        %mul3A_1142 = arith.muli %scan3A_1140, %mul3A_1141 : i32
        %swap3A = arith.constant 0 : i32
        %swap3A_1143 = arith.index_cast %swap3A : i32 to index
        %swap3A_1144 = arith.index_cast %scan3A_1128 : i32 to index
        %swap3A_1145 = arith.index_cast %mul3A_1142 : i32 to index
        %swap3A_1146 = tpu.vector_load %arg8[%swap3A_1143, %swap3A_1144, %swap3A_1145] {strides = array<i32>} : memref<3x16x2048xf32, #tpu.memory_space<vmem>>, vector<1x1x16xf32>,
        %swap3A_1147 = vector.shape_cast %swap3A_1146 : vector<1x1x16xf32> to vector<16xf32>
        %swap3A_1148 = vector.shape_cast %get3A_1134 : vector<16xf32> to vector<1x1x16xf32>
        tpu.vector_store %arg8[%swap3A_1143, %swap3A_1144, %swap3A_1145], %swap3A_1148 {add = true, strides = array<i32>} : memref<3x16x2048xf32, #tpu.memory_space<vmem>>, vector<1x1x16xf32>,
        %scan3A_1149 = arith.constant 1 : i32
        %scan3A_1150 = arith.addi %scan3A_1140, %scan3A_1149 : i32
        %mul3A_1151 = arith.constant 16 : i32
        %mul3A_1152 = arith.muli %scan3A_1150, %mul3A_1151 : i32
        %swap3A_1153 = arith.constant 0 : i32
        %swap3A_1154 = arith.index_cast %swap3A_1153 : i32 to index
        %swap3A_1155 = arith.index_cast %scan3A_1128 : i32 to index
        %swap3A_1156 = arith.index_cast %mul3A_1152 : i32 to index
        %swap3A_1157 = tpu.vector_load %arg8[%swap3A_1154, %swap3A_1155, %swap3A_1156] {strides = array<i32>} : memref<3x16x2048xf32, #tpu.memory_space<vmem>>, vector<1x1x16xf32>,
        %swap3A_1158 = vector.shape_cast %swap3A_1157 : vector<1x1x16xf32> to vector<16xf32>
        %swap3A_1159 = vector.shape_cast %get3A_1134 : vector<16xf32> to vector<1x1x16xf32>
        tpu.vector_store %arg8[%swap3A_1154, %swap3A_1155, %swap3A_1156], %swap3A_1159 {add = true, strides = array<i32>} : memref<3x16x2048xf32, #tpu.memory_space<vmem>>, vector<1x1x16xf32>,
        %scan3A_1160 = arith.constant 2 : i32
        %scan3A_1161 = arith.addi %scan3A_1140, %scan3A_1160 : i32
        %mul3A_1162 = arith.constant 16 : i32
        %mul3A_1163 = arith.muli %scan3A_1161, %mul3A_1162 : i32
        %swap3A_1164 = arith.constant 0 : i32
        %swap3A_1165 = arith.index_cast %swap3A_1164 : i32 to index
        %swap3A_1166 = arith.index_cast %scan3A_1128 : i32 to index
        %swap3A_1167 = arith.index_cast %mul3A_1163 : i32 to index
        %swap3A_1168 = tpu.vector_load %arg8[%swap3A_1165, %swap3A_1166, %swap3A_1167] {strides = array<i32>} : memref<3x16x2048xf32, #tpu.memory_space<vmem>>, vector<1x1x16xf32>,
        %swap3A_1169 = vector.shape_cast %swap3A_1168 : vector<1x1x16xf32> to vector<16xf32>
        %swap3A_1170 = vector.shape_cast %get3A_1134 : vector<16xf32> to vector<1x1x16xf32>
        tpu.vector_store %arg8[%swap3A_1165, %swap3A_1166, %swap3A_1167], %swap3A_1170 {add = true, strides = array<i32>} : memref<3x16x2048xf32, #tpu.memory_space<vmem>>, vector<1x1x16xf32>,
        %scan3A_1171 = arith.constant 3 : i32
        %scan3A_1172 = arith.addi %scan3A_1140, %scan3A_1171 : i32
        %mul3A_1173 = arith.constant 16 : i32
        %mul3A_1174 = arith.muli %scan3A_1172, %mul3A_1173 : i32
        %swap3A_1175 = arith.constant 0 : i32
        %swap3A_1176 = arith.index_cast %swap3A_1175 : i32 to index
        %swap3A_1177 = arith.index_cast %scan3A_1128 : i32 to index
        %swap3A_1178 = arith.index_cast %mul3A_1174 : i32 to index
        %swap3A_1179 = tpu.vector_load %arg8[%swap3A_1176, %swap3A_1177, %swap3A_1178] {strides = array<i32>} : memref<3x16x2048xf32, #tpu.memory_space<vmem>>, vector<1x1x16xf32>,
        %swap3A_1180 = vector.shape_cast %swap3A_1179 : vector<1x1x16xf32> to vector<16xf32>
        %swap3A_1181 = vector.shape_cast %get3A_1134 : vector<16xf32> to vector<1x1x16xf32>
        tpu.vector_store %arg8[%swap3A_1176, %swap3A_1177, %swap3A_1178], %swap3A_1181 {add = true, strides = array<i32>} : memref<3x16x2048xf32, #tpu.memory_space<vmem>>, vector<1x1x16xf32>,
        %scan3A_1182 = arith.constant 4 : i32
        %scan3A_1183 = arith.addi %scan3A_1140, %scan3A_1182 : i32
        %mul3A_1184 = arith.constant 16 : i32
        %mul3A_1185 = arith.muli %scan3A_1183, %mul3A_1184 : i32
        %swap3A_1186 = arith.constant 0 : i32
        %swap3A_1187 = arith.index_cast %swap3A_1186 : i32 to index
        %swap3A_1188 = arith.index_cast %scan3A_1128 : i32 to index
        %swap3A_1189 = arith.index_cast %mul3A_1185 : i32 to index
        %swap3A_1190 = tpu.vector_load %arg8[%swap3A_1187, %swap3A_1188, %swap3A_1189] {strides = array<i32>} : memref<3x16x2048xf32, #tpu.memory_space<vmem>>, vector<1x1x16xf32>,
        %swap3A_1191 = vector.shape_cast %swap3A_1190 : vector<1x1x16xf32> to vector<16xf32>
        %swap3A_1192 = vector.shape_cast %get3A_1134 : vector<16xf32> to vector<1x1x16xf32>
        tpu.vector_store %arg8[%swap3A_1187, %swap3A_1188, %swap3A_1189], %swap3A_1192 {add = true, strides = array<i32>} : memref<3x16x2048xf32, #tpu.memory_space<vmem>>, vector<1x1x16xf32>,
        %scan3A_1193 = arith.constant 5 : i32
        %scan3A_1194 = arith.addi %scan3A_1140, %scan3A_1193 : i32
        %mul3A_1195 = arith.constant 16 : i32
        %mul3A_1196 = arith.muli %scan3A_1194, %mul3A_1195 : i32
        %swap3A_1197 = arith.constant 0 : i32
        %swap3A_1198 = arith.index_cast %swap3A_1197 : i32 to index
        %swap3A_1199 = arith.index_cast %scan3A_1128 : i32 to index
        %swap3A_1200 = arith.index_cast %mul3A_1196 : i32 to index
        %swap3A_1201 = tpu.vector_load %arg8[%swap3A_1198, %swap3A_1199, %swap3A_1200] {strides = array<i32>} : memref<3x16x2048xf32, #tpu.memory_space<vmem>>, vector<1x1x16xf32>,
        %swap3A_1202 = vector.shape_cast %swap3A_1201 : vector<1x1x16xf32> to vector<16xf32>
        %swap3A_1203 = vector.shape_cast %get3A_1134 : vector<16xf32> to vector<1x1x16xf32>
        tpu.vector_store %arg8[%swap3A_1198, %swap3A_1199, %swap3A_1200], %swap3A_1203 {add = true, strides = array<i32>} : memref<3x16x2048xf32, #tpu.memory_space<vmem>>, vector<1x1x16xf32>,
        %scan3A_1204 = arith.constant 6 : i32
        %scan3A_1205 = arith.addi %scan3A_1140, %scan3A_1204 : i32
        %mul3A_1206 = arith.constant 16 : i32
        %mul3A_1207 = arith.muli %scan3A_1205, %mul3A_1206 : i32
        %swap3A_1208 = arith.constant 0 : i32
        %swap3A_1209 = arith.index_cast %swap3A_1208 : i32 to index
        %swap3A_1210 = arith.index_cast %scan3A_1128 : i32 to index
        %swap3A_1211 = arith.index_cast %mul3A_1207 : i32 to index
        %swap3A_1212 = tpu.vector_load %arg8[%swap3A_1209, %swap3A_1210, %swap3A_1211] {strides = array<i32>} : memref<3x16x2048xf32, #tpu.memory_space<vmem>>, vector<1x1x16xf32>,
        %swap3A_1213 = vector.shape_cast %swap3A_1212 : vector<1x1x16xf32> to vector<16xf32>
        %swap3A_1214 = vector.shape_cast %get3A_1134 : vector<16xf32> to vector<1x1x16xf32>
        tpu.vector_store %arg8[%swap3A_1209, %swap3A_1210, %swap3A_1211], %swap3A_1214 {add = true, strides = array<i32>} : memref<3x16x2048xf32, #tpu.memory_space<vmem>>, vector<1x1x16xf32>,
        %scan3A_1215 = arith.constant 7 : i32
        %scan3A_1216 = arith.addi %scan3A_1140, %scan3A_1215 : i32
        %mul3A_1217 = arith.constant 16 : i32
        %mul3A_1218 = arith.muli %scan3A_1216, %mul3A_1217 : i32
        %swap3A_1219 = arith.constant 0 : i32
        %swap3A_1220 = arith.index_cast %swap3A_1219 : i32 to index
        %swap3A_1221 = arith.index_cast %scan3A_1128 : i32 to index
        %swap3A_1222 = arith.index_cast %mul3A_1218 : i32 to index
        %swap3A_1223 = tpu.vector_load %arg8[%swap3A_1220, %swap3A_1221, %swap3A_1222] {strides = array<i32>} : memref<3x16x2048xf32, #tpu.memory_space<vmem>>, vector<1x1x16xf32>,
        %swap3A_1224 = vector.shape_cast %swap3A_1223 : vector<1x1x16xf32> to vector<16xf32>
        %swap3A_1225 = vector.shape_cast %get3A_1134 : vector<16xf32> to vector<1x1x16xf32>
        tpu.vector_store %arg8[%swap3A_1220, %swap3A_1221, %swap3A_1222], %swap3A_1225 {add = true, strides = array<i32>} : memref<3x16x2048xf32, #tpu.memory_space<vmem>>, vector<1x1x16xf32>,
      }
      %scan3A_1139 = arith.constant 128 : i32
    }
    %scan3A_462 = arith.constant 16 : i32
    %add3A_463 = arith.constant 96 : i32
    %add3A_464 = arith.addi %mul3A_2, %add3A_463 : i32
    %dma_start3A_465 = arith.constant 0 : i32
    %dma_start3A_466 = arith.constant 0 : i32
    %dma_start3A_467 = arith.constant 0 : i32
    %dma_start3A_468 = arith.constant 0 : i32
    %dma_start3A_469 = tpu.memref_slice %arg8[%dma_start3A_465, %dma_start3A_467, %dma_start3A_468] : memref<3x16x2048xf32, #tpu.memory_space<vmem>> -> memref<1x16x2048xf32, #tpu.memory_space<vmem>>
    %dma_start3A_470 = tpu.memref_squeeze %dma_start3A_469 : memref<1x16x2048xf32, #tpu.memory_space<vmem>> -> memref<16x2048xf32, #tpu.memory_space<vmem>>
    %dma_start3A_471 = arith.constant 0 : i32
    %dma_start3A_472 = tpu.memref_slice %arg5[%add3A_464, %dma_start3A_471] : memref<8192x2048xf32, #tpu.memory_space<hbm>> -> memref<16x2048xf32, #tpu.memory_space<hbm>>
    %dma_start3A_473 = tpu.memref_slice %arg10[%dma_start3A_466] : memref<3x!tpu.dma_semaphore, #tpu.memory_space<semaphore_mem>> -> memref<1x!tpu.dma_semaphore, #tpu.memory_space<semaphore_mem>>
    %dma_start3A_474 = tpu.memref_squeeze %dma_start3A_473 : memref<1x!tpu.dma_semaphore, #tpu.memory_space<semaphore_mem>> -> memref<!tpu.dma_semaphore, #tpu.memory_space<semaphore_mem>>
    %dma_start3A_475 = arith.constant 0 : i32
    %dma_start3A_476 = tpu.memref_slice %arg5[%add3A_464, %dma_start3A_475] : memref<8192x2048xf32, #tpu.memory_space<hbm>> -> memref<16x2048xf32, #tpu.memory_space<hbm>>
    %dma_start3A_477 = arith.constant 0 : i32
    %dma_start3A_478 = arith.constant 0 : i32
    %dma_start3A_479 = tpu.memref_slice %arg8[%dma_start3A_465, %dma_start3A_477, %dma_start3A_478] : memref<3x16x2048xf32, #tpu.memory_space<vmem>> -> memref<1x16x2048xf32, #tpu.memory_space<vmem>>
    %dma_start3A_480 = tpu.memref_squeeze %dma_start3A_479 : memref<1x16x2048xf32, #tpu.memory_space<vmem>> -> memref<16x2048xf32, #tpu.memory_space<vmem>>
    tpu.enqueue_dma source(%dma_start3A_480 : memref<16x2048xf32, #tpu.memory_space<vmem>>) target(%dma_start3A_476 : memref<16x2048xf32, #tpu.memory_space<hbm>>) target_semaphore(%dma_start3A_474 : memref<!tpu.dma_semaphore, #tpu.memory_space<semaphore_mem>>)
    %dma_wait3A_481 = arith.constant 2 : i32
    %dma_wait3A_482 = arith.constant 2 : i32
    %dma_wait3A_483 = arith.constant 0 : i32
    %dma_wait3A_484 = arith.constant 0 : i32
    %dma_wait3A_485 = tpu.memref_slice %arg8[%dma_wait3A_481, %dma_wait3A_483, %dma_wait3A_484] : memref<3x16x2048xf32, #tpu.memory_space<vmem>> -> memref<1x16x2048xf32, #tpu.memory_space<vmem>>
    %dma_wait3A_486 = tpu.memref_squeeze %dma_wait3A_485 : memref<1x16x2048xf32, #tpu.memory_space<vmem>> -> memref<16x2048xf32, #tpu.memory_space<vmem>>
    %dma_wait3A_487 = arith.constant 0 : i32
    %dma_wait3A_488 = tpu.memref_slice %arg5[%add3A_394, %dma_wait3A_487] : memref<8192x2048xf32, #tpu.memory_space<hbm>> -> memref<16x2048xf32, #tpu.memory_space<hbm>>
    %dma_wait3A_489 = tpu.memref_slice %arg10[%dma_wait3A_482] : memref<3x!tpu.dma_semaphore, #tpu.memory_space<semaphore_mem>> -> memref<1x!tpu.dma_semaphore, #tpu.memory_space<semaphore_mem>>
    %dma_wait3A_490 = tpu.memref_squeeze %dma_wait3A_489 : memref<1x!tpu.dma_semaphore, #tpu.memory_space<semaphore_mem>> -> memref<!tpu.dma_semaphore, #tpu.memory_space<semaphore_mem>>
    %dma_wait3A_491 = arith.constant 0 : i32
    %dma_wait3A_492 = tpu.memref_slice %arg5[%add3A_394, %dma_wait3A_491] : memref<8192x2048xf32, #tpu.memory_space<hbm>> -> memref<16x2048xf32, #tpu.memory_space<hbm>>
    %dma_wait3A_493 = arith.constant 0 : i32
    %dma_wait3A_494 = arith.constant 0 : i32
    %dma_wait3A_495 = tpu.memref_slice %arg8[%dma_wait3A_481, %dma_wait3A_493, %dma_wait3A_494] : memref<3x16x2048xf32, #tpu.memory_space<vmem>> -> memref<1x16x2048xf32, #tpu.memory_space<vmem>>
    %dma_wait3A_496 = tpu.memref_squeeze %dma_wait3A_495 : memref<1x16x2048xf32, #tpu.memory_space<vmem>> -> memref<16x2048xf32, #tpu.memory_space<vmem>>
    tpu.wait_dma2 semaphore(%dma_wait3A_490 : memref<!tpu.dma_semaphore, #tpu.memory_space<semaphore_mem>>) src(%dma_wait3A_496 : memref<16x2048xf32, #tpu.memory_space<vmem>>) dst(%dma_wait3A_492 : memref<16x2048xf32, #tpu.memory_space<hbm>>)
    %dma_start3A_497 = arith.constant 8 : i32
    %dma_start3A_498 = arith.constant 2 : i32
    %dma_start3A_499 = arith.constant 2 : i32
    %dma_start3A_500 = arith.constant 0 : i32
    %dma_start3A_501 = arith.constant 0 : i32
    %dma_start3A_502 = tpu.memref_slice %arg8[%dma_start3A_498, %dma_start3A_500, %dma_start3A_501] : memref<3x16x2048xf32, #tpu.memory_space<vmem>> -> memref<1x16x2048xf32, #tpu.memory_space<vmem>>
    %dma_start3A_503 = tpu.memref_squeeze %dma_start3A_502 : memref<1x16x2048xf32, #tpu.memory_space<vmem>> -> memref<16x2048xf32, #tpu.memory_space<vmem>>
    %dma_start3A_504 = arith.constant 0 : i32
    %dma_start3A_505 = tpu.memref_slice %arg6[%dma_start3A_497, %dma_start3A_504] : memref<16x16xi32, #tpu.memory_space<vmem>> -> memref<1x16xi32, #tpu.memory_space<vmem>>
    %dma_start3A_506 = tpu.memref_squeeze %dma_start3A_505 : memref<1x16xi32, #tpu.memory_space<vmem>> -> memref<16xi32, #tpu.memory_space<vmem>>
    %dma_start3A_507 = arith.constant 0 : i32
    %dma_start3A_508 = arith.constant 0 : i32
    %dma_start3A_509 = tpu.memref_slice %arg2[%dma_start3A_507, %dma_start3A_508] : memref<100000x2048xf32, #tpu.memory_space<hbm>> -> memref<100000x2048xf32, #tpu.memory_space<hbm>>
    %dma_start3A_510 = tpu.memref_slice %arg9[%dma_start3A_499] : memref<3x!tpu.dma_semaphore, #tpu.memory_space<semaphore_mem>> -> memref<1x!tpu.dma_semaphore, #tpu.memory_space<semaphore_mem>>
    %dma_start3A_511 = tpu.memref_squeeze %dma_start3A_510 : memref<1x!tpu.dma_semaphore, #tpu.memory_space<semaphore_mem>> -> memref<!tpu.dma_semaphore, #tpu.memory_space<semaphore_mem>>
    tpu.enqueue_indirect_dma source(%dma_start3A_509 : memref<100000x2048xf32, #tpu.memory_space<hbm>>) target(%dma_start3A_503 : memref<16x2048xf32, #tpu.memory_space<vmem>>) offsets(%dma_start3A_506 : memref<16xi32, #tpu.memory_space<vmem>>) semaphore(%dma_start3A_511 : memref<!tpu.dma_semaphore, #tpu.memory_space<semaphore_mem>>)
    %dma_wait3A_512 = arith.constant 7 : i32
    %dma_wait3A_513 = arith.constant 1 : i32
    %dma_wait3A_514 = arith.constant 1 : i32
    %dma_wait3A_515 = arith.constant 0 : i32
    %dma_wait3A_516 = arith.constant 0 : i32
    %dma_wait3A_517 = tpu.memref_slice %arg8[%dma_wait3A_513, %dma_wait3A_515, %dma_wait3A_516] : memref<3x16x2048xf32, #tpu.memory_space<vmem>> -> memref<1x16x2048xf32, #tpu.memory_space<vmem>>
    %dma_wait3A_518 = tpu.memref_squeeze %dma_wait3A_517 : memref<1x16x2048xf32, #tpu.memory_space<vmem>> -> memref<16x2048xf32, #tpu.memory_space<vmem>>
    %dma_wait3A_519 = arith.constant 0 : i32
    %dma_wait3A_520 = tpu.memref_slice %arg6[%dma_wait3A_512, %dma_wait3A_519] : memref<16x16xi32, #tpu.memory_space<vmem>> -> memref<1x16xi32, #tpu.memory_space<vmem>>
    %dma_wait3A_521 = tpu.memref_squeeze %dma_wait3A_520 : memref<1x16xi32, #tpu.memory_space<vmem>> -> memref<16xi32, #tpu.memory_space<vmem>>
    %dma_wait3A_522 = arith.constant 0 : i32
    %dma_wait3A_523 = arith.constant 0 : i32
    %dma_wait3A_524 = tpu.memref_slice %arg2[%dma_wait3A_522, %dma_wait3A_523] : memref<100000x2048xf32, #tpu.memory_space<hbm>> -> memref<100000x2048xf32, #tpu.memory_space<hbm>>
    %dma_wait3A_525 = tpu.memref_slice %arg9[%dma_wait3A_514] : memref<3x!tpu.dma_semaphore, #tpu.memory_space<semaphore_mem>> -> memref<1x!tpu.dma_semaphore, #tpu.memory_space<semaphore_mem>>
    %dma_wait3A_526 = tpu.memref_squeeze %dma_wait3A_525 : memref<1x!tpu.dma_semaphore, #tpu.memory_space<semaphore_mem>> -> memref<!tpu.dma_semaphore, #tpu.memory_space<semaphore_mem>>
    tpu.wait_indirect_dma semaphore(%dma_wait3A_526 : memref<!tpu.dma_semaphore, #tpu.memory_space<semaphore_mem>>) src(%dma_wait3A_524 : memref<100000x2048xf32, #tpu.memory_space<hbm>>) dst(%dma_wait3A_518 : memref<16x2048xf32, #tpu.memory_space<vmem>>)
    %scan3A_527 = arith.constant 0 : i32
    %scan3A_528 = arith.constant 0 : i32
    %scan3A_529 = arith.constant 16 : i32
    %scan3A_530 = arith.addi %scan3A_528, %scan3A_529 : i32
    %scan3A_531 = arith.constant 1 : i32
    scf.for %scan3A_1128 = %scan3A_528 to %scan3A_530 step %scan3A_531  : i32 {
      %add3A_1129 = arith.constant 112 : i32
      %add3A_1130 = arith.addi %add3A_1129, %scan3A_1128 : i32
      %mul3A_1131 = arith.constant 16 : i32
      %mul3A_1132 = arith.muli %add3A_1130, %mul3A_1131 : i32
      %get3A = arith.index_cast %mul3A_1132 : i32 to index
      %get3A_1133 = tpu.vector_load %arg7[%get3A] {strides = array<i32>} : memref<4096xf32, #tpu.memory_space<vmem>>, vector<16xf32>,
      %get3A_1134 = vector.shape_cast %get3A_1133 : vector<16xf32> to vector<16xf32>
      %scan3A_1135 = arith.constant 0 : i32
      %scan3A_1136 = arith.constant 128 : i32
      %scan3A_1137 = arith.addi %scan3A_1135, %scan3A_1136 : i32
      %scan3A_1138 = arith.constant 8 : i32
      scf.for %scan3A_1140 = %scan3A_1135 to %scan3A_1137 step %scan3A_1138  : i32 {
        %mul3A_1141 = arith.constant 16 : i32
        %mul3A_1142 = arith.muli %scan3A_1140, %mul3A_1141 : i32
        %swap3A = arith.constant 1 : i32
        %swap3A_1143 = arith.index_cast %swap3A : i32 to index
        %swap3A_1144 = arith.index_cast %scan3A_1128 : i32 to index
        %swap3A_1145 = arith.index_cast %mul3A_1142 : i32 to index
        %swap3A_1146 = tpu.vector_load %arg8[%swap3A_1143, %swap3A_1144, %swap3A_1145] {strides = array<i32>} : memref<3x16x2048xf32, #tpu.memory_space<vmem>>, vector<1x1x16xf32>,
        %swap3A_1147 = vector.shape_cast %swap3A_1146 : vector<1x1x16xf32> to vector<16xf32>
        %swap3A_1148 = vector.shape_cast %get3A_1134 : vector<16xf32> to vector<1x1x16xf32>
        tpu.vector_store %arg8[%swap3A_1143, %swap3A_1144, %swap3A_1145], %swap3A_1148 {add = true, strides = array<i32>} : memref<3x16x2048xf32, #tpu.memory_space<vmem>>, vector<1x1x16xf32>,
        %scan3A_1149 = arith.constant 1 : i32
        %scan3A_1150 = arith.addi %scan3A_1140, %scan3A_1149 : i32
        %mul3A_1151 = arith.constant 16 : i32
        %mul3A_1152 = arith.muli %scan3A_1150, %mul3A_1151 : i32
        %swap3A_1153 = arith.constant 1 : i32
        %swap3A_1154 = arith.index_cast %swap3A_1153 : i32 to index
        %swap3A_1155 = arith.index_cast %scan3A_1128 : i32 to index
        %swap3A_1156 = arith.index_cast %mul3A_1152 : i32 to index
        %swap3A_1157 = tpu.vector_load %arg8[%swap3A_1154, %swap3A_1155, %swap3A_1156] {strides = array<i32>} : memref<3x16x2048xf32, #tpu.memory_space<vmem>>, vector<1x1x16xf32>,
        %swap3A_1158 = vector.shape_cast %swap3A_1157 : vector<1x1x16xf32> to vector<16xf32>
        %swap3A_1159 = vector.shape_cast %get3A_1134 : vector<16xf32> to vector<1x1x16xf32>
        tpu.vector_store %arg8[%swap3A_1154, %swap3A_1155, %swap3A_1156], %swap3A_1159 {add = true, strides = array<i32>} : memref<3x16x2048xf32, #tpu.memory_space<vmem>>, vector<1x1x16xf32>,
        %scan3A_1160 = arith.constant 2 : i32
        %scan3A_1161 = arith.addi %scan3A_1140, %scan3A_1160 : i32
        %mul3A_1162 = arith.constant 16 : i32
        %mul3A_1163 = arith.muli %scan3A_1161, %mul3A_1162 : i32
        %swap3A_1164 = arith.constant 1 : i32
        %swap3A_1165 = arith.index_cast %swap3A_1164 : i32 to index
        %swap3A_1166 = arith.index_cast %scan3A_1128 : i32 to index
        %swap3A_1167 = arith.index_cast %mul3A_1163 : i32 to index
        %swap3A_1168 = tpu.vector_load %arg8[%swap3A_1165, %swap3A_1166, %swap3A_1167] {strides = array<i32>} : memref<3x16x2048xf32, #tpu.memory_space<vmem>>, vector<1x1x16xf32>,
        %swap3A_1169 = vector.shape_cast %swap3A_1168 : vector<1x1x16xf32> to vector<16xf32>
        %swap3A_1170 = vector.shape_cast %get3A_1134 : vector<16xf32> to vector<1x1x16xf32>
        tpu.vector_store %arg8[%swap3A_1165, %swap3A_1166, %swap3A_1167], %swap3A_1170 {add = true, strides = array<i32>} : memref<3x16x2048xf32, #tpu.memory_space<vmem>>, vector<1x1x16xf32>,
        %scan3A_1171 = arith.constant 3 : i32
        %scan3A_1172 = arith.addi %scan3A_1140, %scan3A_1171 : i32
        %mul3A_1173 = arith.constant 16 : i32
        %mul3A_1174 = arith.muli %scan3A_1172, %mul3A_1173 : i32
        %swap3A_1175 = arith.constant 1 : i32
        %swap3A_1176 = arith.index_cast %swap3A_1175 : i32 to index
        %swap3A_1177 = arith.index_cast %scan3A_1128 : i32 to index
        %swap3A_1178 = arith.index_cast %mul3A_1174 : i32 to index
        %swap3A_1179 = tpu.vector_load %arg8[%swap3A_1176, %swap3A_1177, %swap3A_1178] {strides = array<i32>} : memref<3x16x2048xf32, #tpu.memory_space<vmem>>, vector<1x1x16xf32>,
        %swap3A_1180 = vector.shape_cast %swap3A_1179 : vector<1x1x16xf32> to vector<16xf32>
        %swap3A_1181 = vector.shape_cast %get3A_1134 : vector<16xf32> to vector<1x1x16xf32>
        tpu.vector_store %arg8[%swap3A_1176, %swap3A_1177, %swap3A_1178], %swap3A_1181 {add = true, strides = array<i32>} : memref<3x16x2048xf32, #tpu.memory_space<vmem>>, vector<1x1x16xf32>,
        %scan3A_1182 = arith.constant 4 : i32
        %scan3A_1183 = arith.addi %scan3A_1140, %scan3A_1182 : i32
        %mul3A_1184 = arith.constant 16 : i32
        %mul3A_1185 = arith.muli %scan3A_1183, %mul3A_1184 : i32
        %swap3A_1186 = arith.constant 1 : i32
        %swap3A_1187 = arith.index_cast %swap3A_1186 : i32 to index
        %swap3A_1188 = arith.index_cast %scan3A_1128 : i32 to index
        %swap3A_1189 = arith.index_cast %mul3A_1185 : i32 to index
        %swap3A_1190 = tpu.vector_load %arg8[%swap3A_1187, %swap3A_1188, %swap3A_1189] {strides = array<i32>} : memref<3x16x2048xf32, #tpu.memory_space<vmem>>, vector<1x1x16xf32>,
        %swap3A_1191 = vector.shape_cast %swap3A_1190 : vector<1x1x16xf32> to vector<16xf32>
        %swap3A_1192 = vector.shape_cast %get3A_1134 : vector<16xf32> to vector<1x1x16xf32>
        tpu.vector_store %arg8[%swap3A_1187, %swap3A_1188, %swap3A_1189], %swap3A_1192 {add = true, strides = array<i32>} : memref<3x16x2048xf32, #tpu.memory_space<vmem>>, vector<1x1x16xf32>,
        %scan3A_1193 = arith.constant 5 : i32
        %scan3A_1194 = arith.addi %scan3A_1140, %scan3A_1193 : i32
        %mul3A_1195 = arith.constant 16 : i32
        %mul3A_1196 = arith.muli %scan3A_1194, %mul3A_1195 : i32
        %swap3A_1197 = arith.constant 1 : i32
        %swap3A_1198 = arith.index_cast %swap3A_1197 : i32 to index
        %swap3A_1199 = arith.index_cast %scan3A_1128 : i32 to index
        %swap3A_1200 = arith.index_cast %mul3A_1196 : i32 to index
        %swap3A_1201 = tpu.vector_load %arg8[%swap3A_1198, %swap3A_1199, %swap3A_1200] {strides = array<i32>} : memref<3x16x2048xf32, #tpu.memory_space<vmem>>, vector<1x1x16xf32>,
        %swap3A_1202 = vector.shape_cast %swap3A_1201 : vector<1x1x16xf32> to vector<16xf32>
        %swap3A_1203 = vector.shape_cast %get3A_1134 : vector<16xf32> to vector<1x1x16xf32>
        tpu.vector_store %arg8[%swap3A_1198, %swap3A_1199, %swap3A_1200], %swap3A_1203 {add = true, strides = array<i32>} : memref<3x16x2048xf32, #tpu.memory_space<vmem>>, vector<1x1x16xf32>,
        %scan3A_1204 = arith.constant 6 : i32
        %scan3A_1205 = arith.addi %scan3A_1140, %scan3A_1204 : i32
        %mul3A_1206 = arith.constant 16 : i32
        %mul3A_1207 = arith.muli %scan3A_1205, %mul3A_1206 : i32
        %swap3A_1208 = arith.constant 1 : i32
        %swap3A_1209 = arith.index_cast %swap3A_1208 : i32 to index
        %swap3A_1210 = arith.index_cast %scan3A_1128 : i32 to index
        %swap3A_1211 = arith.index_cast %mul3A_1207 : i32 to index
        %swap3A_1212 = tpu.vector_load %arg8[%swap3A_1209, %swap3A_1210, %swap3A_1211] {strides = array<i32>} : memref<3x16x2048xf32, #tpu.memory_space<vmem>>, vector<1x1x16xf32>,
        %swap3A_1213 = vector.shape_cast %swap3A_1212 : vector<1x1x16xf32> to vector<16xf32>
        %swap3A_1214 = vector.shape_cast %get3A_1134 : vector<16xf32> to vector<1x1x16xf32>
        tpu.vector_store %arg8[%swap3A_1209, %swap3A_1210, %swap3A_1211], %swap3A_1214 {add = true, strides = array<i32>} : memref<3x16x2048xf32, #tpu.memory_space<vmem>>, vector<1x1x16xf32>,
        %scan3A_1215 = arith.constant 7 : i32
        %scan3A_1216 = arith.addi %scan3A_1140, %scan3A_1215 : i32
        %mul3A_1217 = arith.constant 16 : i32
        %mul3A_1218 = arith.muli %scan3A_1216, %mul3A_1217 : i32
        %swap3A_1219 = arith.constant 1 : i32
        %swap3A_1220 = arith.index_cast %swap3A_1219 : i32 to index
        %swap3A_1221 = arith.index_cast %scan3A_1128 : i32 to index
        %swap3A_1222 = arith.index_cast %mul3A_1218 : i32 to index
        %swap3A_1223 = tpu.vector_load %arg8[%swap3A_1220, %swap3A_1221, %swap3A_1222] {strides = array<i32>} : memref<3x16x2048xf32, #tpu.memory_space<vmem>>, vector<1x1x16xf32>,
        %swap3A_1224 = vector.shape_cast %swap3A_1223 : vector<1x1x16xf32> to vector<16xf32>
        %swap3A_1225 = vector.shape_cast %get3A_1134 : vector<16xf32> to vector<1x1x16xf32>
        tpu.vector_store %arg8[%swap3A_1220, %swap3A_1221, %swap3A_1222], %swap3A_1225 {add = true, strides = array<i32>} : memref<3x16x2048xf32, #tpu.memory_space<vmem>>, vector<1x1x16xf32>,
      }
      %scan3A_1139 = arith.constant 128 : i32
    }
    %scan3A_532 = arith.constant 16 : i32
    %add3A_533 = arith.constant 112 : i32
    %add3A_534 = arith.addi %mul3A_2, %add3A_533 : i32
    %dma_start3A_535 = arith.constant 1 : i32
    %dma_start3A_536 = arith.constant 1 : i32
    %dma_start3A_537 = arith.constant 0 : i32
    %dma_start3A_538 = arith.constant 0 : i32
    %dma_start3A_539 = tpu.memref_slice %arg8[%dma_start3A_535, %dma_start3A_537, %dma_start3A_538] : memref<3x16x2048xf32, #tpu.memory_space<vmem>> -> memref<1x16x2048xf32, #tpu.memory_space<vmem>>
    %dma_start3A_540 = tpu.memref_squeeze %dma_start3A_539 : memref<1x16x2048xf32, #tpu.memory_space<vmem>> -> memref<16x2048xf32, #tpu.memory_space<vmem>>
    %dma_start3A_541 = arith.constant 0 : i32
    %dma_start3A_542 = tpu.memref_slice %arg5[%add3A_534, %dma_start3A_541] : memref<8192x2048xf32, #tpu.memory_space<hbm>> -> memref<16x2048xf32, #tpu.memory_space<hbm>>
    %dma_start3A_543 = tpu.memref_slice %arg10[%dma_start3A_536] : memref<3x!tpu.dma_semaphore, #tpu.memory_space<semaphore_mem>> -> memref<1x!tpu.dma_semaphore, #tpu.memory_space<semaphore_mem>>
    %dma_start3A_544 = tpu.memref_squeeze %dma_start3A_543 : memref<1x!tpu.dma_semaphore, #tpu.memory_space<semaphore_mem>> -> memref<!tpu.dma_semaphore, #tpu.memory_space<semaphore_mem>>
    %dma_start3A_545 = arith.constant 0 : i32
    %dma_start3A_546 = tpu.memref_slice %arg5[%add3A_534, %dma_start3A_545] : memref<8192x2048xf32, #tpu.memory_space<hbm>> -> memref<16x2048xf32, #tpu.memory_space<hbm>>
    %dma_start3A_547 = arith.constant 0 : i32
    %dma_start3A_548 = arith.constant 0 : i32
    %dma_start3A_549 = tpu.memref_slice %arg8[%dma_start3A_535, %dma_start3A_547, %dma_start3A_548] : memref<3x16x2048xf32, #tpu.memory_space<vmem>> -> memref<1x16x2048xf32, #tpu.memory_space<vmem>>
    %dma_start3A_550 = tpu.memref_squeeze %dma_start3A_549 : memref<1x16x2048xf32, #tpu.memory_space<vmem>> -> memref<16x2048xf32, #tpu.memory_space<vmem>>
    tpu.enqueue_dma source(%dma_start3A_550 : memref<16x2048xf32, #tpu.memory_space<vmem>>) target(%dma_start3A_546 : memref<16x2048xf32, #tpu.memory_space<hbm>>) target_semaphore(%dma_start3A_544 : memref<!tpu.dma_semaphore, #tpu.memory_space<semaphore_mem>>)
    %dma_wait3A_551 = arith.constant 0 : i32
    %dma_wait3A_552 = arith.constant 0 : i32
    %dma_wait3A_553 = arith.constant 0 : i32
    %dma_wait3A_554 = arith.constant 0 : i32
    %dma_wait3A_555 = tpu.memref_slice %arg8[%dma_wait3A_551, %dma_wait3A_553, %dma_wait3A_554] : memref<3x16x2048xf32, #tpu.memory_space<vmem>> -> memref<1x16x2048xf32, #tpu.memory_space<vmem>>
    %dma_wait3A_556 = tpu.memref_squeeze %dma_wait3A_555 : memref<1x16x2048xf32, #tpu.memory_space<vmem>> -> memref<16x2048xf32, #tpu.memory_space<vmem>>
    %dma_wait3A_557 = arith.constant 0 : i32
    %dma_wait3A_558 = tpu.memref_slice %arg5[%add3A_464, %dma_wait3A_557] : memref<8192x2048xf32, #tpu.memory_space<hbm>> -> memref<16x2048xf32, #tpu.memory_space<hbm>>
    %dma_wait3A_559 = tpu.memref_slice %arg10[%dma_wait3A_552] : memref<3x!tpu.dma_semaphore, #tpu.memory_space<semaphore_mem>> -> memref<1x!tpu.dma_semaphore, #tpu.memory_space<semaphore_mem>>
    %dma_wait3A_560 = tpu.memref_squeeze %dma_wait3A_559 : memref<1x!tpu.dma_semaphore, #tpu.memory_space<semaphore_mem>> -> memref<!tpu.dma_semaphore, #tpu.memory_space<semaphore_mem>>
    %dma_wait3A_561 = arith.constant 0 : i32
    %dma_wait3A_562 = tpu.memref_slice %arg5[%add3A_464, %dma_wait3A_561] : memref<8192x2048xf32, #tpu.memory_space<hbm>> -> memref<16x2048xf32, #tpu.memory_space<hbm>>
    %dma_wait3A_563 = arith.constant 0 : i32
    %dma_wait3A_564 = arith.constant 0 : i32
    %dma_wait3A_565 = tpu.memref_slice %arg8[%dma_wait3A_551, %dma_wait3A_563, %dma_wait3A_564] : memref<3x16x2048xf32, #tpu.memory_space<vmem>> -> memref<1x16x2048xf32, #tpu.memory_space<vmem>>
    %dma_wait3A_566 = tpu.memref_squeeze %dma_wait3A_565 : memref<1x16x2048xf32, #tpu.memory_space<vmem>> -> memref<16x2048xf32, #tpu.memory_space<vmem>>
    tpu.wait_dma2 semaphore(%dma_wait3A_560 : memref<!tpu.dma_semaphore, #tpu.memory_space<semaphore_mem>>) src(%dma_wait3A_566 : memref<16x2048xf32, #tpu.memory_space<vmem>>) dst(%dma_wait3A_562 : memref<16x2048xf32, #tpu.memory_space<hbm>>)
    %dma_start3A_567 = arith.constant 9 : i32
    %dma_start3A_568 = arith.constant 0 : i32
    %dma_start3A_569 = arith.constant 0 : i32
    %dma_start3A_570 = arith.constant 0 : i32
    %dma_start3A_571 = arith.constant 0 : i32
    %dma_start3A_572 = tpu.memref_slice %arg8[%dma_start3A_568, %dma_start3A_570, %dma_start3A_571] : memref<3x16x2048xf32, #tpu.memory_space<vmem>> -> memref<1x16x2048xf32, #tpu.memory_space<vmem>>
    %dma_start3A_573 = tpu.memref_squeeze %dma_start3A_572 : memref<1x16x2048xf32, #tpu.memory_space<vmem>> -> memref<16x2048xf32, #tpu.memory_space<vmem>>
    %dma_start3A_574 = arith.constant 0 : i32
    %dma_start3A_575 = tpu.memref_slice %arg6[%dma_start3A_567, %dma_start3A_574] : memref<16x16xi32, #tpu.memory_space<vmem>> -> memref<1x16xi32, #tpu.memory_space<vmem>>
    %dma_start3A_576 = tpu.memref_squeeze %dma_start3A_575 : memref<1x16xi32, #tpu.memory_space<vmem>> -> memref<16xi32, #tpu.memory_space<vmem>>
    %dma_start3A_577 = arith.constant 0 : i32
    %dma_start3A_578 = arith.constant 0 : i32
    %dma_start3A_579 = tpu.memref_slice %arg2[%dma_start3A_577, %dma_start3A_578] : memref<100000x2048xf32, #tpu.memory_space<hbm>> -> memref<100000x2048xf32, #tpu.memory_space<hbm>>
    %dma_start3A_580 = tpu.memref_slice %arg9[%dma_start3A_569] : memref<3x!tpu.dma_semaphore, #tpu.memory_space<semaphore_mem>> -> memref<1x!tpu.dma_semaphore, #tpu.memory_space<semaphore_mem>>
    %dma_start3A_581 = tpu.memref_squeeze %dma_start3A_580 : memref<1x!tpu.dma_semaphore, #tpu.memory_space<semaphore_mem>> -> memref<!tpu.dma_semaphore, #tpu.memory_space<semaphore_mem>>
    tpu.enqueue_indirect_dma source(%dma_start3A_579 : memref<100000x2048xf32, #tpu.memory_space<hbm>>) target(%dma_start3A_573 : memref<16x2048xf32, #tpu.memory_space<vmem>>) offsets(%dma_start3A_576 : memref<16xi32, #tpu.memory_space<vmem>>) semaphore(%dma_start3A_581 : memref<!tpu.dma_semaphore, #tpu.memory_space<semaphore_mem>>)
    %dma_wait3A_582 = arith.constant 8 : i32
    %dma_wait3A_583 = arith.constant 2 : i32
    %dma_wait3A_584 = arith.constant 2 : i32
    %dma_wait3A_585 = arith.constant 0 : i32
    %dma_wait3A_586 = arith.constant 0 : i32
    %dma_wait3A_587 = tpu.memref_slice %arg8[%dma_wait3A_583, %dma_wait3A_585, %dma_wait3A_586] : memref<3x16x2048xf32, #tpu.memory_space<vmem>> -> memref<1x16x2048xf32, #tpu.memory_space<vmem>>
    %dma_wait3A_588 = tpu.memref_squeeze %dma_wait3A_587 : memref<1x16x2048xf32, #tpu.memory_space<vmem>> -> memref<16x2048xf32, #tpu.memory_space<vmem>>
    %dma_wait3A_589 = arith.constant 0 : i32
    %dma_wait3A_590 = tpu.memref_slice %arg6[%dma_wait3A_582, %dma_wait3A_589] : memref<16x16xi32, #tpu.memory_space<vmem>> -> memref<1x16xi32, #tpu.memory_space<vmem>>
    %dma_wait3A_591 = tpu.memref_squeeze %dma_wait3A_590 : memref<1x16xi32, #tpu.memory_space<vmem>> -> memref<16xi32, #tpu.memory_space<vmem>>
    %dma_wait3A_592 = arith.constant 0 : i32
    %dma_wait3A_593 = arith.constant 0 : i32
    %dma_wait3A_594 = tpu.memref_slice %arg2[%dma_wait3A_592, %dma_wait3A_593] : memref<100000x2048xf32, #tpu.memory_space<hbm>> -> memref<100000x2048xf32, #tpu.memory_space<hbm>>
    %dma_wait3A_595 = tpu.memref_slice %arg9[%dma_wait3A_584] : memref<3x!tpu.dma_semaphore, #tpu.memory_space<semaphore_mem>> -> memref<1x!tpu.dma_semaphore, #tpu.memory_space<semaphore_mem>>
    %dma_wait3A_596 = tpu.memref_squeeze %dma_wait3A_595 : memref<1x!tpu.dma_semaphore, #tpu.memory_space<semaphore_mem>> -> memref<!tpu.dma_semaphore, #tpu.memory_space<semaphore_mem>>
    tpu.wait_indirect_dma semaphore(%dma_wait3A_596 : memref<!tpu.dma_semaphore, #tpu.memory_space<semaphore_mem>>) src(%dma_wait3A_594 : memref<100000x2048xf32, #tpu.memory_space<hbm>>) dst(%dma_wait3A_588 : memref<16x2048xf32, #tpu.memory_space<vmem>>)
    %scan3A_597 = arith.constant 0 : i32
    %scan3A_598 = arith.constant 0 : i32
    %scan3A_599 = arith.constant 16 : i32
    %scan3A_600 = arith.addi %scan3A_598, %scan3A_599 : i32
    %scan3A_601 = arith.constant 1 : i32
    scf.for %scan3A_1128 = %scan3A_598 to %scan3A_600 step %scan3A_601  : i32 {
      %add3A_1129 = arith.constant 128 : i32
      %add3A_1130 = arith.addi %add3A_1129, %scan3A_1128 : i32
      %mul3A_1131 = arith.constant 16 : i32
      %mul3A_1132 = arith.muli %add3A_1130, %mul3A_1131 : i32
      %get3A = arith.index_cast %mul3A_1132 : i32 to index
      %get3A_1133 = tpu.vector_load %arg7[%get3A] {strides = array<i32>} : memref<4096xf32, #tpu.memory_space<vmem>>, vector<16xf32>,
      %get3A_1134 = vector.shape_cast %get3A_1133 : vector<16xf32> to vector<16xf32>
      %scan3A_1135 = arith.constant 0 : i32
      %scan3A_1136 = arith.constant 128 : i32
      %scan3A_1137 = arith.addi %scan3A_1135, %scan3A_1136 : i32
      %scan3A_1138 = arith.constant 8 : i32
      scf.for %scan3A_1140 = %scan3A_1135 to %scan3A_1137 step %scan3A_1138  : i32 {
        %mul3A_1141 = arith.constant 16 : i32
        %mul3A_1142 = arith.muli %scan3A_1140, %mul3A_1141 : i32
        %swap3A = arith.constant 2 : i32
        %swap3A_1143 = arith.index_cast %swap3A : i32 to index
        %swap3A_1144 = arith.index_cast %scan3A_1128 : i32 to index
        %swap3A_1145 = arith.index_cast %mul3A_1142 : i32 to index
        %swap3A_1146 = tpu.vector_load %arg8[%swap3A_1143, %swap3A_1144, %swap3A_1145] {strides = array<i32>} : memref<3x16x2048xf32, #tpu.memory_space<vmem>>, vector<1x1x16xf32>,
        %swap3A_1147 = vector.shape_cast %swap3A_1146 : vector<1x1x16xf32> to vector<16xf32>
        %swap3A_1148 = vector.shape_cast %get3A_1134 : vector<16xf32> to vector<1x1x16xf32>
        tpu.vector_store %arg8[%swap3A_1143, %swap3A_1144, %swap3A_1145], %swap3A_1148 {add = true, strides = array<i32>} : memref<3x16x2048xf32, #tpu.memory_space<vmem>>, vector<1x1x16xf32>,
        %scan3A_1149 = arith.constant 1 : i32
        %scan3A_1150 = arith.addi %scan3A_1140, %scan3A_1149 : i32
        %mul3A_1151 = arith.constant 16 : i32
        %mul3A_1152 = arith.muli %scan3A_1150, %mul3A_1151 : i32
        %swap3A_1153 = arith.constant 2 : i32
        %swap3A_1154 = arith.index_cast %swap3A_1153 : i32 to index
        %swap3A_1155 = arith.index_cast %scan3A_1128 : i32 to index
        %swap3A_1156 = arith.index_cast %mul3A_1152 : i32 to index
        %swap3A_1157 = tpu.vector_load %arg8[%swap3A_1154, %swap3A_1155, %swap3A_1156] {strides = array<i32>} : memref<3x16x2048xf32, #tpu.memory_space<vmem>>, vector<1x1x16xf32>,
        %swap3A_1158 = vector.shape_cast %swap3A_1157 : vector<1x1x16xf32> to vector<16xf32>
        %swap3A_1159 = vector.shape_cast %get3A_1134 : vector<16xf32> to vector<1x1x16xf32>
        tpu.vector_store %arg8[%swap3A_1154, %swap3A_1155, %swap3A_1156], %swap3A_1159 {add = true, strides = array<i32>} : memref<3x16x2048xf32, #tpu.memory_space<vmem>>, vector<1x1x16xf32>,
        %scan3A_1160 = arith.constant 2 : i32
        %scan3A_1161 = arith.addi %scan3A_1140, %scan3A_1160 : i32
        %mul3A_1162 = arith.constant 16 : i32
        %mul3A_1163 = arith.muli %scan3A_1161, %mul3A_1162 : i32
        %swap3A_1164 = arith.constant 2 : i32
        %swap3A_1165 = arith.index_cast %swap3A_1164 : i32 to index
        %swap3A_1166 = arith.index_cast %scan3A_1128 : i32 to index
        %swap3A_1167 = arith.index_cast %mul3A_1163 : i32 to index
        %swap3A_1168 = tpu.vector_load %arg8[%swap3A_1165, %swap3A_1166, %swap3A_1167] {strides = array<i32>} : memref<3x16x2048xf32, #tpu.memory_space<vmem>>, vector<1x1x16xf32>,
        %swap3A_1169 = vector.shape_cast %swap3A_1168 : vector<1x1x16xf32> to vector<16xf32>
        %swap3A_1170 = vector.shape_cast %get3A_1134 : vector<16xf32> to vector<1x1x16xf32>
        tpu.vector_store %arg8[%swap3A_1165, %swap3A_1166, %swap3A_1167], %swap3A_1170 {add = true, strides = array<i32>} : memref<3x16x2048xf32, #tpu.memory_space<vmem>>, vector<1x1x16xf32>,
        %scan3A_1171 = arith.constant 3 : i32
        %scan3A_1172 = arith.addi %scan3A_1140, %scan3A_1171 : i32
        %mul3A_1173 = arith.constant 16 : i32
        %mul3A_1174 = arith.muli %scan3A_1172, %mul3A_1173 : i32
        %swap3A_1175 = arith.constant 2 : i32
        %swap3A_1176 = arith.index_cast %swap3A_1175 : i32 to index
        %swap3A_1177 = arith.index_cast %scan3A_1128 : i32 to index
        %swap3A_1178 = arith.index_cast %mul3A_1174 : i32 to index
        %swap3A_1179 = tpu.vector_load %arg8[%swap3A_1176, %swap3A_1177, %swap3A_1178] {strides = array<i32>} : memref<3x16x2048xf32, #tpu.memory_space<vmem>>, vector<1x1x16xf32>,
        %swap3A_1180 = vector.shape_cast %swap3A_1179 : vector<1x1x16xf32> to vector<16xf32>
        %swap3A_1181 = vector.shape_cast %get3A_1134 : vector<16xf32> to vector<1x1x16xf32>
        tpu.vector_store %arg8[%swap3A_1176, %swap3A_1177, %swap3A_1178], %swap3A_1181 {add = true, strides = array<i32>} : memref<3x16x2048xf32, #tpu.memory_space<vmem>>, vector<1x1x16xf32>,
        %scan3A_1182 = arith.constant 4 : i32
        %scan3A_1183 = arith.addi %scan3A_1140, %scan3A_1182 : i32
        %mul3A_1184 = arith.constant 16 : i32
        %mul3A_1185 = arith.muli %scan3A_1183, %mul3A_1184 : i32
        %swap3A_1186 = arith.constant 2 : i32
        %swap3A_1187 = arith.index_cast %swap3A_1186 : i32 to index
        %swap3A_1188 = arith.index_cast %scan3A_1128 : i32 to index
        %swap3A_1189 = arith.index_cast %mul3A_1185 : i32 to index
        %swap3A_1190 = tpu.vector_load %arg8[%swap3A_1187, %swap3A_1188, %swap3A_1189] {strides = array<i32>} : memref<3x16x2048xf32, #tpu.memory_space<vmem>>, vector<1x1x16xf32>,
        %swap3A_1191 = vector.shape_cast %swap3A_1190 : vector<1x1x16xf32> to vector<16xf32>
        %swap3A_1192 = vector.shape_cast %get3A_1134 : vector<16xf32> to vector<1x1x16xf32>
        tpu.vector_store %arg8[%swap3A_1187, %swap3A_1188, %swap3A_1189], %swap3A_1192 {add = true, strides = array<i32>} : memref<3x16x2048xf32, #tpu.memory_space<vmem>>, vector<1x1x16xf32>,
        %scan3A_1193 = arith.constant 5 : i32
        %scan3A_1194 = arith.addi %scan3A_1140, %scan3A_1193 : i32
        %mul3A_1195 = arith.constant 16 : i32
        %mul3A_1196 = arith.muli %scan3A_1194, %mul3A_1195 : i32
        %swap3A_1197 = arith.constant 2 : i32
        %swap3A_1198 = arith.index_cast %swap3A_1197 : i32 to index
        %swap3A_1199 = arith.index_cast %scan3A_1128 : i32 to index
        %swap3A_1200 = arith.index_cast %mul3A_1196 : i32 to index
        %swap3A_1201 = tpu.vector_load %arg8[%swap3A_1198, %swap3A_1199, %swap3A_1200] {strides = array<i32>} : memref<3x16x2048xf32, #tpu.memory_space<vmem>>, vector<1x1x16xf32>,
        %swap3A_1202 = vector.shape_cast %swap3A_1201 : vector<1x1x16xf32> to vector<16xf32>
        %swap3A_1203 = vector.shape_cast %get3A_1134 : vector<16xf32> to vector<1x1x16xf32>
        tpu.vector_store %arg8[%swap3A_1198, %swap3A_1199, %swap3A_1200], %swap3A_1203 {add = true, strides = array<i32>} : memref<3x16x2048xf32, #tpu.memory_space<vmem>>, vector<1x1x16xf32>,
        %scan3A_1204 = arith.constant 6 : i32
        %scan3A_1205 = arith.addi %scan3A_1140, %scan3A_1204 : i32
        %mul3A_1206 = arith.constant 16 : i32
        %mul3A_1207 = arith.muli %scan3A_1205, %mul3A_1206 : i32
        %swap3A_1208 = arith.constant 2 : i32
        %swap3A_1209 = arith.index_cast %swap3A_1208 : i32 to index
        %swap3A_1210 = arith.index_cast %scan3A_1128 : i32 to index
        %swap3A_1211 = arith.index_cast %mul3A_1207 : i32 to index
        %swap3A_1212 = tpu.vector_load %arg8[%swap3A_1209, %swap3A_1210, %swap3A_1211] {strides = array<i32>} : memref<3x16x2048xf32, #tpu.memory_space<vmem>>, vector<1x1x16xf32>,
        %swap3A_1213 = vector.shape_cast %swap3A_1212 : vector<1x1x16xf32> to vector<16xf32>
        %swap3A_1214 = vector.shape_cast %get3A_1134 : vector<16xf32> to vector<1x1x16xf32>
        tpu.vector_store %arg8[%swap3A_1209, %swap3A_1210, %swap3A_1211], %swap3A_1214 {add = true, strides = array<i32>} : memref<3x16x2048xf32, #tpu.memory_space<vmem>>, vector<1x1x16xf32>,
        %scan3A_1215 = arith.constant 7 : i32
        %scan3A_1216 = arith.addi %scan3A_1140, %scan3A_1215 : i32
        %mul3A_1217 = arith.constant 16 : i32
        %mul3A_1218 = arith.muli %scan3A_1216, %mul3A_1217 : i32
        %swap3A_1219 = arith.constant 2 : i32
        %swap3A_1220 = arith.index_cast %swap3A_1219 : i32 to index
        %swap3A_1221 = arith.index_cast %scan3A_1128 : i32 to index
        %swap3A_1222 = arith.index_cast %mul3A_1218 : i32 to index
        %swap3A_1223 = tpu.vector_load %arg8[%swap3A_1220, %swap3A_1221, %swap3A_1222] {strides = array<i32>} : memref<3x16x2048xf32, #tpu.memory_space<vmem>>, vector<1x1x16xf32>,
        %swap3A_1224 = vector.shape_cast %swap3A_1223 : vector<1x1x16xf32> to vector<16xf32>
        %swap3A_1225 = vector.shape_cast %get3A_1134 : vector<16xf32> to vector<1x1x16xf32>
        tpu.vector_store %arg8[%swap3A_1220, %swap3A_1221, %swap3A_1222], %swap3A_1225 {add = true, strides = array<i32>} : memref<3x16x2048xf32, #tpu.memory_space<vmem>>, vector<1x1x16xf32>,
      }
      %scan3A_1139 = arith.constant 128 : i32
    }
    %scan3A_602 = arith.constant 16 : i32
    %add3A_603 = arith.constant 128 : i32
    %add3A_604 = arith.addi %mul3A_2, %add3A_603 : i32
    %dma_start3A_605 = arith.constant 2 : i32
    %dma_start3A_606 = arith.constant 2 : i32
    %dma_start3A_607 = arith.constant 0 : i32
    %dma_start3A_608 = arith.constant 0 : i32
    %dma_start3A_609 = tpu.memref_slice %arg8[%dma_start3A_605, %dma_start3A_607, %dma_start3A_608] : memref<3x16x2048xf32, #tpu.memory_space<vmem>> -> memref<1x16x2048xf32, #tpu.memory_space<vmem>>
    %dma_start3A_610 = tpu.memref_squeeze %dma_start3A_609 : memref<1x16x2048xf32, #tpu.memory_space<vmem>> -> memref<16x2048xf32, #tpu.memory_space<vmem>>
    %dma_start3A_611 = arith.constant 0 : i32
    %dma_start3A_612 = tpu.memref_slice %arg5[%add3A_604, %dma_start3A_611] : memref<8192x2048xf32, #tpu.memory_space<hbm>> -> memref<16x2048xf32, #tpu.memory_space<hbm>>
    %dma_start3A_613 = tpu.memref_slice %arg10[%dma_start3A_606] : memref<3x!tpu.dma_semaphore, #tpu.memory_space<semaphore_mem>> -> memref<1x!tpu.dma_semaphore, #tpu.memory_space<semaphore_mem>>
    %dma_start3A_614 = tpu.memref_squeeze %dma_start3A_613 : memref<1x!tpu.dma_semaphore, #tpu.memory_space<semaphore_mem>> -> memref<!tpu.dma_semaphore, #tpu.memory_space<semaphore_mem>>
    %dma_start3A_615 = arith.constant 0 : i32
    %dma_start3A_616 = tpu.memref_slice %arg5[%add3A_604, %dma_start3A_615] : memref<8192x2048xf32, #tpu.memory_space<hbm>> -> memref<16x2048xf32, #tpu.memory_space<hbm>>
    %dma_start3A_617 = arith.constant 0 : i32
    %dma_start3A_618 = arith.constant 0 : i32
    %dma_start3A_619 = tpu.memref_slice %arg8[%dma_start3A_605, %dma_start3A_617, %dma_start3A_618] : memref<3x16x2048xf32, #tpu.memory_space<vmem>> -> memref<1x16x2048xf32, #tpu.memory_space<vmem>>
    %dma_start3A_620 = tpu.memref_squeeze %dma_start3A_619 : memref<1x16x2048xf32, #tpu.memory_space<vmem>> -> memref<16x2048xf32, #tpu.memory_space<vmem>>
    tpu.enqueue_dma source(%dma_start3A_620 : memref<16x2048xf32, #tpu.memory_space<vmem>>) target(%dma_start3A_616 : memref<16x2048xf32, #tpu.memory_space<hbm>>) target_semaphore(%dma_start3A_614 : memref<!tpu.dma_semaphore, #tpu.memory_space<semaphore_mem>>)
    %dma_wait3A_621 = arith.constant 1 : i32
    %dma_wait3A_622 = arith.constant 1 : i32
    %dma_wait3A_623 = arith.constant 0 : i32
    %dma_wait3A_624 = arith.constant 0 : i32
    %dma_wait3A_625 = tpu.memref_slice %arg8[%dma_wait3A_621, %dma_wait3A_623, %dma_wait3A_624] : memref<3x16x2048xf32, #tpu.memory_space<vmem>> -> memref<1x16x2048xf32, #tpu.memory_space<vmem>>
    %dma_wait3A_626 = tpu.memref_squeeze %dma_wait3A_625 : memref<1x16x2048xf32, #tpu.memory_space<vmem>> -> memref<16x2048xf32, #tpu.memory_space<vmem>>
    %dma_wait3A_627 = arith.constant 0 : i32
    %dma_wait3A_628 = tpu.memref_slice %arg5[%add3A_534, %dma_wait3A_627] : memref<8192x2048xf32, #tpu.memory_space<hbm>> -> memref<16x2048xf32, #tpu.memory_space<hbm>>
    %dma_wait3A_629 = tpu.memref_slice %arg10[%dma_wait3A_622] : memref<3x!tpu.dma_semaphore, #tpu.memory_space<semaphore_mem>> -> memref<1x!tpu.dma_semaphore, #tpu.memory_space<semaphore_mem>>
    %dma_wait3A_630 = tpu.memref_squeeze %dma_wait3A_629 : memref<1x!tpu.dma_semaphore, #tpu.memory_space<semaphore_mem>> -> memref<!tpu.dma_semaphore, #tpu.memory_space<semaphore_mem>>
    %dma_wait3A_631 = arith.constant 0 : i32
    %dma_wait3A_632 = tpu.memref_slice %arg5[%add3A_534, %dma_wait3A_631] : memref<8192x2048xf32, #tpu.memory_space<hbm>> -> memref<16x2048xf32, #tpu.memory_space<hbm>>
    %dma_wait3A_633 = arith.constant 0 : i32
    %dma_wait3A_634 = arith.constant 0 : i32
    %dma_wait3A_635 = tpu.memref_slice %arg8[%dma_wait3A_621, %dma_wait3A_633, %dma_wait3A_634] : memref<3x16x2048xf32, #tpu.memory_space<vmem>> -> memref<1x16x2048xf32, #tpu.memory_space<vmem>>
    %dma_wait3A_636 = tpu.memref_squeeze %dma_wait3A_635 : memref<1x16x2048xf32, #tpu.memory_space<vmem>> -> memref<16x2048xf32, #tpu.memory_space<vmem>>
    tpu.wait_dma2 semaphore(%dma_wait3A_630 : memref<!tpu.dma_semaphore, #tpu.memory_space<semaphore_mem>>) src(%dma_wait3A_636 : memref<16x2048xf32, #tpu.memory_space<vmem>>) dst(%dma_wait3A_632 : memref<16x2048xf32, #tpu.memory_space<hbm>>)
    %dma_start3A_637 = arith.constant 10 : i32
    %dma_start3A_638 = arith.constant 1 : i32
    %dma_start3A_639 = arith.constant 1 : i32
    %dma_start3A_640 = arith.constant 0 : i32
    %dma_start3A_641 = arith.constant 0 : i32
    %dma_start3A_642 = tpu.memref_slice %arg8[%dma_start3A_638, %dma_start3A_640, %dma_start3A_641] : memref<3x16x2048xf32, #tpu.memory_space<vmem>> -> memref<1x16x2048xf32, #tpu.memory_space<vmem>>
    %dma_start3A_643 = tpu.memref_squeeze %dma_start3A_642 : memref<1x16x2048xf32, #tpu.memory_space<vmem>> -> memref<16x2048xf32, #tpu.memory_space<vmem>>
    %dma_start3A_644 = arith.constant 0 : i32
    %dma_start3A_645 = tpu.memref_slice %arg6[%dma_start3A_637, %dma_start3A_644] : memref<16x16xi32, #tpu.memory_space<vmem>> -> memref<1x16xi32, #tpu.memory_space<vmem>>
    %dma_start3A_646 = tpu.memref_squeeze %dma_start3A_645 : memref<1x16xi32, #tpu.memory_space<vmem>> -> memref<16xi32, #tpu.memory_space<vmem>>
    %dma_start3A_647 = arith.constant 0 : i32
    %dma_start3A_648 = arith.constant 0 : i32
    %dma_start3A_649 = tpu.memref_slice %arg2[%dma_start3A_647, %dma_start3A_648] : memref<100000x2048xf32, #tpu.memory_space<hbm>> -> memref<100000x2048xf32, #tpu.memory_space<hbm>>
    %dma_start3A_650 = tpu.memref_slice %arg9[%dma_start3A_639] : memref<3x!tpu.dma_semaphore, #tpu.memory_space<semaphore_mem>> -> memref<1x!tpu.dma_semaphore, #tpu.memory_space<semaphore_mem>>
    %dma_start3A_651 = tpu.memref_squeeze %dma_start3A_650 : memref<1x!tpu.dma_semaphore, #tpu.memory_space<semaphore_mem>> -> memref<!tpu.dma_semaphore, #tpu.memory_space<semaphore_mem>>
    tpu.enqueue_indirect_dma source(%dma_start3A_649 : memref<100000x2048xf32, #tpu.memory_space<hbm>>) target(%dma_start3A_643 : memref<16x2048xf32, #tpu.memory_space<vmem>>) offsets(%dma_start3A_646 : memref<16xi32, #tpu.memory_space<vmem>>) semaphore(%dma_start3A_651 : memref<!tpu.dma_semaphore, #tpu.memory_space<semaphore_mem>>)
    %dma_wait3A_652 = arith.constant 9 : i32
    %dma_wait3A_653 = arith.constant 0 : i32
    %dma_wait3A_654 = arith.constant 0 : i32
    %dma_wait3A_655 = arith.constant 0 : i32
    %dma_wait3A_656 = arith.constant 0 : i32
    %dma_wait3A_657 = tpu.memref_slice %arg8[%dma_wait3A_653, %dma_wait3A_655, %dma_wait3A_656] : memref<3x16x2048xf32, #tpu.memory_space<vmem>> -> memref<1x16x2048xf32, #tpu.memory_space<vmem>>
    %dma_wait3A_658 = tpu.memref_squeeze %dma_wait3A_657 : memref<1x16x2048xf32, #tpu.memory_space<vmem>> -> memref<16x2048xf32, #tpu.memory_space<vmem>>
    %dma_wait3A_659 = arith.constant 0 : i32
    %dma_wait3A_660 = tpu.memref_slice %arg6[%dma_wait3A_652, %dma_wait3A_659] : memref<16x16xi32, #tpu.memory_space<vmem>> -> memref<1x16xi32, #tpu.memory_space<vmem>>
    %dma_wait3A_661 = tpu.memref_squeeze %dma_wait3A_660 : memref<1x16xi32, #tpu.memory_space<vmem>> -> memref<16xi32, #tpu.memory_space<vmem>>
    %dma_wait3A_662 = arith.constant 0 : i32
    %dma_wait3A_663 = arith.constant 0 : i32
    %dma_wait3A_664 = tpu.memref_slice %arg2[%dma_wait3A_662, %dma_wait3A_663] : memref<100000x2048xf32, #tpu.memory_space<hbm>> -> memref<100000x2048xf32, #tpu.memory_space<hbm>>
    %dma_wait3A_665 = tpu.memref_slice %arg9[%dma_wait3A_654] : memref<3x!tpu.dma_semaphore, #tpu.memory_space<semaphore_mem>> -> memref<1x!tpu.dma_semaphore, #tpu.memory_space<semaphore_mem>>
    %dma_wait3A_666 = tpu.memref_squeeze %dma_wait3A_665 : memref<1x!tpu.dma_semaphore, #tpu.memory_space<semaphore_mem>> -> memref<!tpu.dma_semaphore, #tpu.memory_space<semaphore_mem>>
    tpu.wait_indirect_dma semaphore(%dma_wait3A_666 : memref<!tpu.dma_semaphore, #tpu.memory_space<semaphore_mem>>) src(%dma_wait3A_664 : memref<100000x2048xf32, #tpu.memory_space<hbm>>) dst(%dma_wait3A_658 : memref<16x2048xf32, #tpu.memory_space<vmem>>)
    %scan3A_667 = arith.constant 0 : i32
    %scan3A_668 = arith.constant 0 : i32
    %scan3A_669 = arith.constant 16 : i32
    %scan3A_670 = arith.addi %scan3A_668, %scan3A_669 : i32
    %scan3A_671 = arith.constant 1 : i32
    scf.for %scan3A_1128 = %scan3A_668 to %scan3A_670 step %scan3A_671  : i32 {
      %add3A_1129 = arith.constant 144 : i32
      %add3A_1130 = arith.addi %add3A_1129, %scan3A_1128 : i32
      %mul3A_1131 = arith.constant 16 : i32
      %mul3A_1132 = arith.muli %add3A_1130, %mul3A_1131 : i32
      %get3A = arith.index_cast %mul3A_1132 : i32 to index
      %get3A_1133 = tpu.vector_load %arg7[%get3A] {strides = array<i32>} : memref<4096xf32, #tpu.memory_space<vmem>>, vector<16xf32>,
      %get3A_1134 = vector.shape_cast %get3A_1133 : vector<16xf32> to vector<16xf32>
      %scan3A_1135 = arith.constant 0 : i32
      %scan3A_1136 = arith.constant 128 : i32
      %scan3A_1137 = arith.addi %scan3A_1135, %scan3A_1136 : i32
      %scan3A_1138 = arith.constant 8 : i32
      scf.for %scan3A_1140 = %scan3A_1135 to %scan3A_1137 step %scan3A_1138  : i32 {
        %mul3A_1141 = arith.constant 16 : i32
        %mul3A_1142 = arith.muli %scan3A_1140, %mul3A_1141 : i32
        %swap3A = arith.constant 0 : i32
        %swap3A_1143 = arith.index_cast %swap3A : i32 to index
        %swap3A_1144 = arith.index_cast %scan3A_1128 : i32 to index
        %swap3A_1145 = arith.index_cast %mul3A_1142 : i32 to index
        %swap3A_1146 = tpu.vector_load %arg8[%swap3A_1143, %swap3A_1144, %swap3A_1145] {strides = array<i32>} : memref<3x16x2048xf32, #tpu.memory_space<vmem>>, vector<1x1x16xf32>,
        %swap3A_1147 = vector.shape_cast %swap3A_1146 : vector<1x1x16xf32> to vector<16xf32>
        %swap3A_1148 = vector.shape_cast %get3A_1134 : vector<16xf32> to vector<1x1x16xf32>
        tpu.vector_store %arg8[%swap3A_1143, %swap3A_1144, %swap3A_1145], %swap3A_1148 {add = true, strides = array<i32>} : memref<3x16x2048xf32, #tpu.memory_space<vmem>>, vector<1x1x16xf32>,
        %scan3A_1149 = arith.constant 1 : i32
        %scan3A_1150 = arith.addi %scan3A_1140, %scan3A_1149 : i32
        %mul3A_1151 = arith.constant 16 : i32
        %mul3A_1152 = arith.muli %scan3A_1150, %mul3A_1151 : i32
        %swap3A_1153 = arith.constant 0 : i32
        %swap3A_1154 = arith.index_cast %swap3A_1153 : i32 to index
        %swap3A_1155 = arith.index_cast %scan3A_1128 : i32 to index
        %swap3A_1156 = arith.index_cast %mul3A_1152 : i32 to index
        %swap3A_1157 = tpu.vector_load %arg8[%swap3A_1154, %swap3A_1155, %swap3A_1156] {strides = array<i32>} : memref<3x16x2048xf32, #tpu.memory_space<vmem>>, vector<1x1x16xf32>,
        %swap3A_1158 = vector.shape_cast %swap3A_1157 : vector<1x1x16xf32> to vector<16xf32>
        %swap3A_1159 = vector.shape_cast %get3A_1134 : vector<16xf32> to vector<1x1x16xf32>
        tpu.vector_store %arg8[%swap3A_1154, %swap3A_1155, %swap3A_1156], %swap3A_1159 {add = true, strides = array<i32>} : memref<3x16x2048xf32, #tpu.memory_space<vmem>>, vector<1x1x16xf32>,
        %scan3A_1160 = arith.constant 2 : i32
        %scan3A_1161 = arith.addi %scan3A_1140, %scan3A_1160 : i32
        %mul3A_1162 = arith.constant 16 : i32
        %mul3A_1163 = arith.muli %scan3A_1161, %mul3A_1162 : i32
        %swap3A_1164 = arith.constant 0 : i32
        %swap3A_1165 = arith.index_cast %swap3A_1164 : i32 to index
        %swap3A_1166 = arith.index_cast %scan3A_1128 : i32 to index
        %swap3A_1167 = arith.index_cast %mul3A_1163 : i32 to index
        %swap3A_1168 = tpu.vector_load %arg8[%swap3A_1165, %swap3A_1166, %swap3A_1167] {strides = array<i32>} : memref<3x16x2048xf32, #tpu.memory_space<vmem>>, vector<1x1x16xf32>,
        %swap3A_1169 = vector.shape_cast %swap3A_1168 : vector<1x1x16xf32> to vector<16xf32>
        %swap3A_1170 = vector.shape_cast %get3A_1134 : vector<16xf32> to vector<1x1x16xf32>
        tpu.vector_store %arg8[%swap3A_1165, %swap3A_1166, %swap3A_1167], %swap3A_1170 {add = true, strides = array<i32>} : memref<3x16x2048xf32, #tpu.memory_space<vmem>>, vector<1x1x16xf32>,
        %scan3A_1171 = arith.constant 3 : i32
        %scan3A_1172 = arith.addi %scan3A_1140, %scan3A_1171 : i32
        %mul3A_1173 = arith.constant 16 : i32
        %mul3A_1174 = arith.muli %scan3A_1172, %mul3A_1173 : i32
        %swap3A_1175 = arith.constant 0 : i32
        %swap3A_1176 = arith.index_cast %swap3A_1175 : i32 to index
        %swap3A_1177 = arith.index_cast %scan3A_1128 : i32 to index
        %swap3A_1178 = arith.index_cast %mul3A_1174 : i32 to index
        %swap3A_1179 = tpu.vector_load %arg8[%swap3A_1176, %swap3A_1177, %swap3A_1178] {strides = array<i32>} : memref<3x16x2048xf32, #tpu.memory_space<vmem>>, vector<1x1x16xf32>,
        %swap3A_1180 = vector.shape_cast %swap3A_1179 : vector<1x1x16xf32> to vector<16xf32>
        %swap3A_1181 = vector.shape_cast %get3A_1134 : vector<16xf32> to vector<1x1x16xf32>
        tpu.vector_store %arg8[%swap3A_1176, %swap3A_1177, %swap3A_1178], %swap3A_1181 {add = true, strides = array<i32>} : memref<3x16x2048xf32, #tpu.memory_space<vmem>>, vector<1x1x16xf32>,
        %scan3A_1182 = arith.constant 4 : i32
        %scan3A_1183 = arith.addi %scan3A_1140, %scan3A_1182 : i32
        %mul3A_1184 = arith.constant 16 : i32
        %mul3A_1185 = arith.muli %scan3A_1183, %mul3A_1184 : i32
        %swap3A_1186 = arith.constant 0 : i32
        %swap3A_1187 = arith.index_cast %swap3A_1186 : i32 to index
        %swap3A_1188 = arith.index_cast %scan3A_1128 : i32 to index
        %swap3A_1189 = arith.index_cast %mul3A_1185 : i32 to index
        %swap3A_1190 = tpu.vector_load %arg8[%swap3A_1187, %swap3A_1188, %swap3A_1189] {strides = array<i32>} : memref<3x16x2048xf32, #tpu.memory_space<vmem>>, vector<1x1x16xf32>,
        %swap3A_1191 = vector.shape_cast %swap3A_1190 : vector<1x1x16xf32> to vector<16xf32>
        %swap3A_1192 = vector.shape_cast %get3A_1134 : vector<16xf32> to vector<1x1x16xf32>
        tpu.vector_store %arg8[%swap3A_1187, %swap3A_1188, %swap3A_1189], %swap3A_1192 {add = true, strides = array<i32>} : memref<3x16x2048xf32, #tpu.memory_space<vmem>>, vector<1x1x16xf32>,
        %scan3A_1193 = arith.constant 5 : i32
        %scan3A_1194 = arith.addi %scan3A_1140, %scan3A_1193 : i32
        %mul3A_1195 = arith.constant 16 : i32
        %mul3A_1196 = arith.muli %scan3A_1194, %mul3A_1195 : i32
        %swap3A_1197 = arith.constant 0 : i32
        %swap3A_1198 = arith.index_cast %swap3A_1197 : i32 to index
        %swap3A_1199 = arith.index_cast %scan3A_1128 : i32 to index
        %swap3A_1200 = arith.index_cast %mul3A_1196 : i32 to index
        %swap3A_1201 = tpu.vector_load %arg8[%swap3A_1198, %swap3A_1199, %swap3A_1200] {strides = array<i32>} : memref<3x16x2048xf32, #tpu.memory_space<vmem>>, vector<1x1x16xf32>,
        %swap3A_1202 = vector.shape_cast %swap3A_1201 : vector<1x1x16xf32> to vector<16xf32>
        %swap3A_1203 = vector.shape_cast %get3A_1134 : vector<16xf32> to vector<1x1x16xf32>
        tpu.vector_store %arg8[%swap3A_1198, %swap3A_1199, %swap3A_1200], %swap3A_1203 {add = true, strides = array<i32>} : memref<3x16x2048xf32, #tpu.memory_space<vmem>>, vector<1x1x16xf32>,
        %scan3A_1204 = arith.constant 6 : i32
        %scan3A_1205 = arith.addi %scan3A_1140, %scan3A_1204 : i32
        %mul3A_1206 = arith.constant 16 : i32
        %mul3A_1207 = arith.muli %scan3A_1205, %mul3A_1206 : i32
        %swap3A_1208 = arith.constant 0 : i32
        %swap3A_1209 = arith.index_cast %swap3A_1208 : i32 to index
        %swap3A_1210 = arith.index_cast %scan3A_1128 : i32 to index
        %swap3A_1211 = arith.index_cast %mul3A_1207 : i32 to index
        %swap3A_1212 = tpu.vector_load %arg8[%swap3A_1209, %swap3A_1210, %swap3A_1211] {strides = array<i32>} : memref<3x16x2048xf32, #tpu.memory_space<vmem>>, vector<1x1x16xf32>,
        %swap3A_1213 = vector.shape_cast %swap3A_1212 : vector<1x1x16xf32> to vector<16xf32>
        %swap3A_1214 = vector.shape_cast %get3A_1134 : vector<16xf32> to vector<1x1x16xf32>
        tpu.vector_store %arg8[%swap3A_1209, %swap3A_1210, %swap3A_1211], %swap3A_1214 {add = true, strides = array<i32>} : memref<3x16x2048xf32, #tpu.memory_space<vmem>>, vector<1x1x16xf32>,
        %scan3A_1215 = arith.constant 7 : i32
        %scan3A_1216 = arith.addi %scan3A_1140, %scan3A_1215 : i32
        %mul3A_1217 = arith.constant 16 : i32
        %mul3A_1218 = arith.muli %scan3A_1216, %mul3A_1217 : i32
        %swap3A_1219 = arith.constant 0 : i32
        %swap3A_1220 = arith.index_cast %swap3A_1219 : i32 to index
        %swap3A_1221 = arith.index_cast %scan3A_1128 : i32 to index
        %swap3A_1222 = arith.index_cast %mul3A_1218 : i32 to index
        %swap3A_1223 = tpu.vector_load %arg8[%swap3A_1220, %swap3A_1221, %swap3A_1222] {strides = array<i32>} : memref<3x16x2048xf32, #tpu.memory_space<vmem>>, vector<1x1x16xf32>,
        %swap3A_1224 = vector.shape_cast %swap3A_1223 : vector<1x1x16xf32> to vector<16xf32>
        %swap3A_1225 = vector.shape_cast %get3A_1134 : vector<16xf32> to vector<1x1x16xf32>
        tpu.vector_store %arg8[%swap3A_1220, %swap3A_1221, %swap3A_1222], %swap3A_1225 {add = true, strides = array<i32>} : memref<3x16x2048xf32, #tpu.memory_space<vmem>>, vector<1x1x16xf32>,
      }
      %scan3A_1139 = arith.constant 128 : i32
    }
    %scan3A_672 = arith.constant 16 : i32
    %add3A_673 = arith.constant 144 : i32
    %add3A_674 = arith.addi %mul3A_2, %add3A_673 : i32
    %dma_start3A_675 = arith.constant 0 : i32
    %dma_start3A_676 = arith.constant 0 : i32
    %dma_start3A_677 = arith.constant 0 : i32
    %dma_start3A_678 = arith.constant 0 : i32
    %dma_start3A_679 = tpu.memref_slice %arg8[%dma_start3A_675, %dma_start3A_677, %dma_start3A_678] : memref<3x16x2048xf32, #tpu.memory_space<vmem>> -> memref<1x16x2048xf32, #tpu.memory_space<vmem>>
    %dma_start3A_680 = tpu.memref_squeeze %dma_start3A_679 : memref<1x16x2048xf32, #tpu.memory_space<vmem>> -> memref<16x2048xf32, #tpu.memory_space<vmem>>
    %dma_start3A_681 = arith.constant 0 : i32
    %dma_start3A_682 = tpu.memref_slice %arg5[%add3A_674, %dma_start3A_681] : memref<8192x2048xf32, #tpu.memory_space<hbm>> -> memref<16x2048xf32, #tpu.memory_space<hbm>>
    %dma_start3A_683 = tpu.memref_slice %arg10[%dma_start3A_676] : memref<3x!tpu.dma_semaphore, #tpu.memory_space<semaphore_mem>> -> memref<1x!tpu.dma_semaphore, #tpu.memory_space<semaphore_mem>>
    %dma_start3A_684 = tpu.memref_squeeze %dma_start3A_683 : memref<1x!tpu.dma_semaphore, #tpu.memory_space<semaphore_mem>> -> memref<!tpu.dma_semaphore, #tpu.memory_space<semaphore_mem>>
    %dma_start3A_685 = arith.constant 0 : i32
    %dma_start3A_686 = tpu.memref_slice %arg5[%add3A_674, %dma_start3A_685] : memref<8192x2048xf32, #tpu.memory_space<hbm>> -> memref<16x2048xf32, #tpu.memory_space<hbm>>
    %dma_start3A_687 = arith.constant 0 : i32
    %dma_start3A_688 = arith.constant 0 : i32
    %dma_start3A_689 = tpu.memref_slice %arg8[%dma_start3A_675, %dma_start3A_687, %dma_start3A_688] : memref<3x16x2048xf32, #tpu.memory_space<vmem>> -> memref<1x16x2048xf32, #tpu.memory_space<vmem>>
    %dma_start3A_690 = tpu.memref_squeeze %dma_start3A_689 : memref<1x16x2048xf32, #tpu.memory_space<vmem>> -> memref<16x2048xf32, #tpu.memory_space<vmem>>
    tpu.enqueue_dma source(%dma_start3A_690 : memref<16x2048xf32, #tpu.memory_space<vmem>>) target(%dma_start3A_686 : memref<16x2048xf32, #tpu.memory_space<hbm>>) target_semaphore(%dma_start3A_684 : memref<!tpu.dma_semaphore, #tpu.memory_space<semaphore_mem>>)
    %dma_wait3A_691 = arith.constant 2 : i32
    %dma_wait3A_692 = arith.constant 2 : i32
    %dma_wait3A_693 = arith.constant 0 : i32
    %dma_wait3A_694 = arith.constant 0 : i32
    %dma_wait3A_695 = tpu.memref_slice %arg8[%dma_wait3A_691, %dma_wait3A_693, %dma_wait3A_694] : memref<3x16x2048xf32, #tpu.memory_space<vmem>> -> memref<1x16x2048xf32, #tpu.memory_space<vmem>>
    %dma_wait3A_696 = tpu.memref_squeeze %dma_wait3A_695 : memref<1x16x2048xf32, #tpu.memory_space<vmem>> -> memref<16x2048xf32, #tpu.memory_space<vmem>>
    %dma_wait3A_697 = arith.constant 0 : i32
    %dma_wait3A_698 = tpu.memref_slice %arg5[%add3A_604, %dma_wait3A_697] : memref<8192x2048xf32, #tpu.memory_space<hbm>> -> memref<16x2048xf32, #tpu.memory_space<hbm>>
    %dma_wait3A_699 = tpu.memref_slice %arg10[%dma_wait3A_692] : memref<3x!tpu.dma_semaphore, #tpu.memory_space<semaphore_mem>> -> memref<1x!tpu.dma_semaphore, #tpu.memory_space<semaphore_mem>>
    %dma_wait3A_700 = tpu.memref_squeeze %dma_wait3A_699 : memref<1x!tpu.dma_semaphore, #tpu.memory_space<semaphore_mem>> -> memref<!tpu.dma_semaphore, #tpu.memory_space<semaphore_mem>>
    %dma_wait3A_701 = arith.constant 0 : i32
    %dma_wait3A_702 = tpu.memref_slice %arg5[%add3A_604, %dma_wait3A_701] : memref<8192x2048xf32, #tpu.memory_space<hbm>> -> memref<16x2048xf32, #tpu.memory_space<hbm>>
    %dma_wait3A_703 = arith.constant 0 : i32
    %dma_wait3A_704 = arith.constant 0 : i32
    %dma_wait3A_705 = tpu.memref_slice %arg8[%dma_wait3A_691, %dma_wait3A_703, %dma_wait3A_704] : memref<3x16x2048xf32, #tpu.memory_space<vmem>> -> memref<1x16x2048xf32, #tpu.memory_space<vmem>>
    %dma_wait3A_706 = tpu.memref_squeeze %dma_wait3A_705 : memref<1x16x2048xf32, #tpu.memory_space<vmem>> -> memref<16x2048xf32, #tpu.memory_space<vmem>>
    tpu.wait_dma2 semaphore(%dma_wait3A_700 : memref<!tpu.dma_semaphore, #tpu.memory_space<semaphore_mem>>) src(%dma_wait3A_706 : memref<16x2048xf32, #tpu.memory_space<vmem>>) dst(%dma_wait3A_702 : memref<16x2048xf32, #tpu.memory_space<hbm>>)
    %dma_start3A_707 = arith.constant 11 : i32
    %dma_start3A_708 = arith.constant 2 : i32
    %dma_start3A_709 = arith.constant 2 : i32
    %dma_start3A_710 = arith.constant 0 : i32
    %dma_start3A_711 = arith.constant 0 : i32
    %dma_start3A_712 = tpu.memref_slice %arg8[%dma_start3A_708, %dma_start3A_710, %dma_start3A_711] : memref<3x16x2048xf32, #tpu.memory_space<vmem>> -> memref<1x16x2048xf32, #tpu.memory_space<vmem>>
    %dma_start3A_713 = tpu.memref_squeeze %dma_start3A_712 : memref<1x16x2048xf32, #tpu.memory_space<vmem>> -> memref<16x2048xf32, #tpu.memory_space<vmem>>
    %dma_start3A_714 = arith.constant 0 : i32
    %dma_start3A_715 = tpu.memref_slice %arg6[%dma_start3A_707, %dma_start3A_714] : memref<16x16xi32, #tpu.memory_space<vmem>> -> memref<1x16xi32, #tpu.memory_space<vmem>>
    %dma_start3A_716 = tpu.memref_squeeze %dma_start3A_715 : memref<1x16xi32, #tpu.memory_space<vmem>> -> memref<16xi32, #tpu.memory_space<vmem>>
    %dma_start3A_717 = arith.constant 0 : i32
    %dma_start3A_718 = arith.constant 0 : i32
    %dma_start3A_719 = tpu.memref_slice %arg2[%dma_start3A_717, %dma_start3A_718] : memref<100000x2048xf32, #tpu.memory_space<hbm>> -> memref<100000x2048xf32, #tpu.memory_space<hbm>>
    %dma_start3A_720 = tpu.memref_slice %arg9[%dma_start3A_709] : memref<3x!tpu.dma_semaphore, #tpu.memory_space<semaphore_mem>> -> memref<1x!tpu.dma_semaphore, #tpu.memory_space<semaphore_mem>>
    %dma_start3A_721 = tpu.memref_squeeze %dma_start3A_720 : memref<1x!tpu.dma_semaphore, #tpu.memory_space<semaphore_mem>> -> memref<!tpu.dma_semaphore, #tpu.memory_space<semaphore_mem>>
    tpu.enqueue_indirect_dma source(%dma_start3A_719 : memref<100000x2048xf32, #tpu.memory_space<hbm>>) target(%dma_start3A_713 : memref<16x2048xf32, #tpu.memory_space<vmem>>) offsets(%dma_start3A_716 : memref<16xi32, #tpu.memory_space<vmem>>) semaphore(%dma_start3A_721 : memref<!tpu.dma_semaphore, #tpu.memory_space<semaphore_mem>>)
    %dma_wait3A_722 = arith.constant 10 : i32
    %dma_wait3A_723 = arith.constant 1 : i32
    %dma_wait3A_724 = arith.constant 1 : i32
    %dma_wait3A_725 = arith.constant 0 : i32
    %dma_wait3A_726 = arith.constant 0 : i32
    %dma_wait3A_727 = tpu.memref_slice %arg8[%dma_wait3A_723, %dma_wait3A_725, %dma_wait3A_726] : memref<3x16x2048xf32, #tpu.memory_space<vmem>> -> memref<1x16x2048xf32, #tpu.memory_space<vmem>>
    %dma_wait3A_728 = tpu.memref_squeeze %dma_wait3A_727 : memref<1x16x2048xf32, #tpu.memory_space<vmem>> -> memref<16x2048xf32, #tpu.memory_space<vmem>>
    %dma_wait3A_729 = arith.constant 0 : i32
    %dma_wait3A_730 = tpu.memref_slice %arg6[%dma_wait3A_722, %dma_wait3A_729] : memref<16x16xi32, #tpu.memory_space<vmem>> -> memref<1x16xi32, #tpu.memory_space<vmem>>
    %dma_wait3A_731 = tpu.memref_squeeze %dma_wait3A_730 : memref<1x16xi32, #tpu.memory_space<vmem>> -> memref<16xi32, #tpu.memory_space<vmem>>
    %dma_wait3A_732 = arith.constant 0 : i32
    %dma_wait3A_733 = arith.constant 0 : i32
    %dma_wait3A_734 = tpu.memref_slice %arg2[%dma_wait3A_732, %dma_wait3A_733] : memref<100000x2048xf32, #tpu.memory_space<hbm>> -> memref<100000x2048xf32, #tpu.memory_space<hbm>>
    %dma_wait3A_735 = tpu.memref_slice %arg9[%dma_wait3A_724] : memref<3x!tpu.dma_semaphore, #tpu.memory_space<semaphore_mem>> -> memref<1x!tpu.dma_semaphore, #tpu.memory_space<semaphore_mem>>
    %dma_wait3A_736 = tpu.memref_squeeze %dma_wait3A_735 : memref<1x!tpu.dma_semaphore, #tpu.memory_space<semaphore_mem>> -> memref<!tpu.dma_semaphore, #tpu.memory_space<semaphore_mem>>
    tpu.wait_indirect_dma semaphore(%dma_wait3A_736 : memref<!tpu.dma_semaphore, #tpu.memory_space<semaphore_mem>>) src(%dma_wait3A_734 : memref<100000x2048xf32, #tpu.memory_space<hbm>>) dst(%dma_wait3A_728 : memref<16x2048xf32, #tpu.memory_space<vmem>>)
    %scan3A_737 = arith.constant 0 : i32
    %scan3A_738 = arith.constant 0 : i32
    %scan3A_739 = arith.constant 16 : i32
    %scan3A_740 = arith.addi %scan3A_738, %scan3A_739 : i32
    %scan3A_741 = arith.constant 1 : i32
    scf.for %scan3A_1128 = %scan3A_738 to %scan3A_740 step %scan3A_741  : i32 {
      %add3A_1129 = arith.constant 160 : i32
      %add3A_1130 = arith.addi %add3A_1129, %scan3A_1128 : i32
      %mul3A_1131 = arith.constant 16 : i32
      %mul3A_1132 = arith.muli %add3A_1130, %mul3A_1131 : i32
      %get3A = arith.index_cast %mul3A_1132 : i32 to index
      %get3A_1133 = tpu.vector_load %arg7[%get3A] {strides = array<i32>} : memref<4096xf32, #tpu.memory_space<vmem>>, vector<16xf32>,
      %get3A_1134 = vector.shape_cast %get3A_1133 : vector<16xf32> to vector<16xf32>
      %scan3A_1135 = arith.constant 0 : i32
      %scan3A_1136 = arith.constant 128 : i32
      %scan3A_1137 = arith.addi %scan3A_1135, %scan3A_1136 : i32
      %scan3A_1138 = arith.constant 8 : i32
      scf.for %scan3A_1140 = %scan3A_1135 to %scan3A_1137 step %scan3A_1138  : i32 {
        %mul3A_1141 = arith.constant 16 : i32
        %mul3A_1142 = arith.muli %scan3A_1140, %mul3A_1141 : i32
        %swap3A = arith.constant 1 : i32
        %swap3A_1143 = arith.index_cast %swap3A : i32 to index
        %swap3A_1144 = arith.index_cast %scan3A_1128 : i32 to index
        %swap3A_1145 = arith.index_cast %mul3A_1142 : i32 to index
        %swap3A_1146 = tpu.vector_load %arg8[%swap3A_1143, %swap3A_1144, %swap3A_1145] {strides = array<i32>} : memref<3x16x2048xf32, #tpu.memory_space<vmem>>, vector<1x1x16xf32>,
        %swap3A_1147 = vector.shape_cast %swap3A_1146 : vector<1x1x16xf32> to vector<16xf32>
        %swap3A_1148 = vector.shape_cast %get3A_1134 : vector<16xf32> to vector<1x1x16xf32>
        tpu.vector_store %arg8[%swap3A_1143, %swap3A_1144, %swap3A_1145], %swap3A_1148 {add = true, strides = array<i32>} : memref<3x16x2048xf32, #tpu.memory_space<vmem>>, vector<1x1x16xf32>,
        %scan3A_1149 = arith.constant 1 : i32
        %scan3A_1150 = arith.addi %scan3A_1140, %scan3A_1149 : i32
        %mul3A_1151 = arith.constant 16 : i32
        %mul3A_1152 = arith.muli %scan3A_1150, %mul3A_1151 : i32
        %swap3A_1153 = arith.constant 1 : i32
        %swap3A_1154 = arith.index_cast %swap3A_1153 : i32 to index
        %swap3A_1155 = arith.index_cast %scan3A_1128 : i32 to index
        %swap3A_1156 = arith.index_cast %mul3A_1152 : i32 to index
        %swap3A_1157 = tpu.vector_load %arg8[%swap3A_1154, %swap3A_1155, %swap3A_1156] {strides = array<i32>} : memref<3x16x2048xf32, #tpu.memory_space<vmem>>, vector<1x1x16xf32>,
        %swap3A_1158 = vector.shape_cast %swap3A_1157 : vector<1x1x16xf32> to vector<16xf32>
        %swap3A_1159 = vector.shape_cast %get3A_1134 : vector<16xf32> to vector<1x1x16xf32>
        tpu.vector_store %arg8[%swap3A_1154, %swap3A_1155, %swap3A_1156], %swap3A_1159 {add = true, strides = array<i32>} : memref<3x16x2048xf32, #tpu.memory_space<vmem>>, vector<1x1x16xf32>,
        %scan3A_1160 = arith.constant 2 : i32
        %scan3A_1161 = arith.addi %scan3A_1140, %scan3A_1160 : i32
        %mul3A_1162 = arith.constant 16 : i32
        %mul3A_1163 = arith.muli %scan3A_1161, %mul3A_1162 : i32
        %swap3A_1164 = arith.constant 1 : i32
        %swap3A_1165 = arith.index_cast %swap3A_1164 : i32 to index
        %swap3A_1166 = arith.index_cast %scan3A_1128 : i32 to index
        %swap3A_1167 = arith.index_cast %mul3A_1163 : i32 to index
        %swap3A_1168 = tpu.vector_load %arg8[%swap3A_1165, %swap3A_1166, %swap3A_1167] {strides = array<i32>} : memref<3x16x2048xf32, #tpu.memory_space<vmem>>, vector<1x1x16xf32>,
        %swap3A_1169 = vector.shape_cast %swap3A_1168 : vector<1x1x16xf32> to vector<16xf32>
        %swap3A_1170 = vector.shape_cast %get3A_1134 : vector<16xf32> to vector<1x1x16xf32>
        tpu.vector_store %arg8[%swap3A_1165, %swap3A_1166, %swap3A_1167], %swap3A_1170 {add = true, strides = array<i32>} : memref<3x16x2048xf32, #tpu.memory_space<vmem>>, vector<1x1x16xf32>,
        %scan3A_1171 = arith.constant 3 : i32
        %scan3A_1172 = arith.addi %scan3A_1140, %scan3A_1171 : i32
        %mul3A_1173 = arith.constant 16 : i32
        %mul3A_1174 = arith.muli %scan3A_1172, %mul3A_1173 : i32
        %swap3A_1175 = arith.constant 1 : i32
        %swap3A_1176 = arith.index_cast %swap3A_1175 : i32 to index
        %swap3A_1177 = arith.index_cast %scan3A_1128 : i32 to index
        %swap3A_1178 = arith.index_cast %mul3A_1174 : i32 to index
        %swap3A_1179 = tpu.vector_load %arg8[%swap3A_1176, %swap3A_1177, %swap3A_1178] {strides = array<i32>} : memref<3x16x2048xf32, #tpu.memory_space<vmem>>, vector<1x1x16xf32>,
        %swap3A_1180 = vector.shape_cast %swap3A_1179 : vector<1x1x16xf32> to vector<16xf32>
        %swap3A_1181 = vector.shape_cast %get3A_1134 : vector<16xf32> to vector<1x1x16xf32>
        tpu.vector_store %arg8[%swap3A_1176, %swap3A_1177, %swap3A_1178], %swap3A_1181 {add = true, strides = array<i32>} : memref<3x16x2048xf32, #tpu.memory_space<vmem>>, vector<1x1x16xf32>,
        %scan3A_1182 = arith.constant 4 : i32
        %scan3A_1183 = arith.addi %scan3A_1140, %scan3A_1182 : i32
        %mul3A_1184 = arith.constant 16 : i32
        %mul3A_1185 = arith.muli %scan3A_1183, %mul3A_1184 : i32
        %swap3A_1186 = arith.constant 1 : i32
        %swap3A_1187 = arith.index_cast %swap3A_1186 : i32 to index
        %swap3A_1188 = arith.index_cast %scan3A_1128 : i32 to index
        %swap3A_1189 = arith.index_cast %mul3A_1185 : i32 to index
        %swap3A_1190 = tpu.vector_load %arg8[%swap3A_1187, %swap3A_1188, %swap3A_1189] {strides = array<i32>} : memref<3x16x2048xf32, #tpu.memory_space<vmem>>, vector<1x1x16xf32>,
        %swap3A_1191 = vector.shape_cast %swap3A_1190 : vector<1x1x16xf32> to vector<16xf32>
        %swap3A_1192 = vector.shape_cast %get3A_1134 : vector<16xf32> to vector<1x1x16xf32>
        tpu.vector_store %arg8[%swap3A_1187, %swap3A_1188, %swap3A_1189], %swap3A_1192 {add = true, strides = array<i32>} : memref<3x16x2048xf32, #tpu.memory_space<vmem>>, vector<1x1x16xf32>,
        %scan3A_1193 = arith.constant 5 : i32
        %scan3A_1194 = arith.addi %scan3A_1140, %scan3A_1193 : i32
        %mul3A_1195 = arith.constant 16 : i32
        %mul3A_1196 = arith.muli %scan3A_1194, %mul3A_1195 : i32
        %swap3A_1197 = arith.constant 1 : i32
        %swap3A_1198 = arith.index_cast %swap3A_1197 : i32 to index
        %swap3A_1199 = arith.index_cast %scan3A_1128 : i32 to index
        %swap3A_1200 = arith.index_cast %mul3A_1196 : i32 to index
        %swap3A_1201 = tpu.vector_load %arg8[%swap3A_1198, %swap3A_1199, %swap3A_1200] {strides = array<i32>} : memref<3x16x2048xf32, #tpu.memory_space<vmem>>, vector<1x1x16xf32>,
        %swap3A_1202 = vector.shape_cast %swap3A_1201 : vector<1x1x16xf32> to vector<16xf32>
        %swap3A_1203 = vector.shape_cast %get3A_1134 : vector<16xf32> to vector<1x1x16xf32>
        tpu.vector_store %arg8[%swap3A_1198, %swap3A_1199, %swap3A_1200], %swap3A_1203 {add = true, strides = array<i32>} : memref<3x16x2048xf32, #tpu.memory_space<vmem>>, vector<1x1x16xf32>,
        %scan3A_1204 = arith.constant 6 : i32
        %scan3A_1205 = arith.addi %scan3A_1140, %scan3A_1204 : i32
        %mul3A_1206 = arith.constant 16 : i32
        %mul3A_1207 = arith.muli %scan3A_1205, %mul3A_1206 : i32
        %swap3A_1208 = arith.constant 1 : i32
        %swap3A_1209 = arith.index_cast %swap3A_1208 : i32 to index
        %swap3A_1210 = arith.index_cast %scan3A_1128 : i32 to index
        %swap3A_1211 = arith.index_cast %mul3A_1207 : i32 to index
        %swap3A_1212 = tpu.vector_load %arg8[%swap3A_1209, %swap3A_1210, %swap3A_1211] {strides = array<i32>} : memref<3x16x2048xf32, #tpu.memory_space<vmem>>, vector<1x1x16xf32>,
        %swap3A_1213 = vector.shape_cast %swap3A_1212 : vector<1x1x16xf32> to vector<16xf32>
        %swap3A_1214 = vector.shape_cast %get3A_1134 : vector<16xf32> to vector<1x1x16xf32>
        tpu.vector_store %arg8[%swap3A_1209, %swap3A_1210, %swap3A_1211], %swap3A_1214 {add = true, strides = array<i32>} : memref<3x16x2048xf32, #tpu.memory_space<vmem>>, vector<1x1x16xf32>,
        %scan3A_1215 = arith.constant 7 : i32
        %scan3A_1216 = arith.addi %scan3A_1140, %scan3A_1215 : i32
        %mul3A_1217 = arith.constant 16 : i32
        %mul3A_1218 = arith.muli %scan3A_1216, %mul3A_1217 : i32
        %swap3A_1219 = arith.constant 1 : i32
        %swap3A_1220 = arith.index_cast %swap3A_1219 : i32 to index
        %swap3A_1221 = arith.index_cast %scan3A_1128 : i32 to index
        %swap3A_1222 = arith.index_cast %mul3A_1218 : i32 to index
        %swap3A_1223 = tpu.vector_load %arg8[%swap3A_1220, %swap3A_1221, %swap3A_1222] {strides = array<i32>} : memref<3x16x2048xf32, #tpu.memory_space<vmem>>, vector<1x1x16xf32>,
        %swap3A_1224 = vector.shape_cast %swap3A_1223 : vector<1x1x16xf32> to vector<16xf32>
        %swap3A_1225 = vector.shape_cast %get3A_1134 : vector<16xf32> to vector<1x1x16xf32>
        tpu.vector_store %arg8[%swap3A_1220, %swap3A_1221, %swap3A_1222], %swap3A_1225 {add = true, strides = array<i32>} : memref<3x16x2048xf32, #tpu.memory_space<vmem>>, vector<1x1x16xf32>,
      }
      %scan3A_1139 = arith.constant 128 : i32
    }
    %scan3A_742 = arith.constant 16 : i32
    %add3A_743 = arith.constant 160 : i32
    %add3A_744 = arith.addi %mul3A_2, %add3A_743 : i32
    %dma_start3A_745 = arith.constant 1 : i32
    %dma_start3A_746 = arith.constant 1 : i32
    %dma_start3A_747 = arith.constant 0 : i32
    %dma_start3A_748 = arith.constant 0 : i32
    %dma_start3A_749 = tpu.memref_slice %arg8[%dma_start3A_745, %dma_start3A_747, %dma_start3A_748] : memref<3x16x2048xf32, #tpu.memory_space<vmem>> -> memref<1x16x2048xf32, #tpu.memory_space<vmem>>
    %dma_start3A_750 = tpu.memref_squeeze %dma_start3A_749 : memref<1x16x2048xf32, #tpu.memory_space<vmem>> -> memref<16x2048xf32, #tpu.memory_space<vmem>>
    %dma_start3A_751 = arith.constant 0 : i32
    %dma_start3A_752 = tpu.memref_slice %arg5[%add3A_744, %dma_start3A_751] : memref<8192x2048xf32, #tpu.memory_space<hbm>> -> memref<16x2048xf32, #tpu.memory_space<hbm>>
    %dma_start3A_753 = tpu.memref_slice %arg10[%dma_start3A_746] : memref<3x!tpu.dma_semaphore, #tpu.memory_space<semaphore_mem>> -> memref<1x!tpu.dma_semaphore, #tpu.memory_space<semaphore_mem>>
    %dma_start3A_754 = tpu.memref_squeeze %dma_start3A_753 : memref<1x!tpu.dma_semaphore, #tpu.memory_space<semaphore_mem>> -> memref<!tpu.dma_semaphore, #tpu.memory_space<semaphore_mem>>
    %dma_start3A_755 = arith.constant 0 : i32
    %dma_start3A_756 = tpu.memref_slice %arg5[%add3A_744, %dma_start3A_755] : memref<8192x2048xf32, #tpu.memory_space<hbm>> -> memref<16x2048xf32, #tpu.memory_space<hbm>>
    %dma_start3A_757 = arith.constant 0 : i32
    %dma_start3A_758 = arith.constant 0 : i32
    %dma_start3A_759 = tpu.memref_slice %arg8[%dma_start3A_745, %dma_start3A_757, %dma_start3A_758] : memref<3x16x2048xf32, #tpu.memory_space<vmem>> -> memref<1x16x2048xf32, #tpu.memory_space<vmem>>
    %dma_start3A_760 = tpu.memref_squeeze %dma_start3A_759 : memref<1x16x2048xf32, #tpu.memory_space<vmem>> -> memref<16x2048xf32, #tpu.memory_space<vmem>>
    tpu.enqueue_dma source(%dma_start3A_760 : memref<16x2048xf32, #tpu.memory_space<vmem>>) target(%dma_start3A_756 : memref<16x2048xf32, #tpu.memory_space<hbm>>) target_semaphore(%dma_start3A_754 : memref<!tpu.dma_semaphore, #tpu.memory_space<semaphore_mem>>)
    %dma_wait3A_761 = arith.constant 0 : i32
    %dma_wait3A_762 = arith.constant 0 : i32
    %dma_wait3A_763 = arith.constant 0 : i32
    %dma_wait3A_764 = arith.constant 0 : i32
    %dma_wait3A_765 = tpu.memref_slice %arg8[%dma_wait3A_761, %dma_wait3A_763, %dma_wait3A_764] : memref<3x16x2048xf32, #tpu.memory_space<vmem>> -> memref<1x16x2048xf32, #tpu.memory_space<vmem>>
    %dma_wait3A_766 = tpu.memref_squeeze %dma_wait3A_765 : memref<1x16x2048xf32, #tpu.memory_space<vmem>> -> memref<16x2048xf32, #tpu.memory_space<vmem>>
    %dma_wait3A_767 = arith.constant 0 : i32
    %dma_wait3A_768 = tpu.memref_slice %arg5[%add3A_674, %dma_wait3A_767] : memref<8192x2048xf32, #tpu.memory_space<hbm>> -> memref<16x2048xf32, #tpu.memory_space<hbm>>
    %dma_wait3A_769 = tpu.memref_slice %arg10[%dma_wait3A_762] : memref<3x!tpu.dma_semaphore, #tpu.memory_space<semaphore_mem>> -> memref<1x!tpu.dma_semaphore, #tpu.memory_space<semaphore_mem>>
    %dma_wait3A_770 = tpu.memref_squeeze %dma_wait3A_769 : memref<1x!tpu.dma_semaphore, #tpu.memory_space<semaphore_mem>> -> memref<!tpu.dma_semaphore, #tpu.memory_space<semaphore_mem>>
    %dma_wait3A_771 = arith.constant 0 : i32
    %dma_wait3A_772 = tpu.memref_slice %arg5[%add3A_674, %dma_wait3A_771] : memref<8192x2048xf32, #tpu.memory_space<hbm>> -> memref<16x2048xf32, #tpu.memory_space<hbm>>
    %dma_wait3A_773 = arith.constant 0 : i32
    %dma_wait3A_774 = arith.constant 0 : i32
    %dma_wait3A_775 = tpu.memref_slice %arg8[%dma_wait3A_761, %dma_wait3A_773, %dma_wait3A_774] : memref<3x16x2048xf32, #tpu.memory_space<vmem>> -> memref<1x16x2048xf32, #tpu.memory_space<vmem>>
    %dma_wait3A_776 = tpu.memref_squeeze %dma_wait3A_775 : memref<1x16x2048xf32, #tpu.memory_space<vmem>> -> memref<16x2048xf32, #tpu.memory_space<vmem>>
    tpu.wait_dma2 semaphore(%dma_wait3A_770 : memref<!tpu.dma_semaphore, #tpu.memory_space<semaphore_mem>>) src(%dma_wait3A_776 : memref<16x2048xf32, #tpu.memory_space<vmem>>) dst(%dma_wait3A_772 : memref<16x2048xf32, #tpu.memory_space<hbm>>)
    %dma_start3A_777 = arith.constant 12 : i32
    %dma_start3A_778 = arith.constant 0 : i32
    %dma_start3A_779 = arith.constant 0 : i32
    %dma_start3A_780 = arith.constant 0 : i32
    %dma_start3A_781 = arith.constant 0 : i32
    %dma_start3A_782 = tpu.memref_slice %arg8[%dma_start3A_778, %dma_start3A_780, %dma_start3A_781] : memref<3x16x2048xf32, #tpu.memory_space<vmem>> -> memref<1x16x2048xf32, #tpu.memory_space<vmem>>
    %dma_start3A_783 = tpu.memref_squeeze %dma_start3A_782 : memref<1x16x2048xf32, #tpu.memory_space<vmem>> -> memref<16x2048xf32, #tpu.memory_space<vmem>>
    %dma_start3A_784 = arith.constant 0 : i32
    %dma_start3A_785 = tpu.memref_slice %arg6[%dma_start3A_777, %dma_start3A_784] : memref<16x16xi32, #tpu.memory_space<vmem>> -> memref<1x16xi32, #tpu.memory_space<vmem>>
    %dma_start3A_786 = tpu.memref_squeeze %dma_start3A_785 : memref<1x16xi32, #tpu.memory_space<vmem>> -> memref<16xi32, #tpu.memory_space<vmem>>
    %dma_start3A_787 = arith.constant 0 : i32
    %dma_start3A_788 = arith.constant 0 : i32
    %dma_start3A_789 = tpu.memref_slice %arg2[%dma_start3A_787, %dma_start3A_788] : memref<100000x2048xf32, #tpu.memory_space<hbm>> -> memref<100000x2048xf32, #tpu.memory_space<hbm>>
    %dma_start3A_790 = tpu.memref_slice %arg9[%dma_start3A_779] : memref<3x!tpu.dma_semaphore, #tpu.memory_space<semaphore_mem>> -> memref<1x!tpu.dma_semaphore, #tpu.memory_space<semaphore_mem>>
    %dma_start3A_791 = tpu.memref_squeeze %dma_start3A_790 : memref<1x!tpu.dma_semaphore, #tpu.memory_space<semaphore_mem>> -> memref<!tpu.dma_semaphore, #tpu.memory_space<semaphore_mem>>
    tpu.enqueue_indirect_dma source(%dma_start3A_789 : memref<100000x2048xf32, #tpu.memory_space<hbm>>) target(%dma_start3A_783 : memref<16x2048xf32, #tpu.memory_space<vmem>>) offsets(%dma_start3A_786 : memref<16xi32, #tpu.memory_space<vmem>>) semaphore(%dma_start3A_791 : memref<!tpu.dma_semaphore, #tpu.memory_space<semaphore_mem>>)
    %dma_wait3A_792 = arith.constant 11 : i32
    %dma_wait3A_793 = arith.constant 2 : i32
    %dma_wait3A_794 = arith.constant 2 : i32
    %dma_wait3A_795 = arith.constant 0 : i32
    %dma_wait3A_796 = arith.constant 0 : i32
    %dma_wait3A_797 = tpu.memref_slice %arg8[%dma_wait3A_793, %dma_wait3A_795, %dma_wait3A_796] : memref<3x16x2048xf32, #tpu.memory_space<vmem>> -> memref<1x16x2048xf32, #tpu.memory_space<vmem>>
    %dma_wait3A_798 = tpu.memref_squeeze %dma_wait3A_797 : memref<1x16x2048xf32, #tpu.memory_space<vmem>> -> memref<16x2048xf32, #tpu.memory_space<vmem>>
    %dma_wait3A_799 = arith.constant 0 : i32
    %dma_wait3A_800 = tpu.memref_slice %arg6[%dma_wait3A_792, %dma_wait3A_799] : memref<16x16xi32, #tpu.memory_space<vmem>> -> memref<1x16xi32, #tpu.memory_space<vmem>>
    %dma_wait3A_801 = tpu.memref_squeeze %dma_wait3A_800 : memref<1x16xi32, #tpu.memory_space<vmem>> -> memref<16xi32, #tpu.memory_space<vmem>>
    %dma_wait3A_802 = arith.constant 0 : i32
    %dma_wait3A_803 = arith.constant 0 : i32
    %dma_wait3A_804 = tpu.memref_slice %arg2[%dma_wait3A_802, %dma_wait3A_803] : memref<100000x2048xf32, #tpu.memory_space<hbm>> -> memref<100000x2048xf32, #tpu.memory_space<hbm>>
    %dma_wait3A_805 = tpu.memref_slice %arg9[%dma_wait3A_794] : memref<3x!tpu.dma_semaphore, #tpu.memory_space<semaphore_mem>> -> memref<1x!tpu.dma_semaphore, #tpu.memory_space<semaphore_mem>>
    %dma_wait3A_806 = tpu.memref_squeeze %dma_wait3A_805 : memref<1x!tpu.dma_semaphore, #tpu.memory_space<semaphore_mem>> -> memref<!tpu.dma_semaphore, #tpu.memory_space<semaphore_mem>>
    tpu.wait_indirect_dma semaphore(%dma_wait3A_806 : memref<!tpu.dma_semaphore, #tpu.memory_space<semaphore_mem>>) src(%dma_wait3A_804 : memref<100000x2048xf32, #tpu.memory_space<hbm>>) dst(%dma_wait3A_798 : memref<16x2048xf32, #tpu.memory_space<vmem>>)
    %scan3A_807 = arith.constant 0 : i32
    %scan3A_808 = arith.constant 0 : i32
    %scan3A_809 = arith.constant 16 : i32
    %scan3A_810 = arith.addi %scan3A_808, %scan3A_809 : i32
    %scan3A_811 = arith.constant 1 : i32
    scf.for %scan3A_1128 = %scan3A_808 to %scan3A_810 step %scan3A_811  : i32 {
      %add3A_1129 = arith.constant 176 : i32
      %add3A_1130 = arith.addi %add3A_1129, %scan3A_1128 : i32
      %mul3A_1131 = arith.constant 16 : i32
      %mul3A_1132 = arith.muli %add3A_1130, %mul3A_1131 : i32
      %get3A = arith.index_cast %mul3A_1132 : i32 to index
      %get3A_1133 = tpu.vector_load %arg7[%get3A] {strides = array<i32>} : memref<4096xf32, #tpu.memory_space<vmem>>, vector<16xf32>,
      %get3A_1134 = vector.shape_cast %get3A_1133 : vector<16xf32> to vector<16xf32>
      %scan3A_1135 = arith.constant 0 : i32
      %scan3A_1136 = arith.constant 128 : i32
      %scan3A_1137 = arith.addi %scan3A_1135, %scan3A_1136 : i32
      %scan3A_1138 = arith.constant 8 : i32
      scf.for %scan3A_1140 = %scan3A_1135 to %scan3A_1137 step %scan3A_1138  : i32 {
        %mul3A_1141 = arith.constant 16 : i32
        %mul3A_1142 = arith.muli %scan3A_1140, %mul3A_1141 : i32
        %swap3A = arith.constant 2 : i32
        %swap3A_1143 = arith.index_cast %swap3A : i32 to index
        %swap3A_1144 = arith.index_cast %scan3A_1128 : i32 to index
        %swap3A_1145 = arith.index_cast %mul3A_1142 : i32 to index
        %swap3A_1146 = tpu.vector_load %arg8[%swap3A_1143, %swap3A_1144, %swap3A_1145] {strides = array<i32>} : memref<3x16x2048xf32, #tpu.memory_space<vmem>>, vector<1x1x16xf32>,
        %swap3A_1147 = vector.shape_cast %swap3A_1146 : vector<1x1x16xf32> to vector<16xf32>
        %swap3A_1148 = vector.shape_cast %get3A_1134 : vector<16xf32> to vector<1x1x16xf32>
        tpu.vector_store %arg8[%swap3A_1143, %swap3A_1144, %swap3A_1145], %swap3A_1148 {add = true, strides = array<i32>} : memref<3x16x2048xf32, #tpu.memory_space<vmem>>, vector<1x1x16xf32>,
        %scan3A_1149 = arith.constant 1 : i32
        %scan3A_1150 = arith.addi %scan3A_1140, %scan3A_1149 : i32
        %mul3A_1151 = arith.constant 16 : i32
        %mul3A_1152 = arith.muli %scan3A_1150, %mul3A_1151 : i32
        %swap3A_1153 = arith.constant 2 : i32
        %swap3A_1154 = arith.index_cast %swap3A_1153 : i32 to index
        %swap3A_1155 = arith.index_cast %scan3A_1128 : i32 to index
        %swap3A_1156 = arith.index_cast %mul3A_1152 : i32 to index
        %swap3A_1157 = tpu.vector_load %arg8[%swap3A_1154, %swap3A_1155, %swap3A_1156] {strides = array<i32>} : memref<3x16x2048xf32, #tpu.memory_space<vmem>>, vector<1x1x16xf32>,
        %swap3A_1158 = vector.shape_cast %swap3A_1157 : vector<1x1x16xf32> to vector<16xf32>
        %swap3A_1159 = vector.shape_cast %get3A_1134 : vector<16xf32> to vector<1x1x16xf32>
        tpu.vector_store %arg8[%swap3A_1154, %swap3A_1155, %swap3A_1156], %swap3A_1159 {add = true, strides = array<i32>} : memref<3x16x2048xf32, #tpu.memory_space<vmem>>, vector<1x1x16xf32>,
        %scan3A_1160 = arith.constant 2 : i32
        %scan3A_1161 = arith.addi %scan3A_1140, %scan3A_1160 : i32
        %mul3A_1162 = arith.constant 16 : i32
        %mul3A_1163 = arith.muli %scan3A_1161, %mul3A_1162 : i32
        %swap3A_1164 = arith.constant 2 : i32
        %swap3A_1165 = arith.index_cast %swap3A_1164 : i32 to index
        %swap3A_1166 = arith.index_cast %scan3A_1128 : i32 to index
        %swap3A_1167 = arith.index_cast %mul3A_1163 : i32 to index
        %swap3A_1168 = tpu.vector_load %arg8[%swap3A_1165, %swap3A_1166, %swap3A_1167] {strides = array<i32>} : memref<3x16x2048xf32, #tpu.memory_space<vmem>>, vector<1x1x16xf32>,
        %swap3A_1169 = vector.shape_cast %swap3A_1168 : vector<1x1x16xf32> to vector<16xf32>
        %swap3A_1170 = vector.shape_cast %get3A_1134 : vector<16xf32> to vector<1x1x16xf32>
        tpu.vector_store %arg8[%swap3A_1165, %swap3A_1166, %swap3A_1167], %swap3A_1170 {add = true, strides = array<i32>} : memref<3x16x2048xf32, #tpu.memory_space<vmem>>, vector<1x1x16xf32>,
        %scan3A_1171 = arith.constant 3 : i32
        %scan3A_1172 = arith.addi %scan3A_1140, %scan3A_1171 : i32
        %mul3A_1173 = arith.constant 16 : i32
        %mul3A_1174 = arith.muli %scan3A_1172, %mul3A_1173 : i32
        %swap3A_1175 = arith.constant 2 : i32
        %swap3A_1176 = arith.index_cast %swap3A_1175 : i32 to index
        %swap3A_1177 = arith.index_cast %scan3A_1128 : i32 to index
        %swap3A_1178 = arith.index_cast %mul3A_1174 : i32 to index
        %swap3A_1179 = tpu.vector_load %arg8[%swap3A_1176, %swap3A_1177, %swap3A_1178] {strides = array<i32>} : memref<3x16x2048xf32, #tpu.memory_space<vmem>>, vector<1x1x16xf32>,
        %swap3A_1180 = vector.shape_cast %swap3A_1179 : vector<1x1x16xf32> to vector<16xf32>
        %swap3A_1181 = vector.shape_cast %get3A_1134 : vector<16xf32> to vector<1x1x16xf32>
        tpu.vector_store %arg8[%swap3A_1176, %swap3A_1177, %swap3A_1178], %swap3A_1181 {add = true, strides = array<i32>} : memref<3x16x2048xf32, #tpu.memory_space<vmem>>, vector<1x1x16xf32>,
        %scan3A_1182 = arith.constant 4 : i32
        %scan3A_1183 = arith.addi %scan3A_1140, %scan3A_1182 : i32
        %mul3A_1184 = arith.constant 16 : i32
        %mul3A_1185 = arith.muli %scan3A_1183, %mul3A_1184 : i32
        %swap3A_1186 = arith.constant 2 : i32
        %swap3A_1187 = arith.index_cast %swap3A_1186 : i32 to index
        %swap3A_1188 = arith.index_cast %scan3A_1128 : i32 to index
        %swap3A_1189 = arith.index_cast %mul3A_1185 : i32 to index
        %swap3A_1190 = tpu.vector_load %arg8[%swap3A_1187, %swap3A_1188, %swap3A_1189] {strides = array<i32>} : memref<3x16x2048xf32, #tpu.memory_space<vmem>>, vector<1x1x16xf32>,
        %swap3A_1191 = vector.shape_cast %swap3A_1190 : vector<1x1x16xf32> to vector<16xf32>
        %swap3A_1192 = vector.shape_cast %get3A_1134 : vector<16xf32> to vector<1x1x16xf32>
        tpu.vector_store %arg8[%swap3A_1187, %swap3A_1188, %swap3A_1189], %swap3A_1192 {add = true, strides = array<i32>} : memref<3x16x2048xf32, #tpu.memory_space<vmem>>, vector<1x1x16xf32>,
        %scan3A_1193 = arith.constant 5 : i32
        %scan3A_1194 = arith.addi %scan3A_1140, %scan3A_1193 : i32
        %mul3A_1195 = arith.constant 16 : i32
        %mul3A_1196 = arith.muli %scan3A_1194, %mul3A_1195 : i32
        %swap3A_1197 = arith.constant 2 : i32
        %swap3A_1198 = arith.index_cast %swap3A_1197 : i32 to index
        %swap3A_1199 = arith.index_cast %scan3A_1128 : i32 to index
        %swap3A_1200 = arith.index_cast %mul3A_1196 : i32 to index
        %swap3A_1201 = tpu.vector_load %arg8[%swap3A_1198, %swap3A_1199, %swap3A_1200] {strides = array<i32>} : memref<3x16x2048xf32, #tpu.memory_space<vmem>>, vector<1x1x16xf32>,
        %swap3A_1202 = vector.shape_cast %swap3A_1201 : vector<1x1x16xf32> to vector<16xf32>
        %swap3A_1203 = vector.shape_cast %get3A_1134 : vector<16xf32> to vector<1x1x16xf32>
        tpu.vector_store %arg8[%swap3A_1198, %swap3A_1199, %swap3A_1200], %swap3A_1203 {add = true, strides = array<i32>} : memref<3x16x2048xf32, #tpu.memory_space<vmem>>, vector<1x1x16xf32>,
        %scan3A_1204 = arith.constant 6 : i32
        %scan3A_1205 = arith.addi %scan3A_1140, %scan3A_1204 : i32
        %mul3A_1206 = arith.constant 16 : i32
        %mul3A_1207 = arith.muli %scan3A_1205, %mul3A_1206 : i32
        %swap3A_1208 = arith.constant 2 : i32
        %swap3A_1209 = arith.index_cast %swap3A_1208 : i32 to index
        %swap3A_1210 = arith.index_cast %scan3A_1128 : i32 to index
        %swap3A_1211 = arith.index_cast %mul3A_1207 : i32 to index
        %swap3A_1212 = tpu.vector_load %arg8[%swap3A_1209, %swap3A_1210, %swap3A_1211] {strides = array<i32>} : memref<3x16x2048xf32, #tpu.memory_space<vmem>>, vector<1x1x16xf32>,
        %swap3A_1213 = vector.shape_cast %swap3A_1212 : vector<1x1x16xf32> to vector<16xf32>
        %swap3A_1214 = vector.shape_cast %get3A_1134 : vector<16xf32> to vector<1x1x16xf32>
        tpu.vector_store %arg8[%swap3A_1209, %swap3A_1210, %swap3A_1211], %swap3A_1214 {add = true, strides = array<i32>} : memref<3x16x2048xf32, #tpu.memory_space<vmem>>, vector<1x1x16xf32>,
        %scan3A_1215 = arith.constant 7 : i32
        %scan3A_1216 = arith.addi %scan3A_1140, %scan3A_1215 : i32
        %mul3A_1217 = arith.constant 16 : i32
        %mul3A_1218 = arith.muli %scan3A_1216, %mul3A_1217 : i32
        %swap3A_1219 = arith.constant 2 : i32
        %swap3A_1220 = arith.index_cast %swap3A_1219 : i32 to index
        %swap3A_1221 = arith.index_cast %scan3A_1128 : i32 to index
        %swap3A_1222 = arith.index_cast %mul3A_1218 : i32 to index
        %swap3A_1223 = tpu.vector_load %arg8[%swap3A_1220, %swap3A_1221, %swap3A_1222] {strides = array<i32>} : memref<3x16x2048xf32, #tpu.memory_space<vmem>>, vector<1x1x16xf32>,
        %swap3A_1224 = vector.shape_cast %swap3A_1223 : vector<1x1x16xf32> to vector<16xf32>
        %swap3A_1225 = vector.shape_cast %get3A_1134 : vector<16xf32> to vector<1x1x16xf32>
        tpu.vector_store %arg8[%swap3A_1220, %swap3A_1221, %swap3A_1222], %swap3A_1225 {add = true, strides = array<i32>} : memref<3x16x2048xf32, #tpu.memory_space<vmem>>, vector<1x1x16xf32>,
      }
      %scan3A_1139 = arith.constant 128 : i32
    }
    %scan3A_812 = arith.constant 16 : i32
    %add3A_813 = arith.constant 176 : i32
    %add3A_814 = arith.addi %mul3A_2, %add3A_813 : i32
    %dma_start3A_815 = arith.constant 2 : i32
    %dma_start3A_816 = arith.constant 2 : i32
    %dma_start3A_817 = arith.constant 0 : i32
    %dma_start3A_818 = arith.constant 0 : i32
    %dma_start3A_819 = tpu.memref_slice %arg8[%dma_start3A_815, %dma_start3A_817, %dma_start3A_818] : memref<3x16x2048xf32, #tpu.memory_space<vmem>> -> memref<1x16x2048xf32, #tpu.memory_space<vmem>>
    %dma_start3A_820 = tpu.memref_squeeze %dma_start3A_819 : memref<1x16x2048xf32, #tpu.memory_space<vmem>> -> memref<16x2048xf32, #tpu.memory_space<vmem>>
    %dma_start3A_821 = arith.constant 0 : i32
    %dma_start3A_822 = tpu.memref_slice %arg5[%add3A_814, %dma_start3A_821] : memref<8192x2048xf32, #tpu.memory_space<hbm>> -> memref<16x2048xf32, #tpu.memory_space<hbm>>
    %dma_start3A_823 = tpu.memref_slice %arg10[%dma_start3A_816] : memref<3x!tpu.dma_semaphore, #tpu.memory_space<semaphore_mem>> -> memref<1x!tpu.dma_semaphore, #tpu.memory_space<semaphore_mem>>
    %dma_start3A_824 = tpu.memref_squeeze %dma_start3A_823 : memref<1x!tpu.dma_semaphore, #tpu.memory_space<semaphore_mem>> -> memref<!tpu.dma_semaphore, #tpu.memory_space<semaphore_mem>>
    %dma_start3A_825 = arith.constant 0 : i32
    %dma_start3A_826 = tpu.memref_slice %arg5[%add3A_814, %dma_start3A_825] : memref<8192x2048xf32, #tpu.memory_space<hbm>> -> memref<16x2048xf32, #tpu.memory_space<hbm>>
    %dma_start3A_827 = arith.constant 0 : i32
    %dma_start3A_828 = arith.constant 0 : i32
    %dma_start3A_829 = tpu.memref_slice %arg8[%dma_start3A_815, %dma_start3A_827, %dma_start3A_828] : memref<3x16x2048xf32, #tpu.memory_space<vmem>> -> memref<1x16x2048xf32, #tpu.memory_space<vmem>>
    %dma_start3A_830 = tpu.memref_squeeze %dma_start3A_829 : memref<1x16x2048xf32, #tpu.memory_space<vmem>> -> memref<16x2048xf32, #tpu.memory_space<vmem>>
    tpu.enqueue_dma source(%dma_start3A_830 : memref<16x2048xf32, #tpu.memory_space<vmem>>) target(%dma_start3A_826 : memref<16x2048xf32, #tpu.memory_space<hbm>>) target_semaphore(%dma_start3A_824 : memref<!tpu.dma_semaphore, #tpu.memory_space<semaphore_mem>>)
    %dma_wait3A_831 = arith.constant 1 : i32
    %dma_wait3A_832 = arith.constant 1 : i32
    %dma_wait3A_833 = arith.constant 0 : i32
    %dma_wait3A_834 = arith.constant 0 : i32
    %dma_wait3A_835 = tpu.memref_slice %arg8[%dma_wait3A_831, %dma_wait3A_833, %dma_wait3A_834] : memref<3x16x2048xf32, #tpu.memory_space<vmem>> -> memref<1x16x2048xf32, #tpu.memory_space<vmem>>
    %dma_wait3A_836 = tpu.memref_squeeze %dma_wait3A_835 : memref<1x16x2048xf32, #tpu.memory_space<vmem>> -> memref<16x2048xf32, #tpu.memory_space<vmem>>
    %dma_wait3A_837 = arith.constant 0 : i32
    %dma_wait3A_838 = tpu.memref_slice %arg5[%add3A_744, %dma_wait3A_837] : memref<8192x2048xf32, #tpu.memory_space<hbm>> -> memref<16x2048xf32, #tpu.memory_space<hbm>>
    %dma_wait3A_839 = tpu.memref_slice %arg10[%dma_wait3A_832] : memref<3x!tpu.dma_semaphore, #tpu.memory_space<semaphore_mem>> -> memref<1x!tpu.dma_semaphore, #tpu.memory_space<semaphore_mem>>
    %dma_wait3A_840 = tpu.memref_squeeze %dma_wait3A_839 : memref<1x!tpu.dma_semaphore, #tpu.memory_space<semaphore_mem>> -> memref<!tpu.dma_semaphore, #tpu.memory_space<semaphore_mem>>
    %dma_wait3A_841 = arith.constant 0 : i32
    %dma_wait3A_842 = tpu.memref_slice %arg5[%add3A_744, %dma_wait3A_841] : memref<8192x2048xf32, #tpu.memory_space<hbm>> -> memref<16x2048xf32, #tpu.memory_space<hbm>>
    %dma_wait3A_843 = arith.constant 0 : i32
    %dma_wait3A_844 = arith.constant 0 : i32
    %dma_wait3A_845 = tpu.memref_slice %arg8[%dma_wait3A_831, %dma_wait3A_843, %dma_wait3A_844] : memref<3x16x2048xf32, #tpu.memory_space<vmem>> -> memref<1x16x2048xf32, #tpu.memory_space<vmem>>
    %dma_wait3A_846 = tpu.memref_squeeze %dma_wait3A_845 : memref<1x16x2048xf32, #tpu.memory_space<vmem>> -> memref<16x2048xf32, #tpu.memory_space<vmem>>
    tpu.wait_dma2 semaphore(%dma_wait3A_840 : memref<!tpu.dma_semaphore, #tpu.memory_space<semaphore_mem>>) src(%dma_wait3A_846 : memref<16x2048xf32, #tpu.memory_space<vmem>>) dst(%dma_wait3A_842 : memref<16x2048xf32, #tpu.memory_space<hbm>>)
    %dma_start3A_847 = arith.constant 13 : i32
    %dma_start3A_848 = arith.constant 1 : i32
    %dma_start3A_849 = arith.constant 1 : i32
    %dma_start3A_850 = arith.constant 0 : i32
    %dma_start3A_851 = arith.constant 0 : i32
    %dma_start3A_852 = tpu.memref_slice %arg8[%dma_start3A_848, %dma_start3A_850, %dma_start3A_851] : memref<3x16x2048xf32, #tpu.memory_space<vmem>> -> memref<1x16x2048xf32, #tpu.memory_space<vmem>>
    %dma_start3A_853 = tpu.memref_squeeze %dma_start3A_852 : memref<1x16x2048xf32, #tpu.memory_space<vmem>> -> memref<16x2048xf32, #tpu.memory_space<vmem>>
    %dma_start3A_854 = arith.constant 0 : i32
    %dma_start3A_855 = tpu.memref_slice %arg6[%dma_start3A_847, %dma_start3A_854] : memref<16x16xi32, #tpu.memory_space<vmem>> -> memref<1x16xi32, #tpu.memory_space<vmem>>
    %dma_start3A_856 = tpu.memref_squeeze %dma_start3A_855 : memref<1x16xi32, #tpu.memory_space<vmem>> -> memref<16xi32, #tpu.memory_space<vmem>>
    %dma_start3A_857 = arith.constant 0 : i32
    %dma_start3A_858 = arith.constant 0 : i32
    %dma_start3A_859 = tpu.memref_slice %arg2[%dma_start3A_857, %dma_start3A_858] : memref<100000x2048xf32, #tpu.memory_space<hbm>> -> memref<100000x2048xf32, #tpu.memory_space<hbm>>
    %dma_start3A_860 = tpu.memref_slice %arg9[%dma_start3A_849] : memref<3x!tpu.dma_semaphore, #tpu.memory_space<semaphore_mem>> -> memref<1x!tpu.dma_semaphore, #tpu.memory_space<semaphore_mem>>
    %dma_start3A_861 = tpu.memref_squeeze %dma_start3A_860 : memref<1x!tpu.dma_semaphore, #tpu.memory_space<semaphore_mem>> -> memref<!tpu.dma_semaphore, #tpu.memory_space<semaphore_mem>>
    tpu.enqueue_indirect_dma source(%dma_start3A_859 : memref<100000x2048xf32, #tpu.memory_space<hbm>>) target(%dma_start3A_853 : memref<16x2048xf32, #tpu.memory_space<vmem>>) offsets(%dma_start3A_856 : memref<16xi32, #tpu.memory_space<vmem>>) semaphore(%dma_start3A_861 : memref<!tpu.dma_semaphore, #tpu.memory_space<semaphore_mem>>)
    %dma_wait3A_862 = arith.constant 12 : i32
    %dma_wait3A_863 = arith.constant 0 : i32
    %dma_wait3A_864 = arith.constant 0 : i32
    %dma_wait3A_865 = arith.constant 0 : i32
    %dma_wait3A_866 = arith.constant 0 : i32
    %dma_wait3A_867 = tpu.memref_slice %arg8[%dma_wait3A_863, %dma_wait3A_865, %dma_wait3A_866] : memref<3x16x2048xf32, #tpu.memory_space<vmem>> -> memref<1x16x2048xf32, #tpu.memory_space<vmem>>
    %dma_wait3A_868 = tpu.memref_squeeze %dma_wait3A_867 : memref<1x16x2048xf32, #tpu.memory_space<vmem>> -> memref<16x2048xf32, #tpu.memory_space<vmem>>
    %dma_wait3A_869 = arith.constant 0 : i32
    %dma_wait3A_870 = tpu.memref_slice %arg6[%dma_wait3A_862, %dma_wait3A_869] : memref<16x16xi32, #tpu.memory_space<vmem>> -> memref<1x16xi32, #tpu.memory_space<vmem>>
    %dma_wait3A_871 = tpu.memref_squeeze %dma_wait3A_870 : memref<1x16xi32, #tpu.memory_space<vmem>> -> memref<16xi32, #tpu.memory_space<vmem>>
    %dma_wait3A_872 = arith.constant 0 : i32
    %dma_wait3A_873 = arith.constant 0 : i32
    %dma_wait3A_874 = tpu.memref_slice %arg2[%dma_wait3A_872, %dma_wait3A_873] : memref<100000x2048xf32, #tpu.memory_space<hbm>> -> memref<100000x2048xf32, #tpu.memory_space<hbm>>
    %dma_wait3A_875 = tpu.memref_slice %arg9[%dma_wait3A_864] : memref<3x!tpu.dma_semaphore, #tpu.memory_space<semaphore_mem>> -> memref<1x!tpu.dma_semaphore, #tpu.memory_space<semaphore_mem>>
    %dma_wait3A_876 = tpu.memref_squeeze %dma_wait3A_875 : memref<1x!tpu.dma_semaphore, #tpu.memory_space<semaphore_mem>> -> memref<!tpu.dma_semaphore, #tpu.memory_space<semaphore_mem>>
    tpu.wait_indirect_dma semaphore(%dma_wait3A_876 : memref<!tpu.dma_semaphore, #tpu.memory_space<semaphore_mem>>) src(%dma_wait3A_874 : memref<100000x2048xf32, #tpu.memory_space<hbm>>) dst(%dma_wait3A_868 : memref<16x2048xf32, #tpu.memory_space<vmem>>)
    %scan3A_877 = arith.constant 0 : i32
    %scan3A_878 = arith.constant 0 : i32
    %scan3A_879 = arith.constant 16 : i32
    %scan3A_880 = arith.addi %scan3A_878, %scan3A_879 : i32
    %scan3A_881 = arith.constant 1 : i32
    scf.for %scan3A_1128 = %scan3A_878 to %scan3A_880 step %scan3A_881  : i32 {
      %add3A_1129 = arith.constant 192 : i32
      %add3A_1130 = arith.addi %add3A_1129, %scan3A_1128 : i32
      %mul3A_1131 = arith.constant 16 : i32
      %mul3A_1132 = arith.muli %add3A_1130, %mul3A_1131 : i32
      %get3A = arith.index_cast %mul3A_1132 : i32 to index
      %get3A_1133 = tpu.vector_load %arg7[%get3A] {strides = array<i32>} : memref<4096xf32, #tpu.memory_space<vmem>>, vector<16xf32>,
      %get3A_1134 = vector.shape_cast %get3A_1133 : vector<16xf32> to vector<16xf32>
      %scan3A_1135 = arith.constant 0 : i32
      %scan3A_1136 = arith.constant 128 : i32
      %scan3A_1137 = arith.addi %scan3A_1135, %scan3A_1136 : i32
      %scan3A_1138 = arith.constant 8 : i32
      scf.for %scan3A_1140 = %scan3A_1135 to %scan3A_1137 step %scan3A_1138  : i32 {
        %mul3A_1141 = arith.constant 16 : i32
        %mul3A_1142 = arith.muli %scan3A_1140, %mul3A_1141 : i32
        %swap3A = arith.constant 0 : i32
        %swap3A_1143 = arith.index_cast %swap3A : i32 to index
        %swap3A_1144 = arith.index_cast %scan3A_1128 : i32 to index
        %swap3A_1145 = arith.index_cast %mul3A_1142 : i32 to index
        %swap3A_1146 = tpu.vector_load %arg8[%swap3A_1143, %swap3A_1144, %swap3A_1145] {strides = array<i32>} : memref<3x16x2048xf32, #tpu.memory_space<vmem>>, vector<1x1x16xf32>,
        %swap3A_1147 = vector.shape_cast %swap3A_1146 : vector<1x1x16xf32> to vector<16xf32>
        %swap3A_1148 = vector.shape_cast %get3A_1134 : vector<16xf32> to vector<1x1x16xf32>
        tpu.vector_store %arg8[%swap3A_1143, %swap3A_1144, %swap3A_1145], %swap3A_1148 {add = true, strides = array<i32>} : memref<3x16x2048xf32, #tpu.memory_space<vmem>>, vector<1x1x16xf32>,
        %scan3A_1149 = arith.constant 1 : i32
        %scan3A_1150 = arith.addi %scan3A_1140, %scan3A_1149 : i32
        %mul3A_1151 = arith.constant 16 : i32
        %mul3A_1152 = arith.muli %scan3A_1150, %mul3A_1151 : i32
        %swap3A_1153 = arith.constant 0 : i32
        %swap3A_1154 = arith.index_cast %swap3A_1153 : i32 to index
        %swap3A_1155 = arith.index_cast %scan3A_1128 : i32 to index
        %swap3A_1156 = arith.index_cast %mul3A_1152 : i32 to index
        %swap3A_1157 = tpu.vector_load %arg8[%swap3A_1154, %swap3A_1155, %swap3A_1156] {strides = array<i32>} : memref<3x16x2048xf32, #tpu.memory_space<vmem>>, vector<1x1x16xf32>,
        %swap3A_1158 = vector.shape_cast %swap3A_1157 : vector<1x1x16xf32> to vector<16xf32>
        %swap3A_1159 = vector.shape_cast %get3A_1134 : vector<16xf32> to vector<1x1x16xf32>
        tpu.vector_store %arg8[%swap3A_1154, %swap3A_1155, %swap3A_1156], %swap3A_1159 {add = true, strides = array<i32>} : memref<3x16x2048xf32, #tpu.memory_space<vmem>>, vector<1x1x16xf32>,
        %scan3A_1160 = arith.constant 2 : i32
        %scan3A_1161 = arith.addi %scan3A_1140, %scan3A_1160 : i32
        %mul3A_1162 = arith.constant 16 : i32
        %mul3A_1163 = arith.muli %scan3A_1161, %mul3A_1162 : i32
        %swap3A_1164 = arith.constant 0 : i32
        %swap3A_1165 = arith.index_cast %swap3A_1164 : i32 to index
        %swap3A_1166 = arith.index_cast %scan3A_1128 : i32 to index
        %swap3A_1167 = arith.index_cast %mul3A_1163 : i32 to index
        %swap3A_1168 = tpu.vector_load %arg8[%swap3A_1165, %swap3A_1166, %swap3A_1167] {strides = array<i32>} : memref<3x16x2048xf32, #tpu.memory_space<vmem>>, vector<1x1x16xf32>,
        %swap3A_1169 = vector.shape_cast %swap3A_1168 : vector<1x1x16xf32> to vector<16xf32>
        %swap3A_1170 = vector.shape_cast %get3A_1134 : vector<16xf32> to vector<1x1x16xf32>
        tpu.vector_store %arg8[%swap3A_1165, %swap3A_1166, %swap3A_1167], %swap3A_1170 {add = true, strides = array<i32>} : memref<3x16x2048xf32, #tpu.memory_space<vmem>>, vector<1x1x16xf32>,
        %scan3A_1171 = arith.constant 3 : i32
        %scan3A_1172 = arith.addi %scan3A_1140, %scan3A_1171 : i32
        %mul3A_1173 = arith.constant 16 : i32
        %mul3A_1174 = arith.muli %scan3A_1172, %mul3A_1173 : i32
        %swap3A_1175 = arith.constant 0 : i32
        %swap3A_1176 = arith.index_cast %swap3A_1175 : i32 to index
        %swap3A_1177 = arith.index_cast %scan3A_1128 : i32 to index
        %swap3A_1178 = arith.index_cast %mul3A_1174 : i32 to index
        %swap3A_1179 = tpu.vector_load %arg8[%swap3A_1176, %swap3A_1177, %swap3A_1178] {strides = array<i32>} : memref<3x16x2048xf32, #tpu.memory_space<vmem>>, vector<1x1x16xf32>,
        %swap3A_1180 = vector.shape_cast %swap3A_1179 : vector<1x1x16xf32> to vector<16xf32>
        %swap3A_1181 = vector.shape_cast %get3A_1134 : vector<16xf32> to vector<1x1x16xf32>
        tpu.vector_store %arg8[%swap3A_1176, %swap3A_1177, %swap3A_1178], %swap3A_1181 {add = true, strides = array<i32>} : memref<3x16x2048xf32, #tpu.memory_space<vmem>>, vector<1x1x16xf32>,
        %scan3A_1182 = arith.constant 4 : i32
        %scan3A_1183 = arith.addi %scan3A_1140, %scan3A_1182 : i32
        %mul3A_1184 = arith.constant 16 : i32
        %mul3A_1185 = arith.muli %scan3A_1183, %mul3A_1184 : i32
        %swap3A_1186 = arith.constant 0 : i32
        %swap3A_1187 = arith.index_cast %swap3A_1186 : i32 to index
        %swap3A_1188 = arith.index_cast %scan3A_1128 : i32 to index
        %swap3A_1189 = arith.index_cast %mul3A_1185 : i32 to index
        %swap3A_1190 = tpu.vector_load %arg8[%swap3A_1187, %swap3A_1188, %swap3A_1189] {strides = array<i32>} : memref<3x16x2048xf32, #tpu.memory_space<vmem>>, vector<1x1x16xf32>,
        %swap3A_1191 = vector.shape_cast %swap3A_1190 : vector<1x1x16xf32> to vector<16xf32>
        %swap3A_1192 = vector.shape_cast %get3A_1134 : vector<16xf32> to vector<1x1x16xf32>
        tpu.vector_store %arg8[%swap3A_1187, %swap3A_1188, %swap3A_1189], %swap3A_1192 {add = true, strides = array<i32>} : memref<3x16x2048xf32, #tpu.memory_space<vmem>>, vector<1x1x16xf32>,
        %scan3A_1193 = arith.constant 5 : i32
        %scan3A_1194 = arith.addi %scan3A_1140, %scan3A_1193 : i32
        %mul3A_1195 = arith.constant 16 : i32
        %mul3A_1196 = arith.muli %scan3A_1194, %mul3A_1195 : i32
        %swap3A_1197 = arith.constant 0 : i32
        %swap3A_1198 = arith.index_cast %swap3A_1197 : i32 to index
        %swap3A_1199 = arith.index_cast %scan3A_1128 : i32 to index
        %swap3A_1200 = arith.index_cast %mul3A_1196 : i32 to index
        %swap3A_1201 = tpu.vector_load %arg8[%swap3A_1198, %swap3A_1199, %swap3A_1200] {strides = array<i32>} : memref<3x16x2048xf32, #tpu.memory_space<vmem>>, vector<1x1x16xf32>,
        %swap3A_1202 = vector.shape_cast %swap3A_1201 : vector<1x1x16xf32> to vector<16xf32>
        %swap3A_1203 = vector.shape_cast %get3A_1134 : vector<16xf32> to vector<1x1x16xf32>
        tpu.vector_store %arg8[%swap3A_1198, %swap3A_1199, %swap3A_1200], %swap3A_1203 {add = true, strides = array<i32>} : memref<3x16x2048xf32, #tpu.memory_space<vmem>>, vector<1x1x16xf32>,
        %scan3A_1204 = arith.constant 6 : i32
        %scan3A_1205 = arith.addi %scan3A_1140, %scan3A_1204 : i32
        %mul3A_1206 = arith.constant 16 : i32
        %mul3A_1207 = arith.muli %scan3A_1205, %mul3A_1206 : i32
        %swap3A_1208 = arith.constant 0 : i32
        %swap3A_1209 = arith.index_cast %swap3A_1208 : i32 to index
        %swap3A_1210 = arith.index_cast %scan3A_1128 : i32 to index
        %swap3A_1211 = arith.index_cast %mul3A_1207 : i32 to index
        %swap3A_1212 = tpu.vector_load %arg8[%swap3A_1209, %swap3A_1210, %swap3A_1211] {strides = array<i32>} : memref<3x16x2048xf32, #tpu.memory_space<vmem>>, vector<1x1x16xf32>,
        %swap3A_1213 = vector.shape_cast %swap3A_1212 : vector<1x1x16xf32> to vector<16xf32>
        %swap3A_1214 = vector.shape_cast %get3A_1134 : vector<16xf32> to vector<1x1x16xf32>
        tpu.vector_store %arg8[%swap3A_1209, %swap3A_1210, %swap3A_1211], %swap3A_1214 {add = true, strides = array<i32>} : memref<3x16x2048xf32, #tpu.memory_space<vmem>>, vector<1x1x16xf32>,
        %scan3A_1215 = arith.constant 7 : i32
        %scan3A_1216 = arith.addi %scan3A_1140, %scan3A_1215 : i32
        %mul3A_1217 = arith.constant 16 : i32
        %mul3A_1218 = arith.muli %scan3A_1216, %mul3A_1217 : i32
        %swap3A_1219 = arith.constant 0 : i32
        %swap3A_1220 = arith.index_cast %swap3A_1219 : i32 to index
        %swap3A_1221 = arith.index_cast %scan3A_1128 : i32 to index
        %swap3A_1222 = arith.index_cast %mul3A_1218 : i32 to index
        %swap3A_1223 = tpu.vector_load %arg8[%swap3A_1220, %swap3A_1221, %swap3A_1222] {strides = array<i32>} : memref<3x16x2048xf32, #tpu.memory_space<vmem>>, vector<1x1x16xf32>,
        %swap3A_1224 = vector.shape_cast %swap3A_1223 : vector<1x1x16xf32> to vector<16xf32>
        %swap3A_1225 = vector.shape_cast %get3A_1134 : vector<16xf32> to vector<1x1x16xf32>
        tpu.vector_store %arg8[%swap3A_1220, %swap3A_1221, %swap3A_1222], %swap3A_1225 {add = true, strides = array<i32>} : memref<3x16x2048xf32, #tpu.memory_space<vmem>>, vector<1x1x16xf32>,
      }
      %scan3A_1139 = arith.constant 128 : i32
    }
    %scan3A_882 = arith.constant 16 : i32
    %add3A_883 = arith.constant 192 : i32
    %add3A_884 = arith.addi %mul3A_2, %add3A_883 : i32
    %dma_start3A_885 = arith.constant 0 : i32
    %dma_start3A_886 = arith.constant 0 : i32
    %dma_start3A_887 = arith.constant 0 : i32
    %dma_start3A_888 = arith.constant 0 : i32
    %dma_start3A_889 = tpu.memref_slice %arg8[%dma_start3A_885, %dma_start3A_887, %dma_start3A_888] : memref<3x16x2048xf32, #tpu.memory_space<vmem>> -> memref<1x16x2048xf32, #tpu.memory_space<vmem>>
    %dma_start3A_890 = tpu.memref_squeeze %dma_start3A_889 : memref<1x16x2048xf32, #tpu.memory_space<vmem>> -> memref<16x2048xf32, #tpu.memory_space<vmem>>
    %dma_start3A_891 = arith.constant 0 : i32
    %dma_start3A_892 = tpu.memref_slice %arg5[%add3A_884, %dma_start3A_891] : memref<8192x2048xf32, #tpu.memory_space<hbm>> -> memref<16x2048xf32, #tpu.memory_space<hbm>>
    %dma_start3A_893 = tpu.memref_slice %arg10[%dma_start3A_886] : memref<3x!tpu.dma_semaphore, #tpu.memory_space<semaphore_mem>> -> memref<1x!tpu.dma_semaphore, #tpu.memory_space<semaphore_mem>>
    %dma_start3A_894 = tpu.memref_squeeze %dma_start3A_893 : memref<1x!tpu.dma_semaphore, #tpu.memory_space<semaphore_mem>> -> memref<!tpu.dma_semaphore, #tpu.memory_space<semaphore_mem>>
    %dma_start3A_895 = arith.constant 0 : i32
    %dma_start3A_896 = tpu.memref_slice %arg5[%add3A_884, %dma_start3A_895] : memref<8192x2048xf32, #tpu.memory_space<hbm>> -> memref<16x2048xf32, #tpu.memory_space<hbm>>
    %dma_start3A_897 = arith.constant 0 : i32
    %dma_start3A_898 = arith.constant 0 : i32
    %dma_start3A_899 = tpu.memref_slice %arg8[%dma_start3A_885, %dma_start3A_897, %dma_start3A_898] : memref<3x16x2048xf32, #tpu.memory_space<vmem>> -> memref<1x16x2048xf32, #tpu.memory_space<vmem>>
    %dma_start3A_900 = tpu.memref_squeeze %dma_start3A_899 : memref<1x16x2048xf32, #tpu.memory_space<vmem>> -> memref<16x2048xf32, #tpu.memory_space<vmem>>
    tpu.enqueue_dma source(%dma_start3A_900 : memref<16x2048xf32, #tpu.memory_space<vmem>>) target(%dma_start3A_896 : memref<16x2048xf32, #tpu.memory_space<hbm>>) target_semaphore(%dma_start3A_894 : memref<!tpu.dma_semaphore, #tpu.memory_space<semaphore_mem>>)
    %dma_wait3A_901 = arith.constant 2 : i32
    %dma_wait3A_902 = arith.constant 2 : i32
    %dma_wait3A_903 = arith.constant 0 : i32
    %dma_wait3A_904 = arith.constant 0 : i32
    %dma_wait3A_905 = tpu.memref_slice %arg8[%dma_wait3A_901, %dma_wait3A_903, %dma_wait3A_904] : memref<3x16x2048xf32, #tpu.memory_space<vmem>> -> memref<1x16x2048xf32, #tpu.memory_space<vmem>>
    %dma_wait3A_906 = tpu.memref_squeeze %dma_wait3A_905 : memref<1x16x2048xf32, #tpu.memory_space<vmem>> -> memref<16x2048xf32, #tpu.memory_space<vmem>>
    %dma_wait3A_907 = arith.constant 0 : i32
    %dma_wait3A_908 = tpu.memref_slice %arg5[%add3A_814, %dma_wait3A_907] : memref<8192x2048xf32, #tpu.memory_space<hbm>> -> memref<16x2048xf32, #tpu.memory_space<hbm>>
    %dma_wait3A_909 = tpu.memref_slice %arg10[%dma_wait3A_902] : memref<3x!tpu.dma_semaphore, #tpu.memory_space<semaphore_mem>> -> memref<1x!tpu.dma_semaphore, #tpu.memory_space<semaphore_mem>>
    %dma_wait3A_910 = tpu.memref_squeeze %dma_wait3A_909 : memref<1x!tpu.dma_semaphore, #tpu.memory_space<semaphore_mem>> -> memref<!tpu.dma_semaphore, #tpu.memory_space<semaphore_mem>>
    %dma_wait3A_911 = arith.constant 0 : i32
    %dma_wait3A_912 = tpu.memref_slice %arg5[%add3A_814, %dma_wait3A_911] : memref<8192x2048xf32, #tpu.memory_space<hbm>> -> memref<16x2048xf32, #tpu.memory_space<hbm>>
    %dma_wait3A_913 = arith.constant 0 : i32
    %dma_wait3A_914 = arith.constant 0 : i32
    %dma_wait3A_915 = tpu.memref_slice %arg8[%dma_wait3A_901, %dma_wait3A_913, %dma_wait3A_914] : memref<3x16x2048xf32, #tpu.memory_space<vmem>> -> memref<1x16x2048xf32, #tpu.memory_space<vmem>>
    %dma_wait3A_916 = tpu.memref_squeeze %dma_wait3A_915 : memref<1x16x2048xf32, #tpu.memory_space<vmem>> -> memref<16x2048xf32, #tpu.memory_space<vmem>>
    tpu.wait_dma2 semaphore(%dma_wait3A_910 : memref<!tpu.dma_semaphore, #tpu.memory_space<semaphore_mem>>) src(%dma_wait3A_916 : memref<16x2048xf32, #tpu.memory_space<vmem>>) dst(%dma_wait3A_912 : memref<16x2048xf32, #tpu.memory_space<hbm>>)
    %dma_start3A_917 = arith.constant 14 : i32
    %dma_start3A_918 = arith.constant 2 : i32
    %dma_start3A_919 = arith.constant 2 : i32
    %dma_start3A_920 = arith.constant 0 : i32
    %dma_start3A_921 = arith.constant 0 : i32
    %dma_start3A_922 = tpu.memref_slice %arg8[%dma_start3A_918, %dma_start3A_920, %dma_start3A_921] : memref<3x16x2048xf32, #tpu.memory_space<vmem>> -> memref<1x16x2048xf32, #tpu.memory_space<vmem>>
    %dma_start3A_923 = tpu.memref_squeeze %dma_start3A_922 : memref<1x16x2048xf32, #tpu.memory_space<vmem>> -> memref<16x2048xf32, #tpu.memory_space<vmem>>
    %dma_start3A_924 = arith.constant 0 : i32
    %dma_start3A_925 = tpu.memref_slice %arg6[%dma_start3A_917, %dma_start3A_924] : memref<16x16xi32, #tpu.memory_space<vmem>> -> memref<1x16xi32, #tpu.memory_space<vmem>>
    %dma_start3A_926 = tpu.memref_squeeze %dma_start3A_925 : memref<1x16xi32, #tpu.memory_space<vmem>> -> memref<16xi32, #tpu.memory_space<vmem>>
    %dma_start3A_927 = arith.constant 0 : i32
    %dma_start3A_928 = arith.constant 0 : i32
    %dma_start3A_929 = tpu.memref_slice %arg2[%dma_start3A_927, %dma_start3A_928] : memref<100000x2048xf32, #tpu.memory_space<hbm>> -> memref<100000x2048xf32, #tpu.memory_space<hbm>>
    %dma_start3A_930 = tpu.memref_slice %arg9[%dma_start3A_919] : memref<3x!tpu.dma_semaphore, #tpu.memory_space<semaphore_mem>> -> memref<1x!tpu.dma_semaphore, #tpu.memory_space<semaphore_mem>>
    %dma_start3A_931 = tpu.memref_squeeze %dma_start3A_930 : memref<1x!tpu.dma_semaphore, #tpu.memory_space<semaphore_mem>> -> memref<!tpu.dma_semaphore, #tpu.memory_space<semaphore_mem>>
    tpu.enqueue_indirect_dma source(%dma_start3A_929 : memref<100000x2048xf32, #tpu.memory_space<hbm>>) target(%dma_start3A_923 : memref<16x2048xf32, #tpu.memory_space<vmem>>) offsets(%dma_start3A_926 : memref<16xi32, #tpu.memory_space<vmem>>) semaphore(%dma_start3A_931 : memref<!tpu.dma_semaphore, #tpu.memory_space<semaphore_mem>>)
    %dma_wait3A_932 = arith.constant 13 : i32
    %dma_wait3A_933 = arith.constant 1 : i32
    %dma_wait3A_934 = arith.constant 1 : i32
    %dma_wait3A_935 = arith.constant 0 : i32
    %dma_wait3A_936 = arith.constant 0 : i32
    %dma_wait3A_937 = tpu.memref_slice %arg8[%dma_wait3A_933, %dma_wait3A_935, %dma_wait3A_936] : memref<3x16x2048xf32, #tpu.memory_space<vmem>> -> memref<1x16x2048xf32, #tpu.memory_space<vmem>>
    %dma_wait3A_938 = tpu.memref_squeeze %dma_wait3A_937 : memref<1x16x2048xf32, #tpu.memory_space<vmem>> -> memref<16x2048xf32, #tpu.memory_space<vmem>>
    %dma_wait3A_939 = arith.constant 0 : i32
    %dma_wait3A_940 = tpu.memref_slice %arg6[%dma_wait3A_932, %dma_wait3A_939] : memref<16x16xi32, #tpu.memory_space<vmem>> -> memref<1x16xi32, #tpu.memory_space<vmem>>
    %dma_wait3A_941 = tpu.memref_squeeze %dma_wait3A_940 : memref<1x16xi32, #tpu.memory_space<vmem>> -> memref<16xi32, #tpu.memory_space<vmem>>
    %dma_wait3A_942 = arith.constant 0 : i32
    %dma_wait3A_943 = arith.constant 0 : i32
    %dma_wait3A_944 = tpu.memref_slice %arg2[%dma_wait3A_942, %dma_wait3A_943] : memref<100000x2048xf32, #tpu.memory_space<hbm>> -> memref<100000x2048xf32, #tpu.memory_space<hbm>>
    %dma_wait3A_945 = tpu.memref_slice %arg9[%dma_wait3A_934] : memref<3x!tpu.dma_semaphore, #tpu.memory_space<semaphore_mem>> -> memref<1x!tpu.dma_semaphore, #tpu.memory_space<semaphore_mem>>
    %dma_wait3A_946 = tpu.memref_squeeze %dma_wait3A_945 : memref<1x!tpu.dma_semaphore, #tpu.memory_space<semaphore_mem>> -> memref<!tpu.dma_semaphore, #tpu.memory_space<semaphore_mem>>
    tpu.wait_indirect_dma semaphore(%dma_wait3A_946 : memref<!tpu.dma_semaphore, #tpu.memory_space<semaphore_mem>>) src(%dma_wait3A_944 : memref<100000x2048xf32, #tpu.memory_space<hbm>>) dst(%dma_wait3A_938 : memref<16x2048xf32, #tpu.memory_space<vmem>>)
    %scan3A_947 = arith.constant 0 : i32
    %scan3A_948 = arith.constant 0 : i32
    %scan3A_949 = arith.constant 16 : i32
    %scan3A_950 = arith.addi %scan3A_948, %scan3A_949 : i32
    %scan3A_951 = arith.constant 1 : i32
    scf.for %scan3A_1128 = %scan3A_948 to %scan3A_950 step %scan3A_951  : i32 {
      %add3A_1129 = arith.constant 208 : i32
      %add3A_1130 = arith.addi %add3A_1129, %scan3A_1128 : i32
      %mul3A_1131 = arith.constant 16 : i32
      %mul3A_1132 = arith.muli %add3A_1130, %mul3A_1131 : i32
      %get3A = arith.index_cast %mul3A_1132 : i32 to index
      %get3A_1133 = tpu.vector_load %arg7[%get3A] {strides = array<i32>} : memref<4096xf32, #tpu.memory_space<vmem>>, vector<16xf32>,
      %get3A_1134 = vector.shape_cast %get3A_1133 : vector<16xf32> to vector<16xf32>
      %scan3A_1135 = arith.constant 0 : i32
      %scan3A_1136 = arith.constant 128 : i32
      %scan3A_1137 = arith.addi %scan3A_1135, %scan3A_1136 : i32
      %scan3A_1138 = arith.constant 8 : i32
      scf.for %scan3A_1140 = %scan3A_1135 to %scan3A_1137 step %scan3A_1138  : i32 {
        %mul3A_1141 = arith.constant 16 : i32
        %mul3A_1142 = arith.muli %scan3A_1140, %mul3A_1141 : i32
        %swap3A = arith.constant 1 : i32
        %swap3A_1143 = arith.index_cast %swap3A : i32 to index
        %swap3A_1144 = arith.index_cast %scan3A_1128 : i32 to index
        %swap3A_1145 = arith.index_cast %mul3A_1142 : i32 to index
        %swap3A_1146 = tpu.vector_load %arg8[%swap3A_1143, %swap3A_1144, %swap3A_1145] {strides = array<i32>} : memref<3x16x2048xf32, #tpu.memory_space<vmem>>, vector<1x1x16xf32>,
        %swap3A_1147 = vector.shape_cast %swap3A_1146 : vector<1x1x16xf32> to vector<16xf32>
        %swap3A_1148 = vector.shape_cast %get3A_1134 : vector<16xf32> to vector<1x1x16xf32>
        tpu.vector_store %arg8[%swap3A_1143, %swap3A_1144, %swap3A_1145], %swap3A_1148 {add = true, strides = array<i32>} : memref<3x16x2048xf32, #tpu.memory_space<vmem>>, vector<1x1x16xf32>,
        %scan3A_1149 = arith.constant 1 : i32
        %scan3A_1150 = arith.addi %scan3A_1140, %scan3A_1149 : i32
        %mul3A_1151 = arith.constant 16 : i32
        %mul3A_1152 = arith.muli %scan3A_1150, %mul3A_1151 : i32
        %swap3A_1153 = arith.constant 1 : i32
        %swap3A_1154 = arith.index_cast %swap3A_1153 : i32 to index
        %swap3A_1155 = arith.index_cast %scan3A_1128 : i32 to index
        %swap3A_1156 = arith.index_cast %mul3A_1152 : i32 to index
        %swap3A_1157 = tpu.vector_load %arg8[%swap3A_1154, %swap3A_1155, %swap3A_1156] {strides = array<i32>} : memref<3x16x2048xf32, #tpu.memory_space<vmem>>, vector<1x1x16xf32>,
        %swap3A_1158 = vector.shape_cast %swap3A_1157 : vector<1x1x16xf32> to vector<16xf32>
        %swap3A_1159 = vector.shape_cast %get3A_1134 : vector<16xf32> to vector<1x1x16xf32>
        tpu.vector_store %arg8[%swap3A_1154, %swap3A_1155, %swap3A_1156], %swap3A_1159 {add = true, strides = array<i32>} : memref<3x16x2048xf32, #tpu.memory_space<vmem>>, vector<1x1x16xf32>,
        %scan3A_1160 = arith.constant 2 : i32
        %scan3A_1161 = arith.addi %scan3A_1140, %scan3A_1160 : i32
        %mul3A_1162 = arith.constant 16 : i32
        %mul3A_1163 = arith.muli %scan3A_1161, %mul3A_1162 : i32
        %swap3A_1164 = arith.constant 1 : i32
        %swap3A_1165 = arith.index_cast %swap3A_1164 : i32 to index
        %swap3A_1166 = arith.index_cast %scan3A_1128 : i32 to index
        %swap3A_1167 = arith.index_cast %mul3A_1163 : i32 to index
        %swap3A_1168 = tpu.vector_load %arg8[%swap3A_1165, %swap3A_1166, %swap3A_1167] {strides = array<i32>} : memref<3x16x2048xf32, #tpu.memory_space<vmem>>, vector<1x1x16xf32>,
        %swap3A_1169 = vector.shape_cast %swap3A_1168 : vector<1x1x16xf32> to vector<16xf32>
        %swap3A_1170 = vector.shape_cast %get3A_1134 : vector<16xf32> to vector<1x1x16xf32>
        tpu.vector_store %arg8[%swap3A_1165, %swap3A_1166, %swap3A_1167], %swap3A_1170 {add = true, strides = array<i32>} : memref<3x16x2048xf32, #tpu.memory_space<vmem>>, vector<1x1x16xf32>,
        %scan3A_1171 = arith.constant 3 : i32
        %scan3A_1172 = arith.addi %scan3A_1140, %scan3A_1171 : i32
        %mul3A_1173 = arith.constant 16 : i32
        %mul3A_1174 = arith.muli %scan3A_1172, %mul3A_1173 : i32
        %swap3A_1175 = arith.constant 1 : i32
        %swap3A_1176 = arith.index_cast %swap3A_1175 : i32 to index
        %swap3A_1177 = arith.index_cast %scan3A_1128 : i32 to index
        %swap3A_1178 = arith.index_cast %mul3A_1174 : i32 to index
        %swap3A_1179 = tpu.vector_load %arg8[%swap3A_1176, %swap3A_1177, %swap3A_1178] {strides = array<i32>} : memref<3x16x2048xf32, #tpu.memory_space<vmem>>, vector<1x1x16xf32>,
        %swap3A_1180 = vector.shape_cast %swap3A_1179 : vector<1x1x16xf32> to vector<16xf32>
        %swap3A_1181 = vector.shape_cast %get3A_1134 : vector<16xf32> to vector<1x1x16xf32>
        tpu.vector_store %arg8[%swap3A_1176, %swap3A_1177, %swap3A_1178], %swap3A_1181 {add = true, strides = array<i32>} : memref<3x16x2048xf32, #tpu.memory_space<vmem>>, vector<1x1x16xf32>,
        %scan3A_1182 = arith.constant 4 : i32
        %scan3A_1183 = arith.addi %scan3A_1140, %scan3A_1182 : i32
        %mul3A_1184 = arith.constant 16 : i32
        %mul3A_1185 = arith.muli %scan3A_1183, %mul3A_1184 : i32
        %swap3A_1186 = arith.constant 1 : i32
        %swap3A_1187 = arith.index_cast %swap3A_1186 : i32 to index
        %swap3A_1188 = arith.index_cast %scan3A_1128 : i32 to index
        %swap3A_1189 = arith.index_cast %mul3A_1185 : i32 to index
        %swap3A_1190 = tpu.vector_load %arg8[%swap3A_1187, %swap3A_1188, %swap3A_1189] {strides = array<i32>} : memref<3x16x2048xf32, #tpu.memory_space<vmem>>, vector<1x1x16xf32>,
        %swap3A_1191 = vector.shape_cast %swap3A_1190 : vector<1x1x16xf32> to vector<16xf32>
        %swap3A_1192 = vector.shape_cast %get3A_1134 : vector<16xf32> to vector<1x1x16xf32>
        tpu.vector_store %arg8[%swap3A_1187, %swap3A_1188, %swap3A_1189], %swap3A_1192 {add = true, strides = array<i32>} : memref<3x16x2048xf32, #tpu.memory_space<vmem>>, vector<1x1x16xf32>,
        %scan3A_1193 = arith.constant 5 : i32
        %scan3A_1194 = arith.addi %scan3A_1140, %scan3A_1193 : i32
        %mul3A_1195 = arith.constant 16 : i32
        %mul3A_1196 = arith.muli %scan3A_1194, %mul3A_1195 : i32
        %swap3A_1197 = arith.constant 1 : i32
        %swap3A_1198 = arith.index_cast %swap3A_1197 : i32 to index
        %swap3A_1199 = arith.index_cast %scan3A_1128 : i32 to index
        %swap3A_1200 = arith.index_cast %mul3A_1196 : i32 to index
        %swap3A_1201 = tpu.vector_load %arg8[%swap3A_1198, %swap3A_1199, %swap3A_1200] {strides = array<i32>} : memref<3x16x2048xf32, #tpu.memory_space<vmem>>, vector<1x1x16xf32>,
        %swap3A_1202 = vector.shape_cast %swap3A_1201 : vector<1x1x16xf32> to vector<16xf32>
        %swap3A_1203 = vector.shape_cast %get3A_1134 : vector<16xf32> to vector<1x1x16xf32>
        tpu.vector_store %arg8[%swap3A_1198, %swap3A_1199, %swap3A_1200], %swap3A_1203 {add = true, strides = array<i32>} : memref<3x16x2048xf32, #tpu.memory_space<vmem>>, vector<1x1x16xf32>,
        %scan3A_1204 = arith.constant 6 : i32
        %scan3A_1205 = arith.addi %scan3A_1140, %scan3A_1204 : i32
        %mul3A_1206 = arith.constant 16 : i32
        %mul3A_1207 = arith.muli %scan3A_1205, %mul3A_1206 : i32
        %swap3A_1208 = arith.constant 1 : i32
        %swap3A_1209 = arith.index_cast %swap3A_1208 : i32 to index
        %swap3A_1210 = arith.index_cast %scan3A_1128 : i32 to index
        %swap3A_1211 = arith.index_cast %mul3A_1207 : i32 to index
        %swap3A_1212 = tpu.vector_load %arg8[%swap3A_1209, %swap3A_1210, %swap3A_1211] {strides = array<i32>} : memref<3x16x2048xf32, #tpu.memory_space<vmem>>, vector<1x1x16xf32>,
        %swap3A_1213 = vector.shape_cast %swap3A_1212 : vector<1x1x16xf32> to vector<16xf32>
        %swap3A_1214 = vector.shape_cast %get3A_1134 : vector<16xf32> to vector<1x1x16xf32>
        tpu.vector_store %arg8[%swap3A_1209, %swap3A_1210, %swap3A_1211], %swap3A_1214 {add = true, strides = array<i32>} : memref<3x16x2048xf32, #tpu.memory_space<vmem>>, vector<1x1x16xf32>,
        %scan3A_1215 = arith.constant 7 : i32
        %scan3A_1216 = arith.addi %scan3A_1140, %scan3A_1215 : i32
        %mul3A_1217 = arith.constant 16 : i32
        %mul3A_1218 = arith.muli %scan3A_1216, %mul3A_1217 : i32
        %swap3A_1219 = arith.constant 1 : i32
        %swap3A_1220 = arith.index_cast %swap3A_1219 : i32 to index
        %swap3A_1221 = arith.index_cast %scan3A_1128 : i32 to index
        %swap3A_1222 = arith.index_cast %mul3A_1218 : i32 to index
        %swap3A_1223 = tpu.vector_load %arg8[%swap3A_1220, %swap3A_1221, %swap3A_1222] {strides = array<i32>} : memref<3x16x2048xf32, #tpu.memory_space<vmem>>, vector<1x1x16xf32>,
        %swap3A_1224 = vector.shape_cast %swap3A_1223 : vector<1x1x16xf32> to vector<16xf32>
        %swap3A_1225 = vector.shape_cast %get3A_1134 : vector<16xf32> to vector<1x1x16xf32>
        tpu.vector_store %arg8[%swap3A_1220, %swap3A_1221, %swap3A_1222], %swap3A_1225 {add = true, strides = array<i32>} : memref<3x16x2048xf32, #tpu.memory_space<vmem>>, vector<1x1x16xf32>,
      }
      %scan3A_1139 = arith.constant 128 : i32
    }
    %scan3A_952 = arith.constant 16 : i32
    %add3A_953 = arith.constant 208 : i32
    %add3A_954 = arith.addi %mul3A_2, %add3A_953 : i32
    %dma_start3A_955 = arith.constant 1 : i32
    %dma_start3A_956 = arith.constant 1 : i32
    %dma_start3A_957 = arith.constant 0 : i32
    %dma_start3A_958 = arith.constant 0 : i32
    %dma_start3A_959 = tpu.memref_slice %arg8[%dma_start3A_955, %dma_start3A_957, %dma_start3A_958] : memref<3x16x2048xf32, #tpu.memory_space<vmem>> -> memref<1x16x2048xf32, #tpu.memory_space<vmem>>
    %dma_start3A_960 = tpu.memref_squeeze %dma_start3A_959 : memref<1x16x2048xf32, #tpu.memory_space<vmem>> -> memref<16x2048xf32, #tpu.memory_space<vmem>>
    %dma_start3A_961 = arith.constant 0 : i32
    %dma_start3A_962 = tpu.memref_slice %arg5[%add3A_954, %dma_start3A_961] : memref<8192x2048xf32, #tpu.memory_space<hbm>> -> memref<16x2048xf32, #tpu.memory_space<hbm>>
    %dma_start3A_963 = tpu.memref_slice %arg10[%dma_start3A_956] : memref<3x!tpu.dma_semaphore, #tpu.memory_space<semaphore_mem>> -> memref<1x!tpu.dma_semaphore, #tpu.memory_space<semaphore_mem>>
    %dma_start3A_964 = tpu.memref_squeeze %dma_start3A_963 : memref<1x!tpu.dma_semaphore, #tpu.memory_space<semaphore_mem>> -> memref<!tpu.dma_semaphore, #tpu.memory_space<semaphore_mem>>
    %dma_start3A_965 = arith.constant 0 : i32
    %dma_start3A_966 = tpu.memref_slice %arg5[%add3A_954, %dma_start3A_965] : memref<8192x2048xf32, #tpu.memory_space<hbm>> -> memref<16x2048xf32, #tpu.memory_space<hbm>>
    %dma_start3A_967 = arith.constant 0 : i32
    %dma_start3A_968 = arith.constant 0 : i32
    %dma_start3A_969 = tpu.memref_slice %arg8[%dma_start3A_955, %dma_start3A_967, %dma_start3A_968] : memref<3x16x2048xf32, #tpu.memory_space<vmem>> -> memref<1x16x2048xf32, #tpu.memory_space<vmem>>
    %dma_start3A_970 = tpu.memref_squeeze %dma_start3A_969 : memref<1x16x2048xf32, #tpu.memory_space<vmem>> -> memref<16x2048xf32, #tpu.memory_space<vmem>>
    tpu.enqueue_dma source(%dma_start3A_970 : memref<16x2048xf32, #tpu.memory_space<vmem>>) target(%dma_start3A_966 : memref<16x2048xf32, #tpu.memory_space<hbm>>) target_semaphore(%dma_start3A_964 : memref<!tpu.dma_semaphore, #tpu.memory_space<semaphore_mem>>)
    %dma_wait3A_971 = arith.constant 0 : i32
    %dma_wait3A_972 = arith.constant 0 : i32
    %dma_wait3A_973 = arith.constant 0 : i32
    %dma_wait3A_974 = arith.constant 0 : i32
    %dma_wait3A_975 = tpu.memref_slice %arg8[%dma_wait3A_971, %dma_wait3A_973, %dma_wait3A_974] : memref<3x16x2048xf32, #tpu.memory_space<vmem>> -> memref<1x16x2048xf32, #tpu.memory_space<vmem>>
    %dma_wait3A_976 = tpu.memref_squeeze %dma_wait3A_975 : memref<1x16x2048xf32, #tpu.memory_space<vmem>> -> memref<16x2048xf32, #tpu.memory_space<vmem>>
    %dma_wait3A_977 = arith.constant 0 : i32
    %dma_wait3A_978 = tpu.memref_slice %arg5[%add3A_884, %dma_wait3A_977] : memref<8192x2048xf32, #tpu.memory_space<hbm>> -> memref<16x2048xf32, #tpu.memory_space<hbm>>
    %dma_wait3A_979 = tpu.memref_slice %arg10[%dma_wait3A_972] : memref<3x!tpu.dma_semaphore, #tpu.memory_space<semaphore_mem>> -> memref<1x!tpu.dma_semaphore, #tpu.memory_space<semaphore_mem>>
    %dma_wait3A_980 = tpu.memref_squeeze %dma_wait3A_979 : memref<1x!tpu.dma_semaphore, #tpu.memory_space<semaphore_mem>> -> memref<!tpu.dma_semaphore, #tpu.memory_space<semaphore_mem>>
    %dma_wait3A_981 = arith.constant 0 : i32
    %dma_wait3A_982 = tpu.memref_slice %arg5[%add3A_884, %dma_wait3A_981] : memref<8192x2048xf32, #tpu.memory_space<hbm>> -> memref<16x2048xf32, #tpu.memory_space<hbm>>
    %dma_wait3A_983 = arith.constant 0 : i32
    %dma_wait3A_984 = arith.constant 0 : i32
    %dma_wait3A_985 = tpu.memref_slice %arg8[%dma_wait3A_971, %dma_wait3A_983, %dma_wait3A_984] : memref<3x16x2048xf32, #tpu.memory_space<vmem>> -> memref<1x16x2048xf32, #tpu.memory_space<vmem>>
    %dma_wait3A_986 = tpu.memref_squeeze %dma_wait3A_985 : memref<1x16x2048xf32, #tpu.memory_space<vmem>> -> memref<16x2048xf32, #tpu.memory_space<vmem>>
    tpu.wait_dma2 semaphore(%dma_wait3A_980 : memref<!tpu.dma_semaphore, #tpu.memory_space<semaphore_mem>>) src(%dma_wait3A_986 : memref<16x2048xf32, #tpu.memory_space<vmem>>) dst(%dma_wait3A_982 : memref<16x2048xf32, #tpu.memory_space<hbm>>)
    %dma_start3A_987 = arith.constant 15 : i32
    %dma_start3A_988 = arith.constant 0 : i32
    %dma_start3A_989 = arith.constant 0 : i32
    %dma_start3A_990 = arith.constant 0 : i32
    %dma_start3A_991 = arith.constant 0 : i32
    %dma_start3A_992 = tpu.memref_slice %arg8[%dma_start3A_988, %dma_start3A_990, %dma_start3A_991] : memref<3x16x2048xf32, #tpu.memory_space<vmem>> -> memref<1x16x2048xf32, #tpu.memory_space<vmem>>
    %dma_start3A_993 = tpu.memref_squeeze %dma_start3A_992 : memref<1x16x2048xf32, #tpu.memory_space<vmem>> -> memref<16x2048xf32, #tpu.memory_space<vmem>>
    %dma_start3A_994 = arith.constant 0 : i32
    %dma_start3A_995 = tpu.memref_slice %arg6[%dma_start3A_987, %dma_start3A_994] : memref<16x16xi32, #tpu.memory_space<vmem>> -> memref<1x16xi32, #tpu.memory_space<vmem>>
    %dma_start3A_996 = tpu.memref_squeeze %dma_start3A_995 : memref<1x16xi32, #tpu.memory_space<vmem>> -> memref<16xi32, #tpu.memory_space<vmem>>
    %dma_start3A_997 = arith.constant 0 : i32
    %dma_start3A_998 = arith.constant 0 : i32
    %dma_start3A_999 = tpu.memref_slice %arg2[%dma_start3A_997, %dma_start3A_998] : memref<100000x2048xf32, #tpu.memory_space<hbm>> -> memref<100000x2048xf32, #tpu.memory_space<hbm>>
    %dma_start3A_1000 = tpu.memref_slice %arg9[%dma_start3A_989] : memref<3x!tpu.dma_semaphore, #tpu.memory_space<semaphore_mem>> -> memref<1x!tpu.dma_semaphore, #tpu.memory_space<semaphore_mem>>
    %dma_start3A_1001 = tpu.memref_squeeze %dma_start3A_1000 : memref<1x!tpu.dma_semaphore, #tpu.memory_space<semaphore_mem>> -> memref<!tpu.dma_semaphore, #tpu.memory_space<semaphore_mem>>
    tpu.enqueue_indirect_dma source(%dma_start3A_999 : memref<100000x2048xf32, #tpu.memory_space<hbm>>) target(%dma_start3A_993 : memref<16x2048xf32, #tpu.memory_space<vmem>>) offsets(%dma_start3A_996 : memref<16xi32, #tpu.memory_space<vmem>>) semaphore(%dma_start3A_1001 : memref<!tpu.dma_semaphore, #tpu.memory_space<semaphore_mem>>)
    %dma_wait3A_1002 = arith.constant 14 : i32
    %dma_wait3A_1003 = arith.constant 2 : i32
    %dma_wait3A_1004 = arith.constant 2 : i32
    %dma_wait3A_1005 = arith.constant 0 : i32
    %dma_wait3A_1006 = arith.constant 0 : i32
    %dma_wait3A_1007 = tpu.memref_slice %arg8[%dma_wait3A_1003, %dma_wait3A_1005, %dma_wait3A_1006] : memref<3x16x2048xf32, #tpu.memory_space<vmem>> -> memref<1x16x2048xf32, #tpu.memory_space<vmem>>
    %dma_wait3A_1008 = tpu.memref_squeeze %dma_wait3A_1007 : memref<1x16x2048xf32, #tpu.memory_space<vmem>> -> memref<16x2048xf32, #tpu.memory_space<vmem>>
    %dma_wait3A_1009 = arith.constant 0 : i32
    %dma_wait3A_1010 = tpu.memref_slice %arg6[%dma_wait3A_1002, %dma_wait3A_1009] : memref<16x16xi32, #tpu.memory_space<vmem>> -> memref<1x16xi32, #tpu.memory_space<vmem>>
    %dma_wait3A_1011 = tpu.memref_squeeze %dma_wait3A_1010 : memref<1x16xi32, #tpu.memory_space<vmem>> -> memref<16xi32, #tpu.memory_space<vmem>>
    %dma_wait3A_1012 = arith.constant 0 : i32
    %dma_wait3A_1013 = arith.constant 0 : i32
    %dma_wait3A_1014 = tpu.memref_slice %arg2[%dma_wait3A_1012, %dma_wait3A_1013] : memref<100000x2048xf32, #tpu.memory_space<hbm>> -> memref<100000x2048xf32, #tpu.memory_space<hbm>>
    %dma_wait3A_1015 = tpu.memref_slice %arg9[%dma_wait3A_1004] : memref<3x!tpu.dma_semaphore, #tpu.memory_space<semaphore_mem>> -> memref<1x!tpu.dma_semaphore, #tpu.memory_space<semaphore_mem>>
    %dma_wait3A_1016 = tpu.memref_squeeze %dma_wait3A_1015 : memref<1x!tpu.dma_semaphore, #tpu.memory_space<semaphore_mem>> -> memref<!tpu.dma_semaphore, #tpu.memory_space<semaphore_mem>>
    tpu.wait_indirect_dma semaphore(%dma_wait3A_1016 : memref<!tpu.dma_semaphore, #tpu.memory_space<semaphore_mem>>) src(%dma_wait3A_1014 : memref<100000x2048xf32, #tpu.memory_space<hbm>>) dst(%dma_wait3A_1008 : memref<16x2048xf32, #tpu.memory_space<vmem>>)
    %scan3A_1017 = arith.constant 0 : i32
    %scan3A_1018 = arith.constant 0 : i32
    %scan3A_1019 = arith.constant 16 : i32
    %scan3A_1020 = arith.addi %scan3A_1018, %scan3A_1019 : i32
    %scan3A_1021 = arith.constant 1 : i32
    scf.for %scan3A_1128 = %scan3A_1018 to %scan3A_1020 step %scan3A_1021  : i32 {
      %add3A_1129 = arith.constant 224 : i32
      %add3A_1130 = arith.addi %add3A_1129, %scan3A_1128 : i32
      %mul3A_1131 = arith.constant 16 : i32
      %mul3A_1132 = arith.muli %add3A_1130, %mul3A_1131 : i32
      %get3A = arith.index_cast %mul3A_1132 : i32 to index
      %get3A_1133 = tpu.vector_load %arg7[%get3A] {strides = array<i32>} : memref<4096xf32, #tpu.memory_space<vmem>>, vector<16xf32>,
      %get3A_1134 = vector.shape_cast %get3A_1133 : vector<16xf32> to vector<16xf32>
      %scan3A_1135 = arith.constant 0 : i32
      %scan3A_1136 = arith.constant 128 : i32
      %scan3A_1137 = arith.addi %scan3A_1135, %scan3A_1136 : i32
      %scan3A_1138 = arith.constant 8 : i32
      scf.for %scan3A_1140 = %scan3A_1135 to %scan3A_1137 step %scan3A_1138  : i32 {
        %mul3A_1141 = arith.constant 16 : i32
        %mul3A_1142 = arith.muli %scan3A_1140, %mul3A_1141 : i32
        %swap3A = arith.constant 2 : i32
        %swap3A_1143 = arith.index_cast %swap3A : i32 to index
        %swap3A_1144 = arith.index_cast %scan3A_1128 : i32 to index
        %swap3A_1145 = arith.index_cast %mul3A_1142 : i32 to index
        %swap3A_1146 = tpu.vector_load %arg8[%swap3A_1143, %swap3A_1144, %swap3A_1145] {strides = array<i32>} : memref<3x16x2048xf32, #tpu.memory_space<vmem>>, vector<1x1x16xf32>,
        %swap3A_1147 = vector.shape_cast %swap3A_1146 : vector<1x1x16xf32> to vector<16xf32>
        %swap3A_1148 = vector.shape_cast %get3A_1134 : vector<16xf32> to vector<1x1x16xf32>
        tpu.vector_store %arg8[%swap3A_1143, %swap3A_1144, %swap3A_1145], %swap3A_1148 {add = true, strides = array<i32>} : memref<3x16x2048xf32, #tpu.memory_space<vmem>>, vector<1x1x16xf32>,
        %scan3A_1149 = arith.constant 1 : i32
        %scan3A_1150 = arith.addi %scan3A_1140, %scan3A_1149 : i32
        %mul3A_1151 = arith.constant 16 : i32
        %mul3A_1152 = arith.muli %scan3A_1150, %mul3A_1151 : i32
        %swap3A_1153 = arith.constant 2 : i32
        %swap3A_1154 = arith.index_cast %swap3A_1153 : i32 to index
        %swap3A_1155 = arith.index_cast %scan3A_1128 : i32 to index
        %swap3A_1156 = arith.index_cast %mul3A_1152 : i32 to index
        %swap3A_1157 = tpu.vector_load %arg8[%swap3A_1154, %swap3A_1155, %swap3A_1156] {strides = array<i32>} : memref<3x16x2048xf32, #tpu.memory_space<vmem>>, vector<1x1x16xf32>,
        %swap3A_1158 = vector.shape_cast %swap3A_1157 : vector<1x1x16xf32> to vector<16xf32>
        %swap3A_1159 = vector.shape_cast %get3A_1134 : vector<16xf32> to vector<1x1x16xf32>
        tpu.vector_store %arg8[%swap3A_1154, %swap3A_1155, %swap3A_1156], %swap3A_1159 {add = true, strides = array<i32>} : memref<3x16x2048xf32, #tpu.memory_space<vmem>>, vector<1x1x16xf32>,
        %scan3A_1160 = arith.constant 2 : i32
        %scan3A_1161 = arith.addi %scan3A_1140, %scan3A_1160 : i32
        %mul3A_1162 = arith.constant 16 : i32
        %mul3A_1163 = arith.muli %scan3A_1161, %mul3A_1162 : i32
        %swap3A_1164 = arith.constant 2 : i32
        %swap3A_1165 = arith.index_cast %swap3A_1164 : i32 to index
        %swap3A_1166 = arith.index_cast %scan3A_1128 : i32 to index
        %swap3A_1167 = arith.index_cast %mul3A_1163 : i32 to index
        %swap3A_1168 = tpu.vector_load %arg8[%swap3A_1165, %swap3A_1166, %swap3A_1167] {strides = array<i32>} : memref<3x16x2048xf32, #tpu.memory_space<vmem>>, vector<1x1x16xf32>,
        %swap3A_1169 = vector.shape_cast %swap3A_1168 : vector<1x1x16xf32> to vector<16xf32>
        %swap3A_1170 = vector.shape_cast %get3A_1134 : vector<16xf32> to vector<1x1x16xf32>
        tpu.vector_store %arg8[%swap3A_1165, %swap3A_1166, %swap3A_1167], %swap3A_1170 {add = true, strides = array<i32>} : memref<3x16x2048xf32, #tpu.memory_space<vmem>>, vector<1x1x16xf32>,
        %scan3A_1171 = arith.constant 3 : i32
        %scan3A_1172 = arith.addi %scan3A_1140, %scan3A_1171 : i32
        %mul3A_1173 = arith.constant 16 : i32
        %mul3A_1174 = arith.muli %scan3A_1172, %mul3A_1173 : i32
        %swap3A_1175 = arith.constant 2 : i32
        %swap3A_1176 = arith.index_cast %swap3A_1175 : i32 to index
        %swap3A_1177 = arith.index_cast %scan3A_1128 : i32 to index
        %swap3A_1178 = arith.index_cast %mul3A_1174 : i32 to index
        %swap3A_1179 = tpu.vector_load %arg8[%swap3A_1176, %swap3A_1177, %swap3A_1178] {strides = array<i32>} : memref<3x16x2048xf32, #tpu.memory_space<vmem>>, vector<1x1x16xf32>,
        %swap3A_1180 = vector.shape_cast %swap3A_1179 : vector<1x1x16xf32> to vector<16xf32>
        %swap3A_1181 = vector.shape_cast %get3A_1134 : vector<16xf32> to vector<1x1x16xf32>
        tpu.vector_store %arg8[%swap3A_1176, %swap3A_1177, %swap3A_1178], %swap3A_1181 {add = true, strides = array<i32>} : memref<3x16x2048xf32, #tpu.memory_space<vmem>>, vector<1x1x16xf32>,
        %scan3A_1182 = arith.constant 4 : i32
        %scan3A_1183 = arith.addi %scan3A_1140, %scan3A_1182 : i32
        %mul3A_1184 = arith.constant 16 : i32
        %mul3A_1185 = arith.muli %scan3A_1183, %mul3A_1184 : i32
        %swap3A_1186 = arith.constant 2 : i32
        %swap3A_1187 = arith.index_cast %swap3A_1186 : i32 to index
        %swap3A_1188 = arith.index_cast %scan3A_1128 : i32 to index
        %swap3A_1189 = arith.index_cast %mul3A_1185 : i32 to index
        %swap3A_1190 = tpu.vector_load %arg8[%swap3A_1187, %swap3A_1188, %swap3A_1189] {strides = array<i32>} : memref<3x16x2048xf32, #tpu.memory_space<vmem>>, vector<1x1x16xf32>,
        %swap3A_1191 = vector.shape_cast %swap3A_1190 : vector<1x1x16xf32> to vector<16xf32>
        %swap3A_1192 = vector.shape_cast %get3A_1134 : vector<16xf32> to vector<1x1x16xf32>
        tpu.vector_store %arg8[%swap3A_1187, %swap3A_1188, %swap3A_1189], %swap3A_1192 {add = true, strides = array<i32>} : memref<3x16x2048xf32, #tpu.memory_space<vmem>>, vector<1x1x16xf32>,
        %scan3A_1193 = arith.constant 5 : i32
        %scan3A_1194 = arith.addi %scan3A_1140, %scan3A_1193 : i32
        %mul3A_1195 = arith.constant 16 : i32
        %mul3A_1196 = arith.muli %scan3A_1194, %mul3A_1195 : i32
        %swap3A_1197 = arith.constant 2 : i32
        %swap3A_1198 = arith.index_cast %swap3A_1197 : i32 to index
        %swap3A_1199 = arith.index_cast %scan3A_1128 : i32 to index
        %swap3A_1200 = arith.index_cast %mul3A_1196 : i32 to index
        %swap3A_1201 = tpu.vector_load %arg8[%swap3A_1198, %swap3A_1199, %swap3A_1200] {strides = array<i32>} : memref<3x16x2048xf32, #tpu.memory_space<vmem>>, vector<1x1x16xf32>,
        %swap3A_1202 = vector.shape_cast %swap3A_1201 : vector<1x1x16xf32> to vector<16xf32>
        %swap3A_1203 = vector.shape_cast %get3A_1134 : vector<16xf32> to vector<1x1x16xf32>
        tpu.vector_store %arg8[%swap3A_1198, %swap3A_1199, %swap3A_1200], %swap3A_1203 {add = true, strides = array<i32>} : memref<3x16x2048xf32, #tpu.memory_space<vmem>>, vector<1x1x16xf32>,
        %scan3A_1204 = arith.constant 6 : i32
        %scan3A_1205 = arith.addi %scan3A_1140, %scan3A_1204 : i32
        %mul3A_1206 = arith.constant 16 : i32
        %mul3A_1207 = arith.muli %scan3A_1205, %mul3A_1206 : i32
        %swap3A_1208 = arith.constant 2 : i32
        %swap3A_1209 = arith.index_cast %swap3A_1208 : i32 to index
        %swap3A_1210 = arith.index_cast %scan3A_1128 : i32 to index
        %swap3A_1211 = arith.index_cast %mul3A_1207 : i32 to index
        %swap3A_1212 = tpu.vector_load %arg8[%swap3A_1209, %swap3A_1210, %swap3A_1211] {strides = array<i32>} : memref<3x16x2048xf32, #tpu.memory_space<vmem>>, vector<1x1x16xf32>,
        %swap3A_1213 = vector.shape_cast %swap3A_1212 : vector<1x1x16xf32> to vector<16xf32>
        %swap3A_1214 = vector.shape_cast %get3A_1134 : vector<16xf32> to vector<1x1x16xf32>
        tpu.vector_store %arg8[%swap3A_1209, %swap3A_1210, %swap3A_1211], %swap3A_1214 {add = true, strides = array<i32>} : memref<3x16x2048xf32, #tpu.memory_space<vmem>>, vector<1x1x16xf32>,
        %scan3A_1215 = arith.constant 7 : i32
        %scan3A_1216 = arith.addi %scan3A_1140, %scan3A_1215 : i32
        %mul3A_1217 = arith.constant 16 : i32
        %mul3A_1218 = arith.muli %scan3A_1216, %mul3A_1217 : i32
        %swap3A_1219 = arith.constant 2 : i32
        %swap3A_1220 = arith.index_cast %swap3A_1219 : i32 to index
        %swap3A_1221 = arith.index_cast %scan3A_1128 : i32 to index
        %swap3A_1222 = arith.index_cast %mul3A_1218 : i32 to index
        %swap3A_1223 = tpu.vector_load %arg8[%swap3A_1220, %swap3A_1221, %swap3A_1222] {strides = array<i32>} : memref<3x16x2048xf32, #tpu.memory_space<vmem>>, vector<1x1x16xf32>,
        %swap3A_1224 = vector.shape_cast %swap3A_1223 : vector<1x1x16xf32> to vector<16xf32>
        %swap3A_1225 = vector.shape_cast %get3A_1134 : vector<16xf32> to vector<1x1x16xf32>
        tpu.vector_store %arg8[%swap3A_1220, %swap3A_1221, %swap3A_1222], %swap3A_1225 {add = true, strides = array<i32>} : memref<3x16x2048xf32, #tpu.memory_space<vmem>>, vector<1x1x16xf32>,
      }
      %scan3A_1139 = arith.constant 128 : i32
    }
    %scan3A_1022 = arith.constant 16 : i32
    %add3A_1023 = arith.constant 224 : i32
    %add3A_1024 = arith.addi %mul3A_2, %add3A_1023 : i32
    %dma_start3A_1025 = arith.constant 2 : i32
    %dma_start3A_1026 = arith.constant 2 : i32
    %dma_start3A_1027 = arith.constant 0 : i32
    %dma_start3A_1028 = arith.constant 0 : i32
    %dma_start3A_1029 = tpu.memref_slice %arg8[%dma_start3A_1025, %dma_start3A_1027, %dma_start3A_1028] : memref<3x16x2048xf32, #tpu.memory_space<vmem>> -> memref<1x16x2048xf32, #tpu.memory_space<vmem>>
    %dma_start3A_1030 = tpu.memref_squeeze %dma_start3A_1029 : memref<1x16x2048xf32, #tpu.memory_space<vmem>> -> memref<16x2048xf32, #tpu.memory_space<vmem>>
    %dma_start3A_1031 = arith.constant 0 : i32
    %dma_start3A_1032 = tpu.memref_slice %arg5[%add3A_1024, %dma_start3A_1031] : memref<8192x2048xf32, #tpu.memory_space<hbm>> -> memref<16x2048xf32, #tpu.memory_space<hbm>>
    %dma_start3A_1033 = tpu.memref_slice %arg10[%dma_start3A_1026] : memref<3x!tpu.dma_semaphore, #tpu.memory_space<semaphore_mem>> -> memref<1x!tpu.dma_semaphore, #tpu.memory_space<semaphore_mem>>
    %dma_start3A_1034 = tpu.memref_squeeze %dma_start3A_1033 : memref<1x!tpu.dma_semaphore, #tpu.memory_space<semaphore_mem>> -> memref<!tpu.dma_semaphore, #tpu.memory_space<semaphore_mem>>
    %dma_start3A_1035 = arith.constant 0 : i32
    %dma_start3A_1036 = tpu.memref_slice %arg5[%add3A_1024, %dma_start3A_1035] : memref<8192x2048xf32, #tpu.memory_space<hbm>> -> memref<16x2048xf32, #tpu.memory_space<hbm>>
    %dma_start3A_1037 = arith.constant 0 : i32
    %dma_start3A_1038 = arith.constant 0 : i32
    %dma_start3A_1039 = tpu.memref_slice %arg8[%dma_start3A_1025, %dma_start3A_1037, %dma_start3A_1038] : memref<3x16x2048xf32, #tpu.memory_space<vmem>> -> memref<1x16x2048xf32, #tpu.memory_space<vmem>>
    %dma_start3A_1040 = tpu.memref_squeeze %dma_start3A_1039 : memref<1x16x2048xf32, #tpu.memory_space<vmem>> -> memref<16x2048xf32, #tpu.memory_space<vmem>>
    tpu.enqueue_dma source(%dma_start3A_1040 : memref<16x2048xf32, #tpu.memory_space<vmem>>) target(%dma_start3A_1036 : memref<16x2048xf32, #tpu.memory_space<hbm>>) target_semaphore(%dma_start3A_1034 : memref<!tpu.dma_semaphore, #tpu.memory_space<semaphore_mem>>)
    %dma_wait3A_1041 = arith.constant 15 : i32
    %dma_wait3A_1042 = arith.constant 0 : i32
    %dma_wait3A_1043 = arith.constant 0 : i32
    %dma_wait3A_1044 = arith.constant 0 : i32
    %dma_wait3A_1045 = arith.constant 0 : i32
    %dma_wait3A_1046 = tpu.memref_slice %arg8[%dma_wait3A_1042, %dma_wait3A_1044, %dma_wait3A_1045] : memref<3x16x2048xf32, #tpu.memory_space<vmem>> -> memref<1x16x2048xf32, #tpu.memory_space<vmem>>
    %dma_wait3A_1047 = tpu.memref_squeeze %dma_wait3A_1046 : memref<1x16x2048xf32, #tpu.memory_space<vmem>> -> memref<16x2048xf32, #tpu.memory_space<vmem>>
    %dma_wait3A_1048 = arith.constant 0 : i32
    %dma_wait3A_1049 = tpu.memref_slice %arg6[%dma_wait3A_1041, %dma_wait3A_1048] : memref<16x16xi32, #tpu.memory_space<vmem>> -> memref<1x16xi32, #tpu.memory_space<vmem>>
    %dma_wait3A_1050 = tpu.memref_squeeze %dma_wait3A_1049 : memref<1x16xi32, #tpu.memory_space<vmem>> -> memref<16xi32, #tpu.memory_space<vmem>>
    %dma_wait3A_1051 = arith.constant 0 : i32
    %dma_wait3A_1052 = arith.constant 0 : i32
    %dma_wait3A_1053 = tpu.memref_slice %arg2[%dma_wait3A_1051, %dma_wait3A_1052] : memref<100000x2048xf32, #tpu.memory_space<hbm>> -> memref<100000x2048xf32, #tpu.memory_space<hbm>>
    %dma_wait3A_1054 = tpu.memref_slice %arg9[%dma_wait3A_1043] : memref<3x!tpu.dma_semaphore, #tpu.memory_space<semaphore_mem>> -> memref<1x!tpu.dma_semaphore, #tpu.memory_space<semaphore_mem>>
    %dma_wait3A_1055 = tpu.memref_squeeze %dma_wait3A_1054 : memref<1x!tpu.dma_semaphore, #tpu.memory_space<semaphore_mem>> -> memref<!tpu.dma_semaphore, #tpu.memory_space<semaphore_mem>>
    tpu.wait_indirect_dma semaphore(%dma_wait3A_1055 : memref<!tpu.dma_semaphore, #tpu.memory_space<semaphore_mem>>) src(%dma_wait3A_1053 : memref<100000x2048xf32, #tpu.memory_space<hbm>>) dst(%dma_wait3A_1047 : memref<16x2048xf32, #tpu.memory_space<vmem>>)
    %scan3A_1056 = arith.constant 0 : i32
    %scan3A_1057 = arith.constant 0 : i32
    %scan3A_1058 = arith.constant 16 : i32
    %scan3A_1059 = arith.addi %scan3A_1057, %scan3A_1058 : i32
    %scan3A_1060 = arith.constant 1 : i32
    scf.for %scan3A_1128 = %scan3A_1057 to %scan3A_1059 step %scan3A_1060  : i32 {
      %add3A_1129 = arith.constant 240 : i32
      %add3A_1130 = arith.addi %add3A_1129, %scan3A_1128 : i32
      %mul3A_1131 = arith.constant 16 : i32
      %mul3A_1132 = arith.muli %add3A_1130, %mul3A_1131 : i32
      %get3A = arith.index_cast %mul3A_1132 : i32 to index
      %get3A_1133 = tpu.vector_load %arg7[%get3A] {strides = array<i32>} : memref<4096xf32, #tpu.memory_space<vmem>>, vector<16xf32>,
      %get3A_1134 = vector.shape_cast %get3A_1133 : vector<16xf32> to vector<16xf32>
      %scan3A_1135 = arith.constant 0 : i32
      %scan3A_1136 = arith.constant 128 : i32
      %scan3A_1137 = arith.addi %scan3A_1135, %scan3A_1136 : i32
      %scan3A_1138 = arith.constant 8 : i32
      scf.for %scan3A_1140 = %scan3A_1135 to %scan3A_1137 step %scan3A_1138  : i32 {
        %mul3A_1141 = arith.constant 16 : i32
        %mul3A_1142 = arith.muli %scan3A_1140, %mul3A_1141 : i32
        %swap3A = arith.constant 0 : i32
        %swap3A_1143 = arith.index_cast %swap3A : i32 to index
        %swap3A_1144 = arith.index_cast %scan3A_1128 : i32 to index
        %swap3A_1145 = arith.index_cast %mul3A_1142 : i32 to index
        %swap3A_1146 = tpu.vector_load %arg8[%swap3A_1143, %swap3A_1144, %swap3A_1145] {strides = array<i32>} : memref<3x16x2048xf32, #tpu.memory_space<vmem>>, vector<1x1x16xf32>,
        %swap3A_1147 = vector.shape_cast %swap3A_1146 : vector<1x1x16xf32> to vector<16xf32>
        %swap3A_1148 = vector.shape_cast %get3A_1134 : vector<16xf32> to vector<1x1x16xf32>
        tpu.vector_store %arg8[%swap3A_1143, %swap3A_1144, %swap3A_1145], %swap3A_1148 {add = true, strides = array<i32>} : memref<3x16x2048xf32, #tpu.memory_space<vmem>>, vector<1x1x16xf32>,
        %scan3A_1149 = arith.constant 1 : i32
        %scan3A_1150 = arith.addi %scan3A_1140, %scan3A_1149 : i32
        %mul3A_1151 = arith.constant 16 : i32
        %mul3A_1152 = arith.muli %scan3A_1150, %mul3A_1151 : i32
        %swap3A_1153 = arith.constant 0 : i32
        %swap3A_1154 = arith.index_cast %swap3A_1153 : i32 to index
        %swap3A_1155 = arith.index_cast %scan3A_1128 : i32 to index
        %swap3A_1156 = arith.index_cast %mul3A_1152 : i32 to index
        %swap3A_1157 = tpu.vector_load %arg8[%swap3A_1154, %swap3A_1155, %swap3A_1156] {strides = array<i32>} : memref<3x16x2048xf32, #tpu.memory_space<vmem>>, vector<1x1x16xf32>,
        %swap3A_1158 = vector.shape_cast %swap3A_1157 : vector<1x1x16xf32> to vector<16xf32>
        %swap3A_1159 = vector.shape_cast %get3A_1134 : vector<16xf32> to vector<1x1x16xf32>
        tpu.vector_store %arg8[%swap3A_1154, %swap3A_1155, %swap3A_1156], %swap3A_1159 {add = true, strides = array<i32>} : memref<3x16x2048xf32, #tpu.memory_space<vmem>>, vector<1x1x16xf32>,
        %scan3A_1160 = arith.constant 2 : i32
        %scan3A_1161 = arith.addi %scan3A_1140, %scan3A_1160 : i32
        %mul3A_1162 = arith.constant 16 : i32
        %mul3A_1163 = arith.muli %scan3A_1161, %mul3A_1162 : i32
        %swap3A_1164 = arith.constant 0 : i32
        %swap3A_1165 = arith.index_cast %swap3A_1164 : i32 to index
        %swap3A_1166 = arith.index_cast %scan3A_1128 : i32 to index
        %swap3A_1167 = arith.index_cast %mul3A_1163 : i32 to index
        %swap3A_1168 = tpu.vector_load %arg8[%swap3A_1165, %swap3A_1166, %swap3A_1167] {strides = array<i32>} : memref<3x16x2048xf32, #tpu.memory_space<vmem>>, vector<1x1x16xf32>,
        %swap3A_1169 = vector.shape_cast %swap3A_1168 : vector<1x1x16xf32> to vector<16xf32>
        %swap3A_1170 = vector.shape_cast %get3A_1134 : vector<16xf32> to vector<1x1x16xf32>
        tpu.vector_store %arg8[%swap3A_1165, %swap3A_1166, %swap3A_1167], %swap3A_1170 {add = true, strides = array<i32>} : memref<3x16x2048xf32, #tpu.memory_space<vmem>>, vector<1x1x16xf32>,
        %scan3A_1171 = arith.constant 3 : i32
        %scan3A_1172 = arith.addi %scan3A_1140, %scan3A_1171 : i32
        %mul3A_1173 = arith.constant 16 : i32
        %mul3A_1174 = arith.muli %scan3A_1172, %mul3A_1173 : i32
        %swap3A_1175 = arith.constant 0 : i32
        %swap3A_1176 = arith.index_cast %swap3A_1175 : i32 to index
        %swap3A_1177 = arith.index_cast %scan3A_1128 : i32 to index
        %swap3A_1178 = arith.index_cast %mul3A_1174 : i32 to index
        %swap3A_1179 = tpu.vector_load %arg8[%swap3A_1176, %swap3A_1177, %swap3A_1178] {strides = array<i32>} : memref<3x16x2048xf32, #tpu.memory_space<vmem>>, vector<1x1x16xf32>,
        %swap3A_1180 = vector.shape_cast %swap3A_1179 : vector<1x1x16xf32> to vector<16xf32>
        %swap3A_1181 = vector.shape_cast %get3A_1134 : vector<16xf32> to vector<1x1x16xf32>
        tpu.vector_store %arg8[%swap3A_1176, %swap3A_1177, %swap3A_1178], %swap3A_1181 {add = true, strides = array<i32>} : memref<3x16x2048xf32, #tpu.memory_space<vmem>>, vector<1x1x16xf32>,
        %scan3A_1182 = arith.constant 4 : i32
        %scan3A_1183 = arith.addi %scan3A_1140, %scan3A_1182 : i32
        %mul3A_1184 = arith.constant 16 : i32
        %mul3A_1185 = arith.muli %scan3A_1183, %mul3A_1184 : i32
        %swap3A_1186 = arith.constant 0 : i32
        %swap3A_1187 = arith.index_cast %swap3A_1186 : i32 to index
        %swap3A_1188 = arith.index_cast %scan3A_1128 : i32 to index
        %swap3A_1189 = arith.index_cast %mul3A_1185 : i32 to index
        %swap3A_1190 = tpu.vector_load %arg8[%swap3A_1187, %swap3A_1188, %swap3A_1189] {strides = array<i32>} : memref<3x16x2048xf32, #tpu.memory_space<vmem>>, vector<1x1x16xf32>,
        %swap3A_1191 = vector.shape_cast %swap3A_1190 : vector<1x1x16xf32> to vector<16xf32>
        %swap3A_1192 = vector.shape_cast %get3A_1134 : vector<16xf32> to vector<1x1x16xf32>
        tpu.vector_store %arg8[%swap3A_1187, %swap3A_1188, %swap3A_1189], %swap3A_1192 {add = true, strides = array<i32>} : memref<3x16x2048xf32, #tpu.memory_space<vmem>>, vector<1x1x16xf32>,
        %scan3A_1193 = arith.constant 5 : i32
        %scan3A_1194 = arith.addi %scan3A_1140, %scan3A_1193 : i32
        %mul3A_1195 = arith.constant 16 : i32
        %mul3A_1196 = arith.muli %scan3A_1194, %mul3A_1195 : i32
        %swap3A_1197 = arith.constant 0 : i32
        %swap3A_1198 = arith.index_cast %swap3A_1197 : i32 to index
        %swap3A_1199 = arith.index_cast %scan3A_1128 : i32 to index
        %swap3A_1200 = arith.index_cast %mul3A_1196 : i32 to index
        %swap3A_1201 = tpu.vector_load %arg8[%swap3A_1198, %swap3A_1199, %swap3A_1200] {strides = array<i32>} : memref<3x16x2048xf32, #tpu.memory_space<vmem>>, vector<1x1x16xf32>,
        %swap3A_1202 = vector.shape_cast %swap3A_1201 : vector<1x1x16xf32> to vector<16xf32>
        %swap3A_1203 = vector.shape_cast %get3A_1134 : vector<16xf32> to vector<1x1x16xf32>
        tpu.vector_store %arg8[%swap3A_1198, %swap3A_1199, %swap3A_1200], %swap3A_1203 {add = true, strides = array<i32>} : memref<3x16x2048xf32, #tpu.memory_space<vmem>>, vector<1x1x16xf32>,
        %scan3A_1204 = arith.constant 6 : i32
        %scan3A_1205 = arith.addi %scan3A_1140, %scan3A_1204 : i32
        %mul3A_1206 = arith.constant 16 : i32
        %mul3A_1207 = arith.muli %scan3A_1205, %mul3A_1206 : i32
        %swap3A_1208 = arith.constant 0 : i32
        %swap3A_1209 = arith.index_cast %swap3A_1208 : i32 to index
        %swap3A_1210 = arith.index_cast %scan3A_1128 : i32 to index
        %swap3A_1211 = arith.index_cast %mul3A_1207 : i32 to index
        %swap3A_1212 = tpu.vector_load %arg8[%swap3A_1209, %swap3A_1210, %swap3A_1211] {strides = array<i32>} : memref<3x16x2048xf32, #tpu.memory_space<vmem>>, vector<1x1x16xf32>,
        %swap3A_1213 = vector.shape_cast %swap3A_1212 : vector<1x1x16xf32> to vector<16xf32>
        %swap3A_1214 = vector.shape_cast %get3A_1134 : vector<16xf32> to vector<1x1x16xf32>
        tpu.vector_store %arg8[%swap3A_1209, %swap3A_1210, %swap3A_1211], %swap3A_1214 {add = true, strides = array<i32>} : memref<3x16x2048xf32, #tpu.memory_space<vmem>>, vector<1x1x16xf32>,
        %scan3A_1215 = arith.constant 7 : i32
        %scan3A_1216 = arith.addi %scan3A_1140, %scan3A_1215 : i32
        %mul3A_1217 = arith.constant 16 : i32
        %mul3A_1218 = arith.muli %scan3A_1216, %mul3A_1217 : i32
        %swap3A_1219 = arith.constant 0 : i32
        %swap3A_1220 = arith.index_cast %swap3A_1219 : i32 to index
        %swap3A_1221 = arith.index_cast %scan3A_1128 : i32 to index
        %swap3A_1222 = arith.index_cast %mul3A_1218 : i32 to index
        %swap3A_1223 = tpu.vector_load %arg8[%swap3A_1220, %swap3A_1221, %swap3A_1222] {strides = array<i32>} : memref<3x16x2048xf32, #tpu.memory_space<vmem>>, vector<1x1x16xf32>,
        %swap3A_1224 = vector.shape_cast %swap3A_1223 : vector<1x1x16xf32> to vector<16xf32>
        %swap3A_1225 = vector.shape_cast %get3A_1134 : vector<16xf32> to vector<1x1x16xf32>
        tpu.vector_store %arg8[%swap3A_1220, %swap3A_1221, %swap3A_1222], %swap3A_1225 {add = true, strides = array<i32>} : memref<3x16x2048xf32, #tpu.memory_space<vmem>>, vector<1x1x16xf32>,
      }
      %scan3A_1139 = arith.constant 128 : i32
    }
    %scan3A_1061 = arith.constant 16 : i32
    %add3A_1062 = arith.constant 240 : i32
    %add3A_1063 = arith.addi %mul3A_2, %add3A_1062 : i32
    %dma_start3A_1064 = arith.constant 0 : i32
    %dma_start3A_1065 = arith.constant 0 : i32
    %dma_start3A_1066 = arith.constant 0 : i32
    %dma_start3A_1067 = arith.constant 0 : i32
    %dma_start3A_1068 = tpu.memref_slice %arg8[%dma_start3A_1064, %dma_start3A_1066, %dma_start3A_1067] : memref<3x16x2048xf32, #tpu.memory_space<vmem>> -> memref<1x16x2048xf32, #tpu.memory_space<vmem>>
    %dma_start3A_1069 = tpu.memref_squeeze %dma_start3A_1068 : memref<1x16x2048xf32, #tpu.memory_space<vmem>> -> memref<16x2048xf32, #tpu.memory_space<vmem>>
    %dma_start3A_1070 = arith.constant 0 : i32
    %dma_start3A_1071 = tpu.memref_slice %arg5[%add3A_1063, %dma_start3A_1070] : memref<8192x2048xf32, #tpu.memory_space<hbm>> -> memref<16x2048xf32, #tpu.memory_space<hbm>>
    %dma_start3A_1072 = tpu.memref_slice %arg10[%dma_start3A_1065] : memref<3x!tpu.dma_semaphore, #tpu.memory_space<semaphore_mem>> -> memref<1x!tpu.dma_semaphore, #tpu.memory_space<semaphore_mem>>
    %dma_start3A_1073 = tpu.memref_squeeze %dma_start3A_1072 : memref<1x!tpu.dma_semaphore, #tpu.memory_space<semaphore_mem>> -> memref<!tpu.dma_semaphore, #tpu.memory_space<semaphore_mem>>
    %dma_start3A_1074 = arith.constant 0 : i32
    %dma_start3A_1075 = tpu.memref_slice %arg5[%add3A_1063, %dma_start3A_1074] : memref<8192x2048xf32, #tpu.memory_space<hbm>> -> memref<16x2048xf32, #tpu.memory_space<hbm>>
    %dma_start3A_1076 = arith.constant 0 : i32
    %dma_start3A_1077 = arith.constant 0 : i32
    %dma_start3A_1078 = tpu.memref_slice %arg8[%dma_start3A_1064, %dma_start3A_1076, %dma_start3A_1077] : memref<3x16x2048xf32, #tpu.memory_space<vmem>> -> memref<1x16x2048xf32, #tpu.memory_space<vmem>>
    %dma_start3A_1079 = tpu.memref_squeeze %dma_start3A_1078 : memref<1x16x2048xf32, #tpu.memory_space<vmem>> -> memref<16x2048xf32, #tpu.memory_space<vmem>>
    tpu.enqueue_dma source(%dma_start3A_1079 : memref<16x2048xf32, #tpu.memory_space<vmem>>) target(%dma_start3A_1075 : memref<16x2048xf32, #tpu.memory_space<hbm>>) target_semaphore(%dma_start3A_1073 : memref<!tpu.dma_semaphore, #tpu.memory_space<semaphore_mem>>)
    %dma_wait3A_1080 = arith.constant 0 : i32
    %dma_wait3A_1081 = arith.constant 0 : i32
    %dma_wait3A_1082 = arith.constant 0 : i32
    %dma_wait3A_1083 = arith.constant 0 : i32
    %dma_wait3A_1084 = tpu.memref_slice %arg8[%dma_wait3A_1080, %dma_wait3A_1082, %dma_wait3A_1083] : memref<3x16x2048xf32, #tpu.memory_space<vmem>> -> memref<1x16x2048xf32, #tpu.memory_space<vmem>>
    %dma_wait3A_1085 = tpu.memref_squeeze %dma_wait3A_1084 : memref<1x16x2048xf32, #tpu.memory_space<vmem>> -> memref<16x2048xf32, #tpu.memory_space<vmem>>
    %dma_wait3A_1086 = arith.constant 0 : i32
    %dma_wait3A_1087 = tpu.memref_slice %arg5[%add3A_1063, %dma_wait3A_1086] : memref<8192x2048xf32, #tpu.memory_space<hbm>> -> memref<16x2048xf32, #tpu.memory_space<hbm>>
    %dma_wait3A_1088 = tpu.memref_slice %arg10[%dma_wait3A_1081] : memref<3x!tpu.dma_semaphore, #tpu.memory_space<semaphore_mem>> -> memref<1x!tpu.dma_semaphore, #tpu.memory_space<semaphore_mem>>
    %dma_wait3A_1089 = tpu.memref_squeeze %dma_wait3A_1088 : memref<1x!tpu.dma_semaphore, #tpu.memory_space<semaphore_mem>> -> memref<!tpu.dma_semaphore, #tpu.memory_space<semaphore_mem>>
    %dma_wait3A_1090 = arith.constant 0 : i32
    %dma_wait3A_1091 = tpu.memref_slice %arg5[%add3A_1063, %dma_wait3A_1090] : memref<8192x2048xf32, #tpu.memory_space<hbm>> -> memref<16x2048xf32, #tpu.memory_space<hbm>>
    %dma_wait3A_1092 = arith.constant 0 : i32
    %dma_wait3A_1093 = arith.constant 0 : i32
    %dma_wait3A_1094 = tpu.memref_slice %arg8[%dma_wait3A_1080, %dma_wait3A_1092, %dma_wait3A_1093] : memref<3x16x2048xf32, #tpu.memory_space<vmem>> -> memref<1x16x2048xf32, #tpu.memory_space<vmem>>
    %dma_wait3A_1095 = tpu.memref_squeeze %dma_wait3A_1094 : memref<1x16x2048xf32, #tpu.memory_space<vmem>> -> memref<16x2048xf32, #tpu.memory_space<vmem>>
    tpu.wait_dma2 semaphore(%dma_wait3A_1089 : memref<!tpu.dma_semaphore, #tpu.memory_space<semaphore_mem>>) src(%dma_wait3A_1095 : memref<16x2048xf32, #tpu.memory_space<vmem>>) dst(%dma_wait3A_1091 : memref<16x2048xf32, #tpu.memory_space<hbm>>)
    %dma_wait3A_1096 = arith.constant 1 : i32
    %dma_wait3A_1097 = arith.constant 1 : i32
    %dma_wait3A_1098 = arith.constant 0 : i32
    %dma_wait3A_1099 = arith.constant 0 : i32
    %dma_wait3A_1100 = tpu.memref_slice %arg8[%dma_wait3A_1096, %dma_wait3A_1098, %dma_wait3A_1099] : memref<3x16x2048xf32, #tpu.memory_space<vmem>> -> memref<1x16x2048xf32, #tpu.memory_space<vmem>>
    %dma_wait3A_1101 = tpu.memref_squeeze %dma_wait3A_1100 : memref<1x16x2048xf32, #tpu.memory_space<vmem>> -> memref<16x2048xf32, #tpu.memory_space<vmem>>
    %dma_wait3A_1102 = arith.constant 0 : i32
    %dma_wait3A_1103 = tpu.memref_slice %arg5[%add3A_954, %dma_wait3A_1102] : memref<8192x2048xf32, #tpu.memory_space<hbm>> -> memref<16x2048xf32, #tpu.memory_space<hbm>>
    %dma_wait3A_1104 = tpu.memref_slice %arg10[%dma_wait3A_1097] : memref<3x!tpu.dma_semaphore, #tpu.memory_space<semaphore_mem>> -> memref<1x!tpu.dma_semaphore, #tpu.memory_space<semaphore_mem>>
    %dma_wait3A_1105 = tpu.memref_squeeze %dma_wait3A_1104 : memref<1x!tpu.dma_semaphore, #tpu.memory_space<semaphore_mem>> -> memref<!tpu.dma_semaphore, #tpu.memory_space<semaphore_mem>>
    %dma_wait3A_1106 = arith.constant 0 : i32
    %dma_wait3A_1107 = tpu.memref_slice %arg5[%add3A_954, %dma_wait3A_1106] : memref<8192x2048xf32, #tpu.memory_space<hbm>> -> memref<16x2048xf32, #tpu.memory_space<hbm>>
    %dma_wait3A_1108 = arith.constant 0 : i32
    %dma_wait3A_1109 = arith.constant 0 : i32
    %dma_wait3A_1110 = tpu.memref_slice %arg8[%dma_wait3A_1096, %dma_wait3A_1108, %dma_wait3A_1109] : memref<3x16x2048xf32, #tpu.memory_space<vmem>> -> memref<1x16x2048xf32, #tpu.memory_space<vmem>>
    %dma_wait3A_1111 = tpu.memref_squeeze %dma_wait3A_1110 : memref<1x16x2048xf32, #tpu.memory_space<vmem>> -> memref<16x2048xf32, #tpu.memory_space<vmem>>
    tpu.wait_dma2 semaphore(%dma_wait3A_1105 : memref<!tpu.dma_semaphore, #tpu.memory_space<semaphore_mem>>) src(%dma_wait3A_1111 : memref<16x2048xf32, #tpu.memory_space<vmem>>) dst(%dma_wait3A_1107 : memref<16x2048xf32, #tpu.memory_space<hbm>>)
    %dma_wait3A_1112 = arith.constant 2 : i32
    %dma_wait3A_1113 = arith.constant 2 : i32
    %dma_wait3A_1114 = arith.constant 0 : i32
    %dma_wait3A_1115 = arith.constant 0 : i32
    %dma_wait3A_1116 = tpu.memref_slice %arg8[%dma_wait3A_1112, %dma_wait3A_1114, %dma_wait3A_1115] : memref<3x16x2048xf32, #tpu.memory_space<vmem>> -> memref<1x16x2048xf32, #tpu.memory_space<vmem>>
    %dma_wait3A_1117 = tpu.memref_squeeze %dma_wait3A_1116 : memref<1x16x2048xf32, #tpu.memory_space<vmem>> -> memref<16x2048xf32, #tpu.memory_space<vmem>>
    %dma_wait3A_1118 = arith.constant 0 : i32
    %dma_wait3A_1119 = tpu.memref_slice %arg5[%add3A_1024, %dma_wait3A_1118] : memref<8192x2048xf32, #tpu.memory_space<hbm>> -> memref<16x2048xf32, #tpu.memory_space<hbm>>
    %dma_wait3A_1120 = tpu.memref_slice %arg10[%dma_wait3A_1113] : memref<3x!tpu.dma_semaphore, #tpu.memory_space<semaphore_mem>> -> memref<1x!tpu.dma_semaphore, #tpu.memory_space<semaphore_mem>>
    %dma_wait3A_1121 = tpu.memref_squeeze %dma_wait3A_1120 : memref<1x!tpu.dma_semaphore, #tpu.memory_space<semaphore_mem>> -> memref<!tpu.dma_semaphore, #tpu.memory_space<semaphore_mem>>
    %dma_wait3A_1122 = arith.constant 0 : i32
    %dma_wait3A_1123 = tpu.memref_slice %arg5[%add3A_1024, %dma_wait3A_1122] : memref<8192x2048xf32, #tpu.memory_space<hbm>> -> memref<16x2048xf32, #tpu.memory_space<hbm>>
    %dma_wait3A_1124 = arith.constant 0 : i32
    %dma_wait3A_1125 = arith.constant 0 : i32
    %dma_wait3A_1126 = tpu.memref_slice %arg8[%dma_wait3A_1112, %dma_wait3A_1124, %dma_wait3A_1125] : memref<3x16x2048xf32, #tpu.memory_space<vmem>> -> memref<1x16x2048xf32, #tpu.memory_space<vmem>>
    %dma_wait3A_1127 = tpu.memref_squeeze %dma_wait3A_1126 : memref<1x16x2048xf32, #tpu.memory_space<vmem>> -> memref<16x2048xf32, #tpu.memory_space<vmem>>
    tpu.wait_dma2 semaphore(%dma_wait3A_1121 : memref<!tpu.dma_semaphore, #tpu.memory_space<semaphore_mem>>) src(%dma_wait3A_1127 : memref<16x2048xf32, #tpu.memory_space<vmem>>) dst(%dma_wait3A_1123 : memref<16x2048xf32, #tpu.memory_space<hbm>>)
    return
  }
}

</mosaic_0001>

<sc_bundles>
// kernel: kernel.3.cloned.1.call-start
scs
__scs_entry_jumppad:
0x0: {  	(pc) =	sbr.rel $0x88, $3  }
0x1: {  	(tag) =	ssettag $0x0;
	lr =	simm.s32 $0x1  }
0x2: {  	[smem:$0x3F9F] =	sst lr;
	_ =	strace $0xD0000000  }
0x3: {  	_ = 	snop  }
0x4: {  	_ = 	snop  }
0x5: {  	_ = 	snop  }
0x6: {  	_ = 	snop  }
0x7: {  	_ = 	snop  }
__scs_overlays_trampoline_lowered:
0x8: {  	[smem:$0x3FAE] =	sst s0  }
0x9: {  	[smem:$0x3FAF] =	sst s1  }
0xa: {  	[smem:$0x3FB0] =	sst s2  }
0xb: {  	[smem:$0x3FB1] =	sst s3  }
0xc: {  	[smem:$0x3FB2] =	sst s4  }
0xd: {  	[smem:$0x3FB3] =	sst s5  }
0xe: {  	[smem:$0x3FB4] =	sst s6  }
0xf: {  	[smem:$0x3FB5] =	sst s7  }
0x10: {  	[smem:$0x3FB6] =	sst s8  }
0x11: {  	[smem:$0x3FB7] =	sst s9;
	s0 =	simm.s32 @!p0 $0x0  }
0x12: {  	s1 =	sld [smem:$0x3F9D];
	s0 =	simm.s32 @p0 $0x1  }
0x13: {  	[smem:$0x3FB8] =	sst s0;
	s0 =	simm.s32 @!p1 $0x0  }
0x14: {  	s2 =	sld [smem:$0x3F9C];
	s0 =	simm.s32 @p1 $0x1  }
0x15: {  	[smem:$0x3FB9] =	sst s0;
	s0 =	simm.s32 @!p2 $0x0  }
0x16: {  	s3 =	sld [smem:$0x3FDB];
	s0 =	simm.s32 @p2 $0x1  }
0x17: {  	s4 =	simm.s32 $0x1BF5;
	[smem:$0x3FBB] =	sst s0  }
0x18: {  	s0 =	sld [smem:$0x3F9E];
	_ =	swait.ge [sflag:s4], $0x0  }
0x19: {  	s7 =	sld [smem:$0x3F9F]  }
0x1a: {  	s8 =	sadd.s32 $0xFFFFE003, lr  }
0x1b: {  	s9 =	sadd.s32 $0xFFFFFEF7, lr;
	s5 =	simm.s32 $0xFFFFFFFF;
	p2 =	slt.u32 s8, $0xFFFFF086  }
0x1c: {  	p1 =	slt.u32 s9, $0xF7A;
	s5 =	simm.s32 @!p2 $0x0  }
0x1d: {  	s5 =	simm.s32 @p1 $0x1;
	p0 =	seq.s32 s7, s2  }
0x1e: {  	s7 =	smul.u32 @!p0 $0xF7A, s2;
	p2 =	seq.s32 @!p0 s5, $0x0  }
0x1f: {  	s9 =	smul.u32 $0xF7A, s1;
	s8 =	simm.s32 @!p0 $0x1BF5;
	p2 =	por !p2, p0  }
0x20: {  	[sflag:s8] =	ssyncset.s32 @!p0 $0xFFFFF086;
	s6 =	sadd.s32 @!p0 s3, s7;
	s7 =	simm.s32 @!p0 $0x108  }
0x21: {  	s3 =	sadd.s32 s3, s9;
	s6 =	sadd.s32 @!p0 $0x88, s6;
	s7 =	simm.s32 @p2 $0x1082  }
0x22: {  	[simem:s7], [sflag:s8] =	dma.local @!p0 [hbm:s6], $0xF7A  }
0x23: {  	s9 =	sor.u32 $0xD0000000, s2;
	s6 =	simm.s32 $0x108;
	_ =	swait.ge @!p0 [sflag:s8], $0x0  }
0x24: {  	s3 =	sadd.s32 $0x88, s3;
	s6 =	simm.s32 @!p1 $0x1082;
	[sflag:s4] =	ssyncset.s32 $0xFFFFF086  }
0x25: {  	[simem:s6], [sflag:s4] =	dma.local [hbm:s3], $0xF7A  }
0x26: {  	[smem:$0x3F9F] =	sst s1;
	(tag) =	ssettag s2;
	_ =	strace s9  }
0x27: {  	s1 =	sld [smem:$0x3FAF]  }
0x28: {  	s2 =	sld [smem:$0x3FB0]  }
0x29: {  	s4 =	sld [smem:$0x3FB2]  }
0x2a: {  	p0 =	seq.s32 s5, $0x0;
	s5 =	sld [smem:$0x3FB3]  }
0x2b: {  	s6 =	sld [smem:$0x3FB4]  }
0x2c: {  	s7 =	sld [smem:$0x3FB5]  }
0x2d: {  	s3 =	simm.s32 $0x108;
	s8 =	sld [smem:$0x3FB6]  }
0x2e: {  	s3 =	simm.s32 @!p0 $0x1082;
	s9 =	sld [smem:$0x3FB7]  }
0x2f: {  	lr =	sadd.s32 s0, s3;
	s0 =	sld [smem:$0x3FAE]  }
0x30: {  	s3 =	sld [smem:$0x3FB1]  }
0x31: {  	[smem:$0x3FBA] =	sst s10  }
0x32: {  	s10 =	sld [smem:$0x3FB8];
	_ =	sdelay $0x3  }
0x33: {  	p0 =	seq.s32 s10, $0x1;
	s10 =	sld [smem:$0x3FBA];
	_ =	sdelay $0x3  }
0x34: {  	[smem:$0x3FBA] =	sst s10  }
0x35: {  	s10 =	sld [smem:$0x3FB9];
	_ =	sdelay $0x3  }
0x36: {  	p1 =	seq.s32 s10, $0x1;
	s10 =	sld [smem:$0x3FBA];
	_ =	sdelay $0x3  }
0x37: {  	[smem:$0x3FBA] =	sst s10  }
0x38: {  	s10 =	sld [smem:$0x3FBB]  }
0x39: {  	_ = 	snop;
	(pc) =	sbr.ind lr, $3  }
0x3a: {  	_ = 	snop  }
0x3b: {  	_ = 	snop  }
0x3c: {  	p2 =	seq.s32 s10, $0x1;
	s10 =	sld [smem:$0x3FBA]  }
0x3d: {  	_ =	shalt  }
0x3e: {  	_ =	shalt  }
0x3f: {  	_ =	shalt  }
0x40: {  	_ =	shalt  }
0x41: {  	_ =	shalt  }
0x42: {  	_ =	shalt  }
0x43: {  	_ =	shalt  }
0x44: {  	_ =	shalt  }
0x45: {  	_ =	shalt  }
0x46: {  	_ =	shalt  }
0x47: {  	_ =	shalt  }
0x48: {  	_ =	shalt  }
0x49: {  	_ =	shalt  }
0x4a: {  	_ =	shalt  }
0x4b: {  	_ =	shalt  }
0x4c: {  	_ =	shalt  }
0x4d: {  	_ =	shalt  }
0x4e: {  	_ =	shalt  }
0x4f: {  	_ =	shalt  }
0x50: {  	_ =	shalt  }
0x51: {  	_ =	shalt  }
0x52: {  	_ =	shalt  }
0x53: {  	_ =	shalt  }
0x54: {  	_ =	shalt  }
0x55: {  	_ =	shalt  }
0x56: {  	_ =	shalt  }
0x57: {  	_ =	shalt  }
0x58: {  	_ =	shalt  }
0x59: {  	_ =	shalt  }
0x5a: {  	_ =	shalt  }
0x5b: {  	_ =	shalt  }
0x5c: {  	_ =	shalt  }
0x5d: {  	_ =	shalt  }
0x5e: {  	_ =	shalt  }
0x5f: {  	_ =	shalt  }
0x60: {  	_ =	shalt  }
0x61: {  	_ =	shalt  }
0x62: {  	_ =	shalt  }
0x63: {  	_ =	shalt  }
0x64: {  	_ =	shalt  }
0x65: {  	_ =	shalt  }
0x66: {  	_ =	shalt  }
0x67: {  	_ =	shalt  }
0x68: {  	_ =	shalt  }
0x69: {  	_ =	shalt  }
0x6a: {  	_ =	shalt  }
0x6b: {  	_ =	shalt  }
0x6c: {  	_ =	shalt  }
0x6d: {  	_ =	shalt  }
0x6e: {  	_ =	shalt  }
0x6f: {  	_ =	shalt  }
0x70: {  	_ =	shalt  }
0x71: {  	_ =	shalt  }
0x72: {  	_ =	shalt  }
0x73: {  	_ =	shalt  }
0x74: {  	_ =	shalt  }
0x75: {  	_ =	shalt  }
0x76: {  	_ =	shalt  }
0x77: {  	_ =	shalt  }
0x78: {  	_ =	shalt  }
0x79: {  	_ =	shalt  }
0x7a: {  	_ =	shalt  }
0x7b: {  	_ =	shalt  }
0x7c: {  	_ =	shalt  }
0x7d: {  	_ =	shalt  }
0x7e: {  	_ =	shalt  }
0x7f: {  	_ =	shalt  }
0x80: {  	_ =	shalt  }
0x81: {  	_ =	shalt  }
0x82: {  	_ =	shalt  }
0x83: {  	_ =	shalt  }
0x84: {  	_ =	shalt  }
0x85: {  	_ =	shalt  }
0x86: {  	_ =	shalt  }
0x87: {  	_ =	shalt  }
.Lfunc_end0:
.L_simem_size_0:
called_computation_lowered:
.L_overlay_start_0:
0x88: {  	s2 =	sld [smem:$0x3FD9]  }
0x89: {  	s3 =	sld [smem:$0x3FFE];
	_ =	sdelay $0x1  }
0x8a: {  	s1 =	srdreg.scid  }
0x8b: {  	s0 =	sand.u32 $0x1, s1  }
0x8c: {  	s17 =	sshll.u32 s0, $0xA;
	s2 =	sadd.s32 s3, s2  }
0x8d: {  	s2 =	sadd.s32 s2, s17  }
0x8e: {  	[smem:$0x3FC6] =	sst s2  }
0x8f: {  	_ = 	snop  }
0x90: {  	s2 =	sld [smem:$0x3FC8]  }
0x91: {  	s18 =	sld [smem:$0x3FD0];
	(tm) =	ssettm $0x1  }
0x92: {  	s4 =	sld [smem:$0x3FFB];
	_ =	sdelay $0x3  }
0x93: {  	_ =	strace s4  }
0x94: {  	s4 =	sld [smem:$0x3FFC];
	_ =	sdelay $0x3  }
0x95: {  	_ =	strace s4  }
0x96: {  	s4 =	sld [smem:$0x3FFD];
	_ =	sdelay $0x3  }
0x97: {  	_ =	strace s4  }
0x98: {  	_ =	strace $0x8FFFFFFF  }
0x99: {  	s19 =	sld [smem:$0x3FDB];
	_ =	sdelay $0x1  }
0x9a: {  	s5 =	simm.s32 $_scs_section_size  }
0x9b: {  	s6 =	simm.s32 $_size__tile_overlayer_lowered;
	s7 =	simm.s32 $_tile_overlayer_lowered  }
0x9c: {  	s22 =	simm.s32 $0x1BFF;
	s21 =	sshll.u32 s7, $0x1;
	s4 =	sadd.s32 s5, s19  }
0x9d: {  	s8 =	simm.s32 $0x0;
	s20 =	sshll.u32 s6, $0x1;
	s6 =	sadd.s32 s21, s4  }
0x9e: {  	[timem:s8], [sflag:s22] =	dma.local [hbm:s6], s20  }
0x9f: {  	_ =	swait.ge [sflag:s22], s20  }
0xa0: {  	s5 =	ssub.s32 $0x0, s20;
	[sflag:s22] =	ssyncset.done $0x0  }
0xa1: {  	[sflag:s22] =	ssyncadd.s32 s5;
	_ =	sdelay $0x1  }
0xa2: {  	s23 =	simm.s32 $0x1B8B  }
0xa3: {  	_ =	swait.ge [sflag:s23], $0x1  }
0xa4: {  	[sflag:s23] =	ssyncset.done $0x0  }
0xa5: {  	s25 =	simm.s32 $0x1B8E;
	s24 =	sld [smem:$0x3FFE];
	[sflag:s23] =	ssyncadd.s32 $0xFFFFFFFF  }
0xa6: {  	s26 =	simm.s32 $execute0_lowered;
	[smem:$0x3FD2] =	sst s25  }
0xa7: {  	s6 =	sshll.u32 s26, $0x1;
	_ =	strace $0x80000046;
	[dreg:$0x1] =	wrdreg $0xFFFFFFFF  }
0xa8: {  	s28 =	simm.s32 $_size_execute0_lowered;
	s4 =	sadd.s32 s4, s6;
	[dreg:$0x0] =	wrdreg $0x0  }
0xa9: {  	s6 =	sshll.u32 s28, $0x1;
	[dreg:$0x2] =	wrdreg s4  }
0xaa: {  	[dreg:$0x3] =	wrdreg s6  }
0xab: {  	[dreg:$0x4] =	wrdreg $0xC0  }
0xac: {  	_ =	task [dreg:s8], $0x5FFFF  }
0xad: {  	[dreg:$0x1] =	wrdreg $0xFFFFFFFF  }
0xae: {  	[dreg:$0x0] =	wrdreg $0x60  }
0xaf: {  	[dreg:$0x2] =	wrdreg s2  }
0xb0: {  	[dreg:$0x3] =	wrdreg s24  }
0xb1: {  	[dreg:$0x4] =	wrdreg s18  }
0xb2: {  	[dreg:$0x5] =	wrdreg $0x9  }
0xb3: {  	_ =	task.clear_ibuf [dreg:s8], $0x6FFFF;
	_ =	strace $0x90000046  }
0xb4: {  	s29 =	simm.s32 $0x9;
	_ =	strace $0x80000048  }
0xb5: {  	_ =	swait.ge [sflag:s29], $0x1  }
0xb6: {  	[sflag:s29] =	ssyncadd.s32 $0xFFFFFFFF  }
0xb7: {  	_ =	strace $0x90000048  }
0xb8: {  	_ =	sfence  }
0xb9: {  	s30 =	sld [smem:$0x0];
	_ =	sdelay $0x2  }
0xba: {  	s31 =	sshll.u32 s1, $0xD;
	s1 =	sshrl.u32 s1, $0x2  }
0xbb: {  	s3 =	sand.u32 $0x4000, s31;
	s1 =	sadd.s32 s1, s30  }
0xbc: {  	s0 =	sor.u32 s3, s0;
	s1 =	sshll.u32 s1, $0x11  }
0xbd: {  	s0 =	sor.u32 s1, s0  }
0xbe: {  	s0 =	sadd.s32 $0x8F2B, s0  }
0xbf: {  	[sflag:s0] =	ssyncadd.remote.s32 $0x1  }
0xc0: {  	_ =	sfence.sel $0xFFFF  }
0xc1: {  	[dreg:$0x0] =	wrdreg $0xFFFFFFFF;
	(pc) =	sbr.abs _section_cstart, $3  }
0xc2: {  	[dreg:$0x1] =	wrdreg $0xFFFFFFFF  }
0xc3: {  	_ =	task.clear_ibuf [dreg:s8], $0x2FFFF;
	_ =	strace $0x9FFFFFFF  }
0xc4: {  	(tm) =	ssettm $0x7FFFFFFF  }
0xc5: {  	_ =	shalt  }
tec
execute0_lowered:
.L_overlay_start_1:
0x0: {  	(tag) =	ssettag $0x1  }
0x1: {  	s1 =	rddreg [dreg:$0x0]  }
0x2: {  	s0 =	rddreg [dreg:$0x1]  }
0x3: {  	s2 =	rddreg [dreg:$0x2]  }
0x4: {  	s4 =	srdreg.scid;
	s5 =	stileid.u32  }
0x5: {  	s3 =	simm.s32 $0x0;
	s4 =	sand.u32 $0x1, s4;
	s5 =	sshll.u32 s5, $0x1  }
0x6: {  	[smem:$0x7FF] =	sst s3;
	s10 =	sor.u32 s4, s5  }
0x7: {  	_ =	strace $0x80000047;
	s5 =	sshll.u32 s10, $0x8;
	s12 =	sshll.u32 s10, $0x10  }
0x8: {  	s6 =	sshll.u32 s10, $0x9;
	s5 =	sadd.s32 s5, s0;
	s2 =	sadd.s32 s2, s12  }
0x9: {  	s0 =	sadd.s32 s6, s0;
	s5 =	sadd.s32 $0x600, s5;
	[dreg:$0x5] =	wrdreg s2  }
0xa: {  	s0 =	sadd.s32 $0x2600, s0;
	[dreg:$0x4] =	wrdreg s5  }
0xb: {  	s28 =	simm.s32 $0x1;
	s26 =	sadd.s32 $0x1000, s2;
	[dreg:$0x6] =	wrdreg s0  }
0xc: {  	s29 =	simm.s32 $0x11800;
	s12 =	sadd.s32 $0x2000, s2;
	[dreg:$0x7] =	wrdreg s26  }
0xd: {  	s30 =	simm.s32 $0x2;
	s13 =	sadd.s32 $0x3000, s2;
	[dreg:$0x8] =	wrdreg s12  }
0xe: {  	s31 =	simm.s32 $0x3;
	s14 =	sadd.s32 $0x4000, s2;
	[dreg:$0x9] =	wrdreg s13  }
0xf: {  	s8 =	sadd.s32 $0x400, s1;
	s15 =	sadd.s32 $0x5000, s2;
	[dreg:$0xa] =	wrdreg s14  }
0x10: {  	s9 =	sadd.s32 $0x500, s1;
	s16 =	sadd.s32 $0x6000, s2;
	[dreg:$0xb] =	wrdreg s15  }
0x11: {  	s11 =	sadd.s32 $0x700, s1;
	s17 =	sadd.s32 $0x7000, s2;
	[dreg:$0xc] =	wrdreg s16  }
0x12: {  	s4 =	ssub.s32 $0x2, s4;
	s18 =	sadd.s32 $0x8000, s2;
	[dreg:$0xd] =	wrdreg s17  }
0x13: {  	s7 =	sshrl.u32 s4, $0x1;
	s19 =	sadd.s32 $0x9000, s2;
	[dreg:$0xe] =	wrdreg s18  }
0x14: {  	s10 =	sadd.s32 $0x600, s1;
	s20 =	sadd.s32 $0xA000, s2;
	[dreg:$0xf] =	wrdreg s19  }
0x15: {  	s4 =	ssub.s32 s4, s7;
	s21 =	sadd.s32 $0xB000, s2;
	[dreg:$0x10] =	wrdreg s20  }
0x16: {  	s6 =	sadd.s32 $0x200, s1;
	s22 =	smax.u32 s4, $0x1;
	[dreg:$0x11] =	wrdreg s21  }
0x17: {  	s7 =	sadd.s32 $0x300, s1;
	s23 =	sadd.s32 $0xC000, s2;
	[dreg:$0x12] =	wrdreg s22  }
0x18: {  	s24 =	sadd.s32 $0xD000, s2;
	s25 =	sadd.s32 $0xE000, s2;
	[dreg:$0x13] =	wrdreg s23  }
0x19: {  	s4 =	simm.s32 $0x6;
	s5 =	sadd.s32 $0x100, s1;
	[dreg:$0x14] =	wrdreg s24  }
0x1a: {  	[dreg:$0x15] =	wrdreg s25;
	s26 =	sadd.s32 $0xF000, s2;
	s0 =	simm.s32 $0x1800  }
0x1b: {  	s19 =	simm.s32 $0x6000;
	s20 =	simm.s32 $0x6800;
	s21 =	simm.s32 $0x7000  }
0x1c: {  	v2 =	vlaneseq.u32;
	s22 =	simm.s32 $0x7800;
	s23 =	simm.s32 $0x8000;
	s24 =	simm.s32 $0x8800  }
0x1d: {  	vm0 =	vmmov $0xffff;
	v1 =	vshrl.u32 v2, $0x3;
	s25 =	simm.s32 $0x9000;
	s12 =	simm.s32 $0x4;
	s2 =	simm.s32 $0x5  }
0x1e: {  	v0 =	vand.u32 $0x7, v2;
	v2 =	vor.u32 $0x8, v2;
	v1 =	vmul.u32 $0x8, v1;
	s13 =	simm.s32 $0x0;
	[dreg:$0x16] =	wrdreg s26;
	s26 =	simm.s32 $0x9800  }
.LBB2_1:
0x1f: {  	s14 =	rddreg [dreg:$0x4];
	s17 =	simm.s32 $0x8  }
0x20: {  	[tilespmem:s3], [sflag:$0x8] =	stream.linear.gather [hbm4b:s14+s3], $0x800, $0x38;
	[tilespmem:$0x19800] =	vst v63  }
0x21: {  	_ =	swait.ge [sflag:s17], $0x800  }
0x22: {  	[sflag:s17] =	ssyncset.done $0x0  }
0x23: {  	[sflag:s17] =	ssyncadd.s32 $0xFFFFF800  }
0x24: {  	v3 =	vld [tilespmem:$0x0];
	_ =	sdelay $0x4  }
0x25: {  	v4 =	vshll.u32 v3, $0x4  }
0x26: {  	v3 =	vand.u32 $0x7, v3;
	v4 =	vand.u32 $0xFFFFFF80, v4  }
0x27: {  	v3 =	vor.u32 v3, v4  }
0x28: {  	v4 =	vperm.xlane v3, v0;
	_ =	sdelay $0x1  }
0x29: {  	v4 =	vadd.s32 v1, v4;
	_ =	sdelay $0x4  }
0x2a: {  	[tilespmem:s0], [sflag:$0x1] =	stream.indirect_vreg.gather [hbm4b:s1+s3], $0x80, v4, vm0, $0xb8;
	[tilespmem:$0x19800] =	vst v63  }
0x2b: {  	s18 =	simm.s32 $0x2000  }
0x2c: {  	[tilespmem:s18], [sflag:$0x1] =	stream.indirect_vreg.gather [hbm4b:s5+s3], $0x80, v4, vm0, $0xb8;
	[tilespmem:$0x19800] =	vst v63  }
0x2d: {  	s15 =	simm.s32 $0x2800  }
0x2e: {  	[tilespmem:s15], [sflag:$0x1] =	stream.indirect_vreg.gather [hbm4b:s6+s3], $0x80, v4, vm0, $0xb8;
	[tilespmem:$0x19800] =	vst v63  }
0x2f: {  	s16 =	simm.s32 $0x3000  }
0x30: {  	[tilespmem:s16], [sflag:$0x1] =	stream.indirect_vreg.gather [hbm4b:s7+s3], $0x80, v4, vm0, $0xb8;
	[tilespmem:$0x19800] =	vst v63  }
0x31: {  	s17 =	simm.s32 $0x3800  }
0x32: {  	[tilespmem:s17], [sflag:$0x1] =	stream.indirect_vreg.gather [hbm4b:s8+s3], $0x80, v4, vm0, $0xb8;
	[tilespmem:$0x19800] =	vst v63  }
0x33: {  	v3 =	vperm.xlane v3, v2;
	s18 =	simm.s32 $0x4000  }
0x34: {  	[tilespmem:s18], [sflag:$0x1] =	stream.indirect_vreg.gather [hbm4b:s9+s3], $0x80, v4, vm0, $0xb8;
	[tilespmem:$0x19800] =	vst v63  }
0x35: {  	v3 =	vadd.s32 v1, v3;
	s15 =	simm.s32 $0x4800  }
0x36: {  	[tilespmem:s15], [sflag:$0x1] =	stream.indirect_vreg.gather [hbm4b:s10+s3], $0x80, v4, vm0, $0xb8;
	[tilespmem:$0x19800] =	vst v63  }
0x37: {  	s16 =	simm.s32 $0x5000  }
0x38: {  	[tilespmem:s16], [sflag:$0x1] =	stream.indirect_vreg.gather [hbm4b:s11+s3], $0x80, v4, vm0, $0xb8;
	[tilespmem:$0x19800] =	vst v63  }
0x39: {  	s17 =	simm.s32 $0x5800  }
0x3a: {  	[tilespmem:s17], [sflag:$0x1] =	stream.indirect_vreg.gather [hbm4b:s1+s3], $0x80, v3, vm0, $0xb8;
	[tilespmem:$0x19800] =	vst v63  }
0x3b: {  	_ = 	snop  }
0x3c: {  	[tilespmem:s19], [sflag:$0x1] =	stream.indirect_vreg.gather [hbm4b:s5+s3], $0x80, v3, vm0, $0xb8;
	[tilespmem:$0x19800] =	vst v63  }
0x3d: {  	_ = 	snop  }
0x3e: {  	[tilespmem:s20], [sflag:$0x1] =	stream.indirect_vreg.gather [hbm4b:s6+s3], $0x80, v3, vm0, $0xb8;
	[tilespmem:$0x19800] =	vst v63  }
0x3f: {  	_ = 	snop  }
0x40: {  	[tilespmem:s21], [sflag:$0x1] =	stream.indirect_vreg.gather [hbm4b:s7+s3], $0x80, v3, vm0, $0xb8;
	[tilespmem:$0x19800] =	vst v63  }
0x41: {  	_ = 	snop  }
0x42: {  	[tilespmem:s22], [sflag:$0x1] =	stream.indirect_vreg.gather [hbm4b:s8+s3], $0x80, v3, vm0, $0xb8;
	[tilespmem:$0x19800] =	vst v63  }
0x43: {  	_ = 	snop  }
0x44: {  	[tilespmem:s23], [sflag:$0x1] =	stream.indirect_vreg.gather [hbm4b:s9+s3], $0x80, v3, vm0, $0xb8;
	[tilespmem:$0x19800] =	vst v63  }
0x45: {  	_ = 	snop  }
0x46: {  	[tilespmem:s24], [sflag:$0x1] =	stream.indirect_vreg.gather [hbm4b:s10+s3], $0x80, v3, vm0, $0xb8;
	[tilespmem:$0x19800] =	vst v63  }
0x47: {  	_ = 	snop  }
0x48: {  	[tilespmem:s25], [sflag:$0x1] =	stream.indirect_vreg.gather [hbm4b:s11+s3], $0x80, v3, vm0, $0xb8;
	[tilespmem:$0x19800] =	vst v63  }
0x49: {  	s18 =	rddreg [dreg:$0x6];
	s15 =	simm.s32 $0x800  }
0x4a: {  	[tilespmem:s15], [sflag:$0x7] =	stream.linear.gather [hbm4b:s18+s3], $0x1000, $0x38;
	[tilespmem:$0x19800] =	vst v63  }
0x4b: {  	v3 =	vld [tilespmem:$0x80];
	_ =	sdelay $0x4  }
0x4c: {  	v63 =	vshll.u32 v3, $0x4  }
0x4d: {  	v3 =	vand.u32 $0x7, v3;
	v4 =	vand.u32 $0xFFFFFF80, v63  }
0x4e: {  	v3 =	vor.u32 v3, v4  }
0x4f: {  	v4 =	vperm.xlane v3, v0;
	_ =	sdelay $0x1  }
0x50: {  	v4 =	vadd.s32 v1, v4;
	_ =	sdelay $0x4  }
0x51: {  	[tilespmem:s26], [sflag:$0x2] =	stream.indirect_vreg.gather [hbm4b:s1+s3], $0x80, v4, vm0, $0xb8;
	[tilespmem:$0x19800] =	vst v63  }
0x52: {  	s15 =	simm.s32 $0xA000  }
0x53: {  	[tilespmem:s15], [sflag:$0x2] =	stream.indirect_vreg.gather [hbm4b:s5+s3], $0x80, v4, vm0, $0xb8;
	[tilespmem:$0x19800] =	vst v63  }
0x54: {  	s16 =	simm.s32 $0xA800  }
0x55: {  	[tilespmem:s16], [sflag:$0x2] =	stream.indirect_vreg.gather [hbm4b:s6+s3], $0x80, v4, vm0, $0xb8;
	[tilespmem:$0x19800] =	vst v63  }
0x56: {  	s17 =	simm.s32 $0xB000  }
0x57: {  	[tilespmem:s17], [sflag:$0x2] =	stream.indirect_vreg.gather [hbm4b:s7+s3], $0x80, v4, vm0, $0xb8;
	[tilespmem:$0x19800] =	vst v63  }
0x58: {  	s18 =	simm.s32 $0xB800  }
0x59: {  	[tilespmem:s18], [sflag:$0x2] =	stream.indirect_vreg.gather [hbm4b:s8+s3], $0x80, v4, vm0, $0xb8;
	[tilespmem:$0x19800] =	vst v63  }
0x5a: {  	v3 =	vperm.xlane v3, v2;
	s15 =	simm.s32 $0xC000  }
0x5b: {  	[tilespmem:s15], [sflag:$0x2] =	stream.indirect_vreg.gather [hbm4b:s9+s3], $0x80, v4, vm0, $0xb8;
	[tilespmem:$0x19800] =	vst v63  }
0x5c: {  	v3 =	vadd.s32 v1, v3;
	s16 =	simm.s32 $0xC800  }
0x5d: {  	[tilespmem:s16], [sflag:$0x2] =	stream.indirect_vreg.gather [hbm4b:s10+s3], $0x80, v4, vm0, $0xb8;
	[tilespmem:$0x19800] =	vst v63  }
0x5e: {  	s17 =	simm.s32 $0xD000  }
0x5f: {  	[tilespmem:s17], [sflag:$0x2] =	stream.indirect_vreg.gather [hbm4b:s11+s3], $0x80, v4, vm0, $0xb8;
	[tilespmem:$0x19800] =	vst v63  }
0x60: {  	s18 =	simm.s32 $0xD800  }
0x61: {  	[tilespmem:s18], [sflag:$0x2] =	stream.indirect_vreg.gather [hbm4b:s1+s3], $0x80, v3, vm0, $0xb8;
	[tilespmem:$0x19800] =	vst v63  }
0x62: {  	s15 =	simm.s32 $0xE000  }
0x63: {  	[tilespmem:s15], [sflag:$0x2] =	stream.indirect_vreg.gather [hbm4b:s5+s3], $0x80, v3, vm0, $0xb8;
	[tilespmem:$0x19800] =	vst v63  }
0x64: {  	s16 =	simm.s32 $0xE800  }
0x65: {  	[tilespmem:s16], [sflag:$0x2] =	stream.indirect_vreg.gather [hbm4b:s6+s3], $0x80, v3, vm0, $0xb8;
	[tilespmem:$0x19800] =	vst v63  }
0x66: {  	s17 =	simm.s32 $0xF000  }
0x67: {  	[tilespmem:s17], [sflag:$0x2] =	stream.indirect_vreg.gather [hbm4b:s7+s3], $0x80, v3, vm0, $0xb8;
	[tilespmem:$0x19800] =	vst v63  }
0x68: {  	s18 =	simm.s32 $0xF800  }
0x69: {  	[tilespmem:s18], [sflag:$0x2] =	stream.indirect_vreg.gather [hbm4b:s8+s3], $0x80, v3, vm0, $0xb8;
	[tilespmem:$0x19800] =	vst v63  }
0x6a: {  	s15 =	simm.s32 $0x10000  }
0x6b: {  	[tilespmem:s15], [sflag:$0x2] =	stream.indirect_vreg.gather [hbm4b:s9+s3], $0x80, v3, vm0, $0xb8;
	[tilespmem:$0x19800] =	vst v63  }
0x6c: {  	s16 =	simm.s32 $0x10800  }
0x6d: {  	[tilespmem:s16], [sflag:$0x2] =	stream.indirect_vreg.gather [hbm4b:s10+s3], $0x80, v3, vm0, $0xb8;
	[tilespmem:$0x19800] =	vst v63  }
0x6e: {  	s17 =	simm.s32 $0x11000  }
0x6f: {  	[tilespmem:s17], [sflag:$0x2] =	stream.indirect_vreg.gather [hbm4b:s11+s3], $0x80, v3, vm0, $0xb8;
	[tilespmem:$0x19800] =	vst v63  }
0x70: {  	_ =	swait.ge [sflag:s28], $0x8000  }
0x71: {  	[sflag:s28] =	ssyncset.done $0x0  }
0x72: {  	s18 =	simm.s32 $0x7;
	[sflag:s28] =	ssyncadd.s32 $0xFFFF8000  }
0x73: {  	_ =	swait.ge [sflag:s18], $0x1000  }
0x74: {  	s14 =	simm.s32 $0x0;
	[sflag:s18] =	ssyncset.done $0x0  }
0x75: {  	s15 =	simm.s32 $0x0;
	s16 =	simm.s32 $0x0;
	[sflag:s18] =	ssyncadd.s32 $0xFFFFF000  }
.LBB2_2:
0x76: {  	s17 =	sshll.u32 s16, $0x4  }
0x77: {  	s17 =	sand.u32 $0x3FFFFFF0, s17  }
0x78: {  	s18 =	sshll.u32 s15, $0x2;
	v3 =	vld [tilespmem:s17+$0x800];
	s17 =	sand.u32 $0x7, s14  }
0x79: {  	s18 =	sand.u32 $0xFFFF0000, s18;
	s17 =	sshll.u32 s17, $0x9  }
0x7a: {  	s17 =	sor.u32 s17, s18  }
0x7b: {  	s17 =	sshrl.u32 s17, $0x2  }
0x7c: {  	s17 =	sor.u32 $0x1800, s17  }
0x7d: {  	[tilespmem:s17+$0x0] =	vst.add.f32.msk $0xffff, v3  }
0x7e: {  	[tilespmem:s17+$0x70] =	vst.add.f32.msk $0xffff, v3  }
0x7f: {  	[tilespmem:s17+$0x60] =	vst.add.f32.msk $0xffff, v3  }
0x80: {  	[tilespmem:s17+$0x50] =	vst.add.f32.msk $0xffff, v3  }
0x81: {  	[tilespmem:s17+$0x40] =	vst.add.f32.msk $0xffff, v3  }
0x82: {  	[tilespmem:s17+$0x30] =	vst.add.f32.msk $0xffff, v3  }
0x83: {  	s18 =	simm.s32 $0x0;
	[tilespmem:s17+$0x20] =	vst.add.f32.msk $0xffff, v3  }
.LBB2_3:
0x84: {  	s18 =	sadd.s32 $0x8, s18;
	[tilespmem:s17+$0x10] =	vst.add.f32.msk $0xffff, v3;
	s17 =	sadd.s32 $0x400, s17  }
0x85: {  	[tilespmem:s17+$0x0] =	vst.add.f32.msk $0xffff, v3;
	p0 =	slt.u32 s18, $0x78  }
0x86: {  	[tilespmem:s17+$0x70] =	vst.add.f32.msk $0xffff, v3  }
.Ltmp0:
0x87: {  	[tilespmem:s17+$0x60] =	vst.add.f32.msk $0xffff, v3;
	(pc) =	sbr.rel @p0 .LBB2_3-.Ltmp0, $4  }
0x88: {  	[tilespmem:s17+$0x50] =	vst.add.f32.msk $0xffff, v3  }
0x89: {  	[tilespmem:s17+$0x40] =	vst.add.f32.msk $0xffff, v3  }
0x8a: {  	[tilespmem:s17+$0x30] =	vst.add.f32.msk $0xffff, v3  }
0x8b: {  	[tilespmem:s17+$0x20] =	vst.add.f32.msk $0xffff, v3  }
0x8c: {  	s16 =	sadd.s32 $0x1, s16  }
0x8d: {  	p0 =	sne.s32 s16, $0x10  }
.Ltmp1:
0x8e: {  	_ = 	snop;
	(pc) =	sbr.rel @p0 .LBB2_2-.Ltmp1, $2  }
0x8f: {  	_ =	sdelay $0x2  }
0x90: {  	[tilespmem:s17+$0x10] =	vst.add.f32.msk $0xffff, v3;
	s15 =	sadd.s32 $0x800, s15;
	s14 =	sadd.s32 $0x1, s14  }
0x91: {  	s14 =	simm.s32 $0x0;
	s15 =	rddreg [dreg:$0x5]  }
0x92: {  	[hbm4b:s15+s14] =	stream.linear.scatter [tilespmem:s0], [sflag:$0x4], $0x8000, $0x38;
	[tilespmem:$0x19800] =	vst v63  }
0x93: {  	v3 =	vld [tilespmem:$0x100];
	_ =	sdelay $0x4  }
0x94: {  	v4 =	vshll.u32 v3, $0x4  }
0x95: {  	v3 =	vand.u32 $0x7, v3;
	v4 =	vand.u32 $0xFFFFFF80, v4  }
0x96: {  	v3 =	vor.u32 v3, v4  }
0x97: {  	v4 =	vperm.xlane v3, v0;
	_ =	sdelay $0x1  }
0x98: {  	v4 =	vadd.s32 v1, v4;
	_ =	sdelay $0x4  }
0x99: {  	[tilespmem:s29], [sflag:$0x3] =	stream.indirect_vreg.gather [hbm4b:s1+s14], $0x80, v4, vm0, $0xb8;
	[tilespmem:$0x19800] =	vst v63  }
0x9a: {  	s16 =	simm.s32 $0x12000  }
0x9b: {  	[tilespmem:s16], [sflag:$0x3] =	stream.indirect_vreg.gather [hbm4b:s5+s14], $0x80, v4, vm0, $0xb8;
	[tilespmem:$0x19800] =	vst v63  }
0x9c: {  	s17 =	simm.s32 $0x12800  }
0x9d: {  	[tilespmem:s17], [sflag:$0x3] =	stream.indirect_vreg.gather [hbm4b:s6+s14], $0x80, v4, vm0, $0xb8;
	[tilespmem:$0x19800] =	vst v63  }
0x9e: {  	s18 =	simm.s32 $0x13000  }
0x9f: {  	[tilespmem:s18], [sflag:$0x3] =	stream.indirect_vreg.gather [hbm4b:s7+s14], $0x80, v4, vm0, $0xb8;
	[tilespmem:$0x19800] =	vst v63  }
0xa0: {  	s16 =	simm.s32 $0x13800  }
0xa1: {  	[tilespmem:s16], [sflag:$0x3] =	stream.indirect_vreg.gather [hbm4b:s8+s14], $0x80, v4, vm0, $0xb8;
	[tilespmem:$0x19800] =	vst v63  }
0xa2: {  	v3 =	vperm.xlane v3, v2;
	s17 =	simm.s32 $0x14000  }
0xa3: {  	[tilespmem:s17], [sflag:$0x3] =	stream.indirect_vreg.gather [hbm4b:s9+s14], $0x80, v4, vm0, $0xb8;
	[tilespmem:$0x19800] =	vst v63  }
0xa4: {  	v3 =	vadd.s32 v1, v3;
	s18 =	simm.s32 $0x14800  }
0xa5: {  	[tilespmem:s18], [sflag:$0x3] =	stream.indirect_vreg.gather [hbm4b:s10+s14], $0x80, v4, vm0, $0xb8;
	[tilespmem:$0x19800] =	vst v63  }
0xa6: {  	s16 =	simm.s32 $0x15000  }
0xa7: {  	[tilespmem:s16], [sflag:$0x3] =	stream.indirect_vreg.gather [hbm4b:s11+s14], $0x80, v4, vm0, $0xb8;
	[tilespmem:$0x19800] =	vst v63  }
0xa8: {  	s17 =	simm.s32 $0x15800  }
0xa9: {  	[tilespmem:s17], [sflag:$0x3] =	stream.indirect_vreg.gather [hbm4b:s1+s14], $0x80, v3, vm0, $0xb8;
	[tilespmem:$0x19800] =	vst v63  }
0xaa: {  	s18 =	simm.s32 $0x16000  }
0xab: {  	[tilespmem:s18], [sflag:$0x3] =	stream.indirect_vreg.gather [hbm4b:s5+s14], $0x80, v3, vm0, $0xb8;
	[tilespmem:$0x19800] =	vst v63  }
0xac: {  	s16 =	simm.s32 $0x16800  }
0xad: {  	[tilespmem:s16], [sflag:$0x3] =	stream.indirect_vreg.gather [hbm4b:s6+s14], $0x80, v3, vm0, $0xb8;
	[tilespmem:$0x19800] =	vst v63  }
0xae: {  	s17 =	simm.s32 $0x17000  }
0xaf: {  	[tilespmem:s17], [sflag:$0x3] =	stream.indirect_vreg.gather [hbm4b:s7+s14], $0x80, v3, vm0, $0xb8;
	[tilespmem:$0x19800] =	vst v63  }
0xb0: {  	s18 =	simm.s32 $0x17800  }
0xb1: {  	[tilespmem:s18], [sflag:$0x3] =	stream.indirect_vreg.gather [hbm4b:s8+s14], $0x80, v3, vm0, $0xb8;
	[tilespmem:$0x19800] =	vst v63  }
0xb2: {  	s16 =	simm.s32 $0x18000  }
0xb3: {  	[tilespmem:s16], [sflag:$0x3] =	stream.indirect_vreg.gather [hbm4b:s9+s14], $0x80, v3, vm0, $0xb8;
	[tilespmem:$0x19800] =	vst v63  }
0xb4: {  	s17 =	simm.s32 $0x18800  }
0xb5: {  	[tilespmem:s17], [sflag:$0x3] =	stream.indirect_vreg.gather [hbm4b:s10+s14], $0x80, v3, vm0, $0xb8;
	[tilespmem:$0x19800] =	vst v63  }
0xb6: {  	s18 =	simm.s32 $0x19000  }
0xb7: {  	[tilespmem:s18], [sflag:$0x3] =	stream.indirect_vreg.gather [hbm4b:s11+s14], $0x80, v3, vm0, $0xb8;
	[tilespmem:$0x19800] =	vst v63  }
0xb8: {  	_ =	swait.ge [sflag:s30], $0x8000  }
0xb9: {  	[sflag:s30] =	ssyncset.done $0x0  }
0xba: {  	s15 =	simm.s32 $0x0;
	s16 =	simm.s32 $0x0;
	[sflag:s30] =	ssyncadd.s32 $0xFFFF8000  }
.LBB2_6:
0xbb: {  	s17 =	sshll.u32 s16, $0x4  }
0xbc: {  	s17 =	sand.u32 $0xF0, s17  }
0xbd: {  	s18 =	sshll.u32 s15, $0x2;
	v3 =	vld [tilespmem:s17+$0x900];
	s17 =	sand.u32 $0x7, s14  }
0xbe: {  	s18 =	sand.u32 $0xFFFF0000, s18;
	s17 =	sshll.u32 s17, $0x9  }
0xbf: {  	s17 =	sor.u32 s17, s18  }
0xc0: {  	s17 =	sshrl.u32 s17, $0x2  }
0xc1: {  	s17 =	sadd.s32 $0x9800, s17  }
0xc2: {  	[tilespmem:s17+$0x0] =	vst.add.f32.msk $0xffff, v3  }
0xc3: {  	[tilespmem:s17+$0x70] =	vst.add.f32.msk $0xffff, v3  }
0xc4: {  	[tilespmem:s17+$0x60] =	vst.add.f32.msk $0xffff, v3  }
0xc5: {  	[tilespmem:s17+$0x50] =	vst.add.f32.msk $0xffff, v3  }
0xc6: {  	[tilespmem:s17+$0x40] =	vst.add.f32.msk $0xffff, v3  }
0xc7: {  	[tilespmem:s17+$0x30] =	vst.add.f32.msk $0xffff, v3  }
0xc8: {  	s18 =	simm.s32 $0x0;
	[tilespmem:s17+$0x20] =	vst.add.f32.msk $0xffff, v3  }
.LBB2_7:
0xc9: {  	s18 =	sadd.s32 $0x8, s18;
	[tilespmem:s17+$0x10] =	vst.add.f32.msk $0xffff, v3;
	s17 =	sadd.s32 $0x400, s17  }
0xca: {  	[tilespmem:s17+$0x0] =	vst.add.f32.msk $0xffff, v3;
	p0 =	slt.u32 s18, $0x78  }
0xcb: {  	[tilespmem:s17+$0x70] =	vst.add.f32.msk $0xffff, v3  }
.Ltmp2:
0xcc: {  	[tilespmem:s17+$0x60] =	vst.add.f32.msk $0xffff, v3;
	(pc) =	sbr.rel @p0 .LBB2_7-.Ltmp2, $4  }
0xcd: {  	[tilespmem:s17+$0x50] =	vst.add.f32.msk $0xffff, v3  }
0xce: {  	[tilespmem:s17+$0x40] =	vst.add.f32.msk $0xffff, v3  }
0xcf: {  	[tilespmem:s17+$0x30] =	vst.add.f32.msk $0xffff, v3  }
0xd0: {  	[tilespmem:s17+$0x20] =	vst.add.f32.msk $0xffff, v3  }
0xd1: {  	s16 =	sadd.s32 $0x1, s16  }
0xd2: {  	p0 =	sne.s32 s16, $0x10  }
.Ltmp3:
0xd3: {  	_ = 	snop;
	(pc) =	sbr.rel @p0 .LBB2_6-.Ltmp3, $2  }
0xd4: {  	_ =	sdelay $0x2  }
0xd5: {  	[tilespmem:s17+$0x10] =	vst.add.f32.msk $0xffff, v3;
	s15 =	sadd.s32 $0x800, s15;
	s14 =	sadd.s32 $0x1, s14  }
0xd6: {  	s14 =	simm.s32 $0x0;
	s15 =	rddreg [dreg:$0x7]  }
0xd7: {  	[hbm4b:s15+s14] =	stream.linear.scatter [tilespmem:s26], [sflag:$0x5], $0x8000, $0x38;
	[tilespmem:$0x19800] =	vst v63  }
0xd8: {  	_ =	swait.ge [sflag:s12], $0x8000  }
0xd9: {  	[sflag:s12] =	ssyncset.done $0x0  }
0xda: {  	[sflag:s12] =	ssyncadd.s32 $0xFFFF8000  }
0xdb: {  	v3 =	vld [tilespmem:$0x180];
	_ =	sdelay $0x4  }
0xdc: {  	v4 =	vshll.u32 v3, $0x4  }
0xdd: {  	v3 =	vand.u32 $0x7, v3;
	v4 =	vand.u32 $0xFFFFFF80, v4  }
0xde: {  	v3 =	vor.u32 v3, v4  }
0xdf: {  	v4 =	vperm.xlane v3, v0;
	_ =	sdelay $0x1  }
0xe0: {  	v4 =	vadd.s32 v1, v4;
	_ =	sdelay $0x4  }
0xe1: {  	[tilespmem:s0], [sflag:$0x1] =	stream.indirect_vreg.gather [hbm4b:s1+s14], $0x80, v4, vm0, $0xb8;
	[tilespmem:$0x19800] =	vst v63  }
0xe2: {  	s17 =	simm.s32 $0x2000  }
0xe3: {  	[tilespmem:s17], [sflag:$0x1] =	stream.indirect_vreg.gather [hbm4b:s5+s14], $0x80, v4, vm0, $0xb8;
	[tilespmem:$0x19800] =	vst v63  }
0xe4: {  	s18 =	simm.s32 $0x2800  }
0xe5: {  	[tilespmem:s18], [sflag:$0x1] =	stream.indirect_vreg.gather [hbm4b:s6+s14], $0x80, v4, vm0, $0xb8;
	[tilespmem:$0x19800] =	vst v63  }
0xe6: {  	s16 =	simm.s32 $0x3000  }
0xe7: {  	[tilespmem:s16], [sflag:$0x1] =	stream.indirect_vreg.gather [hbm4b:s7+s14], $0x80, v4, vm0, $0xb8;
	[tilespmem:$0x19800] =	vst v63  }
0xe8: {  	s17 =	simm.s32 $0x3800  }
0xe9: {  	[tilespmem:s17], [sflag:$0x1] =	stream.indirect_vreg.gather [hbm4b:s8+s14], $0x80, v4, vm0, $0xb8;
	[tilespmem:$0x19800] =	vst v63  }
0xea: {  	v3 =	vperm.xlane v3, v2;
	s18 =	simm.s32 $0x4000  }
0xeb: {  	[tilespmem:s18], [sflag:$0x1] =	stream.indirect_vreg.gather [hbm4b:s9+s14], $0x80, v4, vm0, $0xb8;
	[tilespmem:$0x19800] =	vst v63  }
0xec: {  	v3 =	vadd.s32 v1, v3;
	s16 =	simm.s32 $0x4800  }
0xed: {  	[tilespmem:s16], [sflag:$0x1] =	stream.indirect_vreg.gather [hbm4b:s10+s14], $0x80, v4, vm0, $0xb8;
	[tilespmem:$0x19800] =	vst v63  }
0xee: {  	s17 =	simm.s32 $0x5000  }
0xef: {  	[tilespmem:s17], [sflag:$0x1] =	stream.indirect_vreg.gather [hbm4b:s11+s14], $0x80, v4, vm0, $0xb8;
	[tilespmem:$0x19800] =	vst v63  }
0xf0: {  	s18 =	simm.s32 $0x5800  }
0xf1: {  	[tilespmem:s18], [sflag:$0x1] =	stream.indirect_vreg.gather [hbm4b:s1+s14], $0x80, v3, vm0, $0xb8;
	[tilespmem:$0x19800] =	vst v63  }
0xf2: {  	_ = 	snop  }
0xf3: {  	[tilespmem:s19], [sflag:$0x1] =	stream.indirect_vreg.gather [hbm4b:s5+s14], $0x80, v3, vm0, $0xb8;
	[tilespmem:$0x19800] =	vst v63  }
0xf4: {  	_ = 	snop  }
0xf5: {  	[tilespmem:s20], [sflag:$0x1] =	stream.indirect_vreg.gather [hbm4b:s6+s14], $0x80, v3, vm0, $0xb8;
	[tilespmem:$0x19800] =	vst v63  }
0xf6: {  	_ = 	snop  }
0xf7: {  	[tilespmem:s21], [sflag:$0x1] =	stream.indirect_vreg.gather [hbm4b:s7+s14], $0x80, v3, vm0, $0xb8;
	[tilespmem:$0x19800] =	vst v63  }
0xf8: {  	_ = 	snop  }
0xf9: {  	[tilespmem:s22], [sflag:$0x1] =	stream.indirect_vreg.gather [hbm4b:s8+s14], $0x80, v3, vm0, $0xb8;
	[tilespmem:$0x19800] =	vst v63  }
0xfa: {  	_ = 	snop  }
0xfb: {  	[tilespmem:s23], [sflag:$0x1] =	stream.indirect_vreg.gather [hbm4b:s9+s14], $0x80, v3, vm0, $0xb8;
	[tilespmem:$0x19800] =	vst v63  }
0xfc: {  	_ = 	snop  }
0xfd: {  	[tilespmem:s24], [sflag:$0x1] =	stream.indirect_vreg.gather [hbm4b:s10+s14], $0x80, v3, vm0, $0xb8;
	[tilespmem:$0x19800] =	vst v63  }
0xfe: {  	_ = 	snop  }
0xff: {  	[tilespmem:s25], [sflag:$0x1] =	stream.indirect_vreg.gather [hbm4b:s11+s14], $0x80, v3, vm0, $0xb8;
	[tilespmem:$0x19800] =	vst v63  }
0x100: {  	_ =	swait.ge [sflag:s31], $0x8000  }
0x101: {  	[sflag:s31] =	ssyncset.done $0x0  }
0x102: {  	s15 =	simm.s32 $0x0;
	s16 =	simm.s32 $0x0;
	[sflag:s31] =	ssyncadd.s32 $0xFFFF8000  }
.LBB2_10:
0x103: {  	s17 =	sshll.u32 s16, $0x4  }
0x104: {  	s17 =	sand.u32 $0xF0, s17  }
0x105: {  	s18 =	sshll.u32 s15, $0x2;
	v3 =	vld [tilespmem:s17+$0xA00];
	s17 =	sand.u32 $0x7, s14  }
0x106: {  	s18 =	sand.u32 $0xFFFF0000, s18;
	s17 =	sshll.u32 s17, $0x9  }
0x107: {  	s17 =	sor.u32 s17, s18  }
0x108: {  	s17 =	sshrl.u32 s17, $0x2  }
0x109: {  	s17 =	sadd.s32 $0x11800, s17  }
0x10a: {  	[tilespmem:s17+$0x0] =	vst.add.f32.msk $0xffff, v3  }
0x10b: {  	[tilespmem:s17+$0x70] =	vst.add.f32.msk $0xffff, v3  }
0x10c: {  	[tilespmem:s17+$0x60] =	vst.add.f32.msk $0xffff, v3  }
0x10d: {  	[tilespmem:s17+$0x50] =	vst.add.f32.msk $0xffff, v3  }
0x10e: {  	[tilespmem:s17+$0x40] =	vst.add.f32.msk $0xffff, v3  }
0x10f: {  	[tilespmem:s17+$0x30] =	vst.add.f32.msk $0xffff, v3  }
0x110: {  	s18 =	simm.s32 $0x0;
	[tilespmem:s17+$0x20] =	vst.add.f32.msk $0xffff, v3  }
.LBB2_11:
0x111: {  	s18 =	sadd.s32 $0x8, s18;
	[tilespmem:s17+$0x10] =	vst.add.f32.msk $0xffff, v3;
	s17 =	sadd.s32 $0x400, s17  }
0x112: {  	[tilespmem:s17+$0x0] =	vst.add.f32.msk $0xffff, v3;
	p0 =	slt.u32 s18, $0x78  }
0x113: {  	[tilespmem:s17+$0x70] =	vst.add.f32.msk $0xffff, v3  }
.Ltmp4:
0x114: {  	[tilespmem:s17+$0x60] =	vst.add.f32.msk $0xffff, v3;
	(pc) =	sbr.rel @p0 .LBB2_11-.Ltmp4, $4  }
0x115: {  	[tilespmem:s17+$0x50] =	vst.add.f32.msk $0xffff, v3  }
0x116: {  	[tilespmem:s17+$0x40] =	vst.add.f32.msk $0xffff, v3  }
0x117: {  	[tilespmem:s17+$0x30] =	vst.add.f32.msk $0xffff, v3  }
0x118: {  	[tilespmem:s17+$0x20] =	vst.add.f32.msk $0xffff, v3  }
0x119: {  	s16 =	sadd.s32 $0x1, s16  }
0x11a: {  	p0 =	sne.s32 s16, $0x10  }
.Ltmp5:
0x11b: {  	_ = 	snop;
	(pc) =	sbr.rel @p0 .LBB2_10-.Ltmp5, $2  }
0x11c: {  	_ =	sdelay $0x2  }
0x11d: {  	[tilespmem:s17+$0x10] =	vst.add.f32.msk $0xffff, v3;
	s15 =	sadd.s32 $0x800, s15;
	s14 =	sadd.s32 $0x1, s14  }
0x11e: {  	s14 =	simm.s32 $0x0;
	s15 =	rddreg [dreg:$0x8]  }
0x11f: {  	[hbm4b:s15+s14] =	stream.linear.scatter [tilespmem:s29], [sflag:$0x6], $0x8000, $0x38;
	[tilespmem:$0x19800] =	vst v63  }
0x120: {  	_ =	swait.ge [sflag:s2], $0x8000  }
0x121: {  	[sflag:s2] =	ssyncset.done $0x0  }
0x122: {  	[sflag:s2] =	ssyncadd.s32 $0xFFFF8000  }
0x123: {  	v3 =	vld [tilespmem:$0x200];
	_ =	sdelay $0x4  }
0x124: {  	v4 =	vshll.u32 v3, $0x4  }
0x125: {  	v3 =	vand.u32 $0x7, v3;
	v4 =	vand.u32 $0xFFFFFF80, v4  }
0x126: {  	v3 =	vor.u32 v3, v4  }
0x127: {  	v4 =	vperm.xlane v3, v0;
	_ =	sdelay $0x1  }
0x128: {  	v4 =	vadd.s32 v1, v4;
	_ =	sdelay $0x4  }
0x129: {  	[tilespmem:s26], [sflag:$0x2] =	stream.indirect_vreg.gather [hbm4b:s1+s14], $0x80, v4, vm0, $0xb8;
	[tilespmem:$0x19800] =	vst v63  }
0x12a: {  	s16 =	simm.s32 $0xA000  }
0x12b: {  	[tilespmem:s16], [sflag:$0x2] =	stream.indirect_vreg.gather [hbm4b:s5+s14], $0x80, v4, vm0, $0xb8;
	[tilespmem:$0x19800] =	vst v63  }
0x12c: {  	s17 =	simm.s32 $0xA800  }
0x12d: {  	[tilespmem:s17], [sflag:$0x2] =	stream.indirect_vreg.gather [hbm4b:s6+s14], $0x80, v4, vm0, $0xb8;
	[tilespmem:$0x19800] =	vst v63  }
0x12e: {  	s18 =	simm.s32 $0xB000  }
0x12f: {  	[tilespmem:s18], [sflag:$0x2] =	stream.indirect_vreg.gather [hbm4b:s7+s14], $0x80, v4, vm0, $0xb8;
	[tilespmem:$0x19800] =	vst v63  }
0x130: {  	s16 =	simm.s32 $0xB800  }
0x131: {  	[tilespmem:s16], [sflag:$0x2] =	stream.indirect_vreg.gather [hbm4b:s8+s14], $0x80, v4, vm0, $0xb8;
	[tilespmem:$0x19800] =	vst v63  }
0x132: {  	v3 =	vperm.xlane v3, v2;
	s17 =	simm.s32 $0xC000  }
0x133: {  	[tilespmem:s17], [sflag:$0x2] =	stream.indirect_vreg.gather [hbm4b:s9+s14], $0x80, v4, vm0, $0xb8;
	[tilespmem:$0x19800] =	vst v63  }
0x134: {  	v3 =	vadd.s32 v1, v3;
	s18 =	simm.s32 $0xC800  }
0x135: {  	[tilespmem:s18], [sflag:$0x2] =	stream.indirect_vreg.gather [hbm4b:s10+s14], $0x80, v4, vm0, $0xb8;
	[tilespmem:$0x19800] =	vst v63  }
0x136: {  	s16 =	simm.s32 $0xD000  }
0x137: {  	[tilespmem:s16], [sflag:$0x2] =	stream.indirect_vreg.gather [hbm4b:s11+s14], $0x80, v4, vm0, $0xb8;
	[tilespmem:$0x19800] =	vst v63  }
0x138: {  	s17 =	simm.s32 $0xD800  }
0x139: {  	[tilespmem:s17], [sflag:$0x2] =	stream.indirect_vreg.gather [hbm4b:s1+s14], $0x80, v3, vm0, $0xb8;
	[tilespmem:$0x19800] =	vst v63  }
0x13a: {  	s18 =	simm.s32 $0xE000  }
0x13b: {  	[tilespmem:s18], [sflag:$0x2] =	stream.indirect_vreg.gather [hbm4b:s5+s14], $0x80, v3, vm0, $0xb8;
	[tilespmem:$0x19800] =	vst v63  }
0x13c: {  	s16 =	simm.s32 $0xE800  }
0x13d: {  	[tilespmem:s16], [sflag:$0x2] =	stream.indirect_vreg.gather [hbm4b:s6+s14], $0x80, v3, vm0, $0xb8;
	[tilespmem:$0x19800] =	vst v63  }
0x13e: {  	s17 =	simm.s32 $0xF000  }
0x13f: {  	[tilespmem:s17], [sflag:$0x2] =	stream.indirect_vreg.gather [hbm4b:s7+s14], $0x80, v3, vm0, $0xb8;
	[tilespmem:$0x19800] =	vst v63  }
0x140: {  	s18 =	simm.s32 $0xF800  }
0x141: {  	[tilespmem:s18], [sflag:$0x2] =	stream.indirect_vreg.gather [hbm4b:s8+s14], $0x80, v3, vm0, $0xb8;
	[tilespmem:$0x19800] =	vst v63  }
0x142: {  	s16 =	simm.s32 $0x10000  }
0x143: {  	[tilespmem:s16], [sflag:$0x2] =	stream.indirect_vreg.gather [hbm4b:s9+s14], $0x80, v3, vm0, $0xb8;
	[tilespmem:$0x19800] =	vst v63  }
0x144: {  	s17 =	simm.s32 $0x10800  }
0x145: {  	[tilespmem:s17], [sflag:$0x2] =	stream.indirect_vreg.gather [hbm4b:s10+s14], $0x80, v3, vm0, $0xb8;
	[tilespmem:$0x19800] =	vst v63  }
0x146: {  	s18 =	simm.s32 $0x11000  }
0x147: {  	[tilespmem:s18], [sflag:$0x2] =	stream.indirect_vreg.gather [hbm4b:s11+s14], $0x80, v3, vm0, $0xb8;
	[tilespmem:$0x19800] =	vst v63  }
0x148: {  	_ =	swait.ge [sflag:s28], $0x8000  }
0x149: {  	[sflag:s28] =	ssyncset.done $0x0  }
0x14a: {  	s15 =	simm.s32 $0x0;
	s16 =	simm.s32 $0x0;
	[sflag:s28] =	ssyncadd.s32 $0xFFFF8000  }
.LBB2_14:
0x14b: {  	s17 =	sshll.u32 s16, $0x4  }
0x14c: {  	s17 =	sand.u32 $0xF0, s17  }
0x14d: {  	s18 =	sshll.u32 s15, $0x2;
	v3 =	vld [tilespmem:s17+$0xB00];
	s17 =	sand.u32 $0x7, s14  }
0x14e: {  	s18 =	sand.u32 $0xFFFF0000, s18;
	s17 =	sshll.u32 s17, $0x9  }
0x14f: {  	s17 =	sor.u32 s17, s18  }
0x150: {  	s17 =	sshrl.u32 s17, $0x2  }
0x151: {  	s17 =	sor.u32 $0x1800, s17  }
0x152: {  	[tilespmem:s17+$0x0] =	vst.add.f32.msk $0xffff, v3  }
0x153: {  	[tilespmem:s17+$0x70] =	vst.add.f32.msk $0xffff, v3  }
0x154: {  	[tilespmem:s17+$0x60] =	vst.add.f32.msk $0xffff, v3  }
0x155: {  	[tilespmem:s17+$0x50] =	vst.add.f32.msk $0xffff, v3  }
0x156: {  	[tilespmem:s17+$0x40] =	vst.add.f32.msk $0xffff, v3  }
0x157: {  	[tilespmem:s17+$0x30] =	vst.add.f32.msk $0xffff, v3  }
0x158: {  	s18 =	simm.s32 $0x0;
	[tilespmem:s17+$0x20] =	vst.add.f32.msk $0xffff, v3  }
.LBB2_15:
0x159: {  	s18 =	sadd.s32 $0x8, s18;
	[tilespmem:s17+$0x10] =	vst.add.f32.msk $0xffff, v3;
	s17 =	sadd.s32 $0x400, s17  }
0x15a: {  	[tilespmem:s17+$0x0] =	vst.add.f32.msk $0xffff, v3;
	p0 =	slt.u32 s18, $0x78  }
0x15b: {  	[tilespmem:s17+$0x70] =	vst.add.f32.msk $0xffff, v3  }
.Ltmp6:
0x15c: {  	[tilespmem:s17+$0x60] =	vst.add.f32.msk $0xffff, v3;
	(pc) =	sbr.rel @p0 .LBB2_15-.Ltmp6, $4  }
0x15d: {  	[tilespmem:s17+$0x50] =	vst.add.f32.msk $0xffff, v3  }
0x15e: {  	[tilespmem:s17+$0x40] =	vst.add.f32.msk $0xffff, v3  }
0x15f: {  	[tilespmem:s17+$0x30] =	vst.add.f32.msk $0xffff, v3  }
0x160: {  	[tilespmem:s17+$0x20] =	vst.add.f32.msk $0xffff, v3  }
0x161: {  	s16 =	sadd.s32 $0x1, s16  }
0x162: {  	p0 =	sne.s32 s16, $0x10  }
.Ltmp7:
0x163: {  	_ = 	snop;
	(pc) =	sbr.rel @p0 .LBB2_14-.Ltmp7, $2  }
0x164: {  	_ =	sdelay $0x2  }
0x165: {  	[tilespmem:s17+$0x10] =	vst.add.f32.msk $0xffff, v3;
	s15 =	sadd.s32 $0x800, s15;
	s14 =	sadd.s32 $0x1, s14  }
0x166: {  	s14 =	simm.s32 $0x0;
	s15 =	rddreg [dreg:$0x9]  }
0x167: {  	[hbm4b:s15+s14] =	stream.linear.scatter [tilespmem:s0], [sflag:$0x4], $0x8000, $0x38;
	[tilespmem:$0x19800] =	vst v63  }
0x168: {  	_ =	swait.ge [sflag:s4], $0x8000  }
0x169: {  	[sflag:s4] =	ssyncset.done $0x0  }
0x16a: {  	[sflag:s4] =	ssyncadd.s32 $0xFFFF8000  }
0x16b: {  	v3 =	vld [tilespmem:$0x280];
	_ =	sdelay $0x4  }
0x16c: {  	v4 =	vshll.u32 v3, $0x4  }
0x16d: {  	v3 =	vand.u32 $0x7, v3;
	v4 =	vand.u32 $0xFFFFFF80, v4  }
0x16e: {  	v3 =	vor.u32 v3, v4  }
0x16f: {  	v4 =	vperm.xlane v3, v0;
	_ =	sdelay $0x1  }
0x170: {  	v4 =	vadd.s32 v1, v4;
	_ =	sdelay $0x4  }
0x171: {  	[tilespmem:s29], [sflag:$0x3] =	stream.indirect_vreg.gather [hbm4b:s1+s14], $0x80, v4, vm0, $0xb8;
	[tilespmem:$0x19800] =	vst v63  }
0x172: {  	s16 =	simm.s32 $0x12000  }
0x173: {  	[tilespmem:s16], [sflag:$0x3] =	stream.indirect_vreg.gather [hbm4b:s5+s14], $0x80, v4, vm0, $0xb8;
	[tilespmem:$0x19800] =	vst v63  }
0x174: {  	s17 =	simm.s32 $0x12800  }
0x175: {  	[tilespmem:s17], [sflag:$0x3] =	stream.indirect_vreg.gather [hbm4b:s6+s14], $0x80, v4, vm0, $0xb8;
	[tilespmem:$0x19800] =	vst v63  }
0x176: {  	s18 =	simm.s32 $0x13000  }
0x177: {  	[tilespmem:s18], [sflag:$0x3] =	stream.indirect_vreg.gather [hbm4b:s7+s14], $0x80, v4, vm0, $0xb8;
	[tilespmem:$0x19800] =	vst v63  }
0x178: {  	s16 =	simm.s32 $0x13800  }
0x179: {  	[tilespmem:s16], [sflag:$0x3] =	stream.indirect_vreg.gather [hbm4b:s8+s14], $0x80, v4, vm0, $0xb8;
	[tilespmem:$0x19800] =	vst v63  }
0x17a: {  	v3 =	vperm.xlane v3, v2;
	s17 =	simm.s32 $0x14000  }
0x17b: {  	[tilespmem:s17], [sflag:$0x3] =	stream.indirect_vreg.gather [hbm4b:s9+s14], $0x80, v4, vm0, $0xb8;
	[tilespmem:$0x19800] =	vst v63  }
0x17c: {  	v3 =	vadd.s32 v1, v3;
	s18 =	simm.s32 $0x14800  }
0x17d: {  	[tilespmem:s18], [sflag:$0x3] =	stream.indirect_vreg.gather [hbm4b:s10+s14], $0x80, v4, vm0, $0xb8;
	[tilespmem:$0x19800] =	vst v63  }
0x17e: {  	s16 =	simm.s32 $0x15000  }
0x17f: {  	[tilespmem:s16], [sflag:$0x3] =	stream.indirect_vreg.gather [hbm4b:s11+s14], $0x80, v4, vm0, $0xb8;
	[tilespmem:$0x19800] =	vst v63  }
0x180: {  	s17 =	simm.s32 $0x15800  }
0x181: {  	[tilespmem:s17], [sflag:$0x3] =	stream.indirect_vreg.gather [hbm4b:s1+s14], $0x80, v3, vm0, $0xb8;
	[tilespmem:$0x19800] =	vst v63  }
0x182: {  	s18 =	simm.s32 $0x16000  }
0x183: {  	[tilespmem:s18], [sflag:$0x3] =	stream.indirect_vreg.gather [hbm4b:s5+s14], $0x80, v3, vm0, $0xb8;
	[tilespmem:$0x19800] =	vst v63  }
0x184: {  	s16 =	simm.s32 $0x16800  }
0x185: {  	[tilespmem:s16], [sflag:$0x3] =	stream.indirect_vreg.gather [hbm4b:s6+s14], $0x80, v3, vm0, $0xb8;
	[tilespmem:$0x19800] =	vst v63  }
0x186: {  	s17 =	simm.s32 $0x17000  }
0x187: {  	[tilespmem:s17], [sflag:$0x3] =	stream.indirect_vreg.gather [hbm4b:s7+s14], $0x80, v3, vm0, $0xb8;
	[tilespmem:$0x19800] =	vst v63  }
0x188: {  	s18 =	simm.s32 $0x17800  }
0x189: {  	[tilespmem:s18], [sflag:$0x3] =	stream.indirect_vreg.gather [hbm4b:s8+s14], $0x80, v3, vm0, $0xb8;
	[tilespmem:$0x19800] =	vst v63  }
0x18a: {  	s16 =	simm.s32 $0x18000  }
0x18b: {  	[tilespmem:s16], [sflag:$0x3] =	stream.indirect_vreg.gather [hbm4b:s9+s14], $0x80, v3, vm0, $0xb8;
	[tilespmem:$0x19800] =	vst v63  }
0x18c: {  	s17 =	simm.s32 $0x18800  }
0x18d: {  	[tilespmem:s17], [sflag:$0x3] =	stream.indirect_vreg.gather [hbm4b:s10+s14], $0x80, v3, vm0, $0xb8;
	[tilespmem:$0x19800] =	vst v63  }
0x18e: {  	s18 =	simm.s32 $0x19000  }
0x18f: {  	[tilespmem:s18], [sflag:$0x3] =	stream.indirect_vreg.gather [hbm4b:s11+s14], $0x80, v3, vm0, $0xb8;
	[tilespmem:$0x19800] =	vst v63  }
0x190: {  	_ =	swait.ge [sflag:s30], $0x8000  }
0x191: {  	[sflag:s30] =	ssyncset.done $0x0  }
0x192: {  	s15 =	simm.s32 $0x0;
	s16 =	simm.s32 $0x0;
	[sflag:s30] =	ssyncadd.s32 $0xFFFF8000  }
.LBB2_18:
0x193: {  	s17 =	sshll.u32 s16, $0x4  }
0x194: {  	s17 =	sand.u32 $0xF0, s17  }
0x195: {  	s18 =	sshll.u32 s15, $0x2;
	v3 =	vld [tilespmem:s17+$0xC00];
	s17 =	sand.u32 $0x7, s14  }
0x196: {  	s18 =	sand.u32 $0xFFFF0000, s18;
	s17 =	sshll.u32 s17, $0x9  }
0x197: {  	s17 =	sor.u32 s17, s18  }
0x198: {  	s17 =	sshrl.u32 s17, $0x2  }
0x199: {  	s17 =	sadd.s32 $0x9800, s17  }
0x19a: {  	[tilespmem:s17+$0x0] =	vst.add.f32.msk $0xffff, v3  }
0x19b: {  	[tilespmem:s17+$0x70] =	vst.add.f32.msk $0xffff, v3  }
0x19c: {  	[tilespmem:s17+$0x60] =	vst.add.f32.msk $0xffff, v3  }
0x19d: {  	[tilespmem:s17+$0x50] =	vst.add.f32.msk $0xffff, v3  }
0x19e: {  	[tilespmem:s17+$0x40] =	vst.add.f32.msk $0xffff, v3  }
0x19f: {  	[tilespmem:s17+$0x30] =	vst.add.f32.msk $0xffff, v3  }
0x1a0: {  	s18 =	simm.s32 $0x0;
	[tilespmem:s17+$0x20] =	vst.add.f32.msk $0xffff, v3  }
.LBB2_19:
0x1a1: {  	s18 =	sadd.s32 $0x8, s18;
	[tilespmem:s17+$0x10] =	vst.add.f32.msk $0xffff, v3;
	s17 =	sadd.s32 $0x400, s17  }
0x1a2: {  	[tilespmem:s17+$0x0] =	vst.add.f32.msk $0xffff, v3;
	p0 =	slt.u32 s18, $0x78  }
0x1a3: {  	[tilespmem:s17+$0x70] =	vst.add.f32.msk $0xffff, v3  }
.Ltmp8:
0x1a4: {  	[tilespmem:s17+$0x60] =	vst.add.f32.msk $0xffff, v3;
	(pc) =	sbr.rel @p0 .LBB2_19-.Ltmp8, $4  }
0x1a5: {  	[tilespmem:s17+$0x50] =	vst.add.f32.msk $0xffff, v3  }
0x1a6: {  	[tilespmem:s17+$0x40] =	vst.add.f32.msk $0xffff, v3  }
0x1a7: {  	[tilespmem:s17+$0x30] =	vst.add.f32.msk $0xffff, v3  }
0x1a8: {  	[tilespmem:s17+$0x20] =	vst.add.f32.msk $0xffff, v3  }
0x1a9: {  	s16 =	sadd.s32 $0x1, s16  }
0x1aa: {  	p0 =	sne.s32 s16, $0x10  }
.Ltmp9:
0x1ab: {  	_ = 	snop;
	(pc) =	sbr.rel @p0 .LBB2_18-.Ltmp9, $2  }
0x1ac: {  	_ =	sdelay $0x2  }
0x1ad: {  	[tilespmem:s17+$0x10] =	vst.add.f32.msk $0xffff, v3;
	s15 =	sadd.s32 $0x800, s15;
	s14 =	sadd.s32 $0x1, s14  }
0x1ae: {  	s14 =	simm.s32 $0x0;
	s15 =	rddreg [dreg:$0xa]  }
0x1af: {  	[hbm4b:s15+s14] =	stream.linear.scatter [tilespmem:s26], [sflag:$0x5], $0x8000, $0x38;
	[tilespmem:$0x19800] =	vst v63  }
0x1b0: {  	_ =	swait.ge [sflag:s12], $0x8000  }
0x1b1: {  	[sflag:s12] =	ssyncset.done $0x0  }
0x1b2: {  	[sflag:s12] =	ssyncadd.s32 $0xFFFF8000  }
0x1b3: {  	v3 =	vld [tilespmem:$0x300];
	_ =	sdelay $0x4  }
0x1b4: {  	v4 =	vshll.u32 v3, $0x4  }
0x1b5: {  	v3 =	vand.u32 $0x7, v3;
	v4 =	vand.u32 $0xFFFFFF80, v4  }
0x1b6: {  	v3 =	vor.u32 v3, v4  }
0x1b7: {  	v4 =	vperm.xlane v3, v0;
	_ =	sdelay $0x1  }
0x1b8: {  	v4 =	vadd.s32 v1, v4;
	_ =	sdelay $0x4  }
0x1b9: {  	[tilespmem:s0], [sflag:$0x1] =	stream.indirect_vreg.gather [hbm4b:s1+s14], $0x80, v4, vm0, $0xb8;
	[tilespmem:$0x19800] =	vst v63  }
0x1ba: {  	s17 =	simm.s32 $0x2000  }
0x1bb: {  	[tilespmem:s17], [sflag:$0x1] =	stream.indirect_vreg.gather [hbm4b:s5+s14], $0x80, v4, vm0, $0xb8;
	[tilespmem:$0x19800] =	vst v63  }
0x1bc: {  	s18 =	simm.s32 $0x2800  }
0x1bd: {  	[tilespmem:s18], [sflag:$0x1] =	stream.indirect_vreg.gather [hbm4b:s6+s14], $0x80, v4, vm0, $0xb8;
	[tilespmem:$0x19800] =	vst v63  }
0x1be: {  	s16 =	simm.s32 $0x3000  }
0x1bf: {  	[tilespmem:s16], [sflag:$0x1] =	stream.indirect_vreg.gather [hbm4b:s7+s14], $0x80, v4, vm0, $0xb8;
	[tilespmem:$0x19800] =	vst v63  }
0x1c0: {  	s17 =	simm.s32 $0x3800  }
0x1c1: {  	[tilespmem:s17], [sflag:$0x1] =	stream.indirect_vreg.gather [hbm4b:s8+s14], $0x80, v4, vm0, $0xb8;
	[tilespmem:$0x19800] =	vst v63  }
0x1c2: {  	v3 =	vperm.xlane v3, v2;
	s18 =	simm.s32 $0x4000  }
0x1c3: {  	[tilespmem:s18], [sflag:$0x1] =	stream.indirect_vreg.gather [hbm4b:s9+s14], $0x80, v4, vm0, $0xb8;
	[tilespmem:$0x19800] =	vst v63  }
0x1c4: {  	v3 =	vadd.s32 v1, v3;
	s16 =	simm.s32 $0x4800  }
0x1c5: {  	[tilespmem:s16], [sflag:$0x1] =	stream.indirect_vreg.gather [hbm4b:s10+s14], $0x80, v4, vm0, $0xb8;
	[tilespmem:$0x19800] =	vst v63  }
0x1c6: {  	s17 =	simm.s32 $0x5000  }
0x1c7: {  	[tilespmem:s17], [sflag:$0x1] =	stream.indirect_vreg.gather [hbm4b:s11+s14], $0x80, v4, vm0, $0xb8;
	[tilespmem:$0x19800] =	vst v63  }
0x1c8: {  	s18 =	simm.s32 $0x5800  }
0x1c9: {  	[tilespmem:s18], [sflag:$0x1] =	stream.indirect_vreg.gather [hbm4b:s1+s14], $0x80, v3, vm0, $0xb8;
	[tilespmem:$0x19800] =	vst v63  }
0x1ca: {  	_ = 	snop  }
0x1cb: {  	[tilespmem:s19], [sflag:$0x1] =	stream.indirect_vreg.gather [hbm4b:s5+s14], $0x80, v3, vm0, $0xb8;
	[tilespmem:$0x19800] =	vst v63  }
0x1cc: {  	_ = 	snop  }
0x1cd: {  	[tilespmem:s20], [sflag:$0x1] =	stream.indirect_vreg.gather [hbm4b:s6+s14], $0x80, v3, vm0, $0xb8;
	[tilespmem:$0x19800] =	vst v63  }
0x1ce: {  	_ = 	snop  }
0x1cf: {  	[tilespmem:s21], [sflag:$0x1] =	stream.indirect_vreg.gather [hbm4b:s7+s14], $0x80, v3, vm0, $0xb8;
	[tilespmem:$0x19800] =	vst v63  }
0x1d0: {  	_ = 	snop  }
0x1d1: {  	[tilespmem:s22], [sflag:$0x1] =	stream.indirect_vreg.gather [hbm4b:s8+s14], $0x80, v3, vm0, $0xb8;
	[tilespmem:$0x19800] =	vst v63  }
0x1d2: {  	_ = 	snop  }
0x1d3: {  	[tilespmem:s23], [sflag:$0x1] =	stream.indirect_vreg.gather [hbm4b:s9+s14], $0x80, v3, vm0, $0xb8;
	[tilespmem:$0x19800] =	vst v63  }
0x1d4: {  	_ = 	snop  }
0x1d5: {  	[tilespmem:s24], [sflag:$0x1] =	stream.indirect_vreg.gather [hbm4b:s10+s14], $0x80, v3, vm0, $0xb8;
	[tilespmem:$0x19800] =	vst v63  }
0x1d6: {  	_ = 	snop  }
0x1d7: {  	[tilespmem:s25], [sflag:$0x1] =	stream.indirect_vreg.gather [hbm4b:s11+s14], $0x80, v3, vm0, $0xb8;
	[tilespmem:$0x19800] =	vst v63  }
0x1d8: {  	_ =	swait.ge [sflag:s31], $0x8000  }
0x1d9: {  	[sflag:s31] =	ssyncset.done $0x0  }
0x1da: {  	s15 =	simm.s32 $0x0;
	s16 =	simm.s32 $0x0;
	[sflag:s31] =	ssyncadd.s32 $0xFFFF8000  }
.LBB2_22:
0x1db: {  	s17 =	sshll.u32 s16, $0x4  }
0x1dc: {  	s17 =	sand.u32 $0xF0, s17  }
0x1dd: {  	s18 =	sshll.u32 s15, $0x2;
	v3 =	vld [tilespmem:s17+$0xD00];
	s17 =	sand.u32 $0x7, s14  }
0x1de: {  	s18 =	sand.u32 $0xFFFF0000, s18;
	s17 =	sshll.u32 s17, $0x9  }
0x1df: {  	s17 =	sor.u32 s17, s18  }
0x1e0: {  	s17 =	sshrl.u32 s17, $0x2  }
0x1e1: {  	s17 =	sadd.s32 $0x11800, s17  }
0x1e2: {  	[tilespmem:s17+$0x0] =	vst.add.f32.msk $0xffff, v3  }
0x1e3: {  	[tilespmem:s17+$0x70] =	vst.add.f32.msk $0xffff, v3  }
0x1e4: {  	[tilespmem:s17+$0x60] =	vst.add.f32.msk $0xffff, v3  }
0x1e5: {  	[tilespmem:s17+$0x50] =	vst.add.f32.msk $0xffff, v3  }
0x1e6: {  	[tilespmem:s17+$0x40] =	vst.add.f32.msk $0xffff, v3  }
0x1e7: {  	[tilespmem:s17+$0x30] =	vst.add.f32.msk $0xffff, v3  }
0x1e8: {  	s18 =	simm.s32 $0x0;
	[tilespmem:s17+$0x20] =	vst.add.f32.msk $0xffff, v3  }
.LBB2_23:
0x1e9: {  	s18 =	sadd.s32 $0x8, s18;
	[tilespmem:s17+$0x10] =	vst.add.f32.msk $0xffff, v3;
	s17 =	sadd.s32 $0x400, s17  }
0x1ea: {  	[tilespmem:s17+$0x0] =	vst.add.f32.msk $0xffff, v3;
	p0 =	slt.u32 s18, $0x78  }
0x1eb: {  	[tilespmem:s17+$0x70] =	vst.add.f32.msk $0xffff, v3  }
.Ltmp10:
0x1ec: {  	[tilespmem:s17+$0x60] =	vst.add.f32.msk $0xffff, v3;
	(pc) =	sbr.rel @p0 .LBB2_23-.Ltmp10, $4  }
0x1ed: {  	[tilespmem:s17+$0x50] =	vst.add.f32.msk $0xffff, v3  }
0x1ee: {  	[tilespmem:s17+$0x40] =	vst.add.f32.msk $0xffff, v3  }
0x1ef: {  	[tilespmem:s17+$0x30] =	vst.add.f32.msk $0xffff, v3  }
0x1f0: {  	[tilespmem:s17+$0x20] =	vst.add.f32.msk $0xffff, v3  }
0x1f1: {  	s16 =	sadd.s32 $0x1, s16  }
0x1f2: {  	p0 =	sne.s32 s16, $0x10  }
.Ltmp11:
0x1f3: {  	_ = 	snop;
	(pc) =	sbr.rel @p0 .LBB2_22-.Ltmp11, $2  }
0x1f4: {  	_ =	sdelay $0x2  }
0x1f5: {  	[tilespmem:s17+$0x10] =	vst.add.f32.msk $0xffff, v3;
	s15 =	sadd.s32 $0x800, s15;
	s14 =	sadd.s32 $0x1, s14  }
0x1f6: {  	s14 =	simm.s32 $0x0;
	s15 =	rddreg [dreg:$0xb]  }
0x1f7: {  	[hbm4b:s15+s14] =	stream.linear.scatter [tilespmem:s29], [sflag:$0x6], $0x8000, $0x38;
	[tilespmem:$0x19800] =	vst v63  }
0x1f8: {  	_ =	swait.ge [sflag:s2], $0x8000  }
0x1f9: {  	[sflag:s2] =	ssyncset.done $0x0  }
0x1fa: {  	[sflag:s2] =	ssyncadd.s32 $0xFFFF8000  }
0x1fb: {  	v3 =	vld [tilespmem:$0x380];
	_ =	sdelay $0x4  }
0x1fc: {  	v4 =	vshll.u32 v3, $0x4  }
0x1fd: {  	v3 =	vand.u32 $0x7, v3;
	v4 =	vand.u32 $0xFFFFFF80, v4  }
0x1fe: {  	v3 =	vor.u32 v3, v4  }
0x1ff: {  	v4 =	vperm.xlane v3, v0;
	_ =	sdelay $0x1  }
0x200: {  	v4 =	vadd.s32 v1, v4;
	_ =	sdelay $0x4  }
0x201: {  	[tilespmem:s26], [sflag:$0x2] =	stream.indirect_vreg.gather [hbm4b:s1+s14], $0x80, v4, vm0, $0xb8;
	[tilespmem:$0x19800] =	vst v63  }
0x202: {  	s16 =	simm.s32 $0xA000  }
0x203: {  	[tilespmem:s16], [sflag:$0x2] =	stream.indirect_vreg.gather [hbm4b:s5+s14], $0x80, v4, vm0, $0xb8;
	[tilespmem:$0x19800] =	vst v63  }
0x204: {  	s17 =	simm.s32 $0xA800  }
0x205: {  	[tilespmem:s17], [sflag:$0x2] =	stream.indirect_vreg.gather [hbm4b:s6+s14], $0x80, v4, vm0, $0xb8;
	[tilespmem:$0x19800] =	vst v63  }
0x206: {  	s18 =	simm.s32 $0xB000  }
0x207: {  	[tilespmem:s18], [sflag:$0x2] =	stream.indirect_vreg.gather [hbm4b:s7+s14], $0x80, v4, vm0, $0xb8;
	[tilespmem:$0x19800] =	vst v63  }
0x208: {  	s16 =	simm.s32 $0xB800  }
0x209: {  	[tilespmem:s16], [sflag:$0x2] =	stream.indirect_vreg.gather [hbm4b:s8+s14], $0x80, v4, vm0, $0xb8;
	[tilespmem:$0x19800] =	vst v63  }
0x20a: {  	v3 =	vperm.xlane v3, v2;
	s17 =	simm.s32 $0xC000  }
0x20b: {  	[tilespmem:s17], [sflag:$0x2] =	stream.indirect_vreg.gather [hbm4b:s9+s14], $0x80, v4, vm0, $0xb8;
	[tilespmem:$0x19800] =	vst v63  }
0x20c: {  	v3 =	vadd.s32 v1, v3;
	s18 =	simm.s32 $0xC800  }
0x20d: {  	[tilespmem:s18], [sflag:$0x2] =	stream.indirect_vreg.gather [hbm4b:s10+s14], $0x80, v4, vm0, $0xb8;
	[tilespmem:$0x19800] =	vst v63  }
0x20e: {  	s16 =	simm.s32 $0xD000  }
0x20f: {  	[tilespmem:s16], [sflag:$0x2] =	stream.indirect_vreg.gather [hbm4b:s11+s14], $0x80, v4, vm0, $0xb8;
	[tilespmem:$0x19800] =	vst v63  }
0x210: {  	s17 =	simm.s32 $0xD800  }
0x211: {  	[tilespmem:s17], [sflag:$0x2] =	stream.indirect_vreg.gather [hbm4b:s1+s14], $0x80, v3, vm0, $0xb8;
	[tilespmem:$0x19800] =	vst v63  }
0x212: {  	s18 =	simm.s32 $0xE000  }
0x213: {  	[tilespmem:s18], [sflag:$0x2] =	stream.indirect_vreg.gather [hbm4b:s5+s14], $0x80, v3, vm0, $0xb8;
	[tilespmem:$0x19800] =	vst v63  }
0x214: {  	s16 =	simm.s32 $0xE800  }
0x215: {  	[tilespmem:s16], [sflag:$0x2] =	stream.indirect_vreg.gather [hbm4b:s6+s14], $0x80, v3, vm0, $0xb8;
	[tilespmem:$0x19800] =	vst v63  }
0x216: {  	s17 =	simm.s32 $0xF000  }
0x217: {  	[tilespmem:s17], [sflag:$0x2] =	stream.indirect_vreg.gather [hbm4b:s7+s14], $0x80, v3, vm0, $0xb8;
	[tilespmem:$0x19800] =	vst v63  }
0x218: {  	s18 =	simm.s32 $0xF800  }
0x219: {  	[tilespmem:s18], [sflag:$0x2] =	stream.indirect_vreg.gather [hbm4b:s8+s14], $0x80, v3, vm0, $0xb8;
	[tilespmem:$0x19800] =	vst v63  }
0x21a: {  	s16 =	simm.s32 $0x10000  }
0x21b: {  	[tilespmem:s16], [sflag:$0x2] =	stream.indirect_vreg.gather [hbm4b:s9+s14], $0x80, v3, vm0, $0xb8;
	[tilespmem:$0x19800] =	vst v63  }
0x21c: {  	s17 =	simm.s32 $0x10800  }
0x21d: {  	[tilespmem:s17], [sflag:$0x2] =	stream.indirect_vreg.gather [hbm4b:s10+s14], $0x80, v3, vm0, $0xb8;
	[tilespmem:$0x19800] =	vst v63  }
0x21e: {  	s18 =	simm.s32 $0x11000  }
0x21f: {  	[tilespmem:s18], [sflag:$0x2] =	stream.indirect_vreg.gather [hbm4b:s11+s14], $0x80, v3, vm0, $0xb8;
	[tilespmem:$0x19800] =	vst v63  }
0x220: {  	_ =	swait.ge [sflag:s28], $0x8000  }
0x221: {  	[sflag:s28] =	ssyncset.done $0x0  }
0x222: {  	s15 =	simm.s32 $0x0;
	s16 =	simm.s32 $0x0;
	[sflag:s28] =	ssyncadd.s32 $0xFFFF8000  }
.LBB2_26:
0x223: {  	s17 =	sshll.u32 s16, $0x4  }
0x224: {  	s17 =	sand.u32 $0xF0, s17  }
0x225: {  	s18 =	sshll.u32 s15, $0x2;
	v3 =	vld [tilespmem:s17+$0xE00];
	s17 =	sand.u32 $0x7, s14  }
0x226: {  	s18 =	sand.u32 $0xFFFF0000, s18;
	s17 =	sshll.u32 s17, $0x9  }
0x227: {  	s17 =	sor.u32 s17, s18  }
0x228: {  	s17 =	sshrl.u32 s17, $0x2  }
0x229: {  	s17 =	sor.u32 $0x1800, s17  }
0x22a: {  	[tilespmem:s17+$0x0] =	vst.add.f32.msk $0xffff, v3  }
0x22b: {  	[tilespmem:s17+$0x70] =	vst.add.f32.msk $0xffff, v3  }
0x22c: {  	[tilespmem:s17+$0x60] =	vst.add.f32.msk $0xffff, v3  }
0x22d: {  	[tilespmem:s17+$0x50] =	vst.add.f32.msk $0xffff, v3  }
0x22e: {  	[tilespmem:s17+$0x40] =	vst.add.f32.msk $0xffff, v3  }
0x22f: {  	[tilespmem:s17+$0x30] =	vst.add.f32.msk $0xffff, v3  }
0x230: {  	s18 =	simm.s32 $0x0;
	[tilespmem:s17+$0x20] =	vst.add.f32.msk $0xffff, v3  }
.LBB2_27:
0x231: {  	s18 =	sadd.s32 $0x8, s18;
	[tilespmem:s17+$0x10] =	vst.add.f32.msk $0xffff, v3;
	s17 =	sadd.s32 $0x400, s17  }
0x232: {  	[tilespmem:s17+$0x0] =	vst.add.f32.msk $0xffff, v3;
	p0 =	slt.u32 s18, $0x78  }
0x233: {  	[tilespmem:s17+$0x70] =	vst.add.f32.msk $0xffff, v3  }
.Ltmp12:
0x234: {  	[tilespmem:s17+$0x60] =	vst.add.f32.msk $0xffff, v3;
	(pc) =	sbr.rel @p0 .LBB2_27-.Ltmp12, $4  }
0x235: {  	[tilespmem:s17+$0x50] =	vst.add.f32.msk $0xffff, v3  }
0x236: {  	[tilespmem:s17+$0x40] =	vst.add.f32.msk $0xffff, v3  }
0x237: {  	[tilespmem:s17+$0x30] =	vst.add.f32.msk $0xffff, v3  }
0x238: {  	[tilespmem:s17+$0x20] =	vst.add.f32.msk $0xffff, v3  }
0x239: {  	s16 =	sadd.s32 $0x1, s16  }
0x23a: {  	p0 =	sne.s32 s16, $0x10  }
.Ltmp13:
0x23b: {  	_ = 	snop;
	(pc) =	sbr.rel @p0 .LBB2_26-.Ltmp13, $2  }
0x23c: {  	_ =	sdelay $0x2  }
0x23d: {  	[tilespmem:s17+$0x10] =	vst.add.f32.msk $0xffff, v3;
	s15 =	sadd.s32 $0x800, s15;
	s14 =	sadd.s32 $0x1, s14  }
0x23e: {  	s14 =	simm.s32 $0x0;
	s15 =	rddreg [dreg:$0xc]  }
0x23f: {  	[hbm4b:s15+s14] =	stream.linear.scatter [tilespmem:s0], [sflag:$0x4], $0x8000, $0x38;
	[tilespmem:$0x19800] =	vst v63  }
0x240: {  	_ =	swait.ge [sflag:s4], $0x8000  }
0x241: {  	[sflag:s4] =	ssyncset.done $0x0  }
0x242: {  	[sflag:s4] =	ssyncadd.s32 $0xFFFF8000  }
0x243: {  	v3 =	vld [tilespmem:$0x400];
	_ =	sdelay $0x4  }
0x244: {  	v4 =	vshll.u32 v3, $0x4  }
0x245: {  	v3 =	vand.u32 $0x7, v3;
	v4 =	vand.u32 $0xFFFFFF80, v4  }
0x246: {  	v3 =	vor.u32 v3, v4  }
0x247: {  	v4 =	vperm.xlane v3, v0;
	_ =	sdelay $0x1  }
0x248: {  	v4 =	vadd.s32 v1, v4;
	_ =	sdelay $0x4  }
0x249: {  	[tilespmem:s29], [sflag:$0x3] =	stream.indirect_vreg.gather [hbm4b:s1+s14], $0x80, v4, vm0, $0xb8;
	[tilespmem:$0x19800] =	vst v63  }
0x24a: {  	s16 =	simm.s32 $0x12000  }
0x24b: {  	[tilespmem:s16], [sflag:$0x3] =	stream.indirect_vreg.gather [hbm4b:s5+s14], $0x80, v4, vm0, $0xb8;
	[tilespmem:$0x19800] =	vst v63  }
0x24c: {  	s17 =	simm.s32 $0x12800  }
0x24d: {  	[tilespmem:s17], [sflag:$0x3] =	stream.indirect_vreg.gather [hbm4b:s6+s14], $0x80, v4, vm0, $0xb8;
	[tilespmem:$0x19800] =	vst v63  }
0x24e: {  	s18 =	simm.s32 $0x13000  }
0x24f: {  	[tilespmem:s18], [sflag:$0x3] =	stream.indirect_vreg.gather [hbm4b:s7+s14], $0x80, v4, vm0, $0xb8;
	[tilespmem:$0x19800] =	vst v63  }
0x250: {  	s16 =	simm.s32 $0x13800  }
0x251: {  	[tilespmem:s16], [sflag:$0x3] =	stream.indirect_vreg.gather [hbm4b:s8+s14], $0x80, v4, vm0, $0xb8;
	[tilespmem:$0x19800] =	vst v63  }
0x252: {  	v3 =	vperm.xlane v3, v2;
	s17 =	simm.s32 $0x14000  }
0x253: {  	[tilespmem:s17], [sflag:$0x3] =	stream.indirect_vreg.gather [hbm4b:s9+s14], $0x80, v4, vm0, $0xb8;
	[tilespmem:$0x19800] =	vst v63  }
0x254: {  	v3 =	vadd.s32 v1, v3;
	s18 =	simm.s32 $0x14800  }
0x255: {  	[tilespmem:s18], [sflag:$0x3] =	stream.indirect_vreg.gather [hbm4b:s10+s14], $0x80, v4, vm0, $0xb8;
	[tilespmem:$0x19800] =	vst v63  }
0x256: {  	s16 =	simm.s32 $0x15000  }
0x257: {  	[tilespmem:s16], [sflag:$0x3] =	stream.indirect_vreg.gather [hbm4b:s11+s14], $0x80, v4, vm0, $0xb8;
	[tilespmem:$0x19800] =	vst v63  }
0x258: {  	s17 =	simm.s32 $0x15800  }
0x259: {  	[tilespmem:s17], [sflag:$0x3] =	stream.indirect_vreg.gather [hbm4b:s1+s14], $0x80, v3, vm0, $0xb8;
	[tilespmem:$0x19800] =	vst v63  }
0x25a: {  	s18 =	simm.s32 $0x16000  }
0x25b: {  	[tilespmem:s18], [sflag:$0x3] =	stream.indirect_vreg.gather [hbm4b:s5+s14], $0x80, v3, vm0, $0xb8;
	[tilespmem:$0x19800] =	vst v63  }
0x25c: {  	s16 =	simm.s32 $0x16800  }
0x25d: {  	[tilespmem:s16], [sflag:$0x3] =	stream.indirect_vreg.gather [hbm4b:s6+s14], $0x80, v3, vm0, $0xb8;
	[tilespmem:$0x19800] =	vst v63  }
0x25e: {  	s17 =	simm.s32 $0x17000  }
0x25f: {  	[tilespmem:s17], [sflag:$0x3] =	stream.indirect_vreg.gather [hbm4b:s7+s14], $0x80, v3, vm0, $0xb8;
	[tilespmem:$0x19800] =	vst v63  }
0x260: {  	s18 =	simm.s32 $0x17800  }
0x261: {  	[tilespmem:s18], [sflag:$0x3] =	stream.indirect_vreg.gather [hbm4b:s8+s14], $0x80, v3, vm0, $0xb8;
	[tilespmem:$0x19800] =	vst v63  }
0x262: {  	s16 =	simm.s32 $0x18000  }
0x263: {  	[tilespmem:s16], [sflag:$0x3] =	stream.indirect_vreg.gather [hbm4b:s9+s14], $0x80, v3, vm0, $0xb8;
	[tilespmem:$0x19800] =	vst v63  }
0x264: {  	s17 =	simm.s32 $0x18800  }
0x265: {  	[tilespmem:s17], [sflag:$0x3] =	stream.indirect_vreg.gather [hbm4b:s10+s14], $0x80, v3, vm0, $0xb8;
	[tilespmem:$0x19800] =	vst v63  }
0x266: {  	s18 =	simm.s32 $0x19000  }
0x267: {  	[tilespmem:s18], [sflag:$0x3] =	stream.indirect_vreg.gather [hbm4b:s11+s14], $0x80, v3, vm0, $0xb8;
	[tilespmem:$0x19800] =	vst v63  }
0x268: {  	_ =	swait.ge [sflag:s30], $0x8000  }
0x269: {  	[sflag:s30] =	ssyncset.done $0x0  }
0x26a: {  	s15 =	simm.s32 $0x0;
	s16 =	simm.s32 $0x0;
	[sflag:s30] =	ssyncadd.s32 $0xFFFF8000  }
.LBB2_30:
0x26b: {  	s17 =	sshll.u32 s16, $0x4  }
0x26c: {  	s17 =	sand.u32 $0xF0, s17  }
0x26d: {  	s18 =	sshll.u32 s15, $0x2;
	v3 =	vld [tilespmem:s17+$0xF00];
	s17 =	sand.u32 $0x7, s14  }
0x26e: {  	s18 =	sand.u32 $0xFFFF0000, s18;
	s17 =	sshll.u32 s17, $0x9  }
0x26f: {  	s17 =	sor.u32 s17, s18  }
0x270: {  	s17 =	sshrl.u32 s17, $0x2  }
0x271: {  	s17 =	sadd.s32 $0x9800, s17  }
0x272: {  	[tilespmem:s17+$0x0] =	vst.add.f32.msk $0xffff, v3  }
0x273: {  	[tilespmem:s17+$0x70] =	vst.add.f32.msk $0xffff, v3  }
0x274: {  	[tilespmem:s17+$0x60] =	vst.add.f32.msk $0xffff, v3  }
0x275: {  	[tilespmem:s17+$0x50] =	vst.add.f32.msk $0xffff, v3  }
0x276: {  	[tilespmem:s17+$0x40] =	vst.add.f32.msk $0xffff, v3  }
0x277: {  	[tilespmem:s17+$0x30] =	vst.add.f32.msk $0xffff, v3  }
0x278: {  	s18 =	simm.s32 $0x0;
	[tilespmem:s17+$0x20] =	vst.add.f32.msk $0xffff, v3  }
.LBB2_31:
0x279: {  	s18 =	sadd.s32 $0x8, s18;
	[tilespmem:s17+$0x10] =	vst.add.f32.msk $0xffff, v3;
	s17 =	sadd.s32 $0x400, s17  }
0x27a: {  	[tilespmem:s17+$0x0] =	vst.add.f32.msk $0xffff, v3;
	p0 =	slt.u32 s18, $0x78  }
0x27b: {  	[tilespmem:s17+$0x70] =	vst.add.f32.msk $0xffff, v3  }
.Ltmp14:
0x27c: {  	[tilespmem:s17+$0x60] =	vst.add.f32.msk $0xffff, v3;
	(pc) =	sbr.rel @p0 .LBB2_31-.Ltmp14, $4  }
0x27d: {  	[tilespmem:s17+$0x50] =	vst.add.f32.msk $0xffff, v3  }
0x27e: {  	[tilespmem:s17+$0x40] =	vst.add.f32.msk $0xffff, v3  }
0x27f: {  	[tilespmem:s17+$0x30] =	vst.add.f32.msk $0xffff, v3  }
0x280: {  	[tilespmem:s17+$0x20] =	vst.add.f32.msk $0xffff, v3  }
0x281: {  	s16 =	sadd.s32 $0x1, s16  }
0x282: {  	p0 =	sne.s32 s16, $0x10  }
.Ltmp15:
0x283: {  	_ = 	snop;
	(pc) =	sbr.rel @p0 .LBB2_30-.Ltmp15, $2  }
0x284: {  	_ =	sdelay $0x2  }
0x285: {  	[tilespmem:s17+$0x10] =	vst.add.f32.msk $0xffff, v3;
	s15 =	sadd.s32 $0x800, s15;
	s14 =	sadd.s32 $0x1, s14  }
0x286: {  	s14 =	simm.s32 $0x0;
	s15 =	rddreg [dreg:$0xd]  }
0x287: {  	[hbm4b:s15+s14] =	stream.linear.scatter [tilespmem:s26], [sflag:$0x5], $0x8000, $0x38;
	[tilespmem:$0x19800] =	vst v63  }
0x288: {  	_ =	swait.ge [sflag:s12], $0x8000  }
0x289: {  	[sflag:s12] =	ssyncset.done $0x0  }
0x28a: {  	[sflag:s12] =	ssyncadd.s32 $0xFFFF8000  }
0x28b: {  	v3 =	vld [tilespmem:$0x480];
	_ =	sdelay $0x4  }
0x28c: {  	v4 =	vshll.u32 v3, $0x4  }
0x28d: {  	v3 =	vand.u32 $0x7, v3;
	v4 =	vand.u32 $0xFFFFFF80, v4  }
0x28e: {  	v3 =	vor.u32 v3, v4  }
0x28f: {  	v4 =	vperm.xlane v3, v0;
	_ =	sdelay $0x1  }
0x290: {  	v4 =	vadd.s32 v1, v4;
	_ =	sdelay $0x4  }
0x291: {  	[tilespmem:s0], [sflag:$0x1] =	stream.indirect_vreg.gather [hbm4b:s1+s14], $0x80, v4, vm0, $0xb8;
	[tilespmem:$0x19800] =	vst v63  }
0x292: {  	s17 =	simm.s32 $0x2000  }
0x293: {  	[tilespmem:s17], [sflag:$0x1] =	stream.indirect_vreg.gather [hbm4b:s5+s14], $0x80, v4, vm0, $0xb8;
	[tilespmem:$0x19800] =	vst v63  }
0x294: {  	s18 =	simm.s32 $0x2800  }
0x295: {  	[tilespmem:s18], [sflag:$0x1] =	stream.indirect_vreg.gather [hbm4b:s6+s14], $0x80, v4, vm0, $0xb8;
	[tilespmem:$0x19800] =	vst v63  }
0x296: {  	s16 =	simm.s32 $0x3000  }
0x297: {  	[tilespmem:s16], [sflag:$0x1] =	stream.indirect_vreg.gather [hbm4b:s7+s14], $0x80, v4, vm0, $0xb8;
	[tilespmem:$0x19800] =	vst v63  }
0x298: {  	s17 =	simm.s32 $0x3800  }
0x299: {  	[tilespmem:s17], [sflag:$0x1] =	stream.indirect_vreg.gather [hbm4b:s8+s14], $0x80, v4, vm0, $0xb8;
	[tilespmem:$0x19800] =	vst v63  }
0x29a: {  	v3 =	vperm.xlane v3, v2;
	s18 =	simm.s32 $0x4000  }
0x29b: {  	[tilespmem:s18], [sflag:$0x1] =	stream.indirect_vreg.gather [hbm4b:s9+s14], $0x80, v4, vm0, $0xb8;
	[tilespmem:$0x19800] =	vst v63  }
0x29c: {  	v3 =	vadd.s32 v1, v3;
	s16 =	simm.s32 $0x4800  }
0x29d: {  	[tilespmem:s16], [sflag:$0x1] =	stream.indirect_vreg.gather [hbm4b:s10+s14], $0x80, v4, vm0, $0xb8;
	[tilespmem:$0x19800] =	vst v63  }
0x29e: {  	s17 =	simm.s32 $0x5000  }
0x29f: {  	[tilespmem:s17], [sflag:$0x1] =	stream.indirect_vreg.gather [hbm4b:s11+s14], $0x80, v4, vm0, $0xb8;
	[tilespmem:$0x19800] =	vst v63  }
0x2a0: {  	s18 =	simm.s32 $0x5800  }
0x2a1: {  	[tilespmem:s18], [sflag:$0x1] =	stream.indirect_vreg.gather [hbm4b:s1+s14], $0x80, v3, vm0, $0xb8;
	[tilespmem:$0x19800] =	vst v63  }
0x2a2: {  	_ = 	snop  }
0x2a3: {  	[tilespmem:s19], [sflag:$0x1] =	stream.indirect_vreg.gather [hbm4b:s5+s14], $0x80, v3, vm0, $0xb8;
	[tilespmem:$0x19800] =	vst v63  }
0x2a4: {  	_ = 	snop  }
0x2a5: {  	[tilespmem:s20], [sflag:$0x1] =	stream.indirect_vreg.gather [hbm4b:s6+s14], $0x80, v3, vm0, $0xb8;
	[tilespmem:$0x19800] =	vst v63  }
0x2a6: {  	_ = 	snop  }
0x2a7: {  	[tilespmem:s21], [sflag:$0x1] =	stream.indirect_vreg.gather [hbm4b:s7+s14], $0x80, v3, vm0, $0xb8;
	[tilespmem:$0x19800] =	vst v63  }
0x2a8: {  	_ = 	snop  }
0x2a9: {  	[tilespmem:s22], [sflag:$0x1] =	stream.indirect_vreg.gather [hbm4b:s8+s14], $0x80, v3, vm0, $0xb8;
	[tilespmem:$0x19800] =	vst v63  }
0x2aa: {  	_ = 	snop  }
0x2ab: {  	[tilespmem:s23], [sflag:$0x1] =	stream.indirect_vreg.gather [hbm4b:s9+s14], $0x80, v3, vm0, $0xb8;
	[tilespmem:$0x19800] =	vst v63  }
0x2ac: {  	_ = 	snop  }
0x2ad: {  	[tilespmem:s24], [sflag:$0x1] =	stream.indirect_vreg.gather [hbm4b:s10+s14], $0x80, v3, vm0, $0xb8;
	[tilespmem:$0x19800] =	vst v63  }
0x2ae: {  	_ = 	snop  }
0x2af: {  	[tilespmem:s25], [sflag:$0x1] =	stream.indirect_vreg.gather [hbm4b:s11+s14], $0x80, v3, vm0, $0xb8;
	[tilespmem:$0x19800] =	vst v63  }
0x2b0: {  	_ =	swait.ge [sflag:s31], $0x8000  }
0x2b1: {  	[sflag:s31] =	ssyncset.done $0x0  }
0x2b2: {  	s15 =	simm.s32 $0x0;
	s16 =	simm.s32 $0x0;
	[sflag:s31] =	ssyncadd.s32 $0xFFFF8000  }
.LBB2_34:
0x2b3: {  	s17 =	sshll.u32 s16, $0x4  }
0x2b4: {  	s17 =	sand.u32 $0xF0, s17  }
0x2b5: {  	s18 =	sshll.u32 s15, $0x2;
	v3 =	vld [tilespmem:s17+$0x1000];
	s17 =	sand.u32 $0x7, s14  }
0x2b6: {  	s18 =	sand.u32 $0xFFFF0000, s18;
	s17 =	sshll.u32 s17, $0x9  }
0x2b7: {  	s17 =	sor.u32 s17, s18  }
0x2b8: {  	s17 =	sshrl.u32 s17, $0x2  }
0x2b9: {  	s17 =	sadd.s32 $0x11800, s17  }
0x2ba: {  	[tilespmem:s17+$0x0] =	vst.add.f32.msk $0xffff, v3  }
0x2bb: {  	[tilespmem:s17+$0x70] =	vst.add.f32.msk $0xffff, v3  }
0x2bc: {  	[tilespmem:s17+$0x60] =	vst.add.f32.msk $0xffff, v3  }
0x2bd: {  	[tilespmem:s17+$0x50] =	vst.add.f32.msk $0xffff, v3  }
0x2be: {  	[tilespmem:s17+$0x40] =	vst.add.f32.msk $0xffff, v3  }
0x2bf: {  	[tilespmem:s17+$0x30] =	vst.add.f32.msk $0xffff, v3  }
0x2c0: {  	s18 =	simm.s32 $0x0;
	[tilespmem:s17+$0x20] =	vst.add.f32.msk $0xffff, v3  }
.LBB2_35:
0x2c1: {  	s18 =	sadd.s32 $0x8, s18;
	[tilespmem:s17+$0x10] =	vst.add.f32.msk $0xffff, v3;
	s17 =	sadd.s32 $0x400, s17  }
0x2c2: {  	[tilespmem:s17+$0x0] =	vst.add.f32.msk $0xffff, v3;
	p0 =	slt.u32 s18, $0x78  }
0x2c3: {  	[tilespmem:s17+$0x70] =	vst.add.f32.msk $0xffff, v3  }
.Ltmp16:
0x2c4: {  	[tilespmem:s17+$0x60] =	vst.add.f32.msk $0xffff, v3;
	(pc) =	sbr.rel @p0 .LBB2_35-.Ltmp16, $4  }
0x2c5: {  	[tilespmem:s17+$0x50] =	vst.add.f32.msk $0xffff, v3  }
0x2c6: {  	[tilespmem:s17+$0x40] =	vst.add.f32.msk $0xffff, v3  }
0x2c7: {  	[tilespmem:s17+$0x30] =	vst.add.f32.msk $0xffff, v3  }
0x2c8: {  	[tilespmem:s17+$0x20] =	vst.add.f32.msk $0xffff, v3  }
0x2c9: {  	s16 =	sadd.s32 $0x1, s16  }
0x2ca: {  	p0 =	sne.s32 s16, $0x10  }
.Ltmp17:
0x2cb: {  	_ = 	snop;
	(pc) =	sbr.rel @p0 .LBB2_34-.Ltmp17, $2  }
0x2cc: {  	_ =	sdelay $0x2  }
0x2cd: {  	[tilespmem:s17+$0x10] =	vst.add.f32.msk $0xffff, v3;
	s15 =	sadd.s32 $0x800, s15;
	s14 =	sadd.s32 $0x1, s14  }
0x2ce: {  	s14 =	simm.s32 $0x0;
	s15 =	rddreg [dreg:$0xe]  }
0x2cf: {  	[hbm4b:s15+s14] =	stream.linear.scatter [tilespmem:s29], [sflag:$0x6], $0x8000, $0x38;
	[tilespmem:$0x19800] =	vst v63  }
0x2d0: {  	_ =	swait.ge [sflag:s2], $0x8000  }
0x2d1: {  	[sflag:s2] =	ssyncset.done $0x0  }
0x2d2: {  	[sflag:s2] =	ssyncadd.s32 $0xFFFF8000  }
0x2d3: {  	v3 =	vld [tilespmem:$0x500];
	_ =	sdelay $0x4  }
0x2d4: {  	v4 =	vshll.u32 v3, $0x4  }
0x2d5: {  	v3 =	vand.u32 $0x7, v3;
	v4 =	vand.u32 $0xFFFFFF80, v4  }
0x2d6: {  	v3 =	vor.u32 v3, v4  }
0x2d7: {  	v4 =	vperm.xlane v3, v0;
	_ =	sdelay $0x1  }
0x2d8: {  	v4 =	vadd.s32 v1, v4;
	_ =	sdelay $0x4  }
0x2d9: {  	[tilespmem:s26], [sflag:$0x2] =	stream.indirect_vreg.gather [hbm4b:s1+s14], $0x80, v4, vm0, $0xb8;
	[tilespmem:$0x19800] =	vst v63  }
0x2da: {  	s16 =	simm.s32 $0xA000  }
0x2db: {  	[tilespmem:s16], [sflag:$0x2] =	stream.indirect_vreg.gather [hbm4b:s5+s14], $0x80, v4, vm0, $0xb8;
	[tilespmem:$0x19800] =	vst v63  }
0x2dc: {  	s17 =	simm.s32 $0xA800  }
0x2dd: {  	[tilespmem:s17], [sflag:$0x2] =	stream.indirect_vreg.gather [hbm4b:s6+s14], $0x80, v4, vm0, $0xb8;
	[tilespmem:$0x19800] =	vst v63  }
0x2de: {  	s18 =	simm.s32 $0xB000  }
0x2df: {  	[tilespmem:s18], [sflag:$0x2] =	stream.indirect_vreg.gather [hbm4b:s7+s14], $0x80, v4, vm0, $0xb8;
	[tilespmem:$0x19800] =	vst v63  }
0x2e0: {  	s16 =	simm.s32 $0xB800  }
0x2e1: {  	[tilespmem:s16], [sflag:$0x2] =	stream.indirect_vreg.gather [hbm4b:s8+s14], $0x80, v4, vm0, $0xb8;
	[tilespmem:$0x19800] =	vst v63  }
0x2e2: {  	v3 =	vperm.xlane v3, v2;
	s17 =	simm.s32 $0xC000  }
0x2e3: {  	[tilespmem:s17], [sflag:$0x2] =	stream.indirect_vreg.gather [hbm4b:s9+s14], $0x80, v4, vm0, $0xb8;
	[tilespmem:$0x19800] =	vst v63  }
0x2e4: {  	v3 =	vadd.s32 v1, v3;
	s18 =	simm.s32 $0xC800  }
0x2e5: {  	[tilespmem:s18], [sflag:$0x2] =	stream.indirect_vreg.gather [hbm4b:s10+s14], $0x80, v4, vm0, $0xb8;
	[tilespmem:$0x19800] =	vst v63  }
0x2e6: {  	s16 =	simm.s32 $0xD000  }
0x2e7: {  	[tilespmem:s16], [sflag:$0x2] =	stream.indirect_vreg.gather [hbm4b:s11+s14], $0x80, v4, vm0, $0xb8;
	[tilespmem:$0x19800] =	vst v63  }
0x2e8: {  	s17 =	simm.s32 $0xD800  }
0x2e9: {  	[tilespmem:s17], [sflag:$0x2] =	stream.indirect_vreg.gather [hbm4b:s1+s14], $0x80, v3, vm0, $0xb8;
	[tilespmem:$0x19800] =	vst v63  }
0x2ea: {  	s18 =	simm.s32 $0xE000  }
0x2eb: {  	[tilespmem:s18], [sflag:$0x2] =	stream.indirect_vreg.gather [hbm4b:s5+s14], $0x80, v3, vm0, $0xb8;
	[tilespmem:$0x19800] =	vst v63  }
0x2ec: {  	s16 =	simm.s32 $0xE800  }
0x2ed: {  	[tilespmem:s16], [sflag:$0x2] =	stream.indirect_vreg.gather [hbm4b:s6+s14], $0x80, v3, vm0, $0xb8;
	[tilespmem:$0x19800] =	vst v63  }
0x2ee: {  	s17 =	simm.s32 $0xF000  }
0x2ef: {  	[tilespmem:s17], [sflag:$0x2] =	stream.indirect_vreg.gather [hbm4b:s7+s14], $0x80, v3, vm0, $0xb8;
	[tilespmem:$0x19800] =	vst v63  }
0x2f0: {  	s18 =	simm.s32 $0xF800  }
0x2f1: {  	[tilespmem:s18], [sflag:$0x2] =	stream.indirect_vreg.gather [hbm4b:s8+s14], $0x80, v3, vm0, $0xb8;
	[tilespmem:$0x19800] =	vst v63  }
0x2f2: {  	s16 =	simm.s32 $0x10000  }
0x2f3: {  	[tilespmem:s16], [sflag:$0x2] =	stream.indirect_vreg.gather [hbm4b:s9+s14], $0x80, v3, vm0, $0xb8;
	[tilespmem:$0x19800] =	vst v63  }
0x2f4: {  	s17 =	simm.s32 $0x10800  }
0x2f5: {  	[tilespmem:s17], [sflag:$0x2] =	stream.indirect_vreg.gather [hbm4b:s10+s14], $0x80, v3, vm0, $0xb8;
	[tilespmem:$0x19800] =	vst v63  }
0x2f6: {  	s18 =	simm.s32 $0x11000  }
0x2f7: {  	[tilespmem:s18], [sflag:$0x2] =	stream.indirect_vreg.gather [hbm4b:s11+s14], $0x80, v3, vm0, $0xb8;
	[tilespmem:$0x19800] =	vst v63  }
0x2f8: {  	_ =	swait.ge [sflag:s28], $0x8000  }
0x2f9: {  	[sflag:s28] =	ssyncset.done $0x0  }
0x2fa: {  	s15 =	simm.s32 $0x0;
	s16 =	simm.s32 $0x0;
	[sflag:s28] =	ssyncadd.s32 $0xFFFF8000  }
.LBB2_38:
0x2fb: {  	s17 =	sshll.u32 s16, $0x4  }
0x2fc: {  	s17 =	sand.u32 $0xF0, s17  }
0x2fd: {  	s18 =	sshll.u32 s15, $0x2;
	v3 =	vld [tilespmem:s17+$0x1100];
	s17 =	sand.u32 $0x7, s14  }
0x2fe: {  	s18 =	sand.u32 $0xFFFF0000, s18;
	s17 =	sshll.u32 s17, $0x9  }
0x2ff: {  	s17 =	sor.u32 s17, s18  }
0x300: {  	s17 =	sshrl.u32 s17, $0x2  }
0x301: {  	s17 =	sor.u32 $0x1800, s17  }
0x302: {  	[tilespmem:s17+$0x0] =	vst.add.f32.msk $0xffff, v3  }
0x303: {  	[tilespmem:s17+$0x70] =	vst.add.f32.msk $0xffff, v3  }
0x304: {  	[tilespmem:s17+$0x60] =	vst.add.f32.msk $0xffff, v3  }
0x305: {  	[tilespmem:s17+$0x50] =	vst.add.f32.msk $0xffff, v3  }
0x306: {  	[tilespmem:s17+$0x40] =	vst.add.f32.msk $0xffff, v3  }
0x307: {  	[tilespmem:s17+$0x30] =	vst.add.f32.msk $0xffff, v3  }
0x308: {  	s18 =	simm.s32 $0x0;
	[tilespmem:s17+$0x20] =	vst.add.f32.msk $0xffff, v3  }
.LBB2_39:
0x309: {  	s18 =	sadd.s32 $0x8, s18;
	[tilespmem:s17+$0x10] =	vst.add.f32.msk $0xffff, v3;
	s17 =	sadd.s32 $0x400, s17  }
0x30a: {  	[tilespmem:s17+$0x0] =	vst.add.f32.msk $0xffff, v3;
	p0 =	slt.u32 s18, $0x78  }
0x30b: {  	[tilespmem:s17+$0x70] =	vst.add.f32.msk $0xffff, v3  }
.Ltmp18:
0x30c: {  	[tilespmem:s17+$0x60] =	vst.add.f32.msk $0xffff, v3;
	(pc) =	sbr.rel @p0 .LBB2_39-.Ltmp18, $4  }
0x30d: {  	[tilespmem:s17+$0x50] =	vst.add.f32.msk $0xffff, v3  }
0x30e: {  	[tilespmem:s17+$0x40] =	vst.add.f32.msk $0xffff, v3  }
0x30f: {  	[tilespmem:s17+$0x30] =	vst.add.f32.msk $0xffff, v3  }
0x310: {  	[tilespmem:s17+$0x20] =	vst.add.f32.msk $0xffff, v3  }
0x311: {  	s16 =	sadd.s32 $0x1, s16  }
0x312: {  	p0 =	sne.s32 s16, $0x10  }
.Ltmp19:
0x313: {  	_ = 	snop;
	(pc) =	sbr.rel @p0 .LBB2_38-.Ltmp19, $2  }
0x314: {  	_ =	sdelay $0x2  }
0x315: {  	[tilespmem:s17+$0x10] =	vst.add.f32.msk $0xffff, v3;
	s15 =	sadd.s32 $0x800, s15;
	s14 =	sadd.s32 $0x1, s14  }
0x316: {  	s14 =	simm.s32 $0x0;
	s15 =	rddreg [dreg:$0xf]  }
0x317: {  	[hbm4b:s15+s14] =	stream.linear.scatter [tilespmem:s0], [sflag:$0x4], $0x8000, $0x38;
	[tilespmem:$0x19800] =	vst v63  }
0x318: {  	_ =	swait.ge [sflag:s4], $0x8000  }
0x319: {  	[sflag:s4] =	ssyncset.done $0x0  }
0x31a: {  	[sflag:s4] =	ssyncadd.s32 $0xFFFF8000  }
0x31b: {  	v3 =	vld [tilespmem:$0x580];
	_ =	sdelay $0x4  }
0x31c: {  	v4 =	vshll.u32 v3, $0x4  }
0x31d: {  	v3 =	vand.u32 $0x7, v3;
	v4 =	vand.u32 $0xFFFFFF80, v4  }
0x31e: {  	v3 =	vor.u32 v3, v4  }
0x31f: {  	v4 =	vperm.xlane v3, v0;
	_ =	sdelay $0x1  }
0x320: {  	v4 =	vadd.s32 v1, v4;
	_ =	sdelay $0x4  }
0x321: {  	[tilespmem:s29], [sflag:$0x3] =	stream.indirect_vreg.gather [hbm4b:s1+s14], $0x80, v4, vm0, $0xb8;
	[tilespmem:$0x19800] =	vst v63  }
0x322: {  	s16 =	simm.s32 $0x12000  }
0x323: {  	[tilespmem:s16], [sflag:$0x3] =	stream.indirect_vreg.gather [hbm4b:s5+s14], $0x80, v4, vm0, $0xb8;
	[tilespmem:$0x19800] =	vst v63  }
0x324: {  	s17 =	simm.s32 $0x12800  }
0x325: {  	[tilespmem:s17], [sflag:$0x3] =	stream.indirect_vreg.gather [hbm4b:s6+s14], $0x80, v4, vm0, $0xb8;
	[tilespmem:$0x19800] =	vst v63  }
0x326: {  	s18 =	simm.s32 $0x13000  }
0x327: {  	[tilespmem:s18], [sflag:$0x3] =	stream.indirect_vreg.gather [hbm4b:s7+s14], $0x80, v4, vm0, $0xb8;
	[tilespmem:$0x19800] =	vst v63  }
0x328: {  	s16 =	simm.s32 $0x13800  }
0x329: {  	[tilespmem:s16], [sflag:$0x3] =	stream.indirect_vreg.gather [hbm4b:s8+s14], $0x80, v4, vm0, $0xb8;
	[tilespmem:$0x19800] =	vst v63  }
0x32a: {  	v3 =	vperm.xlane v3, v2;
	s17 =	simm.s32 $0x14000  }
0x32b: {  	[tilespmem:s17], [sflag:$0x3] =	stream.indirect_vreg.gather [hbm4b:s9+s14], $0x80, v4, vm0, $0xb8;
	[tilespmem:$0x19800] =	vst v63  }
0x32c: {  	v3 =	vadd.s32 v1, v3;
	s18 =	simm.s32 $0x14800  }
0x32d: {  	[tilespmem:s18], [sflag:$0x3] =	stream.indirect_vreg.gather [hbm4b:s10+s14], $0x80, v4, vm0, $0xb8;
	[tilespmem:$0x19800] =	vst v63  }
0x32e: {  	s16 =	simm.s32 $0x15000  }
0x32f: {  	[tilespmem:s16], [sflag:$0x3] =	stream.indirect_vreg.gather [hbm4b:s11+s14], $0x80, v4, vm0, $0xb8;
	[tilespmem:$0x19800] =	vst v63  }
0x330: {  	s17 =	simm.s32 $0x15800  }
0x331: {  	[tilespmem:s17], [sflag:$0x3] =	stream.indirect_vreg.gather [hbm4b:s1+s14], $0x80, v3, vm0, $0xb8;
	[tilespmem:$0x19800] =	vst v63  }
0x332: {  	s18 =	simm.s32 $0x16000  }
0x333: {  	[tilespmem:s18], [sflag:$0x3] =	stream.indirect_vreg.gather [hbm4b:s5+s14], $0x80, v3, vm0, $0xb8;
	[tilespmem:$0x19800] =	vst v63  }
0x334: {  	s16 =	simm.s32 $0x16800  }
0x335: {  	[tilespmem:s16], [sflag:$0x3] =	stream.indirect_vreg.gather [hbm4b:s6+s14], $0x80, v3, vm0, $0xb8;
	[tilespmem:$0x19800] =	vst v63  }
0x336: {  	s17 =	simm.s32 $0x17000  }
0x337: {  	[tilespmem:s17], [sflag:$0x3] =	stream.indirect_vreg.gather [hbm4b:s7+s14], $0x80, v3, vm0, $0xb8;
	[tilespmem:$0x19800] =	vst v63  }
0x338: {  	s18 =	simm.s32 $0x17800  }
0x339: {  	[tilespmem:s18], [sflag:$0x3] =	stream.indirect_vreg.gather [hbm4b:s8+s14], $0x80, v3, vm0, $0xb8;
	[tilespmem:$0x19800] =	vst v63  }
0x33a: {  	s16 =	simm.s32 $0x18000  }
0x33b: {  	[tilespmem:s16], [sflag:$0x3] =	stream.indirect_vreg.gather [hbm4b:s9+s14], $0x80, v3, vm0, $0xb8;
	[tilespmem:$0x19800] =	vst v63  }
0x33c: {  	s17 =	simm.s32 $0x18800  }
0x33d: {  	[tilespmem:s17], [sflag:$0x3] =	stream.indirect_vreg.gather [hbm4b:s10+s14], $0x80, v3, vm0, $0xb8;
	[tilespmem:$0x19800] =	vst v63  }
0x33e: {  	s18 =	simm.s32 $0x19000  }
0x33f: {  	[tilespmem:s18], [sflag:$0x3] =	stream.indirect_vreg.gather [hbm4b:s11+s14], $0x80, v3, vm0, $0xb8;
	[tilespmem:$0x19800] =	vst v63  }
0x340: {  	_ =	swait.ge [sflag:s30], $0x8000  }
0x341: {  	[sflag:s30] =	ssyncset.done $0x0  }
0x342: {  	s15 =	simm.s32 $0x0;
	s16 =	simm.s32 $0x0;
	[sflag:s30] =	ssyncadd.s32 $0xFFFF8000  }
.LBB2_42:
0x343: {  	s17 =	sshll.u32 s16, $0x4  }
0x344: {  	s17 =	sand.u32 $0xF0, s17  }
0x345: {  	s18 =	sshll.u32 s15, $0x2;
	v3 =	vld [tilespmem:s17+$0x1200];
	s17 =	sand.u32 $0x7, s14  }
0x346: {  	s18 =	sand.u32 $0xFFFF0000, s18;
	s17 =	sshll.u32 s17, $0x9  }
0x347: {  	s17 =	sor.u32 s17, s18  }
0x348: {  	s17 =	sshrl.u32 s17, $0x2  }
0x349: {  	s17 =	sadd.s32 $0x9800, s17  }
0x34a: {  	[tilespmem:s17+$0x0] =	vst.add.f32.msk $0xffff, v3  }
0x34b: {  	[tilespmem:s17+$0x70] =	vst.add.f32.msk $0xffff, v3  }
0x34c: {  	[tilespmem:s17+$0x60] =	vst.add.f32.msk $0xffff, v3  }
0x34d: {  	[tilespmem:s17+$0x50] =	vst.add.f32.msk $0xffff, v3  }
0x34e: {  	[tilespmem:s17+$0x40] =	vst.add.f32.msk $0xffff, v3  }
0x34f: {  	[tilespmem:s17+$0x30] =	vst.add.f32.msk $0xffff, v3  }
0x350: {  	s18 =	simm.s32 $0x0;
	[tilespmem:s17+$0x20] =	vst.add.f32.msk $0xffff, v3  }
.LBB2_43:
0x351: {  	s18 =	sadd.s32 $0x8, s18;
	[tilespmem:s17+$0x10] =	vst.add.f32.msk $0xffff, v3;
	s17 =	sadd.s32 $0x400, s17  }
0x352: {  	[tilespmem:s17+$0x0] =	vst.add.f32.msk $0xffff, v3;
	p0 =	slt.u32 s18, $0x78  }
0x353: {  	[tilespmem:s17+$0x70] =	vst.add.f32.msk $0xffff, v3  }
.Ltmp20:
0x354: {  	[tilespmem:s17+$0x60] =	vst.add.f32.msk $0xffff, v3;
	(pc) =	sbr.rel @p0 .LBB2_43-.Ltmp20, $4  }
0x355: {  	[tilespmem:s17+$0x50] =	vst.add.f32.msk $0xffff, v3  }
0x356: {  	[tilespmem:s17+$0x40] =	vst.add.f32.msk $0xffff, v3  }
0x357: {  	[tilespmem:s17+$0x30] =	vst.add.f32.msk $0xffff, v3  }
0x358: {  	[tilespmem:s17+$0x20] =	vst.add.f32.msk $0xffff, v3  }
0x359: {  	s16 =	sadd.s32 $0x1, s16  }
0x35a: {  	p0 =	sne.s32 s16, $0x10  }
.Ltmp21:
0x35b: {  	_ = 	snop;
	(pc) =	sbr.rel @p0 .LBB2_42-.Ltmp21, $2  }
0x35c: {  	_ =	sdelay $0x2  }
0x35d: {  	[tilespmem:s17+$0x10] =	vst.add.f32.msk $0xffff, v3;
	s15 =	sadd.s32 $0x800, s15;
	s14 =	sadd.s32 $0x1, s14  }
0x35e: {  	s14 =	simm.s32 $0x0;
	s15 =	rddreg [dreg:$0x10]  }
0x35f: {  	[hbm4b:s15+s14] =	stream.linear.scatter [tilespmem:s26], [sflag:$0x5], $0x8000, $0x38;
	[tilespmem:$0x19800] =	vst v63  }
0x360: {  	_ =	swait.ge [sflag:s12], $0x8000  }
0x361: {  	[sflag:s12] =	ssyncset.done $0x0  }
0x362: {  	[sflag:s12] =	ssyncadd.s32 $0xFFFF8000  }
0x363: {  	v3 =	vld [tilespmem:$0x600];
	_ =	sdelay $0x4  }
0x364: {  	v4 =	vshll.u32 v3, $0x4  }
0x365: {  	v3 =	vand.u32 $0x7, v3;
	v4 =	vand.u32 $0xFFFFFF80, v4  }
0x366: {  	v3 =	vor.u32 v3, v4  }
0x367: {  	v4 =	vperm.xlane v3, v0;
	_ =	sdelay $0x1  }
0x368: {  	v4 =	vadd.s32 v1, v4;
	_ =	sdelay $0x4  }
0x369: {  	[tilespmem:s0], [sflag:$0x1] =	stream.indirect_vreg.gather [hbm4b:s1+s14], $0x80, v4, vm0, $0xb8;
	[tilespmem:$0x19800] =	vst v63  }
0x36a: {  	s17 =	simm.s32 $0x2000  }
0x36b: {  	[tilespmem:s17], [sflag:$0x1] =	stream.indirect_vreg.gather [hbm4b:s5+s14], $0x80, v4, vm0, $0xb8;
	[tilespmem:$0x19800] =	vst v63  }
0x36c: {  	s18 =	simm.s32 $0x2800  }
0x36d: {  	[tilespmem:s18], [sflag:$0x1] =	stream.indirect_vreg.gather [hbm4b:s6+s14], $0x80, v4, vm0, $0xb8;
	[tilespmem:$0x19800] =	vst v63  }
0x36e: {  	s16 =	simm.s32 $0x3000  }
0x36f: {  	[tilespmem:s16], [sflag:$0x1] =	stream.indirect_vreg.gather [hbm4b:s7+s14], $0x80, v4, vm0, $0xb8;
	[tilespmem:$0x19800] =	vst v63  }
0x370: {  	s17 =	simm.s32 $0x3800  }
0x371: {  	[tilespmem:s17], [sflag:$0x1] =	stream.indirect_vreg.gather [hbm4b:s8+s14], $0x80, v4, vm0, $0xb8;
	[tilespmem:$0x19800] =	vst v63  }
0x372: {  	v3 =	vperm.xlane v3, v2;
	s18 =	simm.s32 $0x4000  }
0x373: {  	[tilespmem:s18], [sflag:$0x1] =	stream.indirect_vreg.gather [hbm4b:s9+s14], $0x80, v4, vm0, $0xb8;
	[tilespmem:$0x19800] =	vst v63  }
0x374: {  	v3 =	vadd.s32 v1, v3;
	s16 =	simm.s32 $0x4800  }
0x375: {  	[tilespmem:s16], [sflag:$0x1] =	stream.indirect_vreg.gather [hbm4b:s10+s14], $0x80, v4, vm0, $0xb8;
	[tilespmem:$0x19800] =	vst v63  }
0x376: {  	s17 =	simm.s32 $0x5000  }
0x377: {  	[tilespmem:s17], [sflag:$0x1] =	stream.indirect_vreg.gather [hbm4b:s11+s14], $0x80, v4, vm0, $0xb8;
	[tilespmem:$0x19800] =	vst v63  }
0x378: {  	s18 =	simm.s32 $0x5800  }
0x379: {  	[tilespmem:s18], [sflag:$0x1] =	stream.indirect_vreg.gather [hbm4b:s1+s14], $0x80, v3, vm0, $0xb8;
	[tilespmem:$0x19800] =	vst v63  }
0x37a: {  	_ = 	snop  }
0x37b: {  	[tilespmem:s19], [sflag:$0x1] =	stream.indirect_vreg.gather [hbm4b:s5+s14], $0x80, v3, vm0, $0xb8;
	[tilespmem:$0x19800] =	vst v63  }
0x37c: {  	_ = 	snop  }
0x37d: {  	[tilespmem:s20], [sflag:$0x1] =	stream.indirect_vreg.gather [hbm4b:s6+s14], $0x80, v3, vm0, $0xb8;
	[tilespmem:$0x19800] =	vst v63  }
0x37e: {  	_ = 	snop  }
0x37f: {  	[tilespmem:s21], [sflag:$0x1] =	stream.indirect_vreg.gather [hbm4b:s7+s14], $0x80, v3, vm0, $0xb8;
	[tilespmem:$0x19800] =	vst v63  }
0x380: {  	_ = 	snop  }
0x381: {  	[tilespmem:s22], [sflag:$0x1] =	stream.indirect_vreg.gather [hbm4b:s8+s14], $0x80, v3, vm0, $0xb8;
	[tilespmem:$0x19800] =	vst v63  }
0x382: {  	_ = 	snop  }
0x383: {  	[tilespmem:s23], [sflag:$0x1] =	stream.indirect_vreg.gather [hbm4b:s9+s14], $0x80, v3, vm0, $0xb8;
	[tilespmem:$0x19800] =	vst v63  }
0x384: {  	_ = 	snop  }
0x385: {  	[tilespmem:s24], [sflag:$0x1] =	stream.indirect_vreg.gather [hbm4b:s10+s14], $0x80, v3, vm0, $0xb8;
	[tilespmem:$0x19800] =	vst v63  }
0x386: {  	_ = 	snop  }
0x387: {  	[tilespmem:s25], [sflag:$0x1] =	stream.indirect_vreg.gather [hbm4b:s11+s14], $0x80, v3, vm0, $0xb8;
	[tilespmem:$0x19800] =	vst v63  }
0x388: {  	_ =	swait.ge [sflag:s31], $0x8000  }
0x389: {  	[sflag:s31] =	ssyncset.done $0x0  }
0x38a: {  	s15 =	simm.s32 $0x0;
	s16 =	simm.s32 $0x0;
	[sflag:s31] =	ssyncadd.s32 $0xFFFF8000  }
.LBB2_46:
0x38b: {  	s17 =	sshll.u32 s16, $0x4  }
0x38c: {  	s17 =	sand.u32 $0xF0, s17  }
0x38d: {  	s18 =	sshll.u32 s15, $0x2;
	v3 =	vld [tilespmem:s17+$0x1300];
	s17 =	sand.u32 $0x7, s14  }
0x38e: {  	s18 =	sand.u32 $0xFFFF0000, s18;
	s17 =	sshll.u32 s17, $0x9  }
0x38f: {  	s17 =	sor.u32 s17, s18  }
0x390: {  	s17 =	sshrl.u32 s17, $0x2  }
0x391: {  	s17 =	sadd.s32 $0x11800, s17  }
0x392: {  	[tilespmem:s17+$0x0] =	vst.add.f32.msk $0xffff, v3  }
0x393: {  	[tilespmem:s17+$0x70] =	vst.add.f32.msk $0xffff, v3  }
0x394: {  	[tilespmem:s17+$0x60] =	vst.add.f32.msk $0xffff, v3  }
0x395: {  	[tilespmem:s17+$0x50] =	vst.add.f32.msk $0xffff, v3  }
0x396: {  	[tilespmem:s17+$0x40] =	vst.add.f32.msk $0xffff, v3  }
0x397: {  	[tilespmem:s17+$0x30] =	vst.add.f32.msk $0xffff, v3  }
0x398: {  	s18 =	simm.s32 $0x0;
	[tilespmem:s17+$0x20] =	vst.add.f32.msk $0xffff, v3  }
.LBB2_47:
0x399: {  	s18 =	sadd.s32 $0x8, s18;
	[tilespmem:s17+$0x10] =	vst.add.f32.msk $0xffff, v3;
	s17 =	sadd.s32 $0x400, s17  }
0x39a: {  	[tilespmem:s17+$0x0] =	vst.add.f32.msk $0xffff, v3;
	p0 =	slt.u32 s18, $0x78  }
0x39b: {  	[tilespmem:s17+$0x70] =	vst.add.f32.msk $0xffff, v3  }
.Ltmp22:
0x39c: {  	[tilespmem:s17+$0x60] =	vst.add.f32.msk $0xffff, v3;
	(pc) =	sbr.rel @p0 .LBB2_47-.Ltmp22, $4  }
0x39d: {  	[tilespmem:s17+$0x50] =	vst.add.f32.msk $0xffff, v3  }
0x39e: {  	[tilespmem:s17+$0x40] =	vst.add.f32.msk $0xffff, v3  }
0x39f: {  	[tilespmem:s17+$0x30] =	vst.add.f32.msk $0xffff, v3  }
0x3a0: {  	[tilespmem:s17+$0x20] =	vst.add.f32.msk $0xffff, v3  }
0x3a1: {  	s16 =	sadd.s32 $0x1, s16  }
0x3a2: {  	p0 =	sne.s32 s16, $0x10  }
.Ltmp23:
0x3a3: {  	_ = 	snop;
	(pc) =	sbr.rel @p0 .LBB2_46-.Ltmp23, $2  }
0x3a4: {  	_ =	sdelay $0x2  }
0x3a5: {  	[tilespmem:s17+$0x10] =	vst.add.f32.msk $0xffff, v3;
	s15 =	sadd.s32 $0x800, s15;
	s14 =	sadd.s32 $0x1, s14  }
0x3a6: {  	s14 =	simm.s32 $0x0;
	s15 =	rddreg [dreg:$0x11]  }
0x3a7: {  	[hbm4b:s15+s14] =	stream.linear.scatter [tilespmem:s29], [sflag:$0x6], $0x8000, $0x38;
	[tilespmem:$0x19800] =	vst v63  }
0x3a8: {  	_ =	swait.ge [sflag:s2], $0x8000  }
0x3a9: {  	[sflag:s2] =	ssyncset.done $0x0  }
0x3aa: {  	[sflag:s2] =	ssyncadd.s32 $0xFFFF8000  }
0x3ab: {  	v3 =	vld [tilespmem:$0x680];
	_ =	sdelay $0x4  }
0x3ac: {  	v4 =	vshll.u32 v3, $0x4  }
0x3ad: {  	v3 =	vand.u32 $0x7, v3;
	v4 =	vand.u32 $0xFFFFFF80, v4  }
0x3ae: {  	v3 =	vor.u32 v3, v4  }
0x3af: {  	v4 =	vperm.xlane v3, v0;
	_ =	sdelay $0x1  }
0x3b0: {  	v4 =	vadd.s32 v1, v4;
	_ =	sdelay $0x4  }
0x3b1: {  	[tilespmem:s26], [sflag:$0x2] =	stream.indirect_vreg.gather [hbm4b:s1+s14], $0x80, v4, vm0, $0xb8;
	[tilespmem:$0x19800] =	vst v63  }
0x3b2: {  	s16 =	simm.s32 $0xA000  }
0x3b3: {  	[tilespmem:s16], [sflag:$0x2] =	stream.indirect_vreg.gather [hbm4b:s5+s14], $0x80, v4, vm0, $0xb8;
	[tilespmem:$0x19800] =	vst v63  }
0x3b4: {  	s17 =	simm.s32 $0xA800  }
0x3b5: {  	[tilespmem:s17], [sflag:$0x2] =	stream.indirect_vreg.gather [hbm4b:s6+s14], $0x80, v4, vm0, $0xb8;
	[tilespmem:$0x19800] =	vst v63  }
0x3b6: {  	s18 =	simm.s32 $0xB000  }
0x3b7: {  	[tilespmem:s18], [sflag:$0x2] =	stream.indirect_vreg.gather [hbm4b:s7+s14], $0x80, v4, vm0, $0xb8;
	[tilespmem:$0x19800] =	vst v63  }
0x3b8: {  	s16 =	simm.s32 $0xB800  }
0x3b9: {  	[tilespmem:s16], [sflag:$0x2] =	stream.indirect_vreg.gather [hbm4b:s8+s14], $0x80, v4, vm0, $0xb8;
	[tilespmem:$0x19800] =	vst v63  }
0x3ba: {  	v3 =	vperm.xlane v3, v2;
	s17 =	simm.s32 $0xC000  }
0x3bb: {  	[tilespmem:s17], [sflag:$0x2] =	stream.indirect_vreg.gather [hbm4b:s9+s14], $0x80, v4, vm0, $0xb8;
	[tilespmem:$0x19800] =	vst v63  }
0x3bc: {  	v3 =	vadd.s32 v1, v3;
	s18 =	simm.s32 $0xC800  }
0x3bd: {  	[tilespmem:s18], [sflag:$0x2] =	stream.indirect_vreg.gather [hbm4b:s10+s14], $0x80, v4, vm0, $0xb8;
	[tilespmem:$0x19800] =	vst v63  }
0x3be: {  	s16 =	simm.s32 $0xD000  }
0x3bf: {  	[tilespmem:s16], [sflag:$0x2] =	stream.indirect_vreg.gather [hbm4b:s11+s14], $0x80, v4, vm0, $0xb8;
	[tilespmem:$0x19800] =	vst v63  }
0x3c0: {  	s17 =	simm.s32 $0xD800  }
0x3c1: {  	[tilespmem:s17], [sflag:$0x2] =	stream.indirect_vreg.gather [hbm4b:s1+s14], $0x80, v3, vm0, $0xb8;
	[tilespmem:$0x19800] =	vst v63  }
0x3c2: {  	s18 =	simm.s32 $0xE000  }
0x3c3: {  	[tilespmem:s18], [sflag:$0x2] =	stream.indirect_vreg.gather [hbm4b:s5+s14], $0x80, v3, vm0, $0xb8;
	[tilespmem:$0x19800] =	vst v63  }
0x3c4: {  	s16 =	simm.s32 $0xE800  }
0x3c5: {  	[tilespmem:s16], [sflag:$0x2] =	stream.indirect_vreg.gather [hbm4b:s6+s14], $0x80, v3, vm0, $0xb8;
	[tilespmem:$0x19800] =	vst v63  }
0x3c6: {  	s17 =	simm.s32 $0xF000  }
0x3c7: {  	[tilespmem:s17], [sflag:$0x2] =	stream.indirect_vreg.gather [hbm4b:s7+s14], $0x80, v3, vm0, $0xb8;
	[tilespmem:$0x19800] =	vst v63  }
0x3c8: {  	s18 =	simm.s32 $0xF800  }
0x3c9: {  	[tilespmem:s18], [sflag:$0x2] =	stream.indirect_vreg.gather [hbm4b:s8+s14], $0x80, v3, vm0, $0xb8;
	[tilespmem:$0x19800] =	vst v63  }
0x3ca: {  	s16 =	simm.s32 $0x10000  }
0x3cb: {  	[tilespmem:s16], [sflag:$0x2] =	stream.indirect_vreg.gather [hbm4b:s9+s14], $0x80, v3, vm0, $0xb8;
	[tilespmem:$0x19800] =	vst v63  }
0x3cc: {  	s17 =	simm.s32 $0x10800  }
0x3cd: {  	[tilespmem:s17], [sflag:$0x2] =	stream.indirect_vreg.gather [hbm4b:s10+s14], $0x80, v3, vm0, $0xb8;
	[tilespmem:$0x19800] =	vst v63  }
0x3ce: {  	s18 =	simm.s32 $0x11000  }
0x3cf: {  	[tilespmem:s18], [sflag:$0x2] =	stream.indirect_vreg.gather [hbm4b:s11+s14], $0x80, v3, vm0, $0xb8;
	[tilespmem:$0x19800] =	vst v63  }
0x3d0: {  	_ =	swait.ge [sflag:s28], $0x8000  }
0x3d1: {  	[sflag:s28] =	ssyncset.done $0x0  }
0x3d2: {  	s15 =	simm.s32 $0x0;
	s16 =	simm.s32 $0x0;
	[sflag:s28] =	ssyncadd.s32 $0xFFFF8000  }
.LBB2_50:
0x3d3: {  	s17 =	sshll.u32 s16, $0x4  }
0x3d4: {  	s17 =	sand.u32 $0xF0, s17  }
0x3d5: {  	s18 =	sshll.u32 s15, $0x2;
	v3 =	vld [tilespmem:s17+$0x1400];
	s17 =	sand.u32 $0x7, s14  }
0x3d6: {  	s18 =	sand.u32 $0xFFFF0000, s18;
	s17 =	sshll.u32 s17, $0x9  }
0x3d7: {  	s17 =	sor.u32 s17, s18  }
0x3d8: {  	s17 =	sshrl.u32 s17, $0x2  }
0x3d9: {  	s17 =	sor.u32 $0x1800, s17  }
0x3da: {  	[tilespmem:s17+$0x0] =	vst.add.f32.msk $0xffff, v3  }
0x3db: {  	[tilespmem:s17+$0x70] =	vst.add.f32.msk $0xffff, v3  }
0x3dc: {  	[tilespmem:s17+$0x60] =	vst.add.f32.msk $0xffff, v3  }
0x3dd: {  	[tilespmem:s17+$0x50] =	vst.add.f32.msk $0xffff, v3  }
0x3de: {  	[tilespmem:s17+$0x40] =	vst.add.f32.msk $0xffff, v3  }
0x3df: {  	[tilespmem:s17+$0x30] =	vst.add.f32.msk $0xffff, v3  }
0x3e0: {  	s18 =	simm.s32 $0x0;
	[tilespmem:s17+$0x20] =	vst.add.f32.msk $0xffff, v3  }
.LBB2_51:
0x3e1: {  	s18 =	sadd.s32 $0x8, s18;
	[tilespmem:s17+$0x10] =	vst.add.f32.msk $0xffff, v3;
	s17 =	sadd.s32 $0x400, s17  }
0x3e2: {  	[tilespmem:s17+$0x0] =	vst.add.f32.msk $0xffff, v3;
	p0 =	slt.u32 s18, $0x78  }
0x3e3: {  	[tilespmem:s17+$0x70] =	vst.add.f32.msk $0xffff, v3  }
.Ltmp24:
0x3e4: {  	[tilespmem:s17+$0x60] =	vst.add.f32.msk $0xffff, v3;
	(pc) =	sbr.rel @p0 .LBB2_51-.Ltmp24, $4  }
0x3e5: {  	[tilespmem:s17+$0x50] =	vst.add.f32.msk $0xffff, v3  }
0x3e6: {  	[tilespmem:s17+$0x40] =	vst.add.f32.msk $0xffff, v3  }
0x3e7: {  	[tilespmem:s17+$0x30] =	vst.add.f32.msk $0xffff, v3  }
0x3e8: {  	[tilespmem:s17+$0x20] =	vst.add.f32.msk $0xffff, v3  }
0x3e9: {  	s16 =	sadd.s32 $0x1, s16  }
0x3ea: {  	p0 =	sne.s32 s16, $0x10  }
.Ltmp25:
0x3eb: {  	_ = 	snop;
	(pc) =	sbr.rel @p0 .LBB2_50-.Ltmp25, $2  }
0x3ec: {  	_ =	sdelay $0x2  }
0x3ed: {  	[tilespmem:s17+$0x10] =	vst.add.f32.msk $0xffff, v3;
	s15 =	sadd.s32 $0x800, s15;
	s14 =	sadd.s32 $0x1, s14  }
0x3ee: {  	s14 =	simm.s32 $0x0;
	s15 =	rddreg [dreg:$0x13]  }
0x3ef: {  	[hbm4b:s15+s14] =	stream.linear.scatter [tilespmem:s0], [sflag:$0x4], $0x8000, $0x38;
	[tilespmem:$0x19800] =	vst v63  }
0x3f0: {  	_ =	swait.ge [sflag:s4], $0x8000  }
0x3f1: {  	[sflag:s4] =	ssyncset.done $0x0  }
0x3f2: {  	[sflag:s4] =	ssyncadd.s32 $0xFFFF8000  }
0x3f3: {  	v3 =	vld [tilespmem:$0x700];
	_ =	sdelay $0x4  }
0x3f4: {  	v4 =	vshll.u32 v3, $0x4  }
0x3f5: {  	v3 =	vand.u32 $0x7, v3;
	v4 =	vand.u32 $0xFFFFFF80, v4  }
0x3f6: {  	v3 =	vor.u32 v3, v4  }
0x3f7: {  	v4 =	vperm.xlane v3, v0;
	_ =	sdelay $0x1  }
0x3f8: {  	v4 =	vadd.s32 v1, v4;
	_ =	sdelay $0x4  }
0x3f9: {  	[tilespmem:s29], [sflag:$0x3] =	stream.indirect_vreg.gather [hbm4b:s1+s14], $0x80, v4, vm0, $0xb8;
	[tilespmem:$0x19800] =	vst v63  }
0x3fa: {  	s16 =	simm.s32 $0x12000  }
0x3fb: {  	[tilespmem:s16], [sflag:$0x3] =	stream.indirect_vreg.gather [hbm4b:s5+s14], $0x80, v4, vm0, $0xb8;
	[tilespmem:$0x19800] =	vst v63  }
0x3fc: {  	s17 =	simm.s32 $0x12800  }
0x3fd: {  	[tilespmem:s17], [sflag:$0x3] =	stream.indirect_vreg.gather [hbm4b:s6+s14], $0x80, v4, vm0, $0xb8;
	[tilespmem:$0x19800] =	vst v63  }
0x3fe: {  	s18 =	simm.s32 $0x13000  }
0x3ff: {  	[tilespmem:s18], [sflag:$0x3] =	stream.indirect_vreg.gather [hbm4b:s7+s14], $0x80, v4, vm0, $0xb8;
	[tilespmem:$0x19800] =	vst v63  }
0x400: {  	s16 =	simm.s32 $0x13800  }
0x401: {  	[tilespmem:s16], [sflag:$0x3] =	stream.indirect_vreg.gather [hbm4b:s8+s14], $0x80, v4, vm0, $0xb8;
	[tilespmem:$0x19800] =	vst v63  }
0x402: {  	v3 =	vperm.xlane v3, v2;
	s17 =	simm.s32 $0x14000  }
0x403: {  	[tilespmem:s17], [sflag:$0x3] =	stream.indirect_vreg.gather [hbm4b:s9+s14], $0x80, v4, vm0, $0xb8;
	[tilespmem:$0x19800] =	vst v63  }
0x404: {  	v3 =	vadd.s32 v1, v3;
	s18 =	simm.s32 $0x14800  }
0x405: {  	[tilespmem:s18], [sflag:$0x3] =	stream.indirect_vreg.gather [hbm4b:s10+s14], $0x80, v4, vm0, $0xb8;
	[tilespmem:$0x19800] =	vst v63  }
0x406: {  	s16 =	simm.s32 $0x15000  }
0x407: {  	[tilespmem:s16], [sflag:$0x3] =	stream.indirect_vreg.gather [hbm4b:s11+s14], $0x80, v4, vm0, $0xb8;
	[tilespmem:$0x19800] =	vst v63  }
0x408: {  	s17 =	simm.s32 $0x15800  }
0x409: {  	[tilespmem:s17], [sflag:$0x3] =	stream.indirect_vreg.gather [hbm4b:s1+s14], $0x80, v3, vm0, $0xb8;
	[tilespmem:$0x19800] =	vst v63  }
0x40a: {  	s18 =	simm.s32 $0x16000  }
0x40b: {  	[tilespmem:s18], [sflag:$0x3] =	stream.indirect_vreg.gather [hbm4b:s5+s14], $0x80, v3, vm0, $0xb8;
	[tilespmem:$0x19800] =	vst v63  }
0x40c: {  	s16 =	simm.s32 $0x16800  }
0x40d: {  	[tilespmem:s16], [sflag:$0x3] =	stream.indirect_vreg.gather [hbm4b:s6+s14], $0x80, v3, vm0, $0xb8;
	[tilespmem:$0x19800] =	vst v63  }
0x40e: {  	s17 =	simm.s32 $0x17000  }
0x40f: {  	[tilespmem:s17], [sflag:$0x3] =	stream.indirect_vreg.gather [hbm4b:s7+s14], $0x80, v3, vm0, $0xb8;
	[tilespmem:$0x19800] =	vst v63  }
0x410: {  	s18 =	simm.s32 $0x17800  }
0x411: {  	[tilespmem:s18], [sflag:$0x3] =	stream.indirect_vreg.gather [hbm4b:s8+s14], $0x80, v3, vm0, $0xb8;
	[tilespmem:$0x19800] =	vst v63  }
0x412: {  	s16 =	simm.s32 $0x18000  }
0x413: {  	[tilespmem:s16], [sflag:$0x3] =	stream.indirect_vreg.gather [hbm4b:s9+s14], $0x80, v3, vm0, $0xb8;
	[tilespmem:$0x19800] =	vst v63  }
0x414: {  	s17 =	simm.s32 $0x18800  }
0x415: {  	[tilespmem:s17], [sflag:$0x3] =	stream.indirect_vreg.gather [hbm4b:s10+s14], $0x80, v3, vm0, $0xb8;
	[tilespmem:$0x19800] =	vst v63  }
0x416: {  	s18 =	simm.s32 $0x19000  }
0x417: {  	[tilespmem:s18], [sflag:$0x3] =	stream.indirect_vreg.gather [hbm4b:s11+s14], $0x80, v3, vm0, $0xb8;
	[tilespmem:$0x19800] =	vst v63  }
0x418: {  	_ =	swait.ge [sflag:s30], $0x8000  }
0x419: {  	[sflag:s30] =	ssyncset.done $0x0  }
0x41a: {  	s15 =	simm.s32 $0x0;
	s16 =	simm.s32 $0x0;
	[sflag:s30] =	ssyncadd.s32 $0xFFFF8000  }
.LBB2_54:
0x41b: {  	s17 =	sshll.u32 s16, $0x4  }
0x41c: {  	s17 =	sand.u32 $0xF0, s17  }
0x41d: {  	s18 =	sshll.u32 s15, $0x2;
	v3 =	vld [tilespmem:s17+$0x1500];
	s17 =	sand.u32 $0x7, s14  }
0x41e: {  	s18 =	sand.u32 $0xFFFF0000, s18;
	s17 =	sshll.u32 s17, $0x9  }
0x41f: {  	s17 =	sor.u32 s17, s18  }
0x420: {  	s17 =	sshrl.u32 s17, $0x2  }
0x421: {  	s17 =	sadd.s32 $0x9800, s17  }
0x422: {  	[tilespmem:s17+$0x0] =	vst.add.f32.msk $0xffff, v3  }
0x423: {  	[tilespmem:s17+$0x70] =	vst.add.f32.msk $0xffff, v3  }
0x424: {  	[tilespmem:s17+$0x60] =	vst.add.f32.msk $0xffff, v3  }
0x425: {  	[tilespmem:s17+$0x50] =	vst.add.f32.msk $0xffff, v3  }
0x426: {  	[tilespmem:s17+$0x40] =	vst.add.f32.msk $0xffff, v3  }
0x427: {  	[tilespmem:s17+$0x30] =	vst.add.f32.msk $0xffff, v3  }
0x428: {  	s18 =	simm.s32 $0x0;
	[tilespmem:s17+$0x20] =	vst.add.f32.msk $0xffff, v3  }
.LBB2_55:
0x429: {  	s18 =	sadd.s32 $0x8, s18;
	[tilespmem:s17+$0x10] =	vst.add.f32.msk $0xffff, v3;
	s17 =	sadd.s32 $0x400, s17  }
0x42a: {  	[tilespmem:s17+$0x0] =	vst.add.f32.msk $0xffff, v3;
	p0 =	slt.u32 s18, $0x78  }
0x42b: {  	[tilespmem:s17+$0x70] =	vst.add.f32.msk $0xffff, v3  }
.Ltmp26:
0x42c: {  	[tilespmem:s17+$0x60] =	vst.add.f32.msk $0xffff, v3;
	(pc) =	sbr.rel @p0 .LBB2_55-.Ltmp26, $4  }
0x42d: {  	[tilespmem:s17+$0x50] =	vst.add.f32.msk $0xffff, v3  }
0x42e: {  	[tilespmem:s17+$0x40] =	vst.add.f32.msk $0xffff, v3  }
0x42f: {  	[tilespmem:s17+$0x30] =	vst.add.f32.msk $0xffff, v3  }
0x430: {  	[tilespmem:s17+$0x20] =	vst.add.f32.msk $0xffff, v3  }
0x431: {  	s16 =	sadd.s32 $0x1, s16  }
0x432: {  	p0 =	sne.s32 s16, $0x10  }
.Ltmp27:
0x433: {  	_ = 	snop;
	(pc) =	sbr.rel @p0 .LBB2_54-.Ltmp27, $2  }
0x434: {  	_ =	sdelay $0x2  }
0x435: {  	[tilespmem:s17+$0x10] =	vst.add.f32.msk $0xffff, v3;
	s15 =	sadd.s32 $0x800, s15;
	s14 =	sadd.s32 $0x1, s14  }
0x436: {  	s14 =	simm.s32 $0x0;
	s15 =	rddreg [dreg:$0x14]  }
0x437: {  	[hbm4b:s15+s14] =	stream.linear.scatter [tilespmem:s26], [sflag:$0x5], $0x8000, $0x38;
	[tilespmem:$0x19800] =	vst v63  }
0x438: {  	_ =	swait.ge [sflag:s12], $0x8000  }
0x439: {  	[sflag:s12] =	ssyncset.done $0x0  }
0x43a: {  	[sflag:s12] =	ssyncadd.s32 $0xFFFF8000  }
0x43b: {  	v3 =	vld [tilespmem:$0x780];
	_ =	sdelay $0x4  }
0x43c: {  	v4 =	vshll.u32 v3, $0x4  }
0x43d: {  	v3 =	vand.u32 $0x7, v3;
	v4 =	vand.u32 $0xFFFFFF80, v4  }
0x43e: {  	v3 =	vor.u32 v3, v4  }
0x43f: {  	v4 =	vperm.xlane v3, v0;
	_ =	sdelay $0x1  }
0x440: {  	v4 =	vadd.s32 v1, v4;
	_ =	sdelay $0x4  }
0x441: {  	[tilespmem:s0], [sflag:$0x1] =	stream.indirect_vreg.gather [hbm4b:s1+s14], $0x80, v4, vm0, $0xb8;
	[tilespmem:$0x19800] =	vst v63  }
0x442: {  	s17 =	simm.s32 $0x2000  }
0x443: {  	[tilespmem:s17], [sflag:$0x1] =	stream.indirect_vreg.gather [hbm4b:s5+s14], $0x80, v4, vm0, $0xb8;
	[tilespmem:$0x19800] =	vst v63  }
0x444: {  	s18 =	simm.s32 $0x2800  }
0x445: {  	[tilespmem:s18], [sflag:$0x1] =	stream.indirect_vreg.gather [hbm4b:s6+s14], $0x80, v4, vm0, $0xb8;
	[tilespmem:$0x19800] =	vst v63  }
0x446: {  	s16 =	simm.s32 $0x3000  }
0x447: {  	[tilespmem:s16], [sflag:$0x1] =	stream.indirect_vreg.gather [hbm4b:s7+s14], $0x80, v4, vm0, $0xb8;
	[tilespmem:$0x19800] =	vst v63  }
0x448: {  	s17 =	simm.s32 $0x3800  }
0x449: {  	[tilespmem:s17], [sflag:$0x1] =	stream.indirect_vreg.gather [hbm4b:s8+s14], $0x80, v4, vm0, $0xb8;
	[tilespmem:$0x19800] =	vst v63  }
0x44a: {  	v3 =	vperm.xlane v3, v2;
	s18 =	simm.s32 $0x4000  }
0x44b: {  	[tilespmem:s18], [sflag:$0x1] =	stream.indirect_vreg.gather [hbm4b:s9+s14], $0x80, v4, vm0, $0xb8;
	[tilespmem:$0x19800] =	vst v63  }
0x44c: {  	v3 =	vadd.s32 v1, v3;
	s16 =	simm.s32 $0x4800  }
0x44d: {  	[tilespmem:s16], [sflag:$0x1] =	stream.indirect_vreg.gather [hbm4b:s10+s14], $0x80, v4, vm0, $0xb8;
	[tilespmem:$0x19800] =	vst v63  }
0x44e: {  	s17 =	simm.s32 $0x5000  }
0x44f: {  	[tilespmem:s17], [sflag:$0x1] =	stream.indirect_vreg.gather [hbm4b:s11+s14], $0x80, v4, vm0, $0xb8;
	[tilespmem:$0x19800] =	vst v63  }
0x450: {  	s18 =	simm.s32 $0x5800  }
0x451: {  	[tilespmem:s18], [sflag:$0x1] =	stream.indirect_vreg.gather [hbm4b:s1+s14], $0x80, v3, vm0, $0xb8;
	[tilespmem:$0x19800] =	vst v63  }
0x452: {  	_ = 	snop  }
0x453: {  	[tilespmem:s19], [sflag:$0x1] =	stream.indirect_vreg.gather [hbm4b:s5+s14], $0x80, v3, vm0, $0xb8;
	[tilespmem:$0x19800] =	vst v63  }
0x454: {  	_ = 	snop  }
0x455: {  	[tilespmem:s20], [sflag:$0x1] =	stream.indirect_vreg.gather [hbm4b:s6+s14], $0x80, v3, vm0, $0xb8;
	[tilespmem:$0x19800] =	vst v63  }
0x456: {  	_ = 	snop  }
0x457: {  	[tilespmem:s21], [sflag:$0x1] =	stream.indirect_vreg.gather [hbm4b:s7+s14], $0x80, v3, vm0, $0xb8;
	[tilespmem:$0x19800] =	vst v63  }
0x458: {  	_ = 	snop  }
0x459: {  	[tilespmem:s22], [sflag:$0x1] =	stream.indirect_vreg.gather [hbm4b:s8+s14], $0x80, v3, vm0, $0xb8;
	[tilespmem:$0x19800] =	vst v63  }
0x45a: {  	_ = 	snop  }
0x45b: {  	[tilespmem:s23], [sflag:$0x1] =	stream.indirect_vreg.gather [hbm4b:s9+s14], $0x80, v3, vm0, $0xb8;
	[tilespmem:$0x19800] =	vst v63  }
0x45c: {  	_ = 	snop  }
0x45d: {  	[tilespmem:s24], [sflag:$0x1] =	stream.indirect_vreg.gather [hbm4b:s10+s14], $0x80, v3, vm0, $0xb8;
	[tilespmem:$0x19800] =	vst v63  }
0x45e: {  	_ = 	snop  }
0x45f: {  	[tilespmem:s25], [sflag:$0x1] =	stream.indirect_vreg.gather [hbm4b:s11+s14], $0x80, v3, vm0, $0xb8;
	[tilespmem:$0x19800] =	vst v63  }
0x460: {  	_ =	swait.ge [sflag:s31], $0x8000  }
0x461: {  	[sflag:s31] =	ssyncset.done $0x0  }
0x462: {  	s15 =	simm.s32 $0x0;
	s16 =	simm.s32 $0x0;
	[sflag:s31] =	ssyncadd.s32 $0xFFFF8000  }
.LBB2_58:
0x463: {  	s17 =	sshll.u32 s16, $0x4  }
0x464: {  	s17 =	sand.u32 $0xF0, s17  }
0x465: {  	s18 =	sshll.u32 s15, $0x2;
	v3 =	vld [tilespmem:s17+$0x1600];
	s17 =	sand.u32 $0x7, s14  }
0x466: {  	s18 =	sand.u32 $0xFFFF0000, s18;
	s17 =	sshll.u32 s17, $0x9  }
0x467: {  	s17 =	sor.u32 s17, s18  }
0x468: {  	s17 =	sshrl.u32 s17, $0x2  }
0x469: {  	s17 =	sadd.s32 $0x11800, s17  }
0x46a: {  	[tilespmem:s17+$0x0] =	vst.add.f32.msk $0xffff, v3  }
0x46b: {  	[tilespmem:s17+$0x70] =	vst.add.f32.msk $0xffff, v3  }
0x46c: {  	[tilespmem:s17+$0x60] =	vst.add.f32.msk $0xffff, v3  }
0x46d: {  	[tilespmem:s17+$0x50] =	vst.add.f32.msk $0xffff, v3  }
0x46e: {  	[tilespmem:s17+$0x40] =	vst.add.f32.msk $0xffff, v3  }
0x46f: {  	[tilespmem:s17+$0x30] =	vst.add.f32.msk $0xffff, v3  }
0x470: {  	s18 =	simm.s32 $0x0;
	[tilespmem:s17+$0x20] =	vst.add.f32.msk $0xffff, v3  }
.LBB2_59:
0x471: {  	s18 =	sadd.s32 $0x8, s18;
	[tilespmem:s17+$0x10] =	vst.add.f32.msk $0xffff, v3;
	s17 =	sadd.s32 $0x400, s17  }
0x472: {  	[tilespmem:s17+$0x0] =	vst.add.f32.msk $0xffff, v3;
	p0 =	slt.u32 s18, $0x78  }
0x473: {  	[tilespmem:s17+$0x70] =	vst.add.f32.msk $0xffff, v3  }
.Ltmp28:
0x474: {  	[tilespmem:s17+$0x60] =	vst.add.f32.msk $0xffff, v3;
	(pc) =	sbr.rel @p0 .LBB2_59-.Ltmp28, $4  }
0x475: {  	[tilespmem:s17+$0x50] =	vst.add.f32.msk $0xffff, v3  }
0x476: {  	[tilespmem:s17+$0x40] =	vst.add.f32.msk $0xffff, v3  }
0x477: {  	[tilespmem:s17+$0x30] =	vst.add.f32.msk $0xffff, v3  }
0x478: {  	[tilespmem:s17+$0x20] =	vst.add.f32.msk $0xffff, v3  }
0x479: {  	s16 =	sadd.s32 $0x1, s16  }
0x47a: {  	p0 =	sne.s32 s16, $0x10  }
.Ltmp29:
0x47b: {  	_ = 	snop;
	(pc) =	sbr.rel @p0 .LBB2_58-.Ltmp29, $2  }
0x47c: {  	_ =	sdelay $0x2  }
0x47d: {  	[tilespmem:s17+$0x10] =	vst.add.f32.msk $0xffff, v3;
	s15 =	sadd.s32 $0x800, s15;
	s14 =	sadd.s32 $0x1, s14  }
0x47e: {  	s14 =	simm.s32 $0x0;
	s15 =	rddreg [dreg:$0x15]  }
0x47f: {  	[hbm4b:s15+s14] =	stream.linear.scatter [tilespmem:s29], [sflag:$0x6], $0x8000, $0x38;
	[tilespmem:$0x19800] =	vst v63  }
0x480: {  	_ =	swait.ge [sflag:s28], $0x8000  }
0x481: {  	[sflag:s28] =	ssyncset.done $0x0  }
0x482: {  	s16 =	simm.s32 $0x0;
	s15 =	simm.s32 $0x0;
	[sflag:s28] =	ssyncadd.s32 $0xFFFF8000  }
.LBB2_62:
0x483: {  	s17 =	sshll.u32 s16, $0x4  }
0x484: {  	s17 =	sand.u32 $0xF0, s17  }
0x485: {  	s18 =	sshll.u32 s15, $0x2;
	v3 =	vld [tilespmem:s17+$0x1700];
	s17 =	sand.u32 $0x7, s14  }
0x486: {  	s18 =	sand.u32 $0xFFFF0000, s18;
	s17 =	sshll.u32 s17, $0x9  }
0x487: {  	s17 =	sor.u32 s17, s18  }
0x488: {  	s17 =	sshrl.u32 s17, $0x2  }
0x489: {  	s17 =	sor.u32 $0x1800, s17  }
0x48a: {  	[tilespmem:s17+$0x0] =	vst.add.f32.msk $0xffff, v3  }
0x48b: {  	[tilespmem:s17+$0x70] =	vst.add.f32.msk $0xffff, v3  }
0x48c: {  	[tilespmem:s17+$0x60] =	vst.add.f32.msk $0xffff, v3  }
0x48d: {  	[tilespmem:s17+$0x50] =	vst.add.f32.msk $0xffff, v3  }
0x48e: {  	[tilespmem:s17+$0x40] =	vst.add.f32.msk $0xffff, v3  }
0x48f: {  	[tilespmem:s17+$0x30] =	vst.add.f32.msk $0xffff, v3  }
0x490: {  	s18 =	simm.s32 $0x0;
	[tilespmem:s17+$0x20] =	vst.add.f32.msk $0xffff, v3  }
.LBB2_63:
0x491: {  	s18 =	sadd.s32 $0x8, s18;
	[tilespmem:s17+$0x10] =	vst.add.f32.msk $0xffff, v3;
	s17 =	sadd.s32 $0x400, s17  }
0x492: {  	[tilespmem:s17+$0x0] =	vst.add.f32.msk $0xffff, v3;
	p0 =	slt.u32 s18, $0x78  }
0x493: {  	[tilespmem:s17+$0x70] =	vst.add.f32.msk $0xffff, v3  }
.Ltmp30:
0x494: {  	[tilespmem:s17+$0x60] =	vst.add.f32.msk $0xffff, v3;
	(pc) =	sbr.rel @p0 .LBB2_63-.Ltmp30, $4  }
0x495: {  	[tilespmem:s17+$0x50] =	vst.add.f32.msk $0xffff, v3  }
0x496: {  	[tilespmem:s17+$0x40] =	vst.add.f32.msk $0xffff, v3  }
0x497: {  	[tilespmem:s17+$0x30] =	vst.add.f32.msk $0xffff, v3  }
0x498: {  	[tilespmem:s17+$0x20] =	vst.add.f32.msk $0xffff, v3  }
0x499: {  	s16 =	sadd.s32 $0x1, s16  }
0x49a: {  	p0 =	sne.s32 s16, $0x10  }
.Ltmp31:
0x49b: {  	_ = 	snop;
	(pc) =	sbr.rel @p0 .LBB2_62-.Ltmp31, $2  }
0x49c: {  	_ =	sdelay $0x2  }
0x49d: {  	[tilespmem:s17+$0x10] =	vst.add.f32.msk $0xffff, v3;
	s15 =	sadd.s32 $0x800, s15;
	s14 =	sadd.s32 $0x1, s14  }
0x49e: {  	s14 =	rddreg [dreg:$0x16]  }
0x49f: {  	[hbm4b:s14+s3] =	stream.linear.scatter [tilespmem:s0], [sflag:$0x4], $0x8000, $0x38;
	[tilespmem:$0x19800] =	vst v63  }
0x4a0: {  	_ =	swait.ge [sflag:s12], $0x8000  }
0x4a1: {  	[sflag:s12] =	ssyncset.done $0x0  }
0x4a2: {  	[sflag:s12] =	ssyncadd.s32 $0xFFFF8000  }
0x4a3: {  	_ =	swait.ge [sflag:s2], $0x8000  }
0x4a4: {  	[sflag:s2] =	ssyncset.done $0x0  }
0x4a5: {  	[sflag:s2] =	ssyncadd.s32 $0xFFFF8000  }
0x4a6: {  	_ =	swait.ge [sflag:s4], $0x8000  }
0x4a7: {  	s13 =	sadd.s32 $0x1, s13;
	s18 =	rddreg [dreg:$0x12]  }
0x4a8: {  	p0 =	sne.s32 s13, s18  }
.Ltmp32:
0x4a9: {  	_ = 	snop;
	(pc) =	sbr.rel @p0 .LBB2_1-.Ltmp32, $3  }
0x4aa: {  	_ =	sdelay $0x1  }
0x4ab: {  	[sflag:s4] =	ssyncset.done $0x0  }
0x4ac: {  	[sflag:s4] =	ssyncadd.s32 $0xFFFF8000  }
0x4ad: {  	_ =	sfence.sel $0x180000  }
0x4ae: {  	[bflag:$0x0] =	sbarrier.arrive $0xFFFF  }
0x4af: {  	_ =	strace $0x90000047  }
0x4b0: {  	s0 =	stileid.u32;
	[bflag:$0x2] =	sbarrier.arrive $0xFFFF  }
0x4b1: {  	p0 =	sne.s32 s0, $0x0;
	s0 =	rddreg [dreg:$0x3]  }
0x4b2: {  	s0 =	sadd.s32 @!p0 $0x100000, s0  }
0x4b3: {  	[sflag:s0] =	ssyncadd.tile.s32 @!p0 $0x1;
	_ =	shalt  }
.Lfunc_end2:
_tile_overlayer_lowered:
.L_overlay_start_2:
0x4b4: {  	(tag) =	ssettag $0x2  }
0x4b5: {  	s0 =	rddreg [dreg:$0x0];
	s2 =	stileid.u32  }
0x4b6: {  	s1 =	rddreg [dreg:$0x1];
	p0 =	sne.s32 s2, $0x0  }
0x4b7: {  	s3 =	rddreg [dreg:$0x2];
	[bflag:$0x3] =	sbarrier.arrive $0xFFFF;
	s2 =	simm.s32 @!p0 $0x1C08  }
0x4b8: {  	[timem:s3], [sflag:s2] =	dma.local @!p0 [hbm:s0], s1  }
0x4b9: {  	s0 =	simm.s32 @!p0 $0x8  }
0x4ba: {  	_ =	swait.ge @!p0 [sflag:s0], s1  }
0x4bb: {  	s1 =	ssub.s32 @!p0 $0x0, s1;
	[sflag:s0] =	ssyncset.done @!p0 $0x0  }
0x4bc: {  	[sflag:s0] =	ssyncadd.s32 @!p0 s1  }
0x4bd: {  	[bflag:$0x3] =	sbarrier.arrive $0xFFFF  }
0x4be: {  	_ =	shalt  }

</sc_bundles>
